<compile_context>
chip_gen: v7x
topology: tpu7x:2x2x1
jax: 0.10.2.dev20260603
libtpu: 0.0.44.dev20260713+nightly
codegen_flags: <defaults>
</compile_context>

<pallas_src>
import functools

import jax
import jax.numpy as jnp
from jax import lax
from jax.experimental import pallas as pl
from jax.experimental.pallas import tpu as pltpu
from jax.experimental.pallas import tpu_sc as plsc

N = 10000
E = 320000
D = 128
F1 = 16
NC = 2
NS = 16
NW = NC * NS
EPW = E // NW
CH = 80
NCHUNK = EPW // CH
NPAIR = (NCHUNK - 1) // 2

@functools.lru_cache(maxsize=None)
def _get_mesh():
    return plsc.VectorSubcoreMesh(
        core_axis_name="c", subcore_axis_name="s",
        num_cores=NC, num_subcores=NS)

_SC_PARAMS = pltpu.CompilerParams(
    use_tc_tiling_on_sc=False, needs_layout_passes=False)

_GATHER_DNUMS = lax.GatherDimensionNumbers(
    offset_dims=(), collapsed_slice_dims=(0,), start_index_map=(0,))


def _lane_perm(x, idx):
    return lax.gather(x, idx[:, None], _GATHER_DNUMS, (1,),
                      mode=lax.GatherScatterMode.PROMISE_IN_BOUNDS)


RPT = 624
TAIL = N - RPT * NS


def _zero_accum(zeros_hbm, accum, s):
    pltpu.sync_copy(zeros_hbm.at[pl.ds(s * RPT, RPT)],
                    accum.at[pl.ds(s * RPT, RPT)])

    @pl.when(s == 0)
    def _():
        pltpu.sync_copy(zeros_hbm.at[pl.ds(RPT * NS, TAIL)],
                        accum.at[pl.ds(RPT * NS, TAIL)])


def _drain_accum(accum, out_hbm, c, s):
    pltpu.sync_copy(accum.at[pl.ds(s * RPT, RPT)],
                    out_hbm.at[c, pl.ds(s * RPT, RPT)])

    @pl.when(s == 0)
    def _():
        pltpu.sync_copy(accum.at[pl.ds(RPT * NS, TAIL)],
                        out_hbm.at[c, pl.ds(RPT * NS, TAIL)])


def _copy_idx(src16, dst16):
    for g in range(CH // 16):
        dst16[pl.ds(g * 16, 16)] = src16[pl.ds(g * 16, 16)]


def _edge1_body(xl_hbm, xr_hbm, ei_hbm, attf_hbm, zeros_hbm, out_hbm, *scr):
    (src_i, dst_i, sidx, xl_r, xr_r, msg) = (scr[4*k:4*k+4] for k in range(6))
    attf_v = scr[24]
    accum = scr[25]
    sem_i = scr[26:30]
    sem_g = scr[30:34]
    sem_s = scr[34:38]
    c = lax.axis_index("c")
    s = lax.axis_index("s")
    wid = s * NC + c
    base = wid * EPW

    _zero_accum(zeros_hbm, accum, s)
    pltpu.sync_copy(attf_hbm, attf_v)
    plsc.subcore_barrier()

    attf = attf_v[...]
    lane = lax.iota(jnp.int32, 16)
    perm1 = lane ^ 1
    perm2 = lane ^ 2

    def issue_idx(ci, p):
        off = base + ci * CH
        pltpu.async_copy(ei_hbm.at[0, pl.ds(off, CH)], src_i[p], sem_i[p])
        pltpu.async_copy(ei_hbm.at[1, pl.ds(off, CH)], dst_i[p], sem_i[p])

    def wait_idx(p):
        pltpu.make_async_copy(ei_hbm.at[0, pl.ds(0, CH)], src_i[p],
                              sem_i[p]).wait()
        pltpu.make_async_copy(ei_hbm.at[1, pl.ds(0, CH)], dst_i[p],
                              sem_i[p]).wait()

    def issue_gather(p):
        pltpu.async_copy(xl_hbm.at[src_i[p]], xl_r[p], sem_g[p])
        pltpu.async_copy(xr_hbm.at[dst_i[p]], xr_r[p], sem_g[p])

    def wait_gather(p):
        pltpu.make_async_copy(xl_hbm.at[pl.ds(0, CH)], xl_r[p],
                              sem_g[p]).wait()
        pltpu.make_async_copy(xr_hbm.at[pl.ds(0, CH)], xr_r[p],
                              sem_g[p]).wait()

    def compute(p):
        _copy_idx(dst_i[p], sidx[p])

        @plsc.parallel_loop(0, CH, 1, unroll=16)
        def _(k):
            a = xl_r[p][k]
            b = xr_r[p][k]
            e = a + b
            e = jnp.maximum(e, 0.2 * e)
            w = e * attf
            w = w + _lane_perm(w, perm1)
            w = w + _lane_perm(w, perm2)
            pr = jnp.exp(w)
            msg[p][k, 0:16] = a * pr
            msg[p][k, 16:32] = pr

    def issue_scatter(p):
        pltpu.async_copy(msg[p], accum.at[sidx[p]], sem_s[p], add=True)

    def wait_scatter(p):
        pltpu.make_async_copy(msg[p], accum.at[pl.ds(0, CH)],
                              sem_s[p]).wait()

    for b in range(4):
        issue_idx(b, b)
    wait_idx(0)
    wait_idx(1)
    issue_gather(0)
    issue_gather(1)

    NQ = (NCHUNK - 1) // 4

    def quad(j, carry):
        for b in range(4):
            i = 4 * j + b
            p = b
            p2 = (b + 2) % 4
            wait_gather(p)

            @pl.when(j > 0)
            def _():
                wait_scatter(p)

            compute(p)
            issue_scatter(p)
            if b == 3:
                @pl.when(j < NQ - 1)
                def _():
                    wait_idx(p2)
                    issue_gather(p2)
                    issue_idx(i + 4, p)
            elif b in (1, 2):
                wait_idx(p2)
                issue_gather(p2)

                @pl.when(j < NQ - 1)
                def _():
                    issue_idx(i + 4, p)
            else:
                wait_idx(p2)
                issue_gather(p2)
                issue_idx(i + 4, p)
        return carry

    lax.fori_loop(0, NQ, quad, 0)

    wait_gather(0)
    wait_scatter(0)
    compute(0)
    issue_scatter(0)
    for b in (1, 2, 3, 0):
        wait_scatter(b)

    plsc.subcore_barrier()
    _drain_accum(accum, out_hbm, c, s)


@functools.lru_cache(maxsize=None)
def _edge1():
    return functools.partial(
        pl.kernel,
        out_type=jax.ShapeDtypeStruct((NC, N, 2 * F1), jnp.float32),
        mesh=_get_mesh(),
    compiler_params=_SC_PARAMS,
    scratch_types=(
        [pltpu.VMEM((CH,), jnp.int32)] * 12
        + [pltpu.VMEM((CH, F1), jnp.float32)] * 8
        + [pltpu.VMEM((CH, 2 * F1), jnp.float32)] * 4
        + [pltpu.VMEM((16,), jnp.float32),
           pltpu.VMEM_SHARED((N, 2 * F1), jnp.float32)]
            + [pltpu.SemaphoreType.DMA] * 12
        ),
    )(_edge1_body)


def _edge2_body(tab_hbm, ei_hbm, att2_hbm, zeros_hbm, out_hbm, *scr):
    (src_i, dst_i, sidx, msg) = (scr[4*k:4*k+4] for k in range(4))
    tab = scr[16]
    att2_v = scr[17]
    accum = scr[18]
    sem_i = scr[19:23]
    sem_s = scr[23:27]
    c = lax.axis_index("c")
    s = lax.axis_index("s")
    wid = s * NC + c
    base = wid * EPW

    _zero_accum(zeros_hbm, accum, s)
    pltpu.sync_copy(tab_hbm, tab)
    pltpu.sync_copy(att2_hbm, att2_v)
    for b in range(4):
        pltpu.sync_copy(zeros_hbm.at[pl.ds(0, CH)], msg[b])
    plsc.subcore_barrier()

    att2 = att2_v[...]
    lane = lax.iota(jnp.int32, 16)
    zi = lane * 0
    oi = zi + 1

    def issue_idx(ci, p):
        off = base + ci * CH
        pltpu.async_copy(ei_hbm.at[0, pl.ds(off, CH)], src_i[p], sem_i[p])
        pltpu.async_copy(ei_hbm.at[1, pl.ds(off, CH)], dst_i[p], sem_i[p])

    def wait_idx(p):
        pltpu.make_async_copy(ei_hbm.at[0, pl.ds(0, CH)], src_i[p],
                              sem_i[p]).wait()
        pltpu.make_async_copy(ei_hbm.at[1, pl.ds(0, CH)], dst_i[p],
                              sem_i[p]).wait()

    def compute(p):
        _copy_idx(dst_i[p], sidx[p])

        @plsc.parallel_loop(0, CH // 16, 1, unroll=CH // 16)
        def _(g):
            g16 = g * 16
            sg = src_i[p][pl.ds(g16, 16)]
            dg = dst_i[p][pl.ds(g16, 16)]
            a = plsc.load_gather(tab, [sg, zi])
            b = plsc.load_gather(tab, [dg, oi])
            e = a + b
            e = jnp.maximum(e, 0.2 * e)
            pr = jnp.exp(e * att2)
            rows = g16 + lane
            plsc.store_scatter(msg[p], [rows, zi], pr * a)
            plsc.store_scatter(msg[p], [rows, oi], pr)

    def issue_scatter(p):
        pltpu.async_copy(msg[p], accum.at[sidx[p]], sem_s[p], add=True)

    def wait_scatter(p):
        pltpu.make_async_copy(msg[p], accum.at[pl.ds(0, CH)],
                              sem_s[p]).wait()

    for b in range(4):
        issue_idx(b, b)

    NQ = (NCHUNK - 1) // 4

    def quad(j, carry):
        for b in range(4):
            i = 4 * j + b
            p = b
            wait_idx(p)

            @pl.when(j > 0)
            def _():
                wait_scatter(p)

            compute(p)
            issue_scatter(p)
            if b == 0:
                issue_idx(i + 4, p)
            else:
                @pl.when(j < NQ - 1)
                def _():
                    issue_idx(i + 4, p)
        return carry

    lax.fori_loop(0, NQ, quad, 0)

    wait_idx(0)
    wait_scatter(0)
    compute(0)
    issue_scatter(0)
    for b in (1, 2, 3, 0):
        wait_scatter(b)

    plsc.subcore_barrier()
    _drain_accum(accum, out_hbm, c, s)


@functools.lru_cache(maxsize=None)
def _edge2():
    return functools.partial(
        pl.kernel,
        out_type=jax.ShapeDtypeStruct((NC, N, 16), jnp.float32),
        mesh=_get_mesh(),
    compiler_params=_SC_PARAMS,
    scratch_types=(
        [pltpu.VMEM((CH,), jnp.int32)] * 12
        + [pltpu.VMEM((CH, 16), jnp.float32)] * 4
        + [pltpu.VMEM((N, 2), jnp.float32),
           pltpu.VMEM((16,), jnp.float32),
           pltpu.VMEM_SHARED((N, 16), jnp.float32)]
            + [pltpu.SemaphoreType.DMA] * 8
        ),
    )(_edge2_body)




def _mm1_body(x_ref, wl_ref, wr_ref, xl_ref, xr_ref):
    x = x_ref[...]
    xl_ref[...] = jnp.dot(x, wl_ref[...], preferred_element_type=jnp.float32)
    xr_ref[...] = jnp.dot(x, wr_ref[...], preferred_element_type=jnp.float32)


def _mid_body(p_ref, w2b_ref, b1t_ref, out_ref):
    acc = p_ref[0] + p_ref[1]
    den_sh = jnp.concatenate([acc[:, 16:], acc[:, :16]], axis=1)
    h = acc / (den_sh + 1e-16) + b1t_ref[...]
    h = jnp.where(h > 0, h, jnp.exp(h) - 1.0)
    out_ref[...] = jnp.dot(h, w2b_ref[...], preferred_element_type=jnp.float32)


def _fin_body(p2_ref, b2_ref, out_ref):
    acc = p2_ref[0] + p2_ref[1]
    den_sh = jnp.concatenate([acc[:, 1:], acc[:, :1]], axis=1)
    out_ref[...] = jax.nn.sigmoid(acc / (den_sh + 1e-16) + b2_ref[...])


def kernel(x, edge_index, W1l, W1r, att1, b1, W2l, W2r, att2, b2):
    xl1, xr1 = pl.pallas_call(
        _mm1_body,
        out_shape=[jax.ShapeDtypeStruct((N, F1), jnp.float32),
                   jax.ShapeDtypeStruct((N, F1), jnp.float32)],
    )(x, W1l, W1r)

    attf = att1.reshape(F1)
    zeros32 = jnp.zeros((N, 2 * F1), jnp.float32)
    part1 = _edge1()(xl1, xr1, edge_index, attf, zeros32)

    w2cat = jnp.concatenate([W2l, W2r], axis=1)
    w2b = jnp.zeros((4, 32, 4, 2), jnp.float32)
    w2b = w2b.at[jnp.arange(4), :16, jnp.arange(4), :].set(w2cat)
    w2b = w2b.reshape(128, 8)
    b1t = jnp.tile(jnp.concatenate([b1, jnp.zeros(F1, jnp.float32)]), 4)

    xlr2p = pl.pallas_call(
        _mid_body,
        out_shape=jax.ShapeDtypeStruct((N // 4, 8), jnp.float32),
    )(part1.reshape(NC, N // 4, 128), w2b, b1t.reshape(1, 128))

    att2f = jnp.broadcast_to(att2.reshape(1, 1), (1, 16)).reshape(16)
    zeros16 = jnp.zeros((N, 16), jnp.float32)
    part2 = _edge2()(xlr2p.reshape(N, 2), edge_index, att2f, zeros16)

    outp = pl.pallas_call(
        _fin_body,
        out_shape=jax.ShapeDtypeStruct((N // 8, 128), jnp.float32),
    )(part2.reshape(NC, N // 8, 128), b2.reshape(1, 1))
    return outp.reshape(N, 16)[:, 0:1]

# --- scband reference (transcript-rebuilt; emitter-appended) ---
"""Pipeline reference for scband-gat-82265803587630 (READ-ONLY COPY).

The authoritative reference and input builder live on the scoring server;
editing this copy changes nothing except your own understanding.
"""

import jax, jax.numpy as jnp
import numpy as np

N = 10000
E = 320000
D = 128
H1, C1 = 4, 4
OUT = 1


def setup_inputs(seed: int = 0) -> dict:
    key = jax.random.key(seed)
    ks = jax.random.split(key, 10)
    x = jax.random.normal(ks[0], (N, D), dtype=jnp.float32)
    edge_index = jax.random.randint(ks[1], (2, E), 0, N, dtype=jnp.int32)
    W1l = jax.random.normal(ks[2], (D, H1 * C1), dtype=jnp.float32) / np.sqrt(D)
    W1r = jax.random.normal(ks[3], (D, H1 * C1), dtype=jnp.float32) / np.sqrt(D)
    att1 = jax.random.normal(ks[4], (H1, C1), dtype=jnp.float32) / np.sqrt(C1)
    b1 = jnp.zeros((H1 * C1,), dtype=jnp.float32)
    W2l = jax.random.normal(ks[5], (H1 * C1, OUT), dtype=jnp.float32) / np.sqrt(H1 * C1)
    W2r = jax.random.normal(ks[6], (H1 * C1, OUT), dtype=jnp.float32) / np.sqrt(H1 * C1)
    att2 = jax.random.normal(ks[7], (1, OUT), dtype=jnp.float32)
    b2 = jnp.zeros((OUT,), dtype=jnp.float32)
    return {"x": x, "edge_index": edge_index, "W1l": W1l, "W1r": W1r, "att1": att1,
            "b1": b1, "W2l": W2l, "W2r": W2r, "att2": att2, "b2": b2}


def gatv2_layer(x, edge_index, Wl, Wr, att, bias, heads, out_ch, concat):
    # GATv2Conv (PyG), add_self_loops=False, eval mode (dropout = identity)
    src = edge_index[0]
    dst = edge_index[1]
    n = x.shape[0]
    xl = (x @ Wl).reshape(n, heads, out_ch)  # messages from source
    xr = (x @ Wr).reshape(n, heads, out_ch)  # target-side transform
    e = xl[src] + xr[dst]                     # [E, H, C]
    e = jnp.where(e > 0, e, 0.2 * e)          # LeakyReLU(0.2)
    logits = (e * att[None, :, :]).sum(-1)    # [E, H]
    # segment softmax over incoming edges of each dst node
    m = jax.ops.segment_max(logits, dst, num_segments=n)
    m = jnp.where(jnp.isfinite(m), m, 0.0)
    ex = jnp.exp(logits - m[dst])
    denom = jax.ops.segment_sum(ex, dst, num_segments=n)
    alpha = ex / (denom[dst] + 1e-16)         # [E, H]
    msg = xl[src] * alpha[..., None]          # [E, H, C]
    out = jax.ops.segment_sum(msg, dst, num_segments=n)  # [N, H, C]
    if concat:
        out = out.reshape(n, heads * out_ch)
    else:
        out = out.mean(axis=1)
    return out + bias


def reference(x, edge_index, W1l, W1r, att1, b1, W2l, W2r, att2, b2):
    # F.dropout(p=0.6) is identity in eval mode
    h = gatv2_layer(x, edge_index, W1l, W1r, att1, b1, H1, C1, True)
    h = jax.nn.elu(h)
    h = gatv2_layer(h, edge_index, W2l, W2r, att2, b2, 1, OUT, False)
    return jax.nn.sigmoid(h)

if __name__ == "__main__":
    import jax
    _d = setup_inputs()
    print(jax.jit(kernel)(*tuple(_d.values())))

</pallas_src>

<mosaic_0001>
#map = affine_map<(d0, d1) -> (0, 0)>
#map1 = affine_map<(d0, d1) -> (0)>
#map2 = affine_map<(d0, d1) -> (0, 0, 0)>
module attributes {stable_mosaic.version = 14 : i64} {
  func.func @_edge2_body(%arg0: i32, %arg1: i32, %arg2: memref<10000x2xf32, #tpu.memory_space<hbm>>, %arg3: memref<2x320000xi32, #tpu.memory_space<hbm>>, %arg4: memref<16xf32, #tpu.memory_space<hbm>>, %arg5: memref<10000x16xf32, #tpu.memory_space<hbm>>, %arg6: memref<2x10000x16xf32, #tpu.memory_space<hbm>>, %arg7: memref<80xi32, #tpu.memory_space<vmem>>, %arg8: memref<80xi32, #tpu.memory_space<vmem>>, %arg9: memref<80xi32, #tpu.memory_space<vmem>>, %arg10: memref<80xi32, #tpu.memory_space<vmem>>, %arg11: memref<80xi32, #tpu.memory_space<vmem>>, %arg12: memref<80xi32, #tpu.memory_space<vmem>>, %arg13: memref<80xi32, #tpu.memory_space<vmem>>, %arg14: memref<80xi32, #tpu.memory_space<vmem>>, %arg15: memref<80xi32, #tpu.memory_space<vmem>>, %arg16: memref<80xi32, #tpu.memory_space<vmem>>, %arg17: memref<80xi32, #tpu.memory_space<vmem>>, %arg18: memref<80xi32, #tpu.memory_space<vmem>>, %arg19: memref<80x16xf32, #tpu.memory_space<vmem>>, %arg20: memref<80x16xf32, #tpu.memory_space<vmem>>, %arg21: memref<80x16xf32, #tpu.memory_space<vmem>>, %arg22: memref<80x16xf32, #tpu.memory_space<vmem>>, %arg23: memref<10000x2xf32, #tpu.memory_space<vmem>>, %arg24: memref<16xf32, #tpu.memory_space<vmem>>, %arg25: memref<10000x16xf32, #tpu.memory_space<vmem_shared>>, %arg26: memref<!tpu.dma_semaphore, #tpu.memory_space<semaphore_mem>>, %arg27: memref<!tpu.dma_semaphore, #tpu.memory_space<semaphore_mem>>, %arg28: memref<!tpu.dma_semaphore, #tpu.memory_space<semaphore_mem>>, %arg29: memref<!tpu.dma_semaphore, #tpu.memory_space<semaphore_mem>>, %arg30: memref<!tpu.dma_semaphore, #tpu.memory_space<semaphore_mem>>, %arg31: memref<!tpu.dma_semaphore, #tpu.memory_space<semaphore_mem>>, %arg32: memref<!tpu.dma_semaphore, #tpu.memory_space<semaphore_mem>>, %arg33: memref<!tpu.dma_semaphore, #tpu.memory_space<semaphore_mem>>) attributes {dimension_semantics = [#tpu.dimension_semantics<core_parallel>, #tpu.dimension_semantics<subcore_parallel>], iteration_bounds = array<i64: 2, 16>, scalar_prefetch = 0 : i64, scratch_operands = 27 : i64, tpu.core_type = #tpu.core_type<sc_vector_subcore>, window_params = [{transform_indices = #map}, {transform_indices = #map}, {transform_indices = #map1}, {transform_indices = #map}, {transform_indices = #map2}]} {
    %mul3A = arith.constant 2 : i32
    %mul3A_0 = arith.muli %arg1, %mul3A : i32
    %add3A = arith.addi %mul3A_0, %arg0 : i32
    %mul3A_1 = arith.constant 10000 : i32
    %mul3A_2 = arith.muli %add3A, %mul3A_1 : i32
    %mul3A_3 = arith.constant 624 : i32
    %mul3A_4 = arith.muli %arg1, %mul3A_3 : i32
    %mul3A_5 = arith.constant 624 : i32
    %mul3A_6 = arith.muli %arg1, %mul3A_5 : i32
    "tpu.region"() ({
      %run_scoped3A = tpu.sem_alloc : memref<!tpu.dma_semaphore, #tpu.memory_space<semaphore_mem>>
      %dma_start3A_145 = arith.constant 0 : i32
      %dma_start3A_146 = tpu.memref_slice %arg25[%mul3A_6, %dma_start3A_145] : memref<10000x16xf32, #tpu.memory_space<vmem_shared>> -> memref<624x16xf32, #tpu.memory_space<vmem_shared>>
      %dma_start3A_147 = arith.constant 0 : i32
      %dma_start3A_148 = tpu.memref_slice %arg5[%mul3A_4, %dma_start3A_147] : memref<10000x16xf32, #tpu.memory_space<hbm>> -> memref<624x16xf32, #tpu.memory_space<hbm>>
      tpu.enqueue_dma source(%dma_start3A_148 : memref<624x16xf32, #tpu.memory_space<hbm>>) target(%dma_start3A_146 : memref<624x16xf32, #tpu.memory_space<vmem_shared>>) target_semaphore(%run_scoped3A : memref<!tpu.dma_semaphore, #tpu.memory_space<semaphore_mem>>)
      %dma_wait3A_149 = arith.constant 0 : i32
      %dma_wait3A_150 = tpu.memref_slice %arg25[%mul3A_6, %dma_wait3A_149] : memref<10000x16xf32, #tpu.memory_space<vmem_shared>> -> memref<624x16xf32, #tpu.memory_space<vmem_shared>>
      %dma_wait3A_151 = arith.constant 0 : i32
      %dma_wait3A_152 = tpu.memref_slice %arg5[%mul3A_4, %dma_wait3A_151] : memref<10000x16xf32, #tpu.memory_space<hbm>> -> memref<624x16xf32, #tpu.memory_space<hbm>>
      tpu.wait_dma2 semaphore(%run_scoped3A : memref<!tpu.dma_semaphore, #tpu.memory_space<semaphore_mem>>) src(%dma_wait3A_152 : memref<624x16xf32, #tpu.memory_space<hbm>>) dst(%dma_wait3A_150 : memref<624x16xf32, #tpu.memory_space<vmem_shared>>)
      tpu.yield
    }) : () -> ()
    %eq3A = arith.constant 0 : i32
    %eq3A_7 = arith.cmpi eq, %arg1, %eq3A : i32
    %convert_element_type3A = arith.extui %eq3A_7 : i1 to i32
    %cond3A = arith.constant 0 : i32
    %cond3A_8 = arith.cmpi ne, %convert_element_type3A, %cond3A : i32
    scf.if %cond3A_8 {
      "tpu.region"() ({
        %run_scoped3A = tpu.sem_alloc : memref<!tpu.dma_semaphore, #tpu.memory_space<semaphore_mem>>
        %dma_start3A_145 = arith.constant 9984 : i32
        %dma_start3A_146 = arith.constant 0 : i32
        %dma_start3A_147 = tpu.memref_slice %arg25[%dma_start3A_145, %dma_start3A_146] : memref<10000x16xf32, #tpu.memory_space<vmem_shared>> -> memref<16x16xf32, #tpu.memory_space<vmem_shared>>
        %dma_start3A_148 = arith.constant 9984 : i32
        %dma_start3A_149 = arith.constant 0 : i32
        %dma_start3A_150 = tpu.memref_slice %arg5[%dma_start3A_148, %dma_start3A_149] : memref<10000x16xf32, #tpu.memory_space<hbm>> -> memref<16x16xf32, #tpu.memory_space<hbm>>
        tpu.enqueue_dma source(%dma_start3A_150 : memref<16x16xf32, #tpu.memory_space<hbm>>) target(%dma_start3A_147 : memref<16x16xf32, #tpu.memory_space<vmem_shared>>) target_semaphore(%run_scoped3A : memref<!tpu.dma_semaphore, #tpu.memory_space<semaphore_mem>>)
        %dma_wait3A_151 = arith.constant 9984 : i32
        %dma_wait3A_152 = arith.constant 0 : i32
        %dma_wait3A_153 = tpu.memref_slice %arg25[%dma_wait3A_151, %dma_wait3A_152] : memref<10000x16xf32, #tpu.memory_space<vmem_shared>> -> memref<16x16xf32, #tpu.memory_space<vmem_shared>>
        %dma_wait3A_154 = arith.constant 9984 : i32
        %dma_wait3A_155 = arith.constant 0 : i32
        %dma_wait3A_156 = tpu.memref_slice %arg5[%dma_wait3A_154, %dma_wait3A_155] : memref<10000x16xf32, #tpu.memory_space<hbm>> -> memref<16x16xf32, #tpu.memory_space<hbm>>
        tpu.wait_dma2 semaphore(%run_scoped3A : memref<!tpu.dma_semaphore, #tpu.memory_space<semaphore_mem>>) src(%dma_wait3A_156 : memref<16x16xf32, #tpu.memory_space<hbm>>) dst(%dma_wait3A_153 : memref<16x16xf32, #tpu.memory_space<vmem_shared>>)
        tpu.yield
      }) : () -> ()
    } else {
    }
    "tpu.region"() ({
      %run_scoped3A = tpu.sem_alloc : memref<!tpu.dma_semaphore, #tpu.memory_space<semaphore_mem>>
      tpu.enqueue_dma source(%arg2 : memref<10000x2xf32, #tpu.memory_space<hbm>>) target(%arg23 : memref<10000x2xf32, #tpu.memory_space<vmem>>) target_semaphore(%run_scoped3A : memref<!tpu.dma_semaphore, #tpu.memory_space<semaphore_mem>>)
      tpu.wait_dma2 semaphore(%run_scoped3A : memref<!tpu.dma_semaphore, #tpu.memory_space<semaphore_mem>>) src(%arg2 : memref<10000x2xf32, #tpu.memory_space<hbm>>) dst(%arg23 : memref<10000x2xf32, #tpu.memory_space<vmem>>)
      tpu.yield
    }) : () -> ()
    "tpu.region"() ({
      %run_scoped3A = tpu.sem_alloc : memref<!tpu.dma_semaphore, #tpu.memory_space<semaphore_mem>>
      tpu.enqueue_dma source(%arg4 : memref<16xf32, #tpu.memory_space<hbm>>) target(%arg24 : memref<16xf32, #tpu.memory_space<vmem>>) target_semaphore(%run_scoped3A : memref<!tpu.dma_semaphore, #tpu.memory_space<semaphore_mem>>)
      tpu.wait_dma2 semaphore(%run_scoped3A : memref<!tpu.dma_semaphore, #tpu.memory_space<semaphore_mem>>) src(%arg4 : memref<16xf32, #tpu.memory_space<hbm>>) dst(%arg24 : memref<16xf32, #tpu.memory_space<vmem>>)
      tpu.yield
    }) : () -> ()
    "tpu.region"() ({
      %run_scoped3A = tpu.sem_alloc : memref<!tpu.dma_semaphore, #tpu.memory_space<semaphore_mem>>
      %dma_start3A_145 = arith.constant 0 : i32
      %dma_start3A_146 = arith.constant 0 : i32
      %dma_start3A_147 = tpu.memref_slice %arg5[%dma_start3A_145, %dma_start3A_146] : memref<10000x16xf32, #tpu.memory_space<hbm>> -> memref<80x16xf32, #tpu.memory_space<hbm>>
      %dma_start3A_148 = arith.constant 0 : i32
      %dma_start3A_149 = arith.constant 0 : i32
      %dma_start3A_150 = tpu.memref_slice %arg5[%dma_start3A_148, %dma_start3A_149] : memref<10000x16xf32, #tpu.memory_space<hbm>> -> memref<80x16xf32, #tpu.memory_space<hbm>>
      tpu.enqueue_dma source(%dma_start3A_150 : memref<80x16xf32, #tpu.memory_space<hbm>>) target(%arg19 : memref<80x16xf32, #tpu.memory_space<vmem>>) target_semaphore(%run_scoped3A : memref<!tpu.dma_semaphore, #tpu.memory_space<semaphore_mem>>)
      %dma_wait3A_151 = arith.constant 0 : i32
      %dma_wait3A_152 = arith.constant 0 : i32
      %dma_wait3A_153 = tpu.memref_slice %arg5[%dma_wait3A_151, %dma_wait3A_152] : memref<10000x16xf32, #tpu.memory_space<hbm>> -> memref<80x16xf32, #tpu.memory_space<hbm>>
      %dma_wait3A_154 = arith.constant 0 : i32
      %dma_wait3A_155 = arith.constant 0 : i32
      %dma_wait3A_156 = tpu.memref_slice %arg5[%dma_wait3A_154, %dma_wait3A_155] : memref<10000x16xf32, #tpu.memory_space<hbm>> -> memref<80x16xf32, #tpu.memory_space<hbm>>
      tpu.wait_dma2 semaphore(%run_scoped3A : memref<!tpu.dma_semaphore, #tpu.memory_space<semaphore_mem>>) src(%dma_wait3A_156 : memref<80x16xf32, #tpu.memory_space<hbm>>) dst(%arg19 : memref<80x16xf32, #tpu.memory_space<vmem>>)
      tpu.yield
    }) : () -> ()
    "tpu.region"() ({
      %run_scoped3A = tpu.sem_alloc : memref<!tpu.dma_semaphore, #tpu.memory_space<semaphore_mem>>
      %dma_start3A_145 = arith.constant 0 : i32
      %dma_start3A_146 = arith.constant 0 : i32
      %dma_start3A_147 = tpu.memref_slice %arg5[%dma_start3A_145, %dma_start3A_146] : memref<10000x16xf32, #tpu.memory_space<hbm>> -> memref<80x16xf32, #tpu.memory_space<hbm>>
      %dma_start3A_148 = arith.constant 0 : i32
      %dma_start3A_149 = arith.constant 0 : i32
      %dma_start3A_150 = tpu.memref_slice %arg5[%dma_start3A_148, %dma_start3A_149] : memref<10000x16xf32, #tpu.memory_space<hbm>> -> memref<80x16xf32, #tpu.memory_space<hbm>>
      tpu.enqueue_dma source(%dma_start3A_150 : memref<80x16xf32, #tpu.memory_space<hbm>>) target(%arg20 : memref<80x16xf32, #tpu.memory_space<vmem>>) target_semaphore(%run_scoped3A : memref<!tpu.dma_semaphore, #tpu.memory_space<semaphore_mem>>)
      %dma_wait3A_151 = arith.constant 0 : i32
      %dma_wait3A_152 = arith.constant 0 : i32
      %dma_wait3A_153 = tpu.memref_slice %arg5[%dma_wait3A_151, %dma_wait3A_152] : memref<10000x16xf32, #tpu.memory_space<hbm>> -> memref<80x16xf32, #tpu.memory_space<hbm>>
      %dma_wait3A_154 = arith.constant 0 : i32
      %dma_wait3A_155 = arith.constant 0 : i32
      %dma_wait3A_156 = tpu.memref_slice %arg5[%dma_wait3A_154, %dma_wait3A_155] : memref<10000x16xf32, #tpu.memory_space<hbm>> -> memref<80x16xf32, #tpu.memory_space<hbm>>
      tpu.wait_dma2 semaphore(%run_scoped3A : memref<!tpu.dma_semaphore, #tpu.memory_space<semaphore_mem>>) src(%dma_wait3A_156 : memref<80x16xf32, #tpu.memory_space<hbm>>) dst(%arg20 : memref<80x16xf32, #tpu.memory_space<vmem>>)
      tpu.yield
    }) : () -> ()
    "tpu.region"() ({
      %run_scoped3A = tpu.sem_alloc : memref<!tpu.dma_semaphore, #tpu.memory_space<semaphore_mem>>
      %dma_start3A_145 = arith.constant 0 : i32
      %dma_start3A_146 = arith.constant 0 : i32
      %dma_start3A_147 = tpu.memref_slice %arg5[%dma_start3A_145, %dma_start3A_146] : memref<10000x16xf32, #tpu.memory_space<hbm>> -> memref<80x16xf32, #tpu.memory_space<hbm>>
      %dma_start3A_148 = arith.constant 0 : i32
      %dma_start3A_149 = arith.constant 0 : i32
      %dma_start3A_150 = tpu.memref_slice %arg5[%dma_start3A_148, %dma_start3A_149] : memref<10000x16xf32, #tpu.memory_space<hbm>> -> memref<80x16xf32, #tpu.memory_space<hbm>>
      tpu.enqueue_dma source(%dma_start3A_150 : memref<80x16xf32, #tpu.memory_space<hbm>>) target(%arg21 : memref<80x16xf32, #tpu.memory_space<vmem>>) target_semaphore(%run_scoped3A : memref<!tpu.dma_semaphore, #tpu.memory_space<semaphore_mem>>)
      %dma_wait3A_151 = arith.constant 0 : i32
      %dma_wait3A_152 = arith.constant 0 : i32
      %dma_wait3A_153 = tpu.memref_slice %arg5[%dma_wait3A_151, %dma_wait3A_152] : memref<10000x16xf32, #tpu.memory_space<hbm>> -> memref<80x16xf32, #tpu.memory_space<hbm>>
      %dma_wait3A_154 = arith.constant 0 : i32
      %dma_wait3A_155 = arith.constant 0 : i32
      %dma_wait3A_156 = tpu.memref_slice %arg5[%dma_wait3A_154, %dma_wait3A_155] : memref<10000x16xf32, #tpu.memory_space<hbm>> -> memref<80x16xf32, #tpu.memory_space<hbm>>
      tpu.wait_dma2 semaphore(%run_scoped3A : memref<!tpu.dma_semaphore, #tpu.memory_space<semaphore_mem>>) src(%dma_wait3A_156 : memref<80x16xf32, #tpu.memory_space<hbm>>) dst(%arg21 : memref<80x16xf32, #tpu.memory_space<vmem>>)
      tpu.yield
    }) : () -> ()
    "tpu.region"() ({
      %run_scoped3A = tpu.sem_alloc : memref<!tpu.dma_semaphore, #tpu.memory_space<semaphore_mem>>
      %dma_start3A_145 = arith.constant 0 : i32
      %dma_start3A_146 = arith.constant 0 : i32
      %dma_start3A_147 = tpu.memref_slice %arg5[%dma_start3A_145, %dma_start3A_146] : memref<10000x16xf32, #tpu.memory_space<hbm>> -> memref<80x16xf32, #tpu.memory_space<hbm>>
      %dma_start3A_148 = arith.constant 0 : i32
      %dma_start3A_149 = arith.constant 0 : i32
      %dma_start3A_150 = tpu.memref_slice %arg5[%dma_start3A_148, %dma_start3A_149] : memref<10000x16xf32, #tpu.memory_space<hbm>> -> memref<80x16xf32, #tpu.memory_space<hbm>>
      tpu.enqueue_dma source(%dma_start3A_150 : memref<80x16xf32, #tpu.memory_space<hbm>>) target(%arg22 : memref<80x16xf32, #tpu.memory_space<vmem>>) target_semaphore(%run_scoped3A : memref<!tpu.dma_semaphore, #tpu.memory_space<semaphore_mem>>)
      %dma_wait3A_151 = arith.constant 0 : i32
      %dma_wait3A_152 = arith.constant 0 : i32
      %dma_wait3A_153 = tpu.memref_slice %arg5[%dma_wait3A_151, %dma_wait3A_152] : memref<10000x16xf32, #tpu.memory_space<hbm>> -> memref<80x16xf32, #tpu.memory_space<hbm>>
      %dma_wait3A_154 = arith.constant 0 : i32
      %dma_wait3A_155 = arith.constant 0 : i32
      %dma_wait3A_156 = tpu.memref_slice %arg5[%dma_wait3A_154, %dma_wait3A_155] : memref<10000x16xf32, #tpu.memory_space<hbm>> -> memref<80x16xf32, #tpu.memory_space<hbm>>
      tpu.wait_dma2 semaphore(%run_scoped3A : memref<!tpu.dma_semaphore, #tpu.memory_space<semaphore_mem>>) src(%dma_wait3A_156 : memref<80x16xf32, #tpu.memory_space<hbm>>) dst(%arg22 : memref<80x16xf32, #tpu.memory_space<vmem>>)
      tpu.yield
    }) : () -> ()
    %barrier3A = arith.constant 0 : index
    tpu.barrier barrier_id(%barrier3A)
    %get3A = arith.constant 0 : index
    %get3A_9 = tpu.vector_load %arg24[%get3A] {strides = array<i32>} : memref<16xf32, #tpu.memory_space<vmem>>, vector<16xf32>,
    %iota3A = tpu.iota {dimensions = array<i32: 0>} : vector<16xi32>
    %mul3A_10 = arith.constant 0 : i32
    %mul3A_11 = vector.broadcast %mul3A_10 : i32 to vector<16xi32>
    %mul3A_12 = arith.muli %iota3A, %mul3A_11 : vector<16xi32>
    %add3A_13 = arith.constant 1 : i32
    %add3A_14 = vector.broadcast %add3A_13 : i32 to vector<16xi32>
    %add3A_15 = arith.addi %mul3A_12, %add3A_14 : vector<16xi32>
    %add3A_16 = arith.constant 0 : i32
    %add3A_17 = arith.addi %mul3A_2, %add3A_16 : i32
    %dma_start3A = arith.constant 0 : i32
    %dma_start3A_18 = tpu.memref_slice %arg3[%dma_start3A, %add3A_17] : memref<2x320000xi32, #tpu.memory_space<hbm>> -> memref<1x80xi32, #tpu.memory_space<hbm>>
    %dma_start3A_19 = tpu.memref_squeeze %dma_start3A_18 : memref<1x80xi32, #tpu.memory_space<hbm>> -> memref<80xi32, #tpu.memory_space<hbm>>
    %dma_start3A_20 = tpu.memref_slice %arg3[%dma_start3A, %add3A_17] : memref<2x320000xi32, #tpu.memory_space<hbm>> -> memref<1x80xi32, #tpu.memory_space<hbm>>
    %dma_start3A_21 = tpu.memref_squeeze %dma_start3A_20 : memref<1x80xi32, #tpu.memory_space<hbm>> -> memref<80xi32, #tpu.memory_space<hbm>>
    tpu.enqueue_dma source(%dma_start3A_21 : memref<80xi32, #tpu.memory_space<hbm>>) target(%arg7 : memref<80xi32, #tpu.memory_space<vmem>>) target_semaphore(%arg26 : memref<!tpu.dma_semaphore, #tpu.memory_space<semaphore_mem>>)
    %dma_start3A_22 = arith.constant 1 : i32
    %dma_start3A_23 = tpu.memref_slice %arg3[%dma_start3A_22, %add3A_17] : memref<2x320000xi32, #tpu.memory_space<hbm>> -> memref<1x80xi32, #tpu.memory_space<hbm>>
    %dma_start3A_24 = tpu.memref_squeeze %dma_start3A_23 : memref<1x80xi32, #tpu.memory_space<hbm>> -> memref<80xi32, #tpu.memory_space<hbm>>
    %dma_start3A_25 = tpu.memref_slice %arg3[%dma_start3A_22, %add3A_17] : memref<2x320000xi32, #tpu.memory_space<hbm>> -> memref<1x80xi32, #tpu.memory_space<hbm>>
    %dma_start3A_26 = tpu.memref_squeeze %dma_start3A_25 : memref<1x80xi32, #tpu.memory_space<hbm>> -> memref<80xi32, #tpu.memory_space<hbm>>
    tpu.enqueue_dma source(%dma_start3A_26 : memref<80xi32, #tpu.memory_space<hbm>>) target(%arg11 : memref<80xi32, #tpu.memory_space<vmem>>) target_semaphore(%arg26 : memref<!tpu.dma_semaphore, #tpu.memory_space<semaphore_mem>>)
    %add3A_27 = arith.constant 80 : i32
    %add3A_28 = arith.addi %mul3A_2, %add3A_27 : i32
    %dma_start3A_29 = arith.constant 0 : i32
    %dma_start3A_30 = tpu.memref_slice %arg3[%dma_start3A_29, %add3A_28] : memref<2x320000xi32, #tpu.memory_space<hbm>> -> memref<1x80xi32, #tpu.memory_space<hbm>>
    %dma_start3A_31 = tpu.memref_squeeze %dma_start3A_30 : memref<1x80xi32, #tpu.memory_space<hbm>> -> memref<80xi32, #tpu.memory_space<hbm>>
    %dma_start3A_32 = tpu.memref_slice %arg3[%dma_start3A_29, %add3A_28] : memref<2x320000xi32, #tpu.memory_space<hbm>> -> memref<1x80xi32, #tpu.memory_space<hbm>>
    %dma_start3A_33 = tpu.memref_squeeze %dma_start3A_32 : memref<1x80xi32, #tpu.memory_space<hbm>> -> memref<80xi32, #tpu.memory_space<hbm>>
    tpu.enqueue_dma source(%dma_start3A_33 : memref<80xi32, #tpu.memory_space<hbm>>) target(%arg8 : memref<80xi32, #tpu.memory_space<vmem>>) target_semaphore(%arg27 : memref<!tpu.dma_semaphore, #tpu.memory_space<semaphore_mem>>)
    %dma_start3A_34 = arith.constant 1 : i32
    %dma_start3A_35 = tpu.memref_slice %arg3[%dma_start3A_34, %add3A_28] : memref<2x320000xi32, #tpu.memory_space<hbm>> -> memref<1x80xi32, #tpu.memory_space<hbm>>
    %dma_start3A_36 = tpu.memref_squeeze %dma_start3A_35 : memref<1x80xi32, #tpu.memory_space<hbm>> -> memref<80xi32, #tpu.memory_space<hbm>>
    %dma_start3A_37 = tpu.memref_slice %arg3[%dma_start3A_34, %add3A_28] : memref<2x320000xi32, #tpu.memory_space<hbm>> -> memref<1x80xi32, #tpu.memory_space<hbm>>
    %dma_start3A_38 = tpu.memref_squeeze %dma_start3A_37 : memref<1x80xi32, #tpu.memory_space<hbm>> -> memref<80xi32, #tpu.memory_space<hbm>>
    tpu.enqueue_dma source(%dma_start3A_38 : memref<80xi32, #tpu.memory_space<hbm>>) target(%arg12 : memref<80xi32, #tpu.memory_space<vmem>>) target_semaphore(%arg27 : memref<!tpu.dma_semaphore, #tpu.memory_space<semaphore_mem>>)
    %add3A_39 = arith.constant 160 : i32
    %add3A_40 = arith.addi %mul3A_2, %add3A_39 : i32
    %dma_start3A_41 = arith.constant 0 : i32
    %dma_start3A_42 = tpu.memref_slice %arg3[%dma_start3A_41, %add3A_40] : memref<2x320000xi32, #tpu.memory_space<hbm>> -> memref<1x80xi32, #tpu.memory_space<hbm>>
    %dma_start3A_43 = tpu.memref_squeeze %dma_start3A_42 : memref<1x80xi32, #tpu.memory_space<hbm>> -> memref<80xi32, #tpu.memory_space<hbm>>
    %dma_start3A_44 = tpu.memref_slice %arg3[%dma_start3A_41, %add3A_40] : memref<2x320000xi32, #tpu.memory_space<hbm>> -> memref<1x80xi32, #tpu.memory_space<hbm>>
    %dma_start3A_45 = tpu.memref_squeeze %dma_start3A_44 : memref<1x80xi32, #tpu.memory_space<hbm>> -> memref<80xi32, #tpu.memory_space<hbm>>
    tpu.enqueue_dma source(%dma_start3A_45 : memref<80xi32, #tpu.memory_space<hbm>>) target(%arg9 : memref<80xi32, #tpu.memory_space<vmem>>) target_semaphore(%arg28 : memref<!tpu.dma_semaphore, #tpu.memory_space<semaphore_mem>>)
    %dma_start3A_46 = arith.constant 1 : i32
    %dma_start3A_47 = tpu.memref_slice %arg3[%dma_start3A_46, %add3A_40] : memref<2x320000xi32, #tpu.memory_space<hbm>> -> memref<1x80xi32, #tpu.memory_space<hbm>>
    %dma_start3A_48 = tpu.memref_squeeze %dma_start3A_47 : memref<1x80xi32, #tpu.memory_space<hbm>> -> memref<80xi32, #tpu.memory_space<hbm>>
    %dma_start3A_49 = tpu.memref_slice %arg3[%dma_start3A_46, %add3A_40] : memref<2x320000xi32, #tpu.memory_space<hbm>> -> memref<1x80xi32, #tpu.memory_space<hbm>>
    %dma_start3A_50 = tpu.memref_squeeze %dma_start3A_49 : memref<1x80xi32, #tpu.memory_space<hbm>> -> memref<80xi32, #tpu.memory_space<hbm>>
    tpu.enqueue_dma source(%dma_start3A_50 : memref<80xi32, #tpu.memory_space<hbm>>) target(%arg13 : memref<80xi32, #tpu.memory_space<vmem>>) target_semaphore(%arg28 : memref<!tpu.dma_semaphore, #tpu.memory_space<semaphore_mem>>)
    %add3A_51 = arith.constant 240 : i32
    %add3A_52 = arith.addi %mul3A_2, %add3A_51 : i32
    %dma_start3A_53 = arith.constant 0 : i32
    %dma_start3A_54 = tpu.memref_slice %arg3[%dma_start3A_53, %add3A_52] : memref<2x320000xi32, #tpu.memory_space<hbm>> -> memref<1x80xi32, #tpu.memory_space<hbm>>
    %dma_start3A_55 = tpu.memref_squeeze %dma_start3A_54 : memref<1x80xi32, #tpu.memory_space<hbm>> -> memref<80xi32, #tpu.memory_space<hbm>>
    %dma_start3A_56 = tpu.memref_slice %arg3[%dma_start3A_53, %add3A_52] : memref<2x320000xi32, #tpu.memory_space<hbm>> -> memref<1x80xi32, #tpu.memory_space<hbm>>
    %dma_start3A_57 = tpu.memref_squeeze %dma_start3A_56 : memref<1x80xi32, #tpu.memory_space<hbm>> -> memref<80xi32, #tpu.memory_space<hbm>>
    tpu.enqueue_dma source(%dma_start3A_57 : memref<80xi32, #tpu.memory_space<hbm>>) target(%arg10 : memref<80xi32, #tpu.memory_space<vmem>>) target_semaphore(%arg29 : memref<!tpu.dma_semaphore, #tpu.memory_space<semaphore_mem>>)
    %dma_start3A_58 = arith.constant 1 : i32
    %dma_start3A_59 = tpu.memref_slice %arg3[%dma_start3A_58, %add3A_52] : memref<2x320000xi32, #tpu.memory_space<hbm>> -> memref<1x80xi32, #tpu.memory_space<hbm>>
    %dma_start3A_60 = tpu.memref_squeeze %dma_start3A_59 : memref<1x80xi32, #tpu.memory_space<hbm>> -> memref<80xi32, #tpu.memory_space<hbm>>
    %dma_start3A_61 = tpu.memref_slice %arg3[%dma_start3A_58, %add3A_52] : memref<2x320000xi32, #tpu.memory_space<hbm>> -> memref<1x80xi32, #tpu.memory_space<hbm>>
    %dma_start3A_62 = tpu.memref_squeeze %dma_start3A_61 : memref<1x80xi32, #tpu.memory_space<hbm>> -> memref<80xi32, #tpu.memory_space<hbm>>
    tpu.enqueue_dma source(%dma_start3A_62 : memref<80xi32, #tpu.memory_space<hbm>>) target(%arg14 : memref<80xi32, #tpu.memory_space<vmem>>) target_semaphore(%arg29 : memref<!tpu.dma_semaphore, #tpu.memory_space<semaphore_mem>>)
    %scan3A = arith.constant 0 : i32
    %scan3A_63 = arith.constant 0 : i32
    %scan3A_64 = arith.constant 31 : i32
    %scan3A_65 = arith.addi %scan3A_63, %scan3A_64 : i32
    %scan3A_66 = arith.constant 1 : i32
    scf.for %scan3A_145 = %scan3A_63 to %scan3A_65 step %scan3A_66  : i32 {
      %mul3A_146 = arith.constant 4 : i32
      %mul3A_147 = arith.muli %mul3A_146, %scan3A_145 : i32
      %add3A_148 = arith.constant 0 : i32
      %add3A_149 = arith.addi %mul3A_147, %add3A_148 : i32
      %dma_wait3A_150 = arith.constant 0 : i32
      %dma_wait3A_151 = arith.constant 0 : i32
      %dma_wait3A_152 = tpu.memref_slice %arg3[%dma_wait3A_150, %dma_wait3A_151] : memref<2x320000xi32, #tpu.memory_space<hbm>> -> memref<1x80xi32, #tpu.memory_space<hbm>>
      %dma_wait3A_153 = tpu.memref_squeeze %dma_wait3A_152 : memref<1x80xi32, #tpu.memory_space<hbm>> -> memref<80xi32, #tpu.memory_space<hbm>>
      %dma_wait3A_154 = arith.constant 0 : i32
      %dma_wait3A_155 = tpu.memref_slice %arg3[%dma_wait3A_150, %dma_wait3A_154] : memref<2x320000xi32, #tpu.memory_space<hbm>> -> memref<1x80xi32, #tpu.memory_space<hbm>>
      %dma_wait3A_156 = tpu.memref_squeeze %dma_wait3A_155 : memref<1x80xi32, #tpu.memory_space<hbm>> -> memref<80xi32, #tpu.memory_space<hbm>>
      tpu.wait_dma2 semaphore(%arg26 : memref<!tpu.dma_semaphore, #tpu.memory_space<semaphore_mem>>) src(%dma_wait3A_156 : memref<80xi32, #tpu.memory_space<hbm>>) dst(%arg7 : memref<80xi32, #tpu.memory_space<vmem>>)
      %dma_wait3A_157 = arith.constant 1 : i32
      %dma_wait3A_158 = arith.constant 0 : i32
      %dma_wait3A_159 = tpu.memref_slice %arg3[%dma_wait3A_157, %dma_wait3A_158] : memref<2x320000xi32, #tpu.memory_space<hbm>> -> memref<1x80xi32, #tpu.memory_space<hbm>>
      %dma_wait3A_160 = tpu.memref_squeeze %dma_wait3A_159 : memref<1x80xi32, #tpu.memory_space<hbm>> -> memref<80xi32, #tpu.memory_space<hbm>>
      %dma_wait3A_161 = arith.constant 0 : i32
      %dma_wait3A_162 = tpu.memref_slice %arg3[%dma_wait3A_157, %dma_wait3A_161] : memref<2x320000xi32, #tpu.memory_space<hbm>> -> memref<1x80xi32, #tpu.memory_space<hbm>>
      %dma_wait3A_163 = tpu.memref_squeeze %dma_wait3A_162 : memref<1x80xi32, #tpu.memory_space<hbm>> -> memref<80xi32, #tpu.memory_space<hbm>>
      tpu.wait_dma2 semaphore(%arg26 : memref<!tpu.dma_semaphore, #tpu.memory_space<semaphore_mem>>) src(%dma_wait3A_163 : memref<80xi32, #tpu.memory_space<hbm>>) dst(%arg11 : memref<80xi32, #tpu.memory_space<vmem>>)
      %gt3A = arith.constant 0 : i32
      %gt3A_164 = arith.cmpi sgt, %scan3A_145, %gt3A : i32
      %convert_element_type3A_165 = arith.extui %gt3A_164 : i1 to i32
      %cond3A_166 = arith.constant 0 : i32
      %cond3A_167 = arith.cmpi ne, %convert_element_type3A_165, %cond3A_166 : i32
      scf.if %cond3A_167 {
        %dma_wait3A_370 = arith.constant 0 : i32
        %dma_wait3A_371 = arith.constant 0 : i32
        %dma_wait3A_372 = tpu.memref_slice %arg25[%dma_wait3A_370, %dma_wait3A_371] : memref<10000x16xf32, #tpu.memory_space<vmem_shared>> -> memref<80x16xf32, #tpu.memory_space<vmem_shared>>
        %dma_wait3A_373 = arith.constant 0 : i32
        %dma_wait3A_374 = arith.constant 0 : i32
        %dma_wait3A_375 = tpu.memref_slice %arg25[%dma_wait3A_373, %dma_wait3A_374] : memref<10000x16xf32, #tpu.memory_space<vmem_shared>> -> memref<80x16xf32, #tpu.memory_space<vmem_shared>>
        tpu.wait_dma2 semaphore(%arg30 : memref<!tpu.dma_semaphore, #tpu.memory_space<semaphore_mem>>) src(%arg19 : memref<80x16xf32, #tpu.memory_space<vmem>>) dst(%dma_wait3A_375 : memref<80x16xf32, #tpu.memory_space<vmem_shared>>)
      } else {
      }
      %get3A_168 = arith.constant 0 : index
      %get3A_169 = tpu.vector_load %arg11[%get3A_168] {strides = array<i32>} : memref<80xi32, #tpu.memory_space<vmem>>, vector<16xi32>,
      %swap3A_170 = arith.constant 0 : index
      %swap3A_171 = tpu.vector_load %arg15[%swap3A_170] {strides = array<i32>} : memref<80xi32, #tpu.memory_space<vmem>>, vector<16xi32>,
      tpu.vector_store %arg15[%swap3A_170], %get3A_169 {strides = array<i32>} : memref<80xi32, #tpu.memory_space<vmem>>, vector<16xi32>,
      %get3A_172 = arith.constant 16 : index
      %get3A_173 = tpu.vector_load %arg11[%get3A_172] {strides = array<i32>} : memref<80xi32, #tpu.memory_space<vmem>>, vector<16xi32>,
      %swap3A_174 = arith.constant 16 : index
      %swap3A_175 = tpu.vector_load %arg15[%swap3A_174] {strides = array<i32>} : memref<80xi32, #tpu.memory_space<vmem>>, vector<16xi32>,
      tpu.vector_store %arg15[%swap3A_174], %get3A_173 {strides = array<i32>} : memref<80xi32, #tpu.memory_space<vmem>>, vector<16xi32>,
      %get3A_176 = arith.constant 32 : index
      %get3A_177 = tpu.vector_load %arg11[%get3A_176] {strides = array<i32>} : memref<80xi32, #tpu.memory_space<vmem>>, vector<16xi32>,
      %swap3A_178 = arith.constant 32 : index
      %swap3A_179 = tpu.vector_load %arg15[%swap3A_178] {strides = array<i32>} : memref<80xi32, #tpu.memory_space<vmem>>, vector<16xi32>,
      tpu.vector_store %arg15[%swap3A_178], %get3A_177 {strides = array<i32>} : memref<80xi32, #tpu.memory_space<vmem>>, vector<16xi32>,
      %get3A_180 = arith.constant 48 : index
      %get3A_181 = tpu.vector_load %arg11[%get3A_180] {strides = array<i32>} : memref<80xi32, #tpu.memory_space<vmem>>, vector<16xi32>,
      %swap3A_182 = arith.constant 48 : index
      %swap3A_183 = tpu.vector_load %arg15[%swap3A_182] {strides = array<i32>} : memref<80xi32, #tpu.memory_space<vmem>>, vector<16xi32>,
      tpu.vector_store %arg15[%swap3A_182], %get3A_181 {strides = array<i32>} : memref<80xi32, #tpu.memory_space<vmem>>, vector<16xi32>,
      %get3A_184 = arith.constant 64 : index
      %get3A_185 = tpu.vector_load %arg11[%get3A_184] {strides = array<i32>} : memref<80xi32, #tpu.memory_space<vmem>>, vector<16xi32>,
      %swap3A_186 = arith.constant 64 : index
      %swap3A_187 = tpu.vector_load %arg15[%swap3A_186] {strides = array<i32>} : memref<80xi32, #tpu.memory_space<vmem>>, vector<16xi32>,
      tpu.vector_store %arg15[%swap3A_186], %get3A_185 {strides = array<i32>} : memref<80xi32, #tpu.memory_space<vmem>>, vector<16xi32>,
      %parallel_loop3A_188 = arith.constant 0 : i32
      %parallel_loop3A_189 = arith.constant 5 : i32
      %parallel_loop3A_190 = arith.constant 1 : i32
      scf.for %parallel_loop3A_370 = %parallel_loop3A_188 to %parallel_loop3A_189 step %parallel_loop3A_190  : i32 {
        %parallel_loop3A_371 = arith.constant 16 : i32
        %parallel_loop3A_372 = arith.muli %parallel_loop3A_370, %parallel_loop3A_371 : i32
        %parallel_loop3A_373 = arith.index_cast %parallel_loop3A_372 : i32 to index
        %parallel_loop3A_374 = tpu.vector_load %arg7[%parallel_loop3A_373] {strides = array<i32>} : memref<80xi32, #tpu.memory_space<vmem>>, vector<16xi32>,
        %parallel_loop3A_375 = arith.index_cast %parallel_loop3A_372 : i32 to index
        %parallel_loop3A_376 = tpu.vector_load %arg11[%parallel_loop3A_375] {strides = array<i32>} : memref<80xi32, #tpu.memory_space<vmem>>, vector<16xi32>,
        %parallel_loop3A_377 = tpu.vector_load_idx %arg23[%parallel_loop3A_374, %mul3A_12] : memref<10000x2xf32, #tpu.memory_space<vmem>>[vector<16xi32>, vector<16xi32>], vector<16xf32>,
        %parallel_loop3A_378 = tpu.vector_load_idx %arg23[%parallel_loop3A_376, %add3A_15] : memref<10000x2xf32, #tpu.memory_space<vmem>>[vector<16xi32>, vector<16xi32>], vector<16xf32>,
        %parallel_loop3A_379 = arith.addf %parallel_loop3A_377, %parallel_loop3A_378 : vector<16xf32>
        %parallel_loop3A_380 = arith.constant 2.000000e-01 : f32
        %parallel_loop3A_381 = vector.broadcast %parallel_loop3A_380 : f32 to vector<16xf32>
        %parallel_loop3A_382 = arith.mulf %parallel_loop3A_381, %parallel_loop3A_379 : vector<16xf32>
        %parallel_loop3A_383 = arith.maximumf %parallel_loop3A_379, %parallel_loop3A_382 : vector<16xf32>
        %parallel_loop3A_384 = arith.mulf %parallel_loop3A_383, %get3A_9 : vector<16xf32>
        %parallel_loop3A_385 = math.exp %parallel_loop3A_384 : vector<16xf32>
        %parallel_loop3A_386 = vector.broadcast %parallel_loop3A_372 : i32 to vector<16xi32>
        %parallel_loop3A_387 = arith.addi %parallel_loop3A_386, %iota3A : vector<16xi32>
        %parallel_loop3A_388 = arith.mulf %parallel_loop3A_385, %parallel_loop3A_377 : vector<16xf32>
        tpu.vector_store_idx %arg19[%parallel_loop3A_387, %mul3A_12], %parallel_loop3A_388 : memref<80x16xf32, #tpu.memory_space<vmem>>[vector<16xi32>, vector<16xi32>], vector<16xf32>,
        tpu.vector_store_idx %arg19[%parallel_loop3A_387, %add3A_15], %parallel_loop3A_385 : memref<80x16xf32, #tpu.memory_space<vmem>>[vector<16xi32>, vector<16xi32>], vector<16xf32>,
      } {sc.loop_unroll_factor = 5 : i64, sc.parallel_access}
      %dma_start3A_191 = arith.constant 0 : i32
      %dma_start3A_192 = arith.constant 0 : i32
      %dma_start3A_193 = tpu.memref_slice %arg25[%dma_start3A_191, %dma_start3A_192] : memref<10000x16xf32, #tpu.memory_space<vmem_shared>> -> memref<10000x16xf32, #tpu.memory_space<vmem_shared>>
      tpu.enqueue_indirect_dma source(%arg19 : memref<80x16xf32, #tpu.memory_space<vmem>>) target(%dma_start3A_193 : memref<10000x16xf32, #tpu.memory_space<vmem_shared>>) offsets(%arg15 : memref<80xi32, #tpu.memory_space<vmem>>) semaphore(%arg30 : memref<!tpu.dma_semaphore, #tpu.memory_space<semaphore_mem>>) {add = true}
      %add3A_194 = arith.constant 4 : i32
      %add3A_195 = arith.addi %add3A_149, %add3A_194 : i32
      %mul3A_196 = arith.constant 80 : i32
      %mul3A_197 = arith.muli %add3A_195, %mul3A_196 : i32
      %add3A_198 = arith.addi %mul3A_2, %mul3A_197 : i32
      %dma_start3A_199 = arith.constant 0 : i32
      %dma_start3A_200 = tpu.memref_slice %arg3[%dma_start3A_199, %add3A_198] : memref<2x320000xi32, #tpu.memory_space<hbm>> -> memref<1x80xi32, #tpu.memory_space<hbm>>
      %dma_start3A_201 = tpu.memref_squeeze %dma_start3A_200 : memref<1x80xi32, #tpu.memory_space<hbm>> -> memref<80xi32, #tpu.memory_space<hbm>>
      %dma_start3A_202 = tpu.memref_slice %arg3[%dma_start3A_199, %add3A_198] : memref<2x320000xi32, #tpu.memory_space<hbm>> -> memref<1x80xi32, #tpu.memory_space<hbm>>
      %dma_start3A_203 = tpu.memref_squeeze %dma_start3A_202 : memref<1x80xi32, #tpu.memory_space<hbm>> -> memref<80xi32, #tpu.memory_space<hbm>>
      tpu.enqueue_dma source(%dma_start3A_203 : memref<80xi32, #tpu.memory_space<hbm>>) target(%arg7 : memref<80xi32, #tpu.memory_space<vmem>>) target_semaphore(%arg26 : memref<!tpu.dma_semaphore, #tpu.memory_space<semaphore_mem>>)
      %dma_start3A_204 = arith.constant 1 : i32
      %dma_start3A_205 = tpu.memref_slice %arg3[%dma_start3A_204, %add3A_198] : memref<2x320000xi32, #tpu.memory_space<hbm>> -> memref<1x80xi32, #tpu.memory_space<hbm>>
      %dma_start3A_206 = tpu.memref_squeeze %dma_start3A_205 : memref<1x80xi32, #tpu.memory_space<hbm>> -> memref<80xi32, #tpu.memory_space<hbm>>
      %dma_start3A_207 = tpu.memref_slice %arg3[%dma_start3A_204, %add3A_198] : memref<2x320000xi32, #tpu.memory_space<hbm>> -> memref<1x80xi32, #tpu.memory_space<hbm>>
      %dma_start3A_208 = tpu.memref_squeeze %dma_start3A_207 : memref<1x80xi32, #tpu.memory_space<hbm>> -> memref<80xi32, #tpu.memory_space<hbm>>
      tpu.enqueue_dma source(%dma_start3A_208 : memref<80xi32, #tpu.memory_space<hbm>>) target(%arg11 : memref<80xi32, #tpu.memory_space<vmem>>) target_semaphore(%arg26 : memref<!tpu.dma_semaphore, #tpu.memory_space<semaphore_mem>>)
      %mul3A_209 = arith.constant 4 : i32
      %mul3A_210 = arith.muli %mul3A_209, %scan3A_145 : i32
      %add3A_211 = arith.constant 1 : i32
      %add3A_212 = arith.addi %mul3A_210, %add3A_211 : i32
      %dma_wait3A_213 = arith.constant 0 : i32
      %dma_wait3A_214 = arith.constant 0 : i32
      %dma_wait3A_215 = tpu.memref_slice %arg3[%dma_wait3A_213, %dma_wait3A_214] : memref<2x320000xi32, #tpu.memory_space<hbm>> -> memref<1x80xi32, #tpu.memory_space<hbm>>
      %dma_wait3A_216 = tpu.memref_squeeze %dma_wait3A_215 : memref<1x80xi32, #tpu.memory_space<hbm>> -> memref<80xi32, #tpu.memory_space<hbm>>
      %dma_wait3A_217 = arith.constant 0 : i32
      %dma_wait3A_218 = tpu.memref_slice %arg3[%dma_wait3A_213, %dma_wait3A_217] : memref<2x320000xi32, #tpu.memory_space<hbm>> -> memref<1x80xi32, #tpu.memory_space<hbm>>
      %dma_wait3A_219 = tpu.memref_squeeze %dma_wait3A_218 : memref<1x80xi32, #tpu.memory_space<hbm>> -> memref<80xi32, #tpu.memory_space<hbm>>
      tpu.wait_dma2 semaphore(%arg27 : memref<!tpu.dma_semaphore, #tpu.memory_space<semaphore_mem>>) src(%dma_wait3A_219 : memref<80xi32, #tpu.memory_space<hbm>>) dst(%arg8 : memref<80xi32, #tpu.memory_space<vmem>>)
      %dma_wait3A_220 = arith.constant 1 : i32
      %dma_wait3A_221 = arith.constant 0 : i32
      %dma_wait3A_222 = tpu.memref_slice %arg3[%dma_wait3A_220, %dma_wait3A_221] : memref<2x320000xi32, #tpu.memory_space<hbm>> -> memref<1x80xi32, #tpu.memory_space<hbm>>
      %dma_wait3A_223 = tpu.memref_squeeze %dma_wait3A_222 : memref<1x80xi32, #tpu.memory_space<hbm>> -> memref<80xi32, #tpu.memory_space<hbm>>
      %dma_wait3A_224 = arith.constant 0 : i32
      %dma_wait3A_225 = tpu.memref_slice %arg3[%dma_wait3A_220, %dma_wait3A_224] : memref<2x320000xi32, #tpu.memory_space<hbm>> -> memref<1x80xi32, #tpu.memory_space<hbm>>
      %dma_wait3A_226 = tpu.memref_squeeze %dma_wait3A_225 : memref<1x80xi32, #tpu.memory_space<hbm>> -> memref<80xi32, #tpu.memory_space<hbm>>
      tpu.wait_dma2 semaphore(%arg27 : memref<!tpu.dma_semaphore, #tpu.memory_space<semaphore_mem>>) src(%dma_wait3A_226 : memref<80xi32, #tpu.memory_space<hbm>>) dst(%arg12 : memref<80xi32, #tpu.memory_space<vmem>>)
      %gt3A_227 = arith.constant 0 : i32
      %gt3A_228 = arith.cmpi sgt, %scan3A_145, %gt3A_227 : i32
      %convert_element_type3A_229 = arith.extui %gt3A_228 : i1 to i32
      %cond3A_230 = arith.constant 0 : i32
      %cond3A_231 = arith.cmpi ne, %convert_element_type3A_229, %cond3A_230 : i32
      scf.if %cond3A_231 {
        %dma_wait3A_370 = arith.constant 0 : i32
        %dma_wait3A_371 = arith.constant 0 : i32
        %dma_wait3A_372 = tpu.memref_slice %arg25[%dma_wait3A_370, %dma_wait3A_371] : memref<10000x16xf32, #tpu.memory_space<vmem_shared>> -> memref<80x16xf32, #tpu.memory_space<vmem_shared>>
        %dma_wait3A_373 = arith.constant 0 : i32
        %dma_wait3A_374 = arith.constant 0 : i32
        %dma_wait3A_375 = tpu.memref_slice %arg25[%dma_wait3A_373, %dma_wait3A_374] : memref<10000x16xf32, #tpu.memory_space<vmem_shared>> -> memref<80x16xf32, #tpu.memory_space<vmem_shared>>
        tpu.wait_dma2 semaphore(%arg31 : memref<!tpu.dma_semaphore, #tpu.memory_space<semaphore_mem>>) src(%arg20 : memref<80x16xf32, #tpu.memory_space<vmem>>) dst(%dma_wait3A_375 : memref<80x16xf32, #tpu.memory_space<vmem_shared>>)
      } else {
      }
      %get3A_232 = arith.constant 0 : index
      %get3A_233 = tpu.vector_load %arg12[%get3A_232] {strides = array<i32>} : memref<80xi32, #tpu.memory_space<vmem>>, vector<16xi32>,
      %swap3A_234 = arith.constant 0 : index
      %swap3A_235 = tpu.vector_load %arg16[%swap3A_234] {strides = array<i32>} : memref<80xi32, #tpu.memory_space<vmem>>, vector<16xi32>,
      tpu.vector_store %arg16[%swap3A_234], %get3A_233 {strides = array<i32>} : memref<80xi32, #tpu.memory_space<vmem>>, vector<16xi32>,
      %get3A_236 = arith.constant 16 : index
      %get3A_237 = tpu.vector_load %arg12[%get3A_236] {strides = array<i32>} : memref<80xi32, #tpu.memory_space<vmem>>, vector<16xi32>,
      %swap3A_238 = arith.constant 16 : index
      %swap3A_239 = tpu.vector_load %arg16[%swap3A_238] {strides = array<i32>} : memref<80xi32, #tpu.memory_space<vmem>>, vector<16xi32>,
      tpu.vector_store %arg16[%swap3A_238], %get3A_237 {strides = array<i32>} : memref<80xi32, #tpu.memory_space<vmem>>, vector<16xi32>,
      %get3A_240 = arith.constant 32 : index
      %get3A_241 = tpu.vector_load %arg12[%get3A_240] {strides = array<i32>} : memref<80xi32, #tpu.memory_space<vmem>>, vector<16xi32>,
      %swap3A_242 = arith.constant 32 : index
      %swap3A_243 = tpu.vector_load %arg16[%swap3A_242] {strides = array<i32>} : memref<80xi32, #tpu.memory_space<vmem>>, vector<16xi32>,
      tpu.vector_store %arg16[%swap3A_242], %get3A_241 {strides = array<i32>} : memref<80xi32, #tpu.memory_space<vmem>>, vector<16xi32>,
      %get3A_244 = arith.constant 48 : index
      %get3A_245 = tpu.vector_load %arg12[%get3A_244] {strides = array<i32>} : memref<80xi32, #tpu.memory_space<vmem>>, vector<16xi32>,
      %swap3A_246 = arith.constant 48 : index
      %swap3A_247 = tpu.vector_load %arg16[%swap3A_246] {strides = array<i32>} : memref<80xi32, #tpu.memory_space<vmem>>, vector<16xi32>,
      tpu.vector_store %arg16[%swap3A_246], %get3A_245 {strides = array<i32>} : memref<80xi32, #tpu.memory_space<vmem>>, vector<16xi32>,
      %get3A_248 = arith.constant 64 : index
      %get3A_249 = tpu.vector_load %arg12[%get3A_248] {strides = array<i32>} : memref<80xi32, #tpu.memory_space<vmem>>, vector<16xi32>,
      %swap3A_250 = arith.constant 64 : index
      %swap3A_251 = tpu.vector_load %arg16[%swap3A_250] {strides = array<i32>} : memref<80xi32, #tpu.memory_space<vmem>>, vector<16xi32>,
      tpu.vector_store %arg16[%swap3A_250], %get3A_249 {strides = array<i32>} : memref<80xi32, #tpu.memory_space<vmem>>, vector<16xi32>,
      %parallel_loop3A_252 = arith.constant 0 : i32
      %parallel_loop3A_253 = arith.constant 5 : i32
      %parallel_loop3A_254 = arith.constant 1 : i32
      scf.for %parallel_loop3A_370 = %parallel_loop3A_252 to %parallel_loop3A_253 step %parallel_loop3A_254  : i32 {
        %parallel_loop3A_371 = arith.constant 16 : i32
        %parallel_loop3A_372 = arith.muli %parallel_loop3A_370, %parallel_loop3A_371 : i32
        %parallel_loop3A_373 = arith.index_cast %parallel_loop3A_372 : i32 to index
        %parallel_loop3A_374 = tpu.vector_load %arg8[%parallel_loop3A_373] {strides = array<i32>} : memref<80xi32, #tpu.memory_space<vmem>>, vector<16xi32>,
        %parallel_loop3A_375 = arith.index_cast %parallel_loop3A_372 : i32 to index
        %parallel_loop3A_376 = tpu.vector_load %arg12[%parallel_loop3A_375] {strides = array<i32>} : memref<80xi32, #tpu.memory_space<vmem>>, vector<16xi32>,
        %parallel_loop3A_377 = tpu.vector_load_idx %arg23[%parallel_loop3A_374, %mul3A_12] : memref<10000x2xf32, #tpu.memory_space<vmem>>[vector<16xi32>, vector<16xi32>], vector<16xf32>,
        %parallel_loop3A_378 = tpu.vector_load_idx %arg23[%parallel_loop3A_376, %add3A_15] : memref<10000x2xf32, #tpu.memory_space<vmem>>[vector<16xi32>, vector<16xi32>], vector<16xf32>,
        %parallel_loop3A_379 = arith.addf %parallel_loop3A_377, %parallel_loop3A_378 : vector<16xf32>
        %parallel_loop3A_380 = arith.constant 2.000000e-01 : f32
        %parallel_loop3A_381 = vector.broadcast %parallel_loop3A_380 : f32 to vector<16xf32>
        %parallel_loop3A_382 = arith.mulf %parallel_loop3A_381, %parallel_loop3A_379 : vector<16xf32>
        %parallel_loop3A_383 = arith.maximumf %parallel_loop3A_379, %parallel_loop3A_382 : vector<16xf32>
        %parallel_loop3A_384 = arith.mulf %parallel_loop3A_383, %get3A_9 : vector<16xf32>
        %parallel_loop3A_385 = math.exp %parallel_loop3A_384 : vector<16xf32>
        %parallel_loop3A_386 = vector.broadcast %parallel_loop3A_372 : i32 to vector<16xi32>
        %parallel_loop3A_387 = arith.addi %parallel_loop3A_386, %iota3A : vector<16xi32>
        %parallel_loop3A_388 = arith.mulf %parallel_loop3A_385, %parallel_loop3A_377 : vector<16xf32>
        tpu.vector_store_idx %arg20[%parallel_loop3A_387, %mul3A_12], %parallel_loop3A_388 : memref<80x16xf32, #tpu.memory_space<vmem>>[vector<16xi32>, vector<16xi32>], vector<16xf32>,
        tpu.vector_store_idx %arg20[%parallel_loop3A_387, %add3A_15], %parallel_loop3A_385 : memref<80x16xf32, #tpu.memory_space<vmem>>[vector<16xi32>, vector<16xi32>], vector<16xf32>,
      } {sc.loop_unroll_factor = 5 : i64, sc.parallel_access}
      %dma_start3A_255 = arith.constant 0 : i32
      %dma_start3A_256 = arith.constant 0 : i32
      %dma_start3A_257 = tpu.memref_slice %arg25[%dma_start3A_255, %dma_start3A_256] : memref<10000x16xf32, #tpu.memory_space<vmem_shared>> -> memref<10000x16xf32, #tpu.memory_space<vmem_shared>>
      tpu.enqueue_indirect_dma source(%arg20 : memref<80x16xf32, #tpu.memory_space<vmem>>) target(%dma_start3A_257 : memref<10000x16xf32, #tpu.memory_space<vmem_shared>>) offsets(%arg16 : memref<80xi32, #tpu.memory_space<vmem>>) semaphore(%arg31 : memref<!tpu.dma_semaphore, #tpu.memory_space<semaphore_mem>>) {add = true}
      %lt3A = arith.constant 30 : i32
      %lt3A_258 = arith.cmpi slt, %scan3A_145, %lt3A : i32
      %convert_element_type3A_259 = arith.extui %lt3A_258 : i1 to i32
      %cond3A_260 = arith.constant 0 : i32
      %cond3A_261 = arith.cmpi ne, %convert_element_type3A_259, %cond3A_260 : i32
      scf.if %cond3A_261 {
        %add3A_370 = arith.constant 4 : i32
        %add3A_371 = arith.addi %add3A_212, %add3A_370 : i32
        %mul3A_372 = arith.constant 80 : i32
        %mul3A_373 = arith.muli %add3A_371, %mul3A_372 : i32
        %add3A_374 = arith.addi %mul3A_2, %mul3A_373 : i32
        %dma_start3A_375 = arith.constant 0 : i32
        %dma_start3A_376 = tpu.memref_slice %arg3[%dma_start3A_375, %add3A_374] : memref<2x320000xi32, #tpu.memory_space<hbm>> -> memref<1x80xi32, #tpu.memory_space<hbm>>
        %dma_start3A_377 = tpu.memref_squeeze %dma_start3A_376 : memref<1x80xi32, #tpu.memory_space<hbm>> -> memref<80xi32, #tpu.memory_space<hbm>>
        %dma_start3A_378 = tpu.memref_slice %arg3[%dma_start3A_375, %add3A_374] : memref<2x320000xi32, #tpu.memory_space<hbm>> -> memref<1x80xi32, #tpu.memory_space<hbm>>
        %dma_start3A_379 = tpu.memref_squeeze %dma_start3A_378 : memref<1x80xi32, #tpu.memory_space<hbm>> -> memref<80xi32, #tpu.memory_space<hbm>>
        tpu.enqueue_dma source(%dma_start3A_379 : memref<80xi32, #tpu.memory_space<hbm>>) target(%arg8 : memref<80xi32, #tpu.memory_space<vmem>>) target_semaphore(%arg27 : memref<!tpu.dma_semaphore, #tpu.memory_space<semaphore_mem>>)
        %dma_start3A_380 = arith.constant 1 : i32
        %dma_start3A_381 = tpu.memref_slice %arg3[%dma_start3A_380, %add3A_374] : memref<2x320000xi32, #tpu.memory_space<hbm>> -> memref<1x80xi32, #tpu.memory_space<hbm>>
        %dma_start3A_382 = tpu.memref_squeeze %dma_start3A_381 : memref<1x80xi32, #tpu.memory_space<hbm>> -> memref<80xi32, #tpu.memory_space<hbm>>
        %dma_start3A_383 = tpu.memref_slice %arg3[%dma_start3A_380, %add3A_374] : memref<2x320000xi32, #tpu.memory_space<hbm>> -> memref<1x80xi32, #tpu.memory_space<hbm>>
        %dma_start3A_384 = tpu.memref_squeeze %dma_start3A_383 : memref<1x80xi32, #tpu.memory_space<hbm>> -> memref<80xi32, #tpu.memory_space<hbm>>
        tpu.enqueue_dma source(%dma_start3A_384 : memref<80xi32, #tpu.memory_space<hbm>>) target(%arg12 : memref<80xi32, #tpu.memory_space<vmem>>) target_semaphore(%arg27 : memref<!tpu.dma_semaphore, #tpu.memory_space<semaphore_mem>>)
      } else {
      }
      %mul3A_262 = arith.constant 4 : i32
      %mul3A_263 = arith.muli %mul3A_262, %scan3A_145 : i32
      %add3A_264 = arith.constant 2 : i32
      %add3A_265 = arith.addi %mul3A_263, %add3A_264 : i32
      %dma_wait3A_266 = arith.constant 0 : i32
      %dma_wait3A_267 = arith.constant 0 : i32
      %dma_wait3A_268 = tpu.memref_slice %arg3[%dma_wait3A_266, %dma_wait3A_267] : memref<2x320000xi32, #tpu.memory_space<hbm>> -> memref<1x80xi32, #tpu.memory_space<hbm>>
      %dma_wait3A_269 = tpu.memref_squeeze %dma_wait3A_268 : memref<1x80xi32, #tpu.memory_space<hbm>> -> memref<80xi32, #tpu.memory_space<hbm>>
      %dma_wait3A_270 = arith.constant 0 : i32
      %dma_wait3A_271 = tpu.memref_slice %arg3[%dma_wait3A_266, %dma_wait3A_270] : memref<2x320000xi32, #tpu.memory_space<hbm>> -> memref<1x80xi32, #tpu.memory_space<hbm>>
      %dma_wait3A_272 = tpu.memref_squeeze %dma_wait3A_271 : memref<1x80xi32, #tpu.memory_space<hbm>> -> memref<80xi32, #tpu.memory_space<hbm>>
      tpu.wait_dma2 semaphore(%arg28 : memref<!tpu.dma_semaphore, #tpu.memory_space<semaphore_mem>>) src(%dma_wait3A_272 : memref<80xi32, #tpu.memory_space<hbm>>) dst(%arg9 : memref<80xi32, #tpu.memory_space<vmem>>)
      %dma_wait3A_273 = arith.constant 1 : i32
      %dma_wait3A_274 = arith.constant 0 : i32
      %dma_wait3A_275 = tpu.memref_slice %arg3[%dma_wait3A_273, %dma_wait3A_274] : memref<2x320000xi32, #tpu.memory_space<hbm>> -> memref<1x80xi32, #tpu.memory_space<hbm>>
      %dma_wait3A_276 = tpu.memref_squeeze %dma_wait3A_275 : memref<1x80xi32, #tpu.memory_space<hbm>> -> memref<80xi32, #tpu.memory_space<hbm>>
      %dma_wait3A_277 = arith.constant 0 : i32
      %dma_wait3A_278 = tpu.memref_slice %arg3[%dma_wait3A_273, %dma_wait3A_277] : memref<2x320000xi32, #tpu.memory_space<hbm>> -> memref<1x80xi32, #tpu.memory_space<hbm>>
      %dma_wait3A_279 = tpu.memref_squeeze %dma_wait3A_278 : memref<1x80xi32, #tpu.memory_space<hbm>> -> memref<80xi32, #tpu.memory_space<hbm>>
      tpu.wait_dma2 semaphore(%arg28 : memref<!tpu.dma_semaphore, #tpu.memory_space<semaphore_mem>>) src(%dma_wait3A_279 : memref<80xi32, #tpu.memory_space<hbm>>) dst(%arg13 : memref<80xi32, #tpu.memory_space<vmem>>)
      %gt3A_280 = arith.constant 0 : i32
      %gt3A_281 = arith.cmpi sgt, %scan3A_145, %gt3A_280 : i32
      %convert_element_type3A_282 = arith.extui %gt3A_281 : i1 to i32
      %cond3A_283 = arith.constant 0 : i32
      %cond3A_284 = arith.cmpi ne, %convert_element_type3A_282, %cond3A_283 : i32
      scf.if %cond3A_284 {
        %dma_wait3A_370 = arith.constant 0 : i32
        %dma_wait3A_371 = arith.constant 0 : i32
        %dma_wait3A_372 = tpu.memref_slice %arg25[%dma_wait3A_370, %dma_wait3A_371] : memref<10000x16xf32, #tpu.memory_space<vmem_shared>> -> memref<80x16xf32, #tpu.memory_space<vmem_shared>>
        %dma_wait3A_373 = arith.constant 0 : i32
        %dma_wait3A_374 = arith.constant 0 : i32
        %dma_wait3A_375 = tpu.memref_slice %arg25[%dma_wait3A_373, %dma_wait3A_374] : memref<10000x16xf32, #tpu.memory_space<vmem_shared>> -> memref<80x16xf32, #tpu.memory_space<vmem_shared>>
        tpu.wait_dma2 semaphore(%arg32 : memref<!tpu.dma_semaphore, #tpu.memory_space<semaphore_mem>>) src(%arg21 : memref<80x16xf32, #tpu.memory_space<vmem>>) dst(%dma_wait3A_375 : memref<80x16xf32, #tpu.memory_space<vmem_shared>>)
      } else {
      }
      %get3A_285 = arith.constant 0 : index
      %get3A_286 = tpu.vector_load %arg13[%get3A_285] {strides = array<i32>} : memref<80xi32, #tpu.memory_space<vmem>>, vector<16xi32>,
      %swap3A_287 = arith.constant 0 : index
      %swap3A_288 = tpu.vector_load %arg17[%swap3A_287] {strides = array<i32>} : memref<80xi32, #tpu.memory_space<vmem>>, vector<16xi32>,
      tpu.vector_store %arg17[%swap3A_287], %get3A_286 {strides = array<i32>} : memref<80xi32, #tpu.memory_space<vmem>>, vector<16xi32>,
      %get3A_289 = arith.constant 16 : index
      %get3A_290 = tpu.vector_load %arg13[%get3A_289] {strides = array<i32>} : memref<80xi32, #tpu.memory_space<vmem>>, vector<16xi32>,
      %swap3A_291 = arith.constant 16 : index
      %swap3A_292 = tpu.vector_load %arg17[%swap3A_291] {strides = array<i32>} : memref<80xi32, #tpu.memory_space<vmem>>, vector<16xi32>,
      tpu.vector_store %arg17[%swap3A_291], %get3A_290 {strides = array<i32>} : memref<80xi32, #tpu.memory_space<vmem>>, vector<16xi32>,
      %get3A_293 = arith.constant 32 : index
      %get3A_294 = tpu.vector_load %arg13[%get3A_293] {strides = array<i32>} : memref<80xi32, #tpu.memory_space<vmem>>, vector<16xi32>,
      %swap3A_295 = arith.constant 32 : index
      %swap3A_296 = tpu.vector_load %arg17[%swap3A_295] {strides = array<i32>} : memref<80xi32, #tpu.memory_space<vmem>>, vector<16xi32>,
      tpu.vector_store %arg17[%swap3A_295], %get3A_294 {strides = array<i32>} : memref<80xi32, #tpu.memory_space<vmem>>, vector<16xi32>,
      %get3A_297 = arith.constant 48 : index
      %get3A_298 = tpu.vector_load %arg13[%get3A_297] {strides = array<i32>} : memref<80xi32, #tpu.memory_space<vmem>>, vector<16xi32>,
      %swap3A_299 = arith.constant 48 : index
      %swap3A_300 = tpu.vector_load %arg17[%swap3A_299] {strides = array<i32>} : memref<80xi32, #tpu.memory_space<vmem>>, vector<16xi32>,
      tpu.vector_store %arg17[%swap3A_299], %get3A_298 {strides = array<i32>} : memref<80xi32, #tpu.memory_space<vmem>>, vector<16xi32>,
      %get3A_301 = arith.constant 64 : index
      %get3A_302 = tpu.vector_load %arg13[%get3A_301] {strides = array<i32>} : memref<80xi32, #tpu.memory_space<vmem>>, vector<16xi32>,
      %swap3A_303 = arith.constant 64 : index
      %swap3A_304 = tpu.vector_load %arg17[%swap3A_303] {strides = array<i32>} : memref<80xi32, #tpu.memory_space<vmem>>, vector<16xi32>,
      tpu.vector_store %arg17[%swap3A_303], %get3A_302 {strides = array<i32>} : memref<80xi32, #tpu.memory_space<vmem>>, vector<16xi32>,
      %parallel_loop3A_305 = arith.constant 0 : i32
      %parallel_loop3A_306 = arith.constant 5 : i32
      %parallel_loop3A_307 = arith.constant 1 : i32
      scf.for %parallel_loop3A_370 = %parallel_loop3A_305 to %parallel_loop3A_306 step %parallel_loop3A_307  : i32 {
        %parallel_loop3A_371 = arith.constant 16 : i32
        %parallel_loop3A_372 = arith.muli %parallel_loop3A_370, %parallel_loop3A_371 : i32
        %parallel_loop3A_373 = arith.index_cast %parallel_loop3A_372 : i32 to index
        %parallel_loop3A_374 = tpu.vector_load %arg9[%parallel_loop3A_373] {strides = array<i32>} : memref<80xi32, #tpu.memory_space<vmem>>, vector<16xi32>,
        %parallel_loop3A_375 = arith.index_cast %parallel_loop3A_372 : i32 to index
        %parallel_loop3A_376 = tpu.vector_load %arg13[%parallel_loop3A_375] {strides = array<i32>} : memref<80xi32, #tpu.memory_space<vmem>>, vector<16xi32>,
        %parallel_loop3A_377 = tpu.vector_load_idx %arg23[%parallel_loop3A_374, %mul3A_12] : memref<10000x2xf32, #tpu.memory_space<vmem>>[vector<16xi32>, vector<16xi32>], vector<16xf32>,
        %parallel_loop3A_378 = tpu.vector_load_idx %arg23[%parallel_loop3A_376, %add3A_15] : memref<10000x2xf32, #tpu.memory_space<vmem>>[vector<16xi32>, vector<16xi32>], vector<16xf32>,
        %parallel_loop3A_379 = arith.addf %parallel_loop3A_377, %parallel_loop3A_378 : vector<16xf32>
        %parallel_loop3A_380 = arith.constant 2.000000e-01 : f32
        %parallel_loop3A_381 = vector.broadcast %parallel_loop3A_380 : f32 to vector<16xf32>
        %parallel_loop3A_382 = arith.mulf %parallel_loop3A_381, %parallel_loop3A_379 : vector<16xf32>
        %parallel_loop3A_383 = arith.maximumf %parallel_loop3A_379, %parallel_loop3A_382 : vector<16xf32>
        %parallel_loop3A_384 = arith.mulf %parallel_loop3A_383, %get3A_9 : vector<16xf32>
        %parallel_loop3A_385 = math.exp %parallel_loop3A_384 : vector<16xf32>
        %parallel_loop3A_386 = vector.broadcast %parallel_loop3A_372 : i32 to vector<16xi32>
        %parallel_loop3A_387 = arith.addi %parallel_loop3A_386, %iota3A : vector<16xi32>
        %parallel_loop3A_388 = arith.mulf %parallel_loop3A_385, %parallel_loop3A_377 : vector<16xf32>
        tpu.vector_store_idx %arg21[%parallel_loop3A_387, %mul3A_12], %parallel_loop3A_388 : memref<80x16xf32, #tpu.memory_space<vmem>>[vector<16xi32>, vector<16xi32>], vector<16xf32>,
        tpu.vector_store_idx %arg21[%parallel_loop3A_387, %add3A_15], %parallel_loop3A_385 : memref<80x16xf32, #tpu.memory_space<vmem>>[vector<16xi32>, vector<16xi32>], vector<16xf32>,
      } {sc.loop_unroll_factor = 5 : i64, sc.parallel_access}
      %dma_start3A_308 = arith.constant 0 : i32
      %dma_start3A_309 = arith.constant 0 : i32
      %dma_start3A_310 = tpu.memref_slice %arg25[%dma_start3A_308, %dma_start3A_309] : memref<10000x16xf32, #tpu.memory_space<vmem_shared>> -> memref<10000x16xf32, #tpu.memory_space<vmem_shared>>
      tpu.enqueue_indirect_dma source(%arg21 : memref<80x16xf32, #tpu.memory_space<vmem>>) target(%dma_start3A_310 : memref<10000x16xf32, #tpu.memory_space<vmem_shared>>) offsets(%arg17 : memref<80xi32, #tpu.memory_space<vmem>>) semaphore(%arg32 : memref<!tpu.dma_semaphore, #tpu.memory_space<semaphore_mem>>) {add = true}
      %lt3A_311 = arith.constant 30 : i32
      %lt3A_312 = arith.cmpi slt, %scan3A_145, %lt3A_311 : i32
      %convert_element_type3A_313 = arith.extui %lt3A_312 : i1 to i32
      %cond3A_314 = arith.constant 0 : i32
      %cond3A_315 = arith.cmpi ne, %convert_element_type3A_313, %cond3A_314 : i32
      scf.if %cond3A_315 {
        %add3A_370 = arith.constant 4 : i32
        %add3A_371 = arith.addi %add3A_265, %add3A_370 : i32
        %mul3A_372 = arith.constant 80 : i32
        %mul3A_373 = arith.muli %add3A_371, %mul3A_372 : i32
        %add3A_374 = arith.addi %mul3A_2, %mul3A_373 : i32
        %dma_start3A_375 = arith.constant 0 : i32
        %dma_start3A_376 = tpu.memref_slice %arg3[%dma_start3A_375, %add3A_374] : memref<2x320000xi32, #tpu.memory_space<hbm>> -> memref<1x80xi32, #tpu.memory_space<hbm>>
        %dma_start3A_377 = tpu.memref_squeeze %dma_start3A_376 : memref<1x80xi32, #tpu.memory_space<hbm>> -> memref<80xi32, #tpu.memory_space<hbm>>
        %dma_start3A_378 = tpu.memref_slice %arg3[%dma_start3A_375, %add3A_374] : memref<2x320000xi32, #tpu.memory_space<hbm>> -> memref<1x80xi32, #tpu.memory_space<hbm>>
        %dma_start3A_379 = tpu.memref_squeeze %dma_start3A_378 : memref<1x80xi32, #tpu.memory_space<hbm>> -> memref<80xi32, #tpu.memory_space<hbm>>
        tpu.enqueue_dma source(%dma_start3A_379 : memref<80xi32, #tpu.memory_space<hbm>>) target(%arg9 : memref<80xi32, #tpu.memory_space<vmem>>) target_semaphore(%arg28 : memref<!tpu.dma_semaphore, #tpu.memory_space<semaphore_mem>>)
        %dma_start3A_380 = arith.constant 1 : i32
        %dma_start3A_381 = tpu.memref_slice %arg3[%dma_start3A_380, %add3A_374] : memref<2x320000xi32, #tpu.memory_space<hbm>> -> memref<1x80xi32, #tpu.memory_space<hbm>>
        %dma_start3A_382 = tpu.memref_squeeze %dma_start3A_381 : memref<1x80xi32, #tpu.memory_space<hbm>> -> memref<80xi32, #tpu.memory_space<hbm>>
        %dma_start3A_383 = tpu.memref_slice %arg3[%dma_start3A_380, %add3A_374] : memref<2x320000xi32, #tpu.memory_space<hbm>> -> memref<1x80xi32, #tpu.memory_space<hbm>>
        %dma_start3A_384 = tpu.memref_squeeze %dma_start3A_383 : memref<1x80xi32, #tpu.memory_space<hbm>> -> memref<80xi32, #tpu.memory_space<hbm>>
        tpu.enqueue_dma source(%dma_start3A_384 : memref<80xi32, #tpu.memory_space<hbm>>) target(%arg13 : memref<80xi32, #tpu.memory_space<vmem>>) target_semaphore(%arg28 : memref<!tpu.dma_semaphore, #tpu.memory_space<semaphore_mem>>)
      } else {
      }
      %mul3A_316 = arith.constant 4 : i32
      %mul3A_317 = arith.muli %mul3A_316, %scan3A_145 : i32
      %add3A_318 = arith.constant 3 : i32
      %add3A_319 = arith.addi %mul3A_317, %add3A_318 : i32
      %dma_wait3A_320 = arith.constant 0 : i32
      %dma_wait3A_321 = arith.constant 0 : i32
      %dma_wait3A_322 = tpu.memref_slice %arg3[%dma_wait3A_320, %dma_wait3A_321] : memref<2x320000xi32, #tpu.memory_space<hbm>> -> memref<1x80xi32, #tpu.memory_space<hbm>>
      %dma_wait3A_323 = tpu.memref_squeeze %dma_wait3A_322 : memref<1x80xi32, #tpu.memory_space<hbm>> -> memref<80xi32, #tpu.memory_space<hbm>>
      %dma_wait3A_324 = arith.constant 0 : i32
      %dma_wait3A_325 = tpu.memref_slice %arg3[%dma_wait3A_320, %dma_wait3A_324] : memref<2x320000xi32, #tpu.memory_space<hbm>> -> memref<1x80xi32, #tpu.memory_space<hbm>>
      %dma_wait3A_326 = tpu.memref_squeeze %dma_wait3A_325 : memref<1x80xi32, #tpu.memory_space<hbm>> -> memref<80xi32, #tpu.memory_space<hbm>>
      tpu.wait_dma2 semaphore(%arg29 : memref<!tpu.dma_semaphore, #tpu.memory_space<semaphore_mem>>) src(%dma_wait3A_326 : memref<80xi32, #tpu.memory_space<hbm>>) dst(%arg10 : memref<80xi32, #tpu.memory_space<vmem>>)
      %dma_wait3A_327 = arith.constant 1 : i32
      %dma_wait3A_328 = arith.constant 0 : i32
      %dma_wait3A_329 = tpu.memref_slice %arg3[%dma_wait3A_327, %dma_wait3A_328] : memref<2x320000xi32, #tpu.memory_space<hbm>> -> memref<1x80xi32, #tpu.memory_space<hbm>>
      %dma_wait3A_330 = tpu.memref_squeeze %dma_wait3A_329 : memref<1x80xi32, #tpu.memory_space<hbm>> -> memref<80xi32, #tpu.memory_space<hbm>>
      %dma_wait3A_331 = arith.constant 0 : i32
      %dma_wait3A_332 = tpu.memref_slice %arg3[%dma_wait3A_327, %dma_wait3A_331] : memref<2x320000xi32, #tpu.memory_space<hbm>> -> memref<1x80xi32, #tpu.memory_space<hbm>>
      %dma_wait3A_333 = tpu.memref_squeeze %dma_wait3A_332 : memref<1x80xi32, #tpu.memory_space<hbm>> -> memref<80xi32, #tpu.memory_space<hbm>>
      tpu.wait_dma2 semaphore(%arg29 : memref<!tpu.dma_semaphore, #tpu.memory_space<semaphore_mem>>) src(%dma_wait3A_333 : memref<80xi32, #tpu.memory_space<hbm>>) dst(%arg14 : memref<80xi32, #tpu.memory_space<vmem>>)
      %gt3A_334 = arith.constant 0 : i32
      %gt3A_335 = arith.cmpi sgt, %scan3A_145, %gt3A_334 : i32
      %convert_element_type3A_336 = arith.extui %gt3A_335 : i1 to i32
      %cond3A_337 = arith.constant 0 : i32
      %cond3A_338 = arith.cmpi ne, %convert_element_type3A_336, %cond3A_337 : i32
      scf.if %cond3A_338 {
        %dma_wait3A_370 = arith.constant 0 : i32
        %dma_wait3A_371 = arith.constant 0 : i32
        %dma_wait3A_372 = tpu.memref_slice %arg25[%dma_wait3A_370, %dma_wait3A_371] : memref<10000x16xf32, #tpu.memory_space<vmem_shared>> -> memref<80x16xf32, #tpu.memory_space<vmem_shared>>
        %dma_wait3A_373 = arith.constant 0 : i32
        %dma_wait3A_374 = arith.constant 0 : i32
        %dma_wait3A_375 = tpu.memref_slice %arg25[%dma_wait3A_373, %dma_wait3A_374] : memref<10000x16xf32, #tpu.memory_space<vmem_shared>> -> memref<80x16xf32, #tpu.memory_space<vmem_shared>>
        tpu.wait_dma2 semaphore(%arg33 : memref<!tpu.dma_semaphore, #tpu.memory_space<semaphore_mem>>) src(%arg22 : memref<80x16xf32, #tpu.memory_space<vmem>>) dst(%dma_wait3A_375 : memref<80x16xf32, #tpu.memory_space<vmem_shared>>)
      } else {
      }
      %get3A_339 = arith.constant 0 : index
      %get3A_340 = tpu.vector_load %arg14[%get3A_339] {strides = array<i32>} : memref<80xi32, #tpu.memory_space<vmem>>, vector<16xi32>,
      %swap3A_341 = arith.constant 0 : index
      %swap3A_342 = tpu.vector_load %arg18[%swap3A_341] {strides = array<i32>} : memref<80xi32, #tpu.memory_space<vmem>>, vector<16xi32>,
      tpu.vector_store %arg18[%swap3A_341], %get3A_340 {strides = array<i32>} : memref<80xi32, #tpu.memory_space<vmem>>, vector<16xi32>,
      %get3A_343 = arith.constant 16 : index
      %get3A_344 = tpu.vector_load %arg14[%get3A_343] {strides = array<i32>} : memref<80xi32, #tpu.memory_space<vmem>>, vector<16xi32>,
      %swap3A_345 = arith.constant 16 : index
      %swap3A_346 = tpu.vector_load %arg18[%swap3A_345] {strides = array<i32>} : memref<80xi32, #tpu.memory_space<vmem>>, vector<16xi32>,
      tpu.vector_store %arg18[%swap3A_345], %get3A_344 {strides = array<i32>} : memref<80xi32, #tpu.memory_space<vmem>>, vector<16xi32>,
      %get3A_347 = arith.constant 32 : index
      %get3A_348 = tpu.vector_load %arg14[%get3A_347] {strides = array<i32>} : memref<80xi32, #tpu.memory_space<vmem>>, vector<16xi32>,
      %swap3A_349 = arith.constant 32 : index
      %swap3A_350 = tpu.vector_load %arg18[%swap3A_349] {strides = array<i32>} : memref<80xi32, #tpu.memory_space<vmem>>, vector<16xi32>,
      tpu.vector_store %arg18[%swap3A_349], %get3A_348 {strides = array<i32>} : memref<80xi32, #tpu.memory_space<vmem>>, vector<16xi32>,
      %get3A_351 = arith.constant 48 : index
      %get3A_352 = tpu.vector_load %arg14[%get3A_351] {strides = array<i32>} : memref<80xi32, #tpu.memory_space<vmem>>, vector<16xi32>,
      %swap3A_353 = arith.constant 48 : index
      %swap3A_354 = tpu.vector_load %arg18[%swap3A_353] {strides = array<i32>} : memref<80xi32, #tpu.memory_space<vmem>>, vector<16xi32>,
      tpu.vector_store %arg18[%swap3A_353], %get3A_352 {strides = array<i32>} : memref<80xi32, #tpu.memory_space<vmem>>, vector<16xi32>,
      %get3A_355 = arith.constant 64 : index
      %get3A_356 = tpu.vector_load %arg14[%get3A_355] {strides = array<i32>} : memref<80xi32, #tpu.memory_space<vmem>>, vector<16xi32>,
      %swap3A_357 = arith.constant 64 : index
      %swap3A_358 = tpu.vector_load %arg18[%swap3A_357] {strides = array<i32>} : memref<80xi32, #tpu.memory_space<vmem>>, vector<16xi32>,
      tpu.vector_store %arg18[%swap3A_357], %get3A_356 {strides = array<i32>} : memref<80xi32, #tpu.memory_space<vmem>>, vector<16xi32>,
      %parallel_loop3A_359 = arith.constant 0 : i32
      %parallel_loop3A_360 = arith.constant 5 : i32
      %parallel_loop3A_361 = arith.constant 1 : i32
      scf.for %parallel_loop3A_370 = %parallel_loop3A_359 to %parallel_loop3A_360 step %parallel_loop3A_361  : i32 {
        %parallel_loop3A_371 = arith.constant 16 : i32
        %parallel_loop3A_372 = arith.muli %parallel_loop3A_370, %parallel_loop3A_371 : i32
        %parallel_loop3A_373 = arith.index_cast %parallel_loop3A_372 : i32 to index
        %parallel_loop3A_374 = tpu.vector_load %arg10[%parallel_loop3A_373] {strides = array<i32>} : memref<80xi32, #tpu.memory_space<vmem>>, vector<16xi32>,
        %parallel_loop3A_375 = arith.index_cast %parallel_loop3A_372 : i32 to index
        %parallel_loop3A_376 = tpu.vector_load %arg14[%parallel_loop3A_375] {strides = array<i32>} : memref<80xi32, #tpu.memory_space<vmem>>, vector<16xi32>,
        %parallel_loop3A_377 = tpu.vector_load_idx %arg23[%parallel_loop3A_374, %mul3A_12] : memref<10000x2xf32, #tpu.memory_space<vmem>>[vector<16xi32>, vector<16xi32>], vector<16xf32>,
        %parallel_loop3A_378 = tpu.vector_load_idx %arg23[%parallel_loop3A_376, %add3A_15] : memref<10000x2xf32, #tpu.memory_space<vmem>>[vector<16xi32>, vector<16xi32>], vector<16xf32>,
        %parallel_loop3A_379 = arith.addf %parallel_loop3A_377, %parallel_loop3A_378 : vector<16xf32>
        %parallel_loop3A_380 = arith.constant 2.000000e-01 : f32
        %parallel_loop3A_381 = vector.broadcast %parallel_loop3A_380 : f32 to vector<16xf32>
        %parallel_loop3A_382 = arith.mulf %parallel_loop3A_381, %parallel_loop3A_379 : vector<16xf32>
        %parallel_loop3A_383 = arith.maximumf %parallel_loop3A_379, %parallel_loop3A_382 : vector<16xf32>
        %parallel_loop3A_384 = arith.mulf %parallel_loop3A_383, %get3A_9 : vector<16xf32>
        %parallel_loop3A_385 = math.exp %parallel_loop3A_384 : vector<16xf32>
        %parallel_loop3A_386 = vector.broadcast %parallel_loop3A_372 : i32 to vector<16xi32>
        %parallel_loop3A_387 = arith.addi %parallel_loop3A_386, %iota3A : vector<16xi32>
        %parallel_loop3A_388 = arith.mulf %parallel_loop3A_385, %parallel_loop3A_377 : vector<16xf32>
        tpu.vector_store_idx %arg22[%parallel_loop3A_387, %mul3A_12], %parallel_loop3A_388 : memref<80x16xf32, #tpu.memory_space<vmem>>[vector<16xi32>, vector<16xi32>], vector<16xf32>,
        tpu.vector_store_idx %arg22[%parallel_loop3A_387, %add3A_15], %parallel_loop3A_385 : memref<80x16xf32, #tpu.memory_space<vmem>>[vector<16xi32>, vector<16xi32>], vector<16xf32>,
      } {sc.loop_unroll_factor = 5 : i64, sc.parallel_access}
      %dma_start3A_362 = arith.constant 0 : i32
      %dma_start3A_363 = arith.constant 0 : i32
      %dma_start3A_364 = tpu.memref_slice %arg25[%dma_start3A_362, %dma_start3A_363] : memref<10000x16xf32, #tpu.memory_space<vmem_shared>> -> memref<10000x16xf32, #tpu.memory_space<vmem_shared>>
      tpu.enqueue_indirect_dma source(%arg22 : memref<80x16xf32, #tpu.memory_space<vmem>>) target(%dma_start3A_364 : memref<10000x16xf32, #tpu.memory_space<vmem_shared>>) offsets(%arg18 : memref<80xi32, #tpu.memory_space<vmem>>) semaphore(%arg33 : memref<!tpu.dma_semaphore, #tpu.memory_space<semaphore_mem>>) {add = true}
      %lt3A_365 = arith.constant 30 : i32
      %lt3A_366 = arith.cmpi slt, %scan3A_145, %lt3A_365 : i32
      %convert_element_type3A_367 = arith.extui %lt3A_366 : i1 to i32
      %cond3A_368 = arith.constant 0 : i32
      %cond3A_369 = arith.cmpi ne, %convert_element_type3A_367, %cond3A_368 : i32
      scf.if %cond3A_369 {
        %add3A_370 = arith.constant 4 : i32
        %add3A_371 = arith.addi %add3A_319, %add3A_370 : i32
        %mul3A_372 = arith.constant 80 : i32
        %mul3A_373 = arith.muli %add3A_371, %mul3A_372 : i32
        %add3A_374 = arith.addi %mul3A_2, %mul3A_373 : i32
        %dma_start3A_375 = arith.constant 0 : i32
        %dma_start3A_376 = tpu.memref_slice %arg3[%dma_start3A_375, %add3A_374] : memref<2x320000xi32, #tpu.memory_space<hbm>> -> memref<1x80xi32, #tpu.memory_space<hbm>>
        %dma_start3A_377 = tpu.memref_squeeze %dma_start3A_376 : memref<1x80xi32, #tpu.memory_space<hbm>> -> memref<80xi32, #tpu.memory_space<hbm>>
        %dma_start3A_378 = tpu.memref_slice %arg3[%dma_start3A_375, %add3A_374] : memref<2x320000xi32, #tpu.memory_space<hbm>> -> memref<1x80xi32, #tpu.memory_space<hbm>>
        %dma_start3A_379 = tpu.memref_squeeze %dma_start3A_378 : memref<1x80xi32, #tpu.memory_space<hbm>> -> memref<80xi32, #tpu.memory_space<hbm>>
        tpu.enqueue_dma source(%dma_start3A_379 : memref<80xi32, #tpu.memory_space<hbm>>) target(%arg10 : memref<80xi32, #tpu.memory_space<vmem>>) target_semaphore(%arg29 : memref<!tpu.dma_semaphore, #tpu.memory_space<semaphore_mem>>)
        %dma_start3A_380 = arith.constant 1 : i32
        %dma_start3A_381 = tpu.memref_slice %arg3[%dma_start3A_380, %add3A_374] : memref<2x320000xi32, #tpu.memory_space<hbm>> -> memref<1x80xi32, #tpu.memory_space<hbm>>
        %dma_start3A_382 = tpu.memref_squeeze %dma_start3A_381 : memref<1x80xi32, #tpu.memory_space<hbm>> -> memref<80xi32, #tpu.memory_space<hbm>>
        %dma_start3A_383 = tpu.memref_slice %arg3[%dma_start3A_380, %add3A_374] : memref<2x320000xi32, #tpu.memory_space<hbm>> -> memref<1x80xi32, #tpu.memory_space<hbm>>
        %dma_start3A_384 = tpu.memref_squeeze %dma_start3A_383 : memref<1x80xi32, #tpu.memory_space<hbm>> -> memref<80xi32, #tpu.memory_space<hbm>>
        tpu.enqueue_dma source(%dma_start3A_384 : memref<80xi32, #tpu.memory_space<hbm>>) target(%arg14 : memref<80xi32, #tpu.memory_space<vmem>>) target_semaphore(%arg29 : memref<!tpu.dma_semaphore, #tpu.memory_space<semaphore_mem>>)
      } else {
      }
    }
    %scan3A_67 = arith.constant 31 : i32
    %dma_wait3A = arith.constant 0 : i32
    %dma_wait3A_68 = arith.constant 0 : i32
    %dma_wait3A_69 = tpu.memref_slice %arg3[%dma_wait3A, %dma_wait3A_68] : memref<2x320000xi32, #tpu.memory_space<hbm>> -> memref<1x80xi32, #tpu.memory_space<hbm>>
    %dma_wait3A_70 = tpu.memref_squeeze %dma_wait3A_69 : memref<1x80xi32, #tpu.memory_space<hbm>> -> memref<80xi32, #tpu.memory_space<hbm>>
    %dma_wait3A_71 = arith.constant 0 : i32
    %dma_wait3A_72 = tpu.memref_slice %arg3[%dma_wait3A, %dma_wait3A_71] : memref<2x320000xi32, #tpu.memory_space<hbm>> -> memref<1x80xi32, #tpu.memory_space<hbm>>
    %dma_wait3A_73 = tpu.memref_squeeze %dma_wait3A_72 : memref<1x80xi32, #tpu.memory_space<hbm>> -> memref<80xi32, #tpu.memory_space<hbm>>
    tpu.wait_dma2 semaphore(%arg26 : memref<!tpu.dma_semaphore, #tpu.memory_space<semaphore_mem>>) src(%dma_wait3A_73 : memref<80xi32, #tpu.memory_space<hbm>>) dst(%arg7 : memref<80xi32, #tpu.memory_space<vmem>>)
    %dma_wait3A_74 = arith.constant 1 : i32
    %dma_wait3A_75 = arith.constant 0 : i32
    %dma_wait3A_76 = tpu.memref_slice %arg3[%dma_wait3A_74, %dma_wait3A_75] : memref<2x320000xi32, #tpu.memory_space<hbm>> -> memref<1x80xi32, #tpu.memory_space<hbm>>
    %dma_wait3A_77 = tpu.memref_squeeze %dma_wait3A_76 : memref<1x80xi32, #tpu.memory_space<hbm>> -> memref<80xi32, #tpu.memory_space<hbm>>
    %dma_wait3A_78 = arith.constant 0 : i32
    %dma_wait3A_79 = tpu.memref_slice %arg3[%dma_wait3A_74, %dma_wait3A_78] : memref<2x320000xi32, #tpu.memory_space<hbm>> -> memref<1x80xi32, #tpu.memory_space<hbm>>
    %dma_wait3A_80 = tpu.memref_squeeze %dma_wait3A_79 : memref<1x80xi32, #tpu.memory_space<hbm>> -> memref<80xi32, #tpu.memory_space<hbm>>
    tpu.wait_dma2 semaphore(%arg26 : memref<!tpu.dma_semaphore, #tpu.memory_space<semaphore_mem>>) src(%dma_wait3A_80 : memref<80xi32, #tpu.memory_space<hbm>>) dst(%arg11 : memref<80xi32, #tpu.memory_space<vmem>>)
    %dma_wait3A_81 = arith.constant 0 : i32
    %dma_wait3A_82 = arith.constant 0 : i32
    %dma_wait3A_83 = tpu.memref_slice %arg25[%dma_wait3A_81, %dma_wait3A_82] : memref<10000x16xf32, #tpu.memory_space<vmem_shared>> -> memref<80x16xf32, #tpu.memory_space<vmem_shared>>
    %dma_wait3A_84 = arith.constant 0 : i32
    %dma_wait3A_85 = arith.constant 0 : i32
    %dma_wait3A_86 = tpu.memref_slice %arg25[%dma_wait3A_84, %dma_wait3A_85] : memref<10000x16xf32, #tpu.memory_space<vmem_shared>> -> memref<80x16xf32, #tpu.memory_space<vmem_shared>>
    tpu.wait_dma2 semaphore(%arg30 : memref<!tpu.dma_semaphore, #tpu.memory_space<semaphore_mem>>) src(%arg19 : memref<80x16xf32, #tpu.memory_space<vmem>>) dst(%dma_wait3A_86 : memref<80x16xf32, #tpu.memory_space<vmem_shared>>)
    %get3A_87 = arith.constant 0 : index
    %get3A_88 = tpu.vector_load %arg11[%get3A_87] {strides = array<i32>} : memref<80xi32, #tpu.memory_space<vmem>>, vector<16xi32>,
    %swap3A = arith.constant 0 : index
    %swap3A_89 = tpu.vector_load %arg15[%swap3A] {strides = array<i32>} : memref<80xi32, #tpu.memory_space<vmem>>, vector<16xi32>,
    tpu.vector_store %arg15[%swap3A], %get3A_88 {strides = array<i32>} : memref<80xi32, #tpu.memory_space<vmem>>, vector<16xi32>,
    %get3A_90 = arith.constant 16 : index
    %get3A_91 = tpu.vector_load %arg11[%get3A_90] {strides = array<i32>} : memref<80xi32, #tpu.memory_space<vmem>>, vector<16xi32>,
    %swap3A_92 = arith.constant 16 : index
    %swap3A_93 = tpu.vector_load %arg15[%swap3A_92] {strides = array<i32>} : memref<80xi32, #tpu.memory_space<vmem>>, vector<16xi32>,
    tpu.vector_store %arg15[%swap3A_92], %get3A_91 {strides = array<i32>} : memref<80xi32, #tpu.memory_space<vmem>>, vector<16xi32>,
    %get3A_94 = arith.constant 32 : index
    %get3A_95 = tpu.vector_load %arg11[%get3A_94] {strides = array<i32>} : memref<80xi32, #tpu.memory_space<vmem>>, vector<16xi32>,
    %swap3A_96 = arith.constant 32 : index
    %swap3A_97 = tpu.vector_load %arg15[%swap3A_96] {strides = array<i32>} : memref<80xi32, #tpu.memory_space<vmem>>, vector<16xi32>,
    tpu.vector_store %arg15[%swap3A_96], %get3A_95 {strides = array<i32>} : memref<80xi32, #tpu.memory_space<vmem>>, vector<16xi32>,
    %get3A_98 = arith.constant 48 : index
    %get3A_99 = tpu.vector_load %arg11[%get3A_98] {strides = array<i32>} : memref<80xi32, #tpu.memory_space<vmem>>, vector<16xi32>,
    %swap3A_100 = arith.constant 48 : index
    %swap3A_101 = tpu.vector_load %arg15[%swap3A_100] {strides = array<i32>} : memref<80xi32, #tpu.memory_space<vmem>>, vector<16xi32>,
    tpu.vector_store %arg15[%swap3A_100], %get3A_99 {strides = array<i32>} : memref<80xi32, #tpu.memory_space<vmem>>, vector<16xi32>,
    %get3A_102 = arith.constant 64 : index
    %get3A_103 = tpu.vector_load %arg11[%get3A_102] {strides = array<i32>} : memref<80xi32, #tpu.memory_space<vmem>>, vector<16xi32>,
    %swap3A_104 = arith.constant 64 : index
    %swap3A_105 = tpu.vector_load %arg15[%swap3A_104] {strides = array<i32>} : memref<80xi32, #tpu.memory_space<vmem>>, vector<16xi32>,
    tpu.vector_store %arg15[%swap3A_104], %get3A_103 {strides = array<i32>} : memref<80xi32, #tpu.memory_space<vmem>>, vector<16xi32>,
    %parallel_loop3A = arith.constant 0 : i32
    %parallel_loop3A_106 = arith.constant 5 : i32
    %parallel_loop3A_107 = arith.constant 1 : i32
    scf.for %parallel_loop3A_145 = %parallel_loop3A to %parallel_loop3A_106 step %parallel_loop3A_107  : i32 {
      %parallel_loop3A_146 = arith.constant 16 : i32
      %parallel_loop3A_147 = arith.muli %parallel_loop3A_145, %parallel_loop3A_146 : i32
      %parallel_loop3A_148 = arith.index_cast %parallel_loop3A_147 : i32 to index
      %parallel_loop3A_149 = tpu.vector_load %arg7[%parallel_loop3A_148] {strides = array<i32>} : memref<80xi32, #tpu.memory_space<vmem>>, vector<16xi32>,
      %parallel_loop3A_150 = arith.index_cast %parallel_loop3A_147 : i32 to index
      %parallel_loop3A_151 = tpu.vector_load %arg11[%parallel_loop3A_150] {strides = array<i32>} : memref<80xi32, #tpu.memory_space<vmem>>, vector<16xi32>,
      %parallel_loop3A_152 = tpu.vector_load_idx %arg23[%parallel_loop3A_149, %mul3A_12] : memref<10000x2xf32, #tpu.memory_space<vmem>>[vector<16xi32>, vector<16xi32>], vector<16xf32>,
      %parallel_loop3A_153 = tpu.vector_load_idx %arg23[%parallel_loop3A_151, %add3A_15] : memref<10000x2xf32, #tpu.memory_space<vmem>>[vector<16xi32>, vector<16xi32>], vector<16xf32>,
      %parallel_loop3A_154 = arith.addf %parallel_loop3A_152, %parallel_loop3A_153 : vector<16xf32>
      %parallel_loop3A_155 = arith.constant 2.000000e-01 : f32
      %parallel_loop3A_156 = vector.broadcast %parallel_loop3A_155 : f32 to vector<16xf32>
      %parallel_loop3A_157 = arith.mulf %parallel_loop3A_156, %parallel_loop3A_154 : vector<16xf32>
      %parallel_loop3A_158 = arith.maximumf %parallel_loop3A_154, %parallel_loop3A_157 : vector<16xf32>
      %parallel_loop3A_159 = arith.mulf %parallel_loop3A_158, %get3A_9 : vector<16xf32>
      %parallel_loop3A_160 = math.exp %parallel_loop3A_159 : vector<16xf32>
      %parallel_loop3A_161 = vector.broadcast %parallel_loop3A_147 : i32 to vector<16xi32>
      %parallel_loop3A_162 = arith.addi %parallel_loop3A_161, %iota3A : vector<16xi32>
      %parallel_loop3A_163 = arith.mulf %parallel_loop3A_160, %parallel_loop3A_152 : vector<16xf32>
      tpu.vector_store_idx %arg19[%parallel_loop3A_162, %mul3A_12], %parallel_loop3A_163 : memref<80x16xf32, #tpu.memory_space<vmem>>[vector<16xi32>, vector<16xi32>], vector<16xf32>,
      tpu.vector_store_idx %arg19[%parallel_loop3A_162, %add3A_15], %parallel_loop3A_160 : memref<80x16xf32, #tpu.memory_space<vmem>>[vector<16xi32>, vector<16xi32>], vector<16xf32>,
    } {sc.loop_unroll_factor = 5 : i64, sc.parallel_access}
    %dma_start3A_108 = arith.constant 0 : i32
    %dma_start3A_109 = arith.constant 0 : i32
    %dma_start3A_110 = tpu.memref_slice %arg25[%dma_start3A_108, %dma_start3A_109] : memref<10000x16xf32, #tpu.memory_space<vmem_shared>> -> memref<10000x16xf32, #tpu.memory_space<vmem_shared>>
    tpu.enqueue_indirect_dma source(%arg19 : memref<80x16xf32, #tpu.memory_space<vmem>>) target(%dma_start3A_110 : memref<10000x16xf32, #tpu.memory_space<vmem_shared>>) offsets(%arg15 : memref<80xi32, #tpu.memory_space<vmem>>) semaphore(%arg30 : memref<!tpu.dma_semaphore, #tpu.memory_space<semaphore_mem>>) {add = true}
    %dma_wait3A_111 = arith.constant 0 : i32
    %dma_wait3A_112 = arith.constant 0 : i32
    %dma_wait3A_113 = tpu.memref_slice %arg25[%dma_wait3A_111, %dma_wait3A_112] : memref<10000x16xf32, #tpu.memory_space<vmem_shared>> -> memref<80x16xf32, #tpu.memory_space<vmem_shared>>
    %dma_wait3A_114 = arith.constant 0 : i32
    %dma_wait3A_115 = arith.constant 0 : i32
    %dma_wait3A_116 = tpu.memref_slice %arg25[%dma_wait3A_114, %dma_wait3A_115] : memref<10000x16xf32, #tpu.memory_space<vmem_shared>> -> memref<80x16xf32, #tpu.memory_space<vmem_shared>>
    tpu.wait_dma2 semaphore(%arg31 : memref<!tpu.dma_semaphore, #tpu.memory_space<semaphore_mem>>) src(%arg20 : memref<80x16xf32, #tpu.memory_space<vmem>>) dst(%dma_wait3A_116 : memref<80x16xf32, #tpu.memory_space<vmem_shared>>)
    %dma_wait3A_117 = arith.constant 0 : i32
    %dma_wait3A_118 = arith.constant 0 : i32
    %dma_wait3A_119 = tpu.memref_slice %arg25[%dma_wait3A_117, %dma_wait3A_118] : memref<10000x16xf32, #tpu.memory_space<vmem_shared>> -> memref<80x16xf32, #tpu.memory_space<vmem_shared>>
    %dma_wait3A_120 = arith.constant 0 : i32
    %dma_wait3A_121 = arith.constant 0 : i32
    %dma_wait3A_122 = tpu.memref_slice %arg25[%dma_wait3A_120, %dma_wait3A_121] : memref<10000x16xf32, #tpu.memory_space<vmem_shared>> -> memref<80x16xf32, #tpu.memory_space<vmem_shared>>
    tpu.wait_dma2 semaphore(%arg32 : memref<!tpu.dma_semaphore, #tpu.memory_space<semaphore_mem>>) src(%arg21 : memref<80x16xf32, #tpu.memory_space<vmem>>) dst(%dma_wait3A_122 : memref<80x16xf32, #tpu.memory_space<vmem_shared>>)
    %dma_wait3A_123 = arith.constant 0 : i32
    %dma_wait3A_124 = arith.constant 0 : i32
    %dma_wait3A_125 = tpu.memref_slice %arg25[%dma_wait3A_123, %dma_wait3A_124] : memref<10000x16xf32, #tpu.memory_space<vmem_shared>> -> memref<80x16xf32, #tpu.memory_space<vmem_shared>>
    %dma_wait3A_126 = arith.constant 0 : i32
    %dma_wait3A_127 = arith.constant 0 : i32
    %dma_wait3A_128 = tpu.memref_slice %arg25[%dma_wait3A_126, %dma_wait3A_127] : memref<10000x16xf32, #tpu.memory_space<vmem_shared>> -> memref<80x16xf32, #tpu.memory_space<vmem_shared>>
    tpu.wait_dma2 semaphore(%arg33 : memref<!tpu.dma_semaphore, #tpu.memory_space<semaphore_mem>>) src(%arg22 : memref<80x16xf32, #tpu.memory_space<vmem>>) dst(%dma_wait3A_128 : memref<80x16xf32, #tpu.memory_space<vmem_shared>>)
    %dma_wait3A_129 = arith.constant 0 : i32
    %dma_wait3A_130 = arith.constant 0 : i32
    %dma_wait3A_131 = tpu.memref_slice %arg25[%dma_wait3A_129, %dma_wait3A_130] : memref<10000x16xf32, #tpu.memory_space<vmem_shared>> -> memref<80x16xf32, #tpu.memory_space<vmem_shared>>
    %dma_wait3A_132 = arith.constant 0 : i32
    %dma_wait3A_133 = arith.constant 0 : i32
    %dma_wait3A_134 = tpu.memref_slice %arg25[%dma_wait3A_132, %dma_wait3A_133] : memref<10000x16xf32, #tpu.memory_space<vmem_shared>> -> memref<80x16xf32, #tpu.memory_space<vmem_shared>>
    tpu.wait_dma2 semaphore(%arg30 : memref<!tpu.dma_semaphore, #tpu.memory_space<semaphore_mem>>) src(%arg19 : memref<80x16xf32, #tpu.memory_space<vmem>>) dst(%dma_wait3A_134 : memref<80x16xf32, #tpu.memory_space<vmem_shared>>)
    %barrier3A_135 = arith.constant 0 : index
    tpu.barrier barrier_id(%barrier3A_135)
    %mul3A_136 = arith.constant 624 : i32
    %mul3A_137 = arith.muli %arg1, %mul3A_136 : i32
    %mul3A_138 = arith.constant 624 : i32
    %mul3A_139 = arith.muli %arg1, %mul3A_138 : i32
    "tpu.region"() ({
      %run_scoped3A = tpu.sem_alloc : memref<!tpu.dma_semaphore, #tpu.memory_space<semaphore_mem>>
      %dma_start3A_145 = arith.constant 0 : i32
      %dma_start3A_146 = tpu.memref_slice %arg6[%arg0, %mul3A_139, %dma_start3A_145] : memref<2x10000x16xf32, #tpu.memory_space<hbm>> -> memref<1x624x16xf32, #tpu.memory_space<hbm>>
      %dma_start3A_147 = tpu.memref_squeeze %dma_start3A_146 : memref<1x624x16xf32, #tpu.memory_space<hbm>> -> memref<624x16xf32, #tpu.memory_space<hbm>>
      %dma_start3A_148 = arith.constant 0 : i32
      %dma_start3A_149 = tpu.memref_slice %arg25[%mul3A_137, %dma_start3A_148] : memref<10000x16xf32, #tpu.memory_space<vmem_shared>> -> memref<624x16xf32, #tpu.memory_space<vmem_shared>>
      tpu.enqueue_dma source(%dma_start3A_149 : memref<624x16xf32, #tpu.memory_space<vmem_shared>>) target(%dma_start3A_147 : memref<624x16xf32, #tpu.memory_space<hbm>>) target_semaphore(%run_scoped3A : memref<!tpu.dma_semaphore, #tpu.memory_space<semaphore_mem>>)
      %dma_wait3A_150 = arith.constant 0 : i32
      %dma_wait3A_151 = tpu.memref_slice %arg6[%arg0, %mul3A_139, %dma_wait3A_150] : memref<2x10000x16xf32, #tpu.memory_space<hbm>> -> memref<1x624x16xf32, #tpu.memory_space<hbm>>
      %dma_wait3A_152 = tpu.memref_squeeze %dma_wait3A_151 : memref<1x624x16xf32, #tpu.memory_space<hbm>> -> memref<624x16xf32, #tpu.memory_space<hbm>>
      %dma_wait3A_153 = arith.constant 0 : i32
      %dma_wait3A_154 = tpu.memref_slice %arg25[%mul3A_137, %dma_wait3A_153] : memref<10000x16xf32, #tpu.memory_space<vmem_shared>> -> memref<624x16xf32, #tpu.memory_space<vmem_shared>>
      tpu.wait_dma2 semaphore(%run_scoped3A : memref<!tpu.dma_semaphore, #tpu.memory_space<semaphore_mem>>) src(%dma_wait3A_154 : memref<624x16xf32, #tpu.memory_space<vmem_shared>>) dst(%dma_wait3A_152 : memref<624x16xf32, #tpu.memory_space<hbm>>)
      tpu.yield
    }) : () -> ()
    %eq3A_140 = arith.constant 0 : i32
    %eq3A_141 = arith.cmpi eq, %arg1, %eq3A_140 : i32
    %convert_element_type3A_142 = arith.extui %eq3A_141 : i1 to i32
    %cond3A_143 = arith.constant 0 : i32
    %cond3A_144 = arith.cmpi ne, %convert_element_type3A_142, %cond3A_143 : i32
    scf.if %cond3A_144 {
      "tpu.region"() ({
        %run_scoped3A = tpu.sem_alloc : memref<!tpu.dma_semaphore, #tpu.memory_space<semaphore_mem>>
        %dma_start3A_145 = arith.constant 9984 : i32
        %dma_start3A_146 = arith.constant 0 : i32
        %dma_start3A_147 = tpu.memref_slice %arg6[%arg0, %dma_start3A_145, %dma_start3A_146] : memref<2x10000x16xf32, #tpu.memory_space<hbm>> -> memref<1x16x16xf32, #tpu.memory_space<hbm>>
        %dma_start3A_148 = tpu.memref_squeeze %dma_start3A_147 : memref<1x16x16xf32, #tpu.memory_space<hbm>> -> memref<16x16xf32, #tpu.memory_space<hbm>>
        %dma_start3A_149 = arith.constant 9984 : i32
        %dma_start3A_150 = arith.constant 0 : i32
        %dma_start3A_151 = tpu.memref_slice %arg25[%dma_start3A_149, %dma_start3A_150] : memref<10000x16xf32, #tpu.memory_space<vmem_shared>> -> memref<16x16xf32, #tpu.memory_space<vmem_shared>>
        tpu.enqueue_dma source(%dma_start3A_151 : memref<16x16xf32, #tpu.memory_space<vmem_shared>>) target(%dma_start3A_148 : memref<16x16xf32, #tpu.memory_space<hbm>>) target_semaphore(%run_scoped3A : memref<!tpu.dma_semaphore, #tpu.memory_space<semaphore_mem>>)
        %dma_wait3A_152 = arith.constant 9984 : i32
        %dma_wait3A_153 = arith.constant 0 : i32
        %dma_wait3A_154 = tpu.memref_slice %arg6[%arg0, %dma_wait3A_152, %dma_wait3A_153] : memref<2x10000x16xf32, #tpu.memory_space<hbm>> -> memref<1x16x16xf32, #tpu.memory_space<hbm>>
        %dma_wait3A_155 = tpu.memref_squeeze %dma_wait3A_154 : memref<1x16x16xf32, #tpu.memory_space<hbm>> -> memref<16x16xf32, #tpu.memory_space<hbm>>
        %dma_wait3A_156 = arith.constant 9984 : i32
        %dma_wait3A_157 = arith.constant 0 : i32
        %dma_wait3A_158 = tpu.memref_slice %arg25[%dma_wait3A_156, %dma_wait3A_157] : memref<10000x16xf32, #tpu.memory_space<vmem_shared>> -> memref<16x16xf32, #tpu.memory_space<vmem_shared>>
        tpu.wait_dma2 semaphore(%run_scoped3A : memref<!tpu.dma_semaphore, #tpu.memory_space<semaphore_mem>>) src(%dma_wait3A_158 : memref<16x16xf32, #tpu.memory_space<vmem_shared>>) dst(%dma_wait3A_155 : memref<16x16xf32, #tpu.memory_space<hbm>>)
        tpu.yield
      }) : () -> ()
    } else {
    }
    return
  }
}

#map = affine_map<(d0, d1) -> (0, 0)>
#map1 = affine_map<(d0, d1) -> (0)>
#map2 = affine_map<(d0, d1) -> (0, 0, 0)>
module attributes {stable_mosaic.version = 14 : i64} {
  func.func @_edge1_body(%arg0: i32, %arg1: i32, %arg2: memref<10000x16xf32, #tpu.memory_space<hbm>>, %arg3: memref<10000x16xf32, #tpu.memory_space<hbm>>, %arg4: memref<2x320000xi32, #tpu.memory_space<hbm>>, %arg5: memref<16xf32, #tpu.memory_space<hbm>>, %arg6: memref<10000x32xf32, #tpu.memory_space<hbm>>, %arg7: memref<2x10000x32xf32, #tpu.memory_space<hbm>>, %arg8: memref<80xi32, #tpu.memory_space<vmem>>, %arg9: memref<80xi32, #tpu.memory_space<vmem>>, %arg10: memref<80xi32, #tpu.memory_space<vmem>>, %arg11: memref<80xi32, #tpu.memory_space<vmem>>, %arg12: memref<80xi32, #tpu.memory_space<vmem>>, %arg13: memref<80xi32, #tpu.memory_space<vmem>>, %arg14: memref<80xi32, #tpu.memory_space<vmem>>, %arg15: memref<80xi32, #tpu.memory_space<vmem>>, %arg16: memref<80xi32, #tpu.memory_space<vmem>>, %arg17: memref<80xi32, #tpu.memory_space<vmem>>, %arg18: memref<80xi32, #tpu.memory_space<vmem>>, %arg19: memref<80xi32, #tpu.memory_space<vmem>>, %arg20: memref<80x16xf32, #tpu.memory_space<vmem>>, %arg21: memref<80x16xf32, #tpu.memory_space<vmem>>, %arg22: memref<80x16xf32, #tpu.memory_space<vmem>>, %arg23: memref<80x16xf32, #tpu.memory_space<vmem>>, %arg24: memref<80x16xf32, #tpu.memory_space<vmem>>, %arg25: memref<80x16xf32, #tpu.memory_space<vmem>>, %arg26: memref<80x16xf32, #tpu.memory_space<vmem>>, %arg27: memref<80x16xf32, #tpu.memory_space<vmem>>, %arg28: memref<80x32xf32, #tpu.memory_space<vmem>>, %arg29: memref<80x32xf32, #tpu.memory_space<vmem>>, %arg30: memref<80x32xf32, #tpu.memory_space<vmem>>, %arg31: memref<80x32xf32, #tpu.memory_space<vmem>>, %arg32: memref<16xf32, #tpu.memory_space<vmem>>, %arg33: memref<10000x32xf32, #tpu.memory_space<vmem_shared>>, %arg34: memref<!tpu.dma_semaphore, #tpu.memory_space<semaphore_mem>>, %arg35: memref<!tpu.dma_semaphore, #tpu.memory_space<semaphore_mem>>, %arg36: memref<!tpu.dma_semaphore, #tpu.memory_space<semaphore_mem>>, %arg37: memref<!tpu.dma_semaphore, #tpu.memory_space<semaphore_mem>>, %arg38: memref<!tpu.dma_semaphore, #tpu.memory_space<semaphore_mem>>, %arg39: memref<!tpu.dma_semaphore, #tpu.memory_space<semaphore_mem>>, %arg40: memref<!tpu.dma_semaphore, #tpu.memory_space<semaphore_mem>>, %arg41: memref<!tpu.dma_semaphore, #tpu.memory_space<semaphore_mem>>, %arg42: memref<!tpu.dma_semaphore, #tpu.memory_space<semaphore_mem>>, %arg43: memref<!tpu.dma_semaphore, #tpu.memory_space<semaphore_mem>>, %arg44: memref<!tpu.dma_semaphore, #tpu.memory_space<semaphore_mem>>, %arg45: memref<!tpu.dma_semaphore, #tpu.memory_space<semaphore_mem>>) attributes {dimension_semantics = [#tpu.dimension_semantics<core_parallel>, #tpu.dimension_semantics<subcore_parallel>], iteration_bounds = array<i64: 2, 16>, scalar_prefetch = 0 : i64, scratch_operands = 38 : i64, tpu.core_type = #tpu.core_type<sc_vector_subcore>, window_params = [{transform_indices = #map}, {transform_indices = #map}, {transform_indices = #map}, {transform_indices = #map1}, {transform_indices = #map}, {transform_indices = #map2}]} {
    %mul3A = arith.constant 2 : i32
    %mul3A_0 = arith.muli %arg1, %mul3A : i32
    %add3A = arith.addi %mul3A_0, %arg0 : i32
    %mul3A_1 = arith.constant 10000 : i32
    %mul3A_2 = arith.muli %add3A, %mul3A_1 : i32
    %mul3A_3 = arith.constant 624 : i32
    %mul3A_4 = arith.muli %arg1, %mul3A_3 : i32
    %mul3A_5 = arith.constant 624 : i32
    %mul3A_6 = arith.muli %arg1, %mul3A_5 : i32
    "tpu.region"() ({
      %run_scoped3A = tpu.sem_alloc : memref<!tpu.dma_semaphore, #tpu.memory_space<semaphore_mem>>
      %dma_start3A_182 = arith.constant 0 : i32
      %dma_start3A_183 = tpu.memref_slice %arg33[%mul3A_6, %dma_start3A_182] : memref<10000x32xf32, #tpu.memory_space<vmem_shared>> -> memref<624x32xf32, #tpu.memory_space<vmem_shared>>
      %dma_start3A_184 = arith.constant 0 : i32
      %dma_start3A_185 = tpu.memref_slice %arg6[%mul3A_4, %dma_start3A_184] : memref<10000x32xf32, #tpu.memory_space<hbm>> -> memref<624x32xf32, #tpu.memory_space<hbm>>
      tpu.enqueue_dma source(%dma_start3A_185 : memref<624x32xf32, #tpu.memory_space<hbm>>) target(%dma_start3A_183 : memref<624x32xf32, #tpu.memory_space<vmem_shared>>) target_semaphore(%run_scoped3A : memref<!tpu.dma_semaphore, #tpu.memory_space<semaphore_mem>>)
      %dma_wait3A_186 = arith.constant 0 : i32
      %dma_wait3A_187 = tpu.memref_slice %arg33[%mul3A_6, %dma_wait3A_186] : memref<10000x32xf32, #tpu.memory_space<vmem_shared>> -> memref<624x32xf32, #tpu.memory_space<vmem_shared>>
      %dma_wait3A_188 = arith.constant 0 : i32
      %dma_wait3A_189 = tpu.memref_slice %arg6[%mul3A_4, %dma_wait3A_188] : memref<10000x32xf32, #tpu.memory_space<hbm>> -> memref<624x32xf32, #tpu.memory_space<hbm>>
      tpu.wait_dma2 semaphore(%run_scoped3A : memref<!tpu.dma_semaphore, #tpu.memory_space<semaphore_mem>>) src(%dma_wait3A_189 : memref<624x32xf32, #tpu.memory_space<hbm>>) dst(%dma_wait3A_187 : memref<624x32xf32, #tpu.memory_space<vmem_shared>>)
      tpu.yield
    }) : () -> ()
    %eq3A = arith.constant 0 : i32
    %eq3A_7 = arith.cmpi eq, %arg1, %eq3A : i32
    %convert_element_type3A = arith.extui %eq3A_7 : i1 to i32
    %cond3A = arith.constant 0 : i32
    %cond3A_8 = arith.cmpi ne, %convert_element_type3A, %cond3A : i32
    scf.if %cond3A_8 {
      "tpu.region"() ({
        %run_scoped3A = tpu.sem_alloc : memref<!tpu.dma_semaphore, #tpu.memory_space<semaphore_mem>>
        %dma_start3A_182 = arith.constant 9984 : i32
        %dma_start3A_183 = arith.constant 0 : i32
        %dma_start3A_184 = tpu.memref_slice %arg33[%dma_start3A_182, %dma_start3A_183] : memref<10000x32xf32, #tpu.memory_space<vmem_shared>> -> memref<16x32xf32, #tpu.memory_space<vmem_shared>>
        %dma_start3A_185 = arith.constant 9984 : i32
        %dma_start3A_186 = arith.constant 0 : i32
        %dma_start3A_187 = tpu.memref_slice %arg6[%dma_start3A_185, %dma_start3A_186] : memref<10000x32xf32, #tpu.memory_space<hbm>> -> memref<16x32xf32, #tpu.memory_space<hbm>>
        tpu.enqueue_dma source(%dma_start3A_187 : memref<16x32xf32, #tpu.memory_space<hbm>>) target(%dma_start3A_184 : memref<16x32xf32, #tpu.memory_space<vmem_shared>>) target_semaphore(%run_scoped3A : memref<!tpu.dma_semaphore, #tpu.memory_space<semaphore_mem>>)
        %dma_wait3A_188 = arith.constant 9984 : i32
        %dma_wait3A_189 = arith.constant 0 : i32
        %dma_wait3A_190 = tpu.memref_slice %arg33[%dma_wait3A_188, %dma_wait3A_189] : memref<10000x32xf32, #tpu.memory_space<vmem_shared>> -> memref<16x32xf32, #tpu.memory_space<vmem_shared>>
        %dma_wait3A_191 = arith.constant 9984 : i32
        %dma_wait3A_192 = arith.constant 0 : i32
        %dma_wait3A_193 = tpu.memref_slice %arg6[%dma_wait3A_191, %dma_wait3A_192] : memref<10000x32xf32, #tpu.memory_space<hbm>> -> memref<16x32xf32, #tpu.memory_space<hbm>>
        tpu.wait_dma2 semaphore(%run_scoped3A : memref<!tpu.dma_semaphore, #tpu.memory_space<semaphore_mem>>) src(%dma_wait3A_193 : memref<16x32xf32, #tpu.memory_space<hbm>>) dst(%dma_wait3A_190 : memref<16x32xf32, #tpu.memory_space<vmem_shared>>)
        tpu.yield
      }) : () -> ()
    } else {
    }
    "tpu.region"() ({
      %run_scoped3A = tpu.sem_alloc : memref<!tpu.dma_semaphore, #tpu.memory_space<semaphore_mem>>
      tpu.enqueue_dma source(%arg5 : memref<16xf32, #tpu.memory_space<hbm>>) target(%arg32 : memref<16xf32, #tpu.memory_space<vmem>>) target_semaphore(%run_scoped3A : memref<!tpu.dma_semaphore, #tpu.memory_space<semaphore_mem>>)
      tpu.wait_dma2 semaphore(%run_scoped3A : memref<!tpu.dma_semaphore, #tpu.memory_space<semaphore_mem>>) src(%arg5 : memref<16xf32, #tpu.memory_space<hbm>>) dst(%arg32 : memref<16xf32, #tpu.memory_space<vmem>>)
      tpu.yield
    }) : () -> ()
    %barrier3A = arith.constant 0 : index
    tpu.barrier barrier_id(%barrier3A)
    %get3A = arith.constant 0 : index
    %get3A_9 = tpu.vector_load %arg32[%get3A] {strides = array<i32>} : memref<16xf32, #tpu.memory_space<vmem>>, vector<16xf32>,
    %iota3A = tpu.iota {dimensions = array<i32: 0>} : vector<16xi32>
    %xor3A = arith.constant 1 : i32
    %xor3A_10 = vector.broadcast %xor3A : i32 to vector<16xi32>
    %xor3A_11 = arith.xori %iota3A, %xor3A_10 : vector<16xi32>
    %xor3A_12 = arith.constant 2 : i32
    %xor3A_13 = vector.broadcast %xor3A_12 : i32 to vector<16xi32>
    %xor3A_14 = arith.xori %iota3A, %xor3A_13 : vector<16xi32>
    %add3A_15 = arith.constant 0 : i32
    %add3A_16 = arith.addi %mul3A_2, %add3A_15 : i32
    %dma_start3A = arith.constant 0 : i32
    %dma_start3A_17 = tpu.memref_slice %arg4[%dma_start3A, %add3A_16] : memref<2x320000xi32, #tpu.memory_space<hbm>> -> memref<1x80xi32, #tpu.memory_space<hbm>>
    %dma_start3A_18 = tpu.memref_squeeze %dma_start3A_17 : memref<1x80xi32, #tpu.memory_space<hbm>> -> memref<80xi32, #tpu.memory_space<hbm>>
    %dma_start3A_19 = tpu.memref_slice %arg4[%dma_start3A, %add3A_16] : memref<2x320000xi32, #tpu.memory_space<hbm>> -> memref<1x80xi32, #tpu.memory_space<hbm>>
    %dma_start3A_20 = tpu.memref_squeeze %dma_start3A_19 : memref<1x80xi32, #tpu.memory_space<hbm>> -> memref<80xi32, #tpu.memory_space<hbm>>
    tpu.enqueue_dma source(%dma_start3A_20 : memref<80xi32, #tpu.memory_space<hbm>>) target(%arg8 : memref<80xi32, #tpu.memory_space<vmem>>) target_semaphore(%arg34 : memref<!tpu.dma_semaphore, #tpu.memory_space<semaphore_mem>>)
    %dma_start3A_21 = arith.constant 1 : i32
    %dma_start3A_22 = tpu.memref_slice %arg4[%dma_start3A_21, %add3A_16] : memref<2x320000xi32, #tpu.memory_space<hbm>> -> memref<1x80xi32, #tpu.memory_space<hbm>>
    %dma_start3A_23 = tpu.memref_squeeze %dma_start3A_22 : memref<1x80xi32, #tpu.memory_space<hbm>> -> memref<80xi32, #tpu.memory_space<hbm>>
    %dma_start3A_24 = tpu.memref_slice %arg4[%dma_start3A_21, %add3A_16] : memref<2x320000xi32, #tpu.memory_space<hbm>> -> memref<1x80xi32, #tpu.memory_space<hbm>>
    %dma_start3A_25 = tpu.memref_squeeze %dma_start3A_24 : memref<1x80xi32, #tpu.memory_space<hbm>> -> memref<80xi32, #tpu.memory_space<hbm>>
    tpu.enqueue_dma source(%dma_start3A_25 : memref<80xi32, #tpu.memory_space<hbm>>) target(%arg12 : memref<80xi32, #tpu.memory_space<vmem>>) target_semaphore(%arg34 : memref<!tpu.dma_semaphore, #tpu.memory_space<semaphore_mem>>)
    %add3A_26 = arith.constant 80 : i32
    %add3A_27 = arith.addi %mul3A_2, %add3A_26 : i32
    %dma_start3A_28 = arith.constant 0 : i32
    %dma_start3A_29 = tpu.memref_slice %arg4[%dma_start3A_28, %add3A_27] : memref<2x320000xi32, #tpu.memory_space<hbm>> -> memref<1x80xi32, #tpu.memory_space<hbm>>
    %dma_start3A_30 = tpu.memref_squeeze %dma_start3A_29 : memref<1x80xi32, #tpu.memory_space<hbm>> -> memref<80xi32, #tpu.memory_space<hbm>>
    %dma_start3A_31 = tpu.memref_slice %arg4[%dma_start3A_28, %add3A_27] : memref<2x320000xi32, #tpu.memory_space<hbm>> -> memref<1x80xi32, #tpu.memory_space<hbm>>
    %dma_start3A_32 = tpu.memref_squeeze %dma_start3A_31 : memref<1x80xi32, #tpu.memory_space<hbm>> -> memref<80xi32, #tpu.memory_space<hbm>>
    tpu.enqueue_dma source(%dma_start3A_32 : memref<80xi32, #tpu.memory_space<hbm>>) target(%arg9 : memref<80xi32, #tpu.memory_space<vmem>>) target_semaphore(%arg35 : memref<!tpu.dma_semaphore, #tpu.memory_space<semaphore_mem>>)
    %dma_start3A_33 = arith.constant 1 : i32
    %dma_start3A_34 = tpu.memref_slice %arg4[%dma_start3A_33, %add3A_27] : memref<2x320000xi32, #tpu.memory_space<hbm>> -> memref<1x80xi32, #tpu.memory_space<hbm>>
    %dma_start3A_35 = tpu.memref_squeeze %dma_start3A_34 : memref<1x80xi32, #tpu.memory_space<hbm>> -> memref<80xi32, #tpu.memory_space<hbm>>
    %dma_start3A_36 = tpu.memref_slice %arg4[%dma_start3A_33, %add3A_27] : memref<2x320000xi32, #tpu.memory_space<hbm>> -> memref<1x80xi32, #tpu.memory_space<hbm>>
    %dma_start3A_37 = tpu.memref_squeeze %dma_start3A_36 : memref<1x80xi32, #tpu.memory_space<hbm>> -> memref<80xi32, #tpu.memory_space<hbm>>
    tpu.enqueue_dma source(%dma_start3A_37 : memref<80xi32, #tpu.memory_space<hbm>>) target(%arg13 : memref<80xi32, #tpu.memory_space<vmem>>) target_semaphore(%arg35 : memref<!tpu.dma_semaphore, #tpu.memory_space<semaphore_mem>>)
    %add3A_38 = arith.constant 160 : i32
    %add3A_39 = arith.addi %mul3A_2, %add3A_38 : i32
    %dma_start3A_40 = arith.constant 0 : i32
    %dma_start3A_41 = tpu.memref_slice %arg4[%dma_start3A_40, %add3A_39] : memref<2x320000xi32, #tpu.memory_space<hbm>> -> memref<1x80xi32, #tpu.memory_space<hbm>>
    %dma_start3A_42 = tpu.memref_squeeze %dma_start3A_41 : memref<1x80xi32, #tpu.memory_space<hbm>> -> memref<80xi32, #tpu.memory_space<hbm>>
    %dma_start3A_43 = tpu.memref_slice %arg4[%dma_start3A_40, %add3A_39] : memref<2x320000xi32, #tpu.memory_space<hbm>> -> memref<1x80xi32, #tpu.memory_space<hbm>>
    %dma_start3A_44 = tpu.memref_squeeze %dma_start3A_43 : memref<1x80xi32, #tpu.memory_space<hbm>> -> memref<80xi32, #tpu.memory_space<hbm>>
    tpu.enqueue_dma source(%dma_start3A_44 : memref<80xi32, #tpu.memory_space<hbm>>) target(%arg10 : memref<80xi32, #tpu.memory_space<vmem>>) target_semaphore(%arg36 : memref<!tpu.dma_semaphore, #tpu.memory_space<semaphore_mem>>)
    %dma_start3A_45 = arith.constant 1 : i32
    %dma_start3A_46 = tpu.memref_slice %arg4[%dma_start3A_45, %add3A_39] : memref<2x320000xi32, #tpu.memory_space<hbm>> -> memref<1x80xi32, #tpu.memory_space<hbm>>
    %dma_start3A_47 = tpu.memref_squeeze %dma_start3A_46 : memref<1x80xi32, #tpu.memory_space<hbm>> -> memref<80xi32, #tpu.memory_space<hbm>>
    %dma_start3A_48 = tpu.memref_slice %arg4[%dma_start3A_45, %add3A_39] : memref<2x320000xi32, #tpu.memory_space<hbm>> -> memref<1x80xi32, #tpu.memory_space<hbm>>
    %dma_start3A_49 = tpu.memref_squeeze %dma_start3A_48 : memref<1x80xi32, #tpu.memory_space<hbm>> -> memref<80xi32, #tpu.memory_space<hbm>>
    tpu.enqueue_dma source(%dma_start3A_49 : memref<80xi32, #tpu.memory_space<hbm>>) target(%arg14 : memref<80xi32, #tpu.memory_space<vmem>>) target_semaphore(%arg36 : memref<!tpu.dma_semaphore, #tpu.memory_space<semaphore_mem>>)
    %add3A_50 = arith.constant 240 : i32
    %add3A_51 = arith.addi %mul3A_2, %add3A_50 : i32
    %dma_start3A_52 = arith.constant 0 : i32
    %dma_start3A_53 = tpu.memref_slice %arg4[%dma_start3A_52, %add3A_51] : memref<2x320000xi32, #tpu.memory_space<hbm>> -> memref<1x80xi32, #tpu.memory_space<hbm>>
    %dma_start3A_54 = tpu.memref_squeeze %dma_start3A_53 : memref<1x80xi32, #tpu.memory_space<hbm>> -> memref<80xi32, #tpu.memory_space<hbm>>
    %dma_start3A_55 = tpu.memref_slice %arg4[%dma_start3A_52, %add3A_51] : memref<2x320000xi32, #tpu.memory_space<hbm>> -> memref<1x80xi32, #tpu.memory_space<hbm>>
    %dma_start3A_56 = tpu.memref_squeeze %dma_start3A_55 : memref<1x80xi32, #tpu.memory_space<hbm>> -> memref<80xi32, #tpu.memory_space<hbm>>
    tpu.enqueue_dma source(%dma_start3A_56 : memref<80xi32, #tpu.memory_space<hbm>>) target(%arg11 : memref<80xi32, #tpu.memory_space<vmem>>) target_semaphore(%arg37 : memref<!tpu.dma_semaphore, #tpu.memory_space<semaphore_mem>>)
    %dma_start3A_57 = arith.constant 1 : i32
    %dma_start3A_58 = tpu.memref_slice %arg4[%dma_start3A_57, %add3A_51] : memref<2x320000xi32, #tpu.memory_space<hbm>> -> memref<1x80xi32, #tpu.memory_space<hbm>>
    %dma_start3A_59 = tpu.memref_squeeze %dma_start3A_58 : memref<1x80xi32, #tpu.memory_space<hbm>> -> memref<80xi32, #tpu.memory_space<hbm>>
    %dma_start3A_60 = tpu.memref_slice %arg4[%dma_start3A_57, %add3A_51] : memref<2x320000xi32, #tpu.memory_space<hbm>> -> memref<1x80xi32, #tpu.memory_space<hbm>>
    %dma_start3A_61 = tpu.memref_squeeze %dma_start3A_60 : memref<1x80xi32, #tpu.memory_space<hbm>> -> memref<80xi32, #tpu.memory_space<hbm>>
    tpu.enqueue_dma source(%dma_start3A_61 : memref<80xi32, #tpu.memory_space<hbm>>) target(%arg15 : memref<80xi32, #tpu.memory_space<vmem>>) target_semaphore(%arg37 : memref<!tpu.dma_semaphore, #tpu.memory_space<semaphore_mem>>)
    %dma_wait3A = arith.constant 0 : i32
    %dma_wait3A_62 = arith.constant 0 : i32
    %dma_wait3A_63 = tpu.memref_slice %arg4[%dma_wait3A, %dma_wait3A_62] : memref<2x320000xi32, #tpu.memory_space<hbm>> -> memref<1x80xi32, #tpu.memory_space<hbm>>
    %dma_wait3A_64 = tpu.memref_squeeze %dma_wait3A_63 : memref<1x80xi32, #tpu.memory_space<hbm>> -> memref<80xi32, #tpu.memory_space<hbm>>
    %dma_wait3A_65 = arith.constant 0 : i32
    %dma_wait3A_66 = tpu.memref_slice %arg4[%dma_wait3A, %dma_wait3A_65] : memref<2x320000xi32, #tpu.memory_space<hbm>> -> memref<1x80xi32, #tpu.memory_space<hbm>>
    %dma_wait3A_67 = tpu.memref_squeeze %dma_wait3A_66 : memref<1x80xi32, #tpu.memory_space<hbm>> -> memref<80xi32, #tpu.memory_space<hbm>>
    tpu.wait_dma2 semaphore(%arg34 : memref<!tpu.dma_semaphore, #tpu.memory_space<semaphore_mem>>) src(%dma_wait3A_67 : memref<80xi32, #tpu.memory_space<hbm>>) dst(%arg8 : memref<80xi32, #tpu.memory_space<vmem>>)
    %dma_wait3A_68 = arith.constant 1 : i32
    %dma_wait3A_69 = arith.constant 0 : i32
    %dma_wait3A_70 = tpu.memref_slice %arg4[%dma_wait3A_68, %dma_wait3A_69] : memref<2x320000xi32, #tpu.memory_space<hbm>> -> memref<1x80xi32, #tpu.memory_space<hbm>>
    %dma_wait3A_71 = tpu.memref_squeeze %dma_wait3A_70 : memref<1x80xi32, #tpu.memory_space<hbm>> -> memref<80xi32, #tpu.memory_space<hbm>>
    %dma_wait3A_72 = arith.constant 0 : i32
    %dma_wait3A_73 = tpu.memref_slice %arg4[%dma_wait3A_68, %dma_wait3A_72] : memref<2x320000xi32, #tpu.memory_space<hbm>> -> memref<1x80xi32, #tpu.memory_space<hbm>>
    %dma_wait3A_74 = tpu.memref_squeeze %dma_wait3A_73 : memref<1x80xi32, #tpu.memory_space<hbm>> -> memref<80xi32, #tpu.memory_space<hbm>>
    tpu.wait_dma2 semaphore(%arg34 : memref<!tpu.dma_semaphore, #tpu.memory_space<semaphore_mem>>) src(%dma_wait3A_74 : memref<80xi32, #tpu.memory_space<hbm>>) dst(%arg12 : memref<80xi32, #tpu.memory_space<vmem>>)
    %dma_wait3A_75 = arith.constant 0 : i32
    %dma_wait3A_76 = arith.constant 0 : i32
    %dma_wait3A_77 = tpu.memref_slice %arg4[%dma_wait3A_75, %dma_wait3A_76] : memref<2x320000xi32, #tpu.memory_space<hbm>> -> memref<1x80xi32, #tpu.memory_space<hbm>>
    %dma_wait3A_78 = tpu.memref_squeeze %dma_wait3A_77 : memref<1x80xi32, #tpu.memory_space<hbm>> -> memref<80xi32, #tpu.memory_space<hbm>>
    %dma_wait3A_79 = arith.constant 0 : i32
    %dma_wait3A_80 = tpu.memref_slice %arg4[%dma_wait3A_75, %dma_wait3A_79] : memref<2x320000xi32, #tpu.memory_space<hbm>> -> memref<1x80xi32, #tpu.memory_space<hbm>>
    %dma_wait3A_81 = tpu.memref_squeeze %dma_wait3A_80 : memref<1x80xi32, #tpu.memory_space<hbm>> -> memref<80xi32, #tpu.memory_space<hbm>>
    tpu.wait_dma2 semaphore(%arg35 : memref<!tpu.dma_semaphore, #tpu.memory_space<semaphore_mem>>) src(%dma_wait3A_81 : memref<80xi32, #tpu.memory_space<hbm>>) dst(%arg9 : memref<80xi32, #tpu.memory_space<vmem>>)
    %dma_wait3A_82 = arith.constant 1 : i32
    %dma_wait3A_83 = arith.constant 0 : i32
    %dma_wait3A_84 = tpu.memref_slice %arg4[%dma_wait3A_82, %dma_wait3A_83] : memref<2x320000xi32, #tpu.memory_space<hbm>> -> memref<1x80xi32, #tpu.memory_space<hbm>>
    %dma_wait3A_85 = tpu.memref_squeeze %dma_wait3A_84 : memref<1x80xi32, #tpu.memory_space<hbm>> -> memref<80xi32, #tpu.memory_space<hbm>>
    %dma_wait3A_86 = arith.constant 0 : i32
    %dma_wait3A_87 = tpu.memref_slice %arg4[%dma_wait3A_82, %dma_wait3A_86] : memref<2x320000xi32, #tpu.memory_space<hbm>> -> memref<1x80xi32, #tpu.memory_space<hbm>>
    %dma_wait3A_88 = tpu.memref_squeeze %dma_wait3A_87 : memref<1x80xi32, #tpu.memory_space<hbm>> -> memref<80xi32, #tpu.memory_space<hbm>>
    tpu.wait_dma2 semaphore(%arg35 : memref<!tpu.dma_semaphore, #tpu.memory_space<semaphore_mem>>) src(%dma_wait3A_88 : memref<80xi32, #tpu.memory_space<hbm>>) dst(%arg13 : memref<80xi32, #tpu.memory_space<vmem>>)
    %dma_start3A_89 = arith.constant 0 : i32
    %dma_start3A_90 = arith.constant 0 : i32
    %dma_start3A_91 = tpu.memref_slice %arg2[%dma_start3A_89, %dma_start3A_90] : memref<10000x16xf32, #tpu.memory_space<hbm>> -> memref<10000x16xf32, #tpu.memory_space<hbm>>
    tpu.enqueue_indirect_dma source(%dma_start3A_91 : memref<10000x16xf32, #tpu.memory_space<hbm>>) target(%arg20 : memref<80x16xf32, #tpu.memory_space<vmem>>) offsets(%arg8 : memref<80xi32, #tpu.memory_space<vmem>>) semaphore(%arg38 : memref<!tpu.dma_semaphore, #tpu.memory_space<semaphore_mem>>)
    %dma_start3A_92 = arith.constant 0 : i32
    %dma_start3A_93 = arith.constant 0 : i32
    %dma_start3A_94 = tpu.memref_slice %arg3[%dma_start3A_92, %dma_start3A_93] : memref<10000x16xf32, #tpu.memory_space<hbm>> -> memref<10000x16xf32, #tpu.memory_space<hbm>>
    tpu.enqueue_indirect_dma source(%dma_start3A_94 : memref<10000x16xf32, #tpu.memory_space<hbm>>) target(%arg24 : memref<80x16xf32, #tpu.memory_space<vmem>>) offsets(%arg12 : memref<80xi32, #tpu.memory_space<vmem>>) semaphore(%arg38 : memref<!tpu.dma_semaphore, #tpu.memory_space<semaphore_mem>>)
    %dma_start3A_95 = arith.constant 0 : i32
    %dma_start3A_96 = arith.constant 0 : i32
    %dma_start3A_97 = tpu.memref_slice %arg2[%dma_start3A_95, %dma_start3A_96] : memref<10000x16xf32, #tpu.memory_space<hbm>> -> memref<10000x16xf32, #tpu.memory_space<hbm>>
    tpu.enqueue_indirect_dma source(%dma_start3A_97 : memref<10000x16xf32, #tpu.memory_space<hbm>>) target(%arg21 : memref<80x16xf32, #tpu.memory_space<vmem>>) offsets(%arg9 : memref<80xi32, #tpu.memory_space<vmem>>) semaphore(%arg39 : memref<!tpu.dma_semaphore, #tpu.memory_space<semaphore_mem>>)
    %dma_start3A_98 = arith.constant 0 : i32
    %dma_start3A_99 = arith.constant 0 : i32
    %dma_start3A_100 = tpu.memref_slice %arg3[%dma_start3A_98, %dma_start3A_99] : memref<10000x16xf32, #tpu.memory_space<hbm>> -> memref<10000x16xf32, #tpu.memory_space<hbm>>
    tpu.enqueue_indirect_dma source(%dma_start3A_100 : memref<10000x16xf32, #tpu.memory_space<hbm>>) target(%arg25 : memref<80x16xf32, #tpu.memory_space<vmem>>) offsets(%arg13 : memref<80xi32, #tpu.memory_space<vmem>>) semaphore(%arg39 : memref<!tpu.dma_semaphore, #tpu.memory_space<semaphore_mem>>)
    %scan3A = arith.constant 0 : i32
    %scan3A_101 = arith.constant 0 : i32
    %scan3A_102 = arith.constant 31 : i32
    %scan3A_103 = arith.addi %scan3A_101, %scan3A_102 : i32
    %scan3A_104 = arith.constant 1 : i32
    scf.for %scan3A_182 = %scan3A_101 to %scan3A_103 step %scan3A_104  : i32 {
      %mul3A_183 = arith.constant 4 : i32
      %mul3A_184 = arith.muli %mul3A_183, %scan3A_182 : i32
      %add3A_185 = arith.constant 0 : i32
      %add3A_186 = arith.addi %mul3A_184, %add3A_185 : i32
      %dma_wait3A_187 = arith.constant 0 : i32
      %dma_wait3A_188 = arith.constant 0 : i32
      %dma_wait3A_189 = tpu.memref_slice %arg2[%dma_wait3A_187, %dma_wait3A_188] : memref<10000x16xf32, #tpu.memory_space<hbm>> -> memref<80x16xf32, #tpu.memory_space<hbm>>
      %dma_wait3A_190 = arith.constant 0 : i32
      %dma_wait3A_191 = arith.constant 0 : i32
      %dma_wait3A_192 = tpu.memref_slice %arg2[%dma_wait3A_190, %dma_wait3A_191] : memref<10000x16xf32, #tpu.memory_space<hbm>> -> memref<80x16xf32, #tpu.memory_space<hbm>>
      tpu.wait_dma2 semaphore(%arg38 : memref<!tpu.dma_semaphore, #tpu.memory_space<semaphore_mem>>) src(%dma_wait3A_192 : memref<80x16xf32, #tpu.memory_space<hbm>>) dst(%arg20 : memref<80x16xf32, #tpu.memory_space<vmem>>)
      %dma_wait3A_193 = arith.constant 0 : i32
      %dma_wait3A_194 = arith.constant 0 : i32
      %dma_wait3A_195 = tpu.memref_slice %arg3[%dma_wait3A_193, %dma_wait3A_194] : memref<10000x16xf32, #tpu.memory_space<hbm>> -> memref<80x16xf32, #tpu.memory_space<hbm>>
      %dma_wait3A_196 = arith.constant 0 : i32
      %dma_wait3A_197 = arith.constant 0 : i32
      %dma_wait3A_198 = tpu.memref_slice %arg3[%dma_wait3A_196, %dma_wait3A_197] : memref<10000x16xf32, #tpu.memory_space<hbm>> -> memref<80x16xf32, #tpu.memory_space<hbm>>
      tpu.wait_dma2 semaphore(%arg38 : memref<!tpu.dma_semaphore, #tpu.memory_space<semaphore_mem>>) src(%dma_wait3A_198 : memref<80x16xf32, #tpu.memory_space<hbm>>) dst(%arg24 : memref<80x16xf32, #tpu.memory_space<vmem>>)
      %gt3A = arith.constant 0 : i32
      %gt3A_199 = arith.cmpi sgt, %scan3A_182, %gt3A : i32
      %convert_element_type3A_200 = arith.extui %gt3A_199 : i1 to i32
      %cond3A_201 = arith.constant 0 : i32
      %cond3A_202 = arith.cmpi ne, %convert_element_type3A_200, %cond3A_201 : i32
      scf.if %cond3A_202 {
        %dma_wait3A_459 = arith.constant 0 : i32
        %dma_wait3A_460 = arith.constant 0 : i32
        %dma_wait3A_461 = tpu.memref_slice %arg33[%dma_wait3A_459, %dma_wait3A_460] : memref<10000x32xf32, #tpu.memory_space<vmem_shared>> -> memref<80x32xf32, #tpu.memory_space<vmem_shared>>
        %dma_wait3A_462 = arith.constant 0 : i32
        %dma_wait3A_463 = arith.constant 0 : i32
        %dma_wait3A_464 = tpu.memref_slice %arg33[%dma_wait3A_462, %dma_wait3A_463] : memref<10000x32xf32, #tpu.memory_space<vmem_shared>> -> memref<80x32xf32, #tpu.memory_space<vmem_shared>>
        tpu.wait_dma2 semaphore(%arg42 : memref<!tpu.dma_semaphore, #tpu.memory_space<semaphore_mem>>) src(%arg28 : memref<80x32xf32, #tpu.memory_space<vmem>>) dst(%dma_wait3A_464 : memref<80x32xf32, #tpu.memory_space<vmem_shared>>)
      } else {
      }
      %get3A_203 = arith.constant 0 : index
      %get3A_204 = tpu.vector_load %arg12[%get3A_203] {strides = array<i32>} : memref<80xi32, #tpu.memory_space<vmem>>, vector<16xi32>,
      %swap3A_205 = arith.constant 0 : index
      %swap3A_206 = tpu.vector_load %arg16[%swap3A_205] {strides = array<i32>} : memref<80xi32, #tpu.memory_space<vmem>>, vector<16xi32>,
      tpu.vector_store %arg16[%swap3A_205], %get3A_204 {strides = array<i32>} : memref<80xi32, #tpu.memory_space<vmem>>, vector<16xi32>,
      %get3A_207 = arith.constant 16 : index
      %get3A_208 = tpu.vector_load %arg12[%get3A_207] {strides = array<i32>} : memref<80xi32, #tpu.memory_space<vmem>>, vector<16xi32>,
      %swap3A_209 = arith.constant 16 : index
      %swap3A_210 = tpu.vector_load %arg16[%swap3A_209] {strides = array<i32>} : memref<80xi32, #tpu.memory_space<vmem>>, vector<16xi32>,
      tpu.vector_store %arg16[%swap3A_209], %get3A_208 {strides = array<i32>} : memref<80xi32, #tpu.memory_space<vmem>>, vector<16xi32>,
      %get3A_211 = arith.constant 32 : index
      %get3A_212 = tpu.vector_load %arg12[%get3A_211] {strides = array<i32>} : memref<80xi32, #tpu.memory_space<vmem>>, vector<16xi32>,
      %swap3A_213 = arith.constant 32 : index
      %swap3A_214 = tpu.vector_load %arg16[%swap3A_213] {strides = array<i32>} : memref<80xi32, #tpu.memory_space<vmem>>, vector<16xi32>,
      tpu.vector_store %arg16[%swap3A_213], %get3A_212 {strides = array<i32>} : memref<80xi32, #tpu.memory_space<vmem>>, vector<16xi32>,
      %get3A_215 = arith.constant 48 : index
      %get3A_216 = tpu.vector_load %arg12[%get3A_215] {strides = array<i32>} : memref<80xi32, #tpu.memory_space<vmem>>, vector<16xi32>,
      %swap3A_217 = arith.constant 48 : index
      %swap3A_218 = tpu.vector_load %arg16[%swap3A_217] {strides = array<i32>} : memref<80xi32, #tpu.memory_space<vmem>>, vector<16xi32>,
      tpu.vector_store %arg16[%swap3A_217], %get3A_216 {strides = array<i32>} : memref<80xi32, #tpu.memory_space<vmem>>, vector<16xi32>,
      %get3A_219 = arith.constant 64 : index
      %get3A_220 = tpu.vector_load %arg12[%get3A_219] {strides = array<i32>} : memref<80xi32, #tpu.memory_space<vmem>>, vector<16xi32>,
      %swap3A_221 = arith.constant 64 : index
      %swap3A_222 = tpu.vector_load %arg16[%swap3A_221] {strides = array<i32>} : memref<80xi32, #tpu.memory_space<vmem>>, vector<16xi32>,
      tpu.vector_store %arg16[%swap3A_221], %get3A_220 {strides = array<i32>} : memref<80xi32, #tpu.memory_space<vmem>>, vector<16xi32>,
      %parallel_loop3A_223 = arith.constant 0 : i32
      %parallel_loop3A_224 = arith.constant 80 : i32
      %parallel_loop3A_225 = arith.constant 1 : i32
      scf.for %parallel_loop3A_459 = %parallel_loop3A_223 to %parallel_loop3A_224 step %parallel_loop3A_225  : i32 {
        %parallel_loop3A_460 = arith.index_cast %parallel_loop3A_459 : i32 to index
        %parallel_loop3A_461 = arith.constant 0 : index
        %parallel_loop3A_462 = tpu.vector_load %arg20[%parallel_loop3A_460, %parallel_loop3A_461] {strides = array<i32>} : memref<80x16xf32, #tpu.memory_space<vmem>>, vector<16xf32>,
        %parallel_loop3A_463 = arith.index_cast %parallel_loop3A_459 : i32 to index
        %parallel_loop3A_464 = arith.constant 0 : index
        %parallel_loop3A_465 = tpu.vector_load %arg24[%parallel_loop3A_463, %parallel_loop3A_464] {strides = array<i32>} : memref<80x16xf32, #tpu.memory_space<vmem>>, vector<16xf32>,
        %parallel_loop3A_466 = arith.addf %parallel_loop3A_462, %parallel_loop3A_465 : vector<16xf32>
        %parallel_loop3A_467 = arith.constant 2.000000e-01 : f32
        %parallel_loop3A_468 = vector.broadcast %parallel_loop3A_467 : f32 to vector<16xf32>
        %parallel_loop3A_469 = arith.mulf %parallel_loop3A_468, %parallel_loop3A_466 : vector<16xf32>
        %parallel_loop3A_470 = arith.maximumf %parallel_loop3A_466, %parallel_loop3A_469 : vector<16xf32>
        %parallel_loop3A_471 = arith.mulf %parallel_loop3A_470, %get3A_9 : vector<16xf32>
        %parallel_loop3A_472 = vector.shape_cast %xor3A_11 : vector<16xi32> to vector<16x1xi32>
        %parallel_loop3A_473 = vector.shape_cast %parallel_loop3A_472 : vector<16x1xi32> to vector<16xi32>
        %parallel_loop3A_474 = tpu.dynamic_gather %parallel_loop3A_471[%parallel_loop3A_473] in [0] : vector<16xf32>, vector<16xi32> -> vector<16xf32>
        %parallel_loop3A_475 = arith.addf %parallel_loop3A_471, %parallel_loop3A_474 : vector<16xf32>
        %parallel_loop3A_476 = vector.shape_cast %xor3A_14 : vector<16xi32> to vector<16x1xi32>
        %parallel_loop3A_477 = vector.shape_cast %parallel_loop3A_476 : vector<16x1xi32> to vector<16xi32>
        %parallel_loop3A_478 = tpu.dynamic_gather %parallel_loop3A_475[%parallel_loop3A_477] in [0] : vector<16xf32>, vector<16xi32> -> vector<16xf32>
        %parallel_loop3A_479 = arith.addf %parallel_loop3A_475, %parallel_loop3A_478 : vector<16xf32>
        %parallel_loop3A_480 = math.exp %parallel_loop3A_479 : vector<16xf32>
        %parallel_loop3A_481 = arith.mulf %parallel_loop3A_462, %parallel_loop3A_480 : vector<16xf32>
        %parallel_loop3A_482 = arith.index_cast %parallel_loop3A_459 : i32 to index
        %parallel_loop3A_483 = arith.constant 0 : index
        %parallel_loop3A_484 = tpu.vector_load %arg28[%parallel_loop3A_482, %parallel_loop3A_483] {strides = array<i32>} : memref<80x32xf32, #tpu.memory_space<vmem>>, vector<16xf32>,
        tpu.vector_store %arg28[%parallel_loop3A_482, %parallel_loop3A_483], %parallel_loop3A_481 {strides = array<i32>} : memref<80x32xf32, #tpu.memory_space<vmem>>, vector<16xf32>,
        %parallel_loop3A_485 = arith.index_cast %parallel_loop3A_459 : i32 to index
        %parallel_loop3A_486 = arith.constant 16 : index
        %parallel_loop3A_487 = tpu.vector_load %arg28[%parallel_loop3A_485, %parallel_loop3A_486] {strides = array<i32>} : memref<80x32xf32, #tpu.memory_space<vmem>>, vector<16xf32>,
        tpu.vector_store %arg28[%parallel_loop3A_485, %parallel_loop3A_486], %parallel_loop3A_480 {strides = array<i32>} : memref<80x32xf32, #tpu.memory_space<vmem>>, vector<16xf32>,
      } {sc.loop_unroll_factor = 16 : i64, sc.parallel_access}
      %dma_start3A_226 = arith.constant 0 : i32
      %dma_start3A_227 = arith.constant 0 : i32
      %dma_start3A_228 = tpu.memref_slice %arg33[%dma_start3A_226, %dma_start3A_227] : memref<10000x32xf32, #tpu.memory_space<vmem_shared>> -> memref<10000x32xf32, #tpu.memory_space<vmem_shared>>
      tpu.enqueue_indirect_dma source(%arg28 : memref<80x32xf32, #tpu.memory_space<vmem>>) target(%dma_start3A_228 : memref<10000x32xf32, #tpu.memory_space<vmem_shared>>) offsets(%arg16 : memref<80xi32, #tpu.memory_space<vmem>>) semaphore(%arg42 : memref<!tpu.dma_semaphore, #tpu.memory_space<semaphore_mem>>) {add = true}
      %dma_wait3A_229 = arith.constant 0 : i32
      %dma_wait3A_230 = arith.constant 0 : i32
      %dma_wait3A_231 = tpu.memref_slice %arg4[%dma_wait3A_229, %dma_wait3A_230] : memref<2x320000xi32, #tpu.memory_space<hbm>> -> memref<1x80xi32, #tpu.memory_space<hbm>>
      %dma_wait3A_232 = tpu.memref_squeeze %dma_wait3A_231 : memref<1x80xi32, #tpu.memory_space<hbm>> -> memref<80xi32, #tpu.memory_space<hbm>>
      %dma_wait3A_233 = arith.constant 0 : i32
      %dma_wait3A_234 = tpu.memref_slice %arg4[%dma_wait3A_229, %dma_wait3A_233] : memref<2x320000xi32, #tpu.memory_space<hbm>> -> memref<1x80xi32, #tpu.memory_space<hbm>>
      %dma_wait3A_235 = tpu.memref_squeeze %dma_wait3A_234 : memref<1x80xi32, #tpu.memory_space<hbm>> -> memref<80xi32, #tpu.memory_space<hbm>>
      tpu.wait_dma2 semaphore(%arg36 : memref<!tpu.dma_semaphore, #tpu.memory_space<semaphore_mem>>) src(%dma_wait3A_235 : memref<80xi32, #tpu.memory_space<hbm>>) dst(%arg10 : memref<80xi32, #tpu.memory_space<vmem>>)
      %dma_wait3A_236 = arith.constant 1 : i32
      %dma_wait3A_237 = arith.constant 0 : i32
      %dma_wait3A_238 = tpu.memref_slice %arg4[%dma_wait3A_236, %dma_wait3A_237] : memref<2x320000xi32, #tpu.memory_space<hbm>> -> memref<1x80xi32, #tpu.memory_space<hbm>>
      %dma_wait3A_239 = tpu.memref_squeeze %dma_wait3A_238 : memref<1x80xi32, #tpu.memory_space<hbm>> -> memref<80xi32, #tpu.memory_space<hbm>>
      %dma_wait3A_240 = arith.constant 0 : i32
      %dma_wait3A_241 = tpu.memref_slice %arg4[%dma_wait3A_236, %dma_wait3A_240] : memref<2x320000xi32, #tpu.memory_space<hbm>> -> memref<1x80xi32, #tpu.memory_space<hbm>>
      %dma_wait3A_242 = tpu.memref_squeeze %dma_wait3A_241 : memref<1x80xi32, #tpu.memory_space<hbm>> -> memref<80xi32, #tpu.memory_space<hbm>>
      tpu.wait_dma2 semaphore(%arg36 : memref<!tpu.dma_semaphore, #tpu.memory_space<semaphore_mem>>) src(%dma_wait3A_242 : memref<80xi32, #tpu.memory_space<hbm>>) dst(%arg14 : memref<80xi32, #tpu.memory_space<vmem>>)
      %dma_start3A_243 = arith.constant 0 : i32
      %dma_start3A_244 = arith.constant 0 : i32
      %dma_start3A_245 = tpu.memref_slice %arg2[%dma_start3A_243, %dma_start3A_244] : memref<10000x16xf32, #tpu.memory_space<hbm>> -> memref<10000x16xf32, #tpu.memory_space<hbm>>
      tpu.enqueue_indirect_dma source(%dma_start3A_245 : memref<10000x16xf32, #tpu.memory_space<hbm>>) target(%arg22 : memref<80x16xf32, #tpu.memory_space<vmem>>) offsets(%arg10 : memref<80xi32, #tpu.memory_space<vmem>>) semaphore(%arg40 : memref<!tpu.dma_semaphore, #tpu.memory_space<semaphore_mem>>)
      %dma_start3A_246 = arith.constant 0 : i32
      %dma_start3A_247 = arith.constant 0 : i32
      %dma_start3A_248 = tpu.memref_slice %arg3[%dma_start3A_246, %dma_start3A_247] : memref<10000x16xf32, #tpu.memory_space<hbm>> -> memref<10000x16xf32, #tpu.memory_space<hbm>>
      tpu.enqueue_indirect_dma source(%dma_start3A_248 : memref<10000x16xf32, #tpu.memory_space<hbm>>) target(%arg26 : memref<80x16xf32, #tpu.memory_space<vmem>>) offsets(%arg14 : memref<80xi32, #tpu.memory_space<vmem>>) semaphore(%arg40 : memref<!tpu.dma_semaphore, #tpu.memory_space<semaphore_mem>>)
      %add3A_249 = arith.constant 4 : i32
      %add3A_250 = arith.addi %add3A_186, %add3A_249 : i32
      %mul3A_251 = arith.constant 80 : i32
      %mul3A_252 = arith.muli %add3A_250, %mul3A_251 : i32
      %add3A_253 = arith.addi %mul3A_2, %mul3A_252 : i32
      %dma_start3A_254 = arith.constant 0 : i32
      %dma_start3A_255 = tpu.memref_slice %arg4[%dma_start3A_254, %add3A_253] : memref<2x320000xi32, #tpu.memory_space<hbm>> -> memref<1x80xi32, #tpu.memory_space<hbm>>
      %dma_start3A_256 = tpu.memref_squeeze %dma_start3A_255 : memref<1x80xi32, #tpu.memory_space<hbm>> -> memref<80xi32, #tpu.memory_space<hbm>>
      %dma_start3A_257 = tpu.memref_slice %arg4[%dma_start3A_254, %add3A_253] : memref<2x320000xi32, #tpu.memory_space<hbm>> -> memref<1x80xi32, #tpu.memory_space<hbm>>
      %dma_start3A_258 = tpu.memref_squeeze %dma_start3A_257 : memref<1x80xi32, #tpu.memory_space<hbm>> -> memref<80xi32, #tpu.memory_space<hbm>>
      tpu.enqueue_dma source(%dma_start3A_258 : memref<80xi32, #tpu.memory_space<hbm>>) target(%arg8 : memref<80xi32, #tpu.memory_space<vmem>>) target_semaphore(%arg34 : memref<!tpu.dma_semaphore, #tpu.memory_space<semaphore_mem>>)
      %dma_start3A_259 = arith.constant 1 : i32
      %dma_start3A_260 = tpu.memref_slice %arg4[%dma_start3A_259, %add3A_253] : memref<2x320000xi32, #tpu.memory_space<hbm>> -> memref<1x80xi32, #tpu.memory_space<hbm>>
      %dma_start3A_261 = tpu.memref_squeeze %dma_start3A_260 : memref<1x80xi32, #tpu.memory_space<hbm>> -> memref<80xi32, #tpu.memory_space<hbm>>
      %dma_start3A_262 = tpu.memref_slice %arg4[%dma_start3A_259, %add3A_253] : memref<2x320000xi32, #tpu.memory_space<hbm>> -> memref<1x80xi32, #tpu.memory_space<hbm>>
      %dma_start3A_263 = tpu.memref_squeeze %dma_start3A_262 : memref<1x80xi32, #tpu.memory_space<hbm>> -> memref<80xi32, #tpu.memory_space<hbm>>
      tpu.enqueue_dma source(%dma_start3A_263 : memref<80xi32, #tpu.memory_space<hbm>>) target(%arg12 : memref<80xi32, #tpu.memory_space<vmem>>) target_semaphore(%arg34 : memref<!tpu.dma_semaphore, #tpu.memory_space<semaphore_mem>>)
      %mul3A_264 = arith.constant 4 : i32
      %mul3A_265 = arith.muli %mul3A_264, %scan3A_182 : i32
      %add3A_266 = arith.constant 1 : i32
      %add3A_267 = arith.addi %mul3A_265, %add3A_266 : i32
      %dma_wait3A_268 = arith.constant 0 : i32
      %dma_wait3A_269 = arith.constant 0 : i32
      %dma_wait3A_270 = tpu.memref_slice %arg2[%dma_wait3A_268, %dma_wait3A_269] : memref<10000x16xf32, #tpu.memory_space<hbm>> -> memref<80x16xf32, #tpu.memory_space<hbm>>
      %dma_wait3A_271 = arith.constant 0 : i32
      %dma_wait3A_272 = arith.constant 0 : i32
      %dma_wait3A_273 = tpu.memref_slice %arg2[%dma_wait3A_271, %dma_wait3A_272] : memref<10000x16xf32, #tpu.memory_space<hbm>> -> memref<80x16xf32, #tpu.memory_space<hbm>>
      tpu.wait_dma2 semaphore(%arg39 : memref<!tpu.dma_semaphore, #tpu.memory_space<semaphore_mem>>) src(%dma_wait3A_273 : memref<80x16xf32, #tpu.memory_space<hbm>>) dst(%arg21 : memref<80x16xf32, #tpu.memory_space<vmem>>)
      %dma_wait3A_274 = arith.constant 0 : i32
      %dma_wait3A_275 = arith.constant 0 : i32
      %dma_wait3A_276 = tpu.memref_slice %arg3[%dma_wait3A_274, %dma_wait3A_275] : memref<10000x16xf32, #tpu.memory_space<hbm>> -> memref<80x16xf32, #tpu.memory_space<hbm>>
      %dma_wait3A_277 = arith.constant 0 : i32
      %dma_wait3A_278 = arith.constant 0 : i32
      %dma_wait3A_279 = tpu.memref_slice %arg3[%dma_wait3A_277, %dma_wait3A_278] : memref<10000x16xf32, #tpu.memory_space<hbm>> -> memref<80x16xf32, #tpu.memory_space<hbm>>
      tpu.wait_dma2 semaphore(%arg39 : memref<!tpu.dma_semaphore, #tpu.memory_space<semaphore_mem>>) src(%dma_wait3A_279 : memref<80x16xf32, #tpu.memory_space<hbm>>) dst(%arg25 : memref<80x16xf32, #tpu.memory_space<vmem>>)
      %gt3A_280 = arith.constant 0 : i32
      %gt3A_281 = arith.cmpi sgt, %scan3A_182, %gt3A_280 : i32
      %convert_element_type3A_282 = arith.extui %gt3A_281 : i1 to i32
      %cond3A_283 = arith.constant 0 : i32
      %cond3A_284 = arith.cmpi ne, %convert_element_type3A_282, %cond3A_283 : i32
      scf.if %cond3A_284 {
        %dma_wait3A_459 = arith.constant 0 : i32
        %dma_wait3A_460 = arith.constant 0 : i32
        %dma_wait3A_461 = tpu.memref_slice %arg33[%dma_wait3A_459, %dma_wait3A_460] : memref<10000x32xf32, #tpu.memory_space<vmem_shared>> -> memref<80x32xf32, #tpu.memory_space<vmem_shared>>
        %dma_wait3A_462 = arith.constant 0 : i32
        %dma_wait3A_463 = arith.constant 0 : i32
        %dma_wait3A_464 = tpu.memref_slice %arg33[%dma_wait3A_462, %dma_wait3A_463] : memref<10000x32xf32, #tpu.memory_space<vmem_shared>> -> memref<80x32xf32, #tpu.memory_space<vmem_shared>>
        tpu.wait_dma2 semaphore(%arg43 : memref<!tpu.dma_semaphore, #tpu.memory_space<semaphore_mem>>) src(%arg29 : memref<80x32xf32, #tpu.memory_space<vmem>>) dst(%dma_wait3A_464 : memref<80x32xf32, #tpu.memory_space<vmem_shared>>)
      } else {
      }
      %get3A_285 = arith.constant 0 : index
      %get3A_286 = tpu.vector_load %arg13[%get3A_285] {strides = array<i32>} : memref<80xi32, #tpu.memory_space<vmem>>, vector<16xi32>,
      %swap3A_287 = arith.constant 0 : index
      %swap3A_288 = tpu.vector_load %arg17[%swap3A_287] {strides = array<i32>} : memref<80xi32, #tpu.memory_space<vmem>>, vector<16xi32>,
      tpu.vector_store %arg17[%swap3A_287], %get3A_286 {strides = array<i32>} : memref<80xi32, #tpu.memory_space<vmem>>, vector<16xi32>,
      %get3A_289 = arith.constant 16 : index
      %get3A_290 = tpu.vector_load %arg13[%get3A_289] {strides = array<i32>} : memref<80xi32, #tpu.memory_space<vmem>>, vector<16xi32>,
      %swap3A_291 = arith.constant 16 : index
      %swap3A_292 = tpu.vector_load %arg17[%swap3A_291] {strides = array<i32>} : memref<80xi32, #tpu.memory_space<vmem>>, vector<16xi32>,
      tpu.vector_store %arg17[%swap3A_291], %get3A_290 {strides = array<i32>} : memref<80xi32, #tpu.memory_space<vmem>>, vector<16xi32>,
      %get3A_293 = arith.constant 32 : index
      %get3A_294 = tpu.vector_load %arg13[%get3A_293] {strides = array<i32>} : memref<80xi32, #tpu.memory_space<vmem>>, vector<16xi32>,
      %swap3A_295 = arith.constant 32 : index
      %swap3A_296 = tpu.vector_load %arg17[%swap3A_295] {strides = array<i32>} : memref<80xi32, #tpu.memory_space<vmem>>, vector<16xi32>,
      tpu.vector_store %arg17[%swap3A_295], %get3A_294 {strides = array<i32>} : memref<80xi32, #tpu.memory_space<vmem>>, vector<16xi32>,
      %get3A_297 = arith.constant 48 : index
      %get3A_298 = tpu.vector_load %arg13[%get3A_297] {strides = array<i32>} : memref<80xi32, #tpu.memory_space<vmem>>, vector<16xi32>,
      %swap3A_299 = arith.constant 48 : index
      %swap3A_300 = tpu.vector_load %arg17[%swap3A_299] {strides = array<i32>} : memref<80xi32, #tpu.memory_space<vmem>>, vector<16xi32>,
      tpu.vector_store %arg17[%swap3A_299], %get3A_298 {strides = array<i32>} : memref<80xi32, #tpu.memory_space<vmem>>, vector<16xi32>,
      %get3A_301 = arith.constant 64 : index
      %get3A_302 = tpu.vector_load %arg13[%get3A_301] {strides = array<i32>} : memref<80xi32, #tpu.memory_space<vmem>>, vector<16xi32>,
      %swap3A_303 = arith.constant 64 : index
      %swap3A_304 = tpu.vector_load %arg17[%swap3A_303] {strides = array<i32>} : memref<80xi32, #tpu.memory_space<vmem>>, vector<16xi32>,
      tpu.vector_store %arg17[%swap3A_303], %get3A_302 {strides = array<i32>} : memref<80xi32, #tpu.memory_space<vmem>>, vector<16xi32>,
      %parallel_loop3A_305 = arith.constant 0 : i32
      %parallel_loop3A_306 = arith.constant 80 : i32
      %parallel_loop3A_307 = arith.constant 1 : i32
      scf.for %parallel_loop3A_459 = %parallel_loop3A_305 to %parallel_loop3A_306 step %parallel_loop3A_307  : i32 {
        %parallel_loop3A_460 = arith.index_cast %parallel_loop3A_459 : i32 to index
        %parallel_loop3A_461 = arith.constant 0 : index
        %parallel_loop3A_462 = tpu.vector_load %arg21[%parallel_loop3A_460, %parallel_loop3A_461] {strides = array<i32>} : memref<80x16xf32, #tpu.memory_space<vmem>>, vector<16xf32>,
        %parallel_loop3A_463 = arith.index_cast %parallel_loop3A_459 : i32 to index
        %parallel_loop3A_464 = arith.constant 0 : index
        %parallel_loop3A_465 = tpu.vector_load %arg25[%parallel_loop3A_463, %parallel_loop3A_464] {strides = array<i32>} : memref<80x16xf32, #tpu.memory_space<vmem>>, vector<16xf32>,
        %parallel_loop3A_466 = arith.addf %parallel_loop3A_462, %parallel_loop3A_465 : vector<16xf32>
        %parallel_loop3A_467 = arith.constant 2.000000e-01 : f32
        %parallel_loop3A_468 = vector.broadcast %parallel_loop3A_467 : f32 to vector<16xf32>
        %parallel_loop3A_469 = arith.mulf %parallel_loop3A_468, %parallel_loop3A_466 : vector<16xf32>
        %parallel_loop3A_470 = arith.maximumf %parallel_loop3A_466, %parallel_loop3A_469 : vector<16xf32>
        %parallel_loop3A_471 = arith.mulf %parallel_loop3A_470, %get3A_9 : vector<16xf32>
        %parallel_loop3A_472 = vector.shape_cast %xor3A_11 : vector<16xi32> to vector<16x1xi32>
        %parallel_loop3A_473 = vector.shape_cast %parallel_loop3A_472 : vector<16x1xi32> to vector<16xi32>
        %parallel_loop3A_474 = tpu.dynamic_gather %parallel_loop3A_471[%parallel_loop3A_473] in [0] : vector<16xf32>, vector<16xi32> -> vector<16xf32>
        %parallel_loop3A_475 = arith.addf %parallel_loop3A_471, %parallel_loop3A_474 : vector<16xf32>
        %parallel_loop3A_476 = vector.shape_cast %xor3A_14 : vector<16xi32> to vector<16x1xi32>
        %parallel_loop3A_477 = vector.shape_cast %parallel_loop3A_476 : vector<16x1xi32> to vector<16xi32>
        %parallel_loop3A_478 = tpu.dynamic_gather %parallel_loop3A_475[%parallel_loop3A_477] in [0] : vector<16xf32>, vector<16xi32> -> vector<16xf32>
        %parallel_loop3A_479 = arith.addf %parallel_loop3A_475, %parallel_loop3A_478 : vector<16xf32>
        %parallel_loop3A_480 = math.exp %parallel_loop3A_479 : vector<16xf32>
        %parallel_loop3A_481 = arith.mulf %parallel_loop3A_462, %parallel_loop3A_480 : vector<16xf32>
        %parallel_loop3A_482 = arith.index_cast %parallel_loop3A_459 : i32 to index
        %parallel_loop3A_483 = arith.constant 0 : index
        %parallel_loop3A_484 = tpu.vector_load %arg29[%parallel_loop3A_482, %parallel_loop3A_483] {strides = array<i32>} : memref<80x32xf32, #tpu.memory_space<vmem>>, vector<16xf32>,
        tpu.vector_store %arg29[%parallel_loop3A_482, %parallel_loop3A_483], %parallel_loop3A_481 {strides = array<i32>} : memref<80x32xf32, #tpu.memory_space<vmem>>, vector<16xf32>,
        %parallel_loop3A_485 = arith.index_cast %parallel_loop3A_459 : i32 to index
        %parallel_loop3A_486 = arith.constant 16 : index
        %parallel_loop3A_487 = tpu.vector_load %arg29[%parallel_loop3A_485, %parallel_loop3A_486] {strides = array<i32>} : memref<80x32xf32, #tpu.memory_space<vmem>>, vector<16xf32>,
        tpu.vector_store %arg29[%parallel_loop3A_485, %parallel_loop3A_486], %parallel_loop3A_480 {strides = array<i32>} : memref<80x32xf32, #tpu.memory_space<vmem>>, vector<16xf32>,
      } {sc.loop_unroll_factor = 16 : i64, sc.parallel_access}
      %dma_start3A_308 = arith.constant 0 : i32
      %dma_start3A_309 = arith.constant 0 : i32
      %dma_start3A_310 = tpu.memref_slice %arg33[%dma_start3A_308, %dma_start3A_309] : memref<10000x32xf32, #tpu.memory_space<vmem_shared>> -> memref<10000x32xf32, #tpu.memory_space<vmem_shared>>
      tpu.enqueue_indirect_dma source(%arg29 : memref<80x32xf32, #tpu.memory_space<vmem>>) target(%dma_start3A_310 : memref<10000x32xf32, #tpu.memory_space<vmem_shared>>) offsets(%arg17 : memref<80xi32, #tpu.memory_space<vmem>>) semaphore(%arg43 : memref<!tpu.dma_semaphore, #tpu.memory_space<semaphore_mem>>) {add = true}
      %dma_wait3A_311 = arith.constant 0 : i32
      %dma_wait3A_312 = arith.constant 0 : i32
      %dma_wait3A_313 = tpu.memref_slice %arg4[%dma_wait3A_311, %dma_wait3A_312] : memref<2x320000xi32, #tpu.memory_space<hbm>> -> memref<1x80xi32, #tpu.memory_space<hbm>>
      %dma_wait3A_314 = tpu.memref_squeeze %dma_wait3A_313 : memref<1x80xi32, #tpu.memory_space<hbm>> -> memref<80xi32, #tpu.memory_space<hbm>>
      %dma_wait3A_315 = arith.constant 0 : i32
      %dma_wait3A_316 = tpu.memref_slice %arg4[%dma_wait3A_311, %dma_wait3A_315] : memref<2x320000xi32, #tpu.memory_space<hbm>> -> memref<1x80xi32, #tpu.memory_space<hbm>>
      %dma_wait3A_317 = tpu.memref_squeeze %dma_wait3A_316 : memref<1x80xi32, #tpu.memory_space<hbm>> -> memref<80xi32, #tpu.memory_space<hbm>>
      tpu.wait_dma2 semaphore(%arg37 : memref<!tpu.dma_semaphore, #tpu.memory_space<semaphore_mem>>) src(%dma_wait3A_317 : memref<80xi32, #tpu.memory_space<hbm>>) dst(%arg11 : memref<80xi32, #tpu.memory_space<vmem>>)
      %dma_wait3A_318 = arith.constant 1 : i32
      %dma_wait3A_319 = arith.constant 0 : i32
      %dma_wait3A_320 = tpu.memref_slice %arg4[%dma_wait3A_318, %dma_wait3A_319] : memref<2x320000xi32, #tpu.memory_space<hbm>> -> memref<1x80xi32, #tpu.memory_space<hbm>>
      %dma_wait3A_321 = tpu.memref_squeeze %dma_wait3A_320 : memref<1x80xi32, #tpu.memory_space<hbm>> -> memref<80xi32, #tpu.memory_space<hbm>>
      %dma_wait3A_322 = arith.constant 0 : i32
      %dma_wait3A_323 = tpu.memref_slice %arg4[%dma_wait3A_318, %dma_wait3A_322] : memref<2x320000xi32, #tpu.memory_space<hbm>> -> memref<1x80xi32, #tpu.memory_space<hbm>>
      %dma_wait3A_324 = tpu.memref_squeeze %dma_wait3A_323 : memref<1x80xi32, #tpu.memory_space<hbm>> -> memref<80xi32, #tpu.memory_space<hbm>>
      tpu.wait_dma2 semaphore(%arg37 : memref<!tpu.dma_semaphore, #tpu.memory_space<semaphore_mem>>) src(%dma_wait3A_324 : memref<80xi32, #tpu.memory_space<hbm>>) dst(%arg15 : memref<80xi32, #tpu.memory_space<vmem>>)
      %dma_start3A_325 = arith.constant 0 : i32
      %dma_start3A_326 = arith.constant 0 : i32
      %dma_start3A_327 = tpu.memref_slice %arg2[%dma_start3A_325, %dma_start3A_326] : memref<10000x16xf32, #tpu.memory_space<hbm>> -> memref<10000x16xf32, #tpu.memory_space<hbm>>
      tpu.enqueue_indirect_dma source(%dma_start3A_327 : memref<10000x16xf32, #tpu.memory_space<hbm>>) target(%arg23 : memref<80x16xf32, #tpu.memory_space<vmem>>) offsets(%arg11 : memref<80xi32, #tpu.memory_space<vmem>>) semaphore(%arg41 : memref<!tpu.dma_semaphore, #tpu.memory_space<semaphore_mem>>)
      %dma_start3A_328 = arith.constant 0 : i32
      %dma_start3A_329 = arith.constant 0 : i32
      %dma_start3A_330 = tpu.memref_slice %arg3[%dma_start3A_328, %dma_start3A_329] : memref<10000x16xf32, #tpu.memory_space<hbm>> -> memref<10000x16xf32, #tpu.memory_space<hbm>>
      tpu.enqueue_indirect_dma source(%dma_start3A_330 : memref<10000x16xf32, #tpu.memory_space<hbm>>) target(%arg27 : memref<80x16xf32, #tpu.memory_space<vmem>>) offsets(%arg15 : memref<80xi32, #tpu.memory_space<vmem>>) semaphore(%arg41 : memref<!tpu.dma_semaphore, #tpu.memory_space<semaphore_mem>>)
      %lt3A = arith.constant 30 : i32
      %lt3A_331 = arith.cmpi slt, %scan3A_182, %lt3A : i32
      %convert_element_type3A_332 = arith.extui %lt3A_331 : i1 to i32
      %cond3A_333 = arith.constant 0 : i32
      %cond3A_334 = arith.cmpi ne, %convert_element_type3A_332, %cond3A_333 : i32
      scf.if %cond3A_334 {
        %add3A_459 = arith.constant 4 : i32
        %add3A_460 = arith.addi %add3A_267, %add3A_459 : i32
        %mul3A_461 = arith.constant 80 : i32
        %mul3A_462 = arith.muli %add3A_460, %mul3A_461 : i32
        %add3A_463 = arith.addi %mul3A_2, %mul3A_462 : i32
        %dma_start3A_464 = arith.constant 0 : i32
        %dma_start3A_465 = tpu.memref_slice %arg4[%dma_start3A_464, %add3A_463] : memref<2x320000xi32, #tpu.memory_space<hbm>> -> memref<1x80xi32, #tpu.memory_space<hbm>>
        %dma_start3A_466 = tpu.memref_squeeze %dma_start3A_465 : memref<1x80xi32, #tpu.memory_space<hbm>> -> memref<80xi32, #tpu.memory_space<hbm>>
        %dma_start3A_467 = tpu.memref_slice %arg4[%dma_start3A_464, %add3A_463] : memref<2x320000xi32, #tpu.memory_space<hbm>> -> memref<1x80xi32, #tpu.memory_space<hbm>>
        %dma_start3A_468 = tpu.memref_squeeze %dma_start3A_467 : memref<1x80xi32, #tpu.memory_space<hbm>> -> memref<80xi32, #tpu.memory_space<hbm>>
        tpu.enqueue_dma source(%dma_start3A_468 : memref<80xi32, #tpu.memory_space<hbm>>) target(%arg9 : memref<80xi32, #tpu.memory_space<vmem>>) target_semaphore(%arg35 : memref<!tpu.dma_semaphore, #tpu.memory_space<semaphore_mem>>)
        %dma_start3A_469 = arith.constant 1 : i32
        %dma_start3A_470 = tpu.memref_slice %arg4[%dma_start3A_469, %add3A_463] : memref<2x320000xi32, #tpu.memory_space<hbm>> -> memref<1x80xi32, #tpu.memory_space<hbm>>
        %dma_start3A_471 = tpu.memref_squeeze %dma_start3A_470 : memref<1x80xi32, #tpu.memory_space<hbm>> -> memref<80xi32, #tpu.memory_space<hbm>>
        %dma_start3A_472 = tpu.memref_slice %arg4[%dma_start3A_469, %add3A_463] : memref<2x320000xi32, #tpu.memory_space<hbm>> -> memref<1x80xi32, #tpu.memory_space<hbm>>
        %dma_start3A_473 = tpu.memref_squeeze %dma_start3A_472 : memref<1x80xi32, #tpu.memory_space<hbm>> -> memref<80xi32, #tpu.memory_space<hbm>>
        tpu.enqueue_dma source(%dma_start3A_473 : memref<80xi32, #tpu.memory_space<hbm>>) target(%arg13 : memref<80xi32, #tpu.memory_space<vmem>>) target_semaphore(%arg35 : memref<!tpu.dma_semaphore, #tpu.memory_space<semaphore_mem>>)
      } else {
      }
      %mul3A_335 = arith.constant 4 : i32
      %mul3A_336 = arith.muli %mul3A_335, %scan3A_182 : i32
      %add3A_337 = arith.constant 2 : i32
      %add3A_338 = arith.addi %mul3A_336, %add3A_337 : i32
      %dma_wait3A_339 = arith.constant 0 : i32
      %dma_wait3A_340 = arith.constant 0 : i32
      %dma_wait3A_341 = tpu.memref_slice %arg2[%dma_wait3A_339, %dma_wait3A_340] : memref<10000x16xf32, #tpu.memory_space<hbm>> -> memref<80x16xf32, #tpu.memory_space<hbm>>
      %dma_wait3A_342 = arith.constant 0 : i32
      %dma_wait3A_343 = arith.constant 0 : i32
      %dma_wait3A_344 = tpu.memref_slice %arg2[%dma_wait3A_342, %dma_wait3A_343] : memref<10000x16xf32, #tpu.memory_space<hbm>> -> memref<80x16xf32, #tpu.memory_space<hbm>>
      tpu.wait_dma2 semaphore(%arg40 : memref<!tpu.dma_semaphore, #tpu.memory_space<semaphore_mem>>) src(%dma_wait3A_344 : memref<80x16xf32, #tpu.memory_space<hbm>>) dst(%arg22 : memref<80x16xf32, #tpu.memory_space<vmem>>)
      %dma_wait3A_345 = arith.constant 0 : i32
      %dma_wait3A_346 = arith.constant 0 : i32
      %dma_wait3A_347 = tpu.memref_slice %arg3[%dma_wait3A_345, %dma_wait3A_346] : memref<10000x16xf32, #tpu.memory_space<hbm>> -> memref<80x16xf32, #tpu.memory_space<hbm>>
      %dma_wait3A_348 = arith.constant 0 : i32
      %dma_wait3A_349 = arith.constant 0 : i32
      %dma_wait3A_350 = tpu.memref_slice %arg3[%dma_wait3A_348, %dma_wait3A_349] : memref<10000x16xf32, #tpu.memory_space<hbm>> -> memref<80x16xf32, #tpu.memory_space<hbm>>
      tpu.wait_dma2 semaphore(%arg40 : memref<!tpu.dma_semaphore, #tpu.memory_space<semaphore_mem>>) src(%dma_wait3A_350 : memref<80x16xf32, #tpu.memory_space<hbm>>) dst(%arg26 : memref<80x16xf32, #tpu.memory_space<vmem>>)
      %gt3A_351 = arith.constant 0 : i32
      %gt3A_352 = arith.cmpi sgt, %scan3A_182, %gt3A_351 : i32
      %convert_element_type3A_353 = arith.extui %gt3A_352 : i1 to i32
      %cond3A_354 = arith.constant 0 : i32
      %cond3A_355 = arith.cmpi ne, %convert_element_type3A_353, %cond3A_354 : i32
      scf.if %cond3A_355 {
        %dma_wait3A_459 = arith.constant 0 : i32
        %dma_wait3A_460 = arith.constant 0 : i32
        %dma_wait3A_461 = tpu.memref_slice %arg33[%dma_wait3A_459, %dma_wait3A_460] : memref<10000x32xf32, #tpu.memory_space<vmem_shared>> -> memref<80x32xf32, #tpu.memory_space<vmem_shared>>
        %dma_wait3A_462 = arith.constant 0 : i32
        %dma_wait3A_463 = arith.constant 0 : i32
        %dma_wait3A_464 = tpu.memref_slice %arg33[%dma_wait3A_462, %dma_wait3A_463] : memref<10000x32xf32, #tpu.memory_space<vmem_shared>> -> memref<80x32xf32, #tpu.memory_space<vmem_shared>>
        tpu.wait_dma2 semaphore(%arg44 : memref<!tpu.dma_semaphore, #tpu.memory_space<semaphore_mem>>) src(%arg30 : memref<80x32xf32, #tpu.memory_space<vmem>>) dst(%dma_wait3A_464 : memref<80x32xf32, #tpu.memory_space<vmem_shared>>)
      } else {
      }
      %get3A_356 = arith.constant 0 : index
      %get3A_357 = tpu.vector_load %arg14[%get3A_356] {strides = array<i32>} : memref<80xi32, #tpu.memory_space<vmem>>, vector<16xi32>,
      %swap3A_358 = arith.constant 0 : index
      %swap3A_359 = tpu.vector_load %arg18[%swap3A_358] {strides = array<i32>} : memref<80xi32, #tpu.memory_space<vmem>>, vector<16xi32>,
      tpu.vector_store %arg18[%swap3A_358], %get3A_357 {strides = array<i32>} : memref<80xi32, #tpu.memory_space<vmem>>, vector<16xi32>,
      %get3A_360 = arith.constant 16 : index
      %get3A_361 = tpu.vector_load %arg14[%get3A_360] {strides = array<i32>} : memref<80xi32, #tpu.memory_space<vmem>>, vector<16xi32>,
      %swap3A_362 = arith.constant 16 : index
      %swap3A_363 = tpu.vector_load %arg18[%swap3A_362] {strides = array<i32>} : memref<80xi32, #tpu.memory_space<vmem>>, vector<16xi32>,
      tpu.vector_store %arg18[%swap3A_362], %get3A_361 {strides = array<i32>} : memref<80xi32, #tpu.memory_space<vmem>>, vector<16xi32>,
      %get3A_364 = arith.constant 32 : index
      %get3A_365 = tpu.vector_load %arg14[%get3A_364] {strides = array<i32>} : memref<80xi32, #tpu.memory_space<vmem>>, vector<16xi32>,
      %swap3A_366 = arith.constant 32 : index
      %swap3A_367 = tpu.vector_load %arg18[%swap3A_366] {strides = array<i32>} : memref<80xi32, #tpu.memory_space<vmem>>, vector<16xi32>,
      tpu.vector_store %arg18[%swap3A_366], %get3A_365 {strides = array<i32>} : memref<80xi32, #tpu.memory_space<vmem>>, vector<16xi32>,
      %get3A_368 = arith.constant 48 : index
      %get3A_369 = tpu.vector_load %arg14[%get3A_368] {strides = array<i32>} : memref<80xi32, #tpu.memory_space<vmem>>, vector<16xi32>,
      %swap3A_370 = arith.constant 48 : index
      %swap3A_371 = tpu.vector_load %arg18[%swap3A_370] {strides = array<i32>} : memref<80xi32, #tpu.memory_space<vmem>>, vector<16xi32>,
      tpu.vector_store %arg18[%swap3A_370], %get3A_369 {strides = array<i32>} : memref<80xi32, #tpu.memory_space<vmem>>, vector<16xi32>,
      %get3A_372 = arith.constant 64 : index
      %get3A_373 = tpu.vector_load %arg14[%get3A_372] {strides = array<i32>} : memref<80xi32, #tpu.memory_space<vmem>>, vector<16xi32>,
      %swap3A_374 = arith.constant 64 : index
      %swap3A_375 = tpu.vector_load %arg18[%swap3A_374] {strides = array<i32>} : memref<80xi32, #tpu.memory_space<vmem>>, vector<16xi32>,
      tpu.vector_store %arg18[%swap3A_374], %get3A_373 {strides = array<i32>} : memref<80xi32, #tpu.memory_space<vmem>>, vector<16xi32>,
      %parallel_loop3A_376 = arith.constant 0 : i32
      %parallel_loop3A_377 = arith.constant 80 : i32
      %parallel_loop3A_378 = arith.constant 1 : i32
      scf.for %parallel_loop3A_459 = %parallel_loop3A_376 to %parallel_loop3A_377 step %parallel_loop3A_378  : i32 {
        %parallel_loop3A_460 = arith.index_cast %parallel_loop3A_459 : i32 to index
        %parallel_loop3A_461 = arith.constant 0 : index
        %parallel_loop3A_462 = tpu.vector_load %arg22[%parallel_loop3A_460, %parallel_loop3A_461] {strides = array<i32>} : memref<80x16xf32, #tpu.memory_space<vmem>>, vector<16xf32>,
        %parallel_loop3A_463 = arith.index_cast %parallel_loop3A_459 : i32 to index
        %parallel_loop3A_464 = arith.constant 0 : index
        %parallel_loop3A_465 = tpu.vector_load %arg26[%parallel_loop3A_463, %parallel_loop3A_464] {strides = array<i32>} : memref<80x16xf32, #tpu.memory_space<vmem>>, vector<16xf32>,
        %parallel_loop3A_466 = arith.addf %parallel_loop3A_462, %parallel_loop3A_465 : vector<16xf32>
        %parallel_loop3A_467 = arith.constant 2.000000e-01 : f32
        %parallel_loop3A_468 = vector.broadcast %parallel_loop3A_467 : f32 to vector<16xf32>
        %parallel_loop3A_469 = arith.mulf %parallel_loop3A_468, %parallel_loop3A_466 : vector<16xf32>
        %parallel_loop3A_470 = arith.maximumf %parallel_loop3A_466, %parallel_loop3A_469 : vector<16xf32>
        %parallel_loop3A_471 = arith.mulf %parallel_loop3A_470, %get3A_9 : vector<16xf32>
        %parallel_loop3A_472 = vector.shape_cast %xor3A_11 : vector<16xi32> to vector<16x1xi32>
        %parallel_loop3A_473 = vector.shape_cast %parallel_loop3A_472 : vector<16x1xi32> to vector<16xi32>
        %parallel_loop3A_474 = tpu.dynamic_gather %parallel_loop3A_471[%parallel_loop3A_473] in [0] : vector<16xf32>, vector<16xi32> -> vector<16xf32>
        %parallel_loop3A_475 = arith.addf %parallel_loop3A_471, %parallel_loop3A_474 : vector<16xf32>
        %parallel_loop3A_476 = vector.shape_cast %xor3A_14 : vector<16xi32> to vector<16x1xi32>
        %parallel_loop3A_477 = vector.shape_cast %parallel_loop3A_476 : vector<16x1xi32> to vector<16xi32>
        %parallel_loop3A_478 = tpu.dynamic_gather %parallel_loop3A_475[%parallel_loop3A_477] in [0] : vector<16xf32>, vector<16xi32> -> vector<16xf32>
        %parallel_loop3A_479 = arith.addf %parallel_loop3A_475, %parallel_loop3A_478 : vector<16xf32>
        %parallel_loop3A_480 = math.exp %parallel_loop3A_479 : vector<16xf32>
        %parallel_loop3A_481 = arith.mulf %parallel_loop3A_462, %parallel_loop3A_480 : vector<16xf32>
        %parallel_loop3A_482 = arith.index_cast %parallel_loop3A_459 : i32 to index
        %parallel_loop3A_483 = arith.constant 0 : index
        %parallel_loop3A_484 = tpu.vector_load %arg30[%parallel_loop3A_482, %parallel_loop3A_483] {strides = array<i32>} : memref<80x32xf32, #tpu.memory_space<vmem>>, vector<16xf32>,
        tpu.vector_store %arg30[%parallel_loop3A_482, %parallel_loop3A_483], %parallel_loop3A_481 {strides = array<i32>} : memref<80x32xf32, #tpu.memory_space<vmem>>, vector<16xf32>,
        %parallel_loop3A_485 = arith.index_cast %parallel_loop3A_459 : i32 to index
        %parallel_loop3A_486 = arith.constant 16 : index
        %parallel_loop3A_487 = tpu.vector_load %arg30[%parallel_loop3A_485, %parallel_loop3A_486] {strides = array<i32>} : memref<80x32xf32, #tpu.memory_space<vmem>>, vector<16xf32>,
        tpu.vector_store %arg30[%parallel_loop3A_485, %parallel_loop3A_486], %parallel_loop3A_480 {strides = array<i32>} : memref<80x32xf32, #tpu.memory_space<vmem>>, vector<16xf32>,
      } {sc.loop_unroll_factor = 16 : i64, sc.parallel_access}
      %dma_start3A_379 = arith.constant 0 : i32
      %dma_start3A_380 = arith.constant 0 : i32
      %dma_start3A_381 = tpu.memref_slice %arg33[%dma_start3A_379, %dma_start3A_380] : memref<10000x32xf32, #tpu.memory_space<vmem_shared>> -> memref<10000x32xf32, #tpu.memory_space<vmem_shared>>
      tpu.enqueue_indirect_dma source(%arg30 : memref<80x32xf32, #tpu.memory_space<vmem>>) target(%dma_start3A_381 : memref<10000x32xf32, #tpu.memory_space<vmem_shared>>) offsets(%arg18 : memref<80xi32, #tpu.memory_space<vmem>>) semaphore(%arg44 : memref<!tpu.dma_semaphore, #tpu.memory_space<semaphore_mem>>) {add = true}
      %dma_wait3A_382 = arith.constant 0 : i32
      %dma_wait3A_383 = arith.constant 0 : i32
      %dma_wait3A_384 = tpu.memref_slice %arg4[%dma_wait3A_382, %dma_wait3A_383] : memref<2x320000xi32, #tpu.memory_space<hbm>> -> memref<1x80xi32, #tpu.memory_space<hbm>>
      %dma_wait3A_385 = tpu.memref_squeeze %dma_wait3A_384 : memref<1x80xi32, #tpu.memory_space<hbm>> -> memref<80xi32, #tpu.memory_space<hbm>>
      %dma_wait3A_386 = arith.constant 0 : i32
      %dma_wait3A_387 = tpu.memref_slice %arg4[%dma_wait3A_382, %dma_wait3A_386] : memref<2x320000xi32, #tpu.memory_space<hbm>> -> memref<1x80xi32, #tpu.memory_space<hbm>>
      %dma_wait3A_388 = tpu.memref_squeeze %dma_wait3A_387 : memref<1x80xi32, #tpu.memory_space<hbm>> -> memref<80xi32, #tpu.memory_space<hbm>>
      tpu.wait_dma2 semaphore(%arg34 : memref<!tpu.dma_semaphore, #tpu.memory_space<semaphore_mem>>) src(%dma_wait3A_388 : memref<80xi32, #tpu.memory_space<hbm>>) dst(%arg8 : memref<80xi32, #tpu.memory_space<vmem>>)
      %dma_wait3A_389 = arith.constant 1 : i32
      %dma_wait3A_390 = arith.constant 0 : i32
      %dma_wait3A_391 = tpu.memref_slice %arg4[%dma_wait3A_389, %dma_wait3A_390] : memref<2x320000xi32, #tpu.memory_space<hbm>> -> memref<1x80xi32, #tpu.memory_space<hbm>>
      %dma_wait3A_392 = tpu.memref_squeeze %dma_wait3A_391 : memref<1x80xi32, #tpu.memory_space<hbm>> -> memref<80xi32, #tpu.memory_space<hbm>>
      %dma_wait3A_393 = arith.constant 0 : i32
      %dma_wait3A_394 = tpu.memref_slice %arg4[%dma_wait3A_389, %dma_wait3A_393] : memref<2x320000xi32, #tpu.memory_space<hbm>> -> memref<1x80xi32, #tpu.memory_space<hbm>>
      %dma_wait3A_395 = tpu.memref_squeeze %dma_wait3A_394 : memref<1x80xi32, #tpu.memory_space<hbm>> -> memref<80xi32, #tpu.memory_space<hbm>>
      tpu.wait_dma2 semaphore(%arg34 : memref<!tpu.dma_semaphore, #tpu.memory_space<semaphore_mem>>) src(%dma_wait3A_395 : memref<80xi32, #tpu.memory_space<hbm>>) dst(%arg12 : memref<80xi32, #tpu.memory_space<vmem>>)
      %dma_start3A_396 = arith.constant 0 : i32
      %dma_start3A_397 = arith.constant 0 : i32
      %dma_start3A_398 = tpu.memref_slice %arg2[%dma_start3A_396, %dma_start3A_397] : memref<10000x16xf32, #tpu.memory_space<hbm>> -> memref<10000x16xf32, #tpu.memory_space<hbm>>
      tpu.enqueue_indirect_dma source(%dma_start3A_398 : memref<10000x16xf32, #tpu.memory_space<hbm>>) target(%arg20 : memref<80x16xf32, #tpu.memory_space<vmem>>) offsets(%arg8 : memref<80xi32, #tpu.memory_space<vmem>>) semaphore(%arg38 : memref<!tpu.dma_semaphore, #tpu.memory_space<semaphore_mem>>)
      %dma_start3A_399 = arith.constant 0 : i32
      %dma_start3A_400 = arith.constant 0 : i32
      %dma_start3A_401 = tpu.memref_slice %arg3[%dma_start3A_399, %dma_start3A_400] : memref<10000x16xf32, #tpu.memory_space<hbm>> -> memref<10000x16xf32, #tpu.memory_space<hbm>>
      tpu.enqueue_indirect_dma source(%dma_start3A_401 : memref<10000x16xf32, #tpu.memory_space<hbm>>) target(%arg24 : memref<80x16xf32, #tpu.memory_space<vmem>>) offsets(%arg12 : memref<80xi32, #tpu.memory_space<vmem>>) semaphore(%arg38 : memref<!tpu.dma_semaphore, #tpu.memory_space<semaphore_mem>>)
      %lt3A_402 = arith.constant 30 : i32
      %lt3A_403 = arith.cmpi slt, %scan3A_182, %lt3A_402 : i32
      %convert_element_type3A_404 = arith.extui %lt3A_403 : i1 to i32
      %cond3A_405 = arith.constant 0 : i32
      %cond3A_406 = arith.cmpi ne, %convert_element_type3A_404, %cond3A_405 : i32
      scf.if %cond3A_406 {
        %add3A_459 = arith.constant 4 : i32
        %add3A_460 = arith.addi %add3A_338, %add3A_459 : i32
        %mul3A_461 = arith.constant 80 : i32
        %mul3A_462 = arith.muli %add3A_460, %mul3A_461 : i32
        %add3A_463 = arith.addi %mul3A_2, %mul3A_462 : i32
        %dma_start3A_464 = arith.constant 0 : i32
        %dma_start3A_465 = tpu.memref_slice %arg4[%dma_start3A_464, %add3A_463] : memref<2x320000xi32, #tpu.memory_space<hbm>> -> memref<1x80xi32, #tpu.memory_space<hbm>>
        %dma_start3A_466 = tpu.memref_squeeze %dma_start3A_465 : memref<1x80xi32, #tpu.memory_space<hbm>> -> memref<80xi32, #tpu.memory_space<hbm>>
        %dma_start3A_467 = tpu.memref_slice %arg4[%dma_start3A_464, %add3A_463] : memref<2x320000xi32, #tpu.memory_space<hbm>> -> memref<1x80xi32, #tpu.memory_space<hbm>>
        %dma_start3A_468 = tpu.memref_squeeze %dma_start3A_467 : memref<1x80xi32, #tpu.memory_space<hbm>> -> memref<80xi32, #tpu.memory_space<hbm>>
        tpu.enqueue_dma source(%dma_start3A_468 : memref<80xi32, #tpu.memory_space<hbm>>) target(%arg10 : memref<80xi32, #tpu.memory_space<vmem>>) target_semaphore(%arg36 : memref<!tpu.dma_semaphore, #tpu.memory_space<semaphore_mem>>)
        %dma_start3A_469 = arith.constant 1 : i32
        %dma_start3A_470 = tpu.memref_slice %arg4[%dma_start3A_469, %add3A_463] : memref<2x320000xi32, #tpu.memory_space<hbm>> -> memref<1x80xi32, #tpu.memory_space<hbm>>
        %dma_start3A_471 = tpu.memref_squeeze %dma_start3A_470 : memref<1x80xi32, #tpu.memory_space<hbm>> -> memref<80xi32, #tpu.memory_space<hbm>>
        %dma_start3A_472 = tpu.memref_slice %arg4[%dma_start3A_469, %add3A_463] : memref<2x320000xi32, #tpu.memory_space<hbm>> -> memref<1x80xi32, #tpu.memory_space<hbm>>
        %dma_start3A_473 = tpu.memref_squeeze %dma_start3A_472 : memref<1x80xi32, #tpu.memory_space<hbm>> -> memref<80xi32, #tpu.memory_space<hbm>>
        tpu.enqueue_dma source(%dma_start3A_473 : memref<80xi32, #tpu.memory_space<hbm>>) target(%arg14 : memref<80xi32, #tpu.memory_space<vmem>>) target_semaphore(%arg36 : memref<!tpu.dma_semaphore, #tpu.memory_space<semaphore_mem>>)
      } else {
      }
      %mul3A_407 = arith.constant 4 : i32
      %mul3A_408 = arith.muli %mul3A_407, %scan3A_182 : i32
      %add3A_409 = arith.constant 3 : i32
      %add3A_410 = arith.addi %mul3A_408, %add3A_409 : i32
      %dma_wait3A_411 = arith.constant 0 : i32
      %dma_wait3A_412 = arith.constant 0 : i32
      %dma_wait3A_413 = tpu.memref_slice %arg2[%dma_wait3A_411, %dma_wait3A_412] : memref<10000x16xf32, #tpu.memory_space<hbm>> -> memref<80x16xf32, #tpu.memory_space<hbm>>
      %dma_wait3A_414 = arith.constant 0 : i32
      %dma_wait3A_415 = arith.constant 0 : i32
      %dma_wait3A_416 = tpu.memref_slice %arg2[%dma_wait3A_414, %dma_wait3A_415] : memref<10000x16xf32, #tpu.memory_space<hbm>> -> memref<80x16xf32, #tpu.memory_space<hbm>>
      tpu.wait_dma2 semaphore(%arg41 : memref<!tpu.dma_semaphore, #tpu.memory_space<semaphore_mem>>) src(%dma_wait3A_416 : memref<80x16xf32, #tpu.memory_space<hbm>>) dst(%arg23 : memref<80x16xf32, #tpu.memory_space<vmem>>)
      %dma_wait3A_417 = arith.constant 0 : i32
      %dma_wait3A_418 = arith.constant 0 : i32
      %dma_wait3A_419 = tpu.memref_slice %arg3[%dma_wait3A_417, %dma_wait3A_418] : memref<10000x16xf32, #tpu.memory_space<hbm>> -> memref<80x16xf32, #tpu.memory_space<hbm>>
      %dma_wait3A_420 = arith.constant 0 : i32
      %dma_wait3A_421 = arith.constant 0 : i32
      %dma_wait3A_422 = tpu.memref_slice %arg3[%dma_wait3A_420, %dma_wait3A_421] : memref<10000x16xf32, #tpu.memory_space<hbm>> -> memref<80x16xf32, #tpu.memory_space<hbm>>
      tpu.wait_dma2 semaphore(%arg41 : memref<!tpu.dma_semaphore, #tpu.memory_space<semaphore_mem>>) src(%dma_wait3A_422 : memref<80x16xf32, #tpu.memory_space<hbm>>) dst(%arg27 : memref<80x16xf32, #tpu.memory_space<vmem>>)
      %gt3A_423 = arith.constant 0 : i32
      %gt3A_424 = arith.cmpi sgt, %scan3A_182, %gt3A_423 : i32
      %convert_element_type3A_425 = arith.extui %gt3A_424 : i1 to i32
      %cond3A_426 = arith.constant 0 : i32
      %cond3A_427 = arith.cmpi ne, %convert_element_type3A_425, %cond3A_426 : i32
      scf.if %cond3A_427 {
        %dma_wait3A_459 = arith.constant 0 : i32
        %dma_wait3A_460 = arith.constant 0 : i32
        %dma_wait3A_461 = tpu.memref_slice %arg33[%dma_wait3A_459, %dma_wait3A_460] : memref<10000x32xf32, #tpu.memory_space<vmem_shared>> -> memref<80x32xf32, #tpu.memory_space<vmem_shared>>
        %dma_wait3A_462 = arith.constant 0 : i32
        %dma_wait3A_463 = arith.constant 0 : i32
        %dma_wait3A_464 = tpu.memref_slice %arg33[%dma_wait3A_462, %dma_wait3A_463] : memref<10000x32xf32, #tpu.memory_space<vmem_shared>> -> memref<80x32xf32, #tpu.memory_space<vmem_shared>>
        tpu.wait_dma2 semaphore(%arg45 : memref<!tpu.dma_semaphore, #tpu.memory_space<semaphore_mem>>) src(%arg31 : memref<80x32xf32, #tpu.memory_space<vmem>>) dst(%dma_wait3A_464 : memref<80x32xf32, #tpu.memory_space<vmem_shared>>)
      } else {
      }
      %get3A_428 = arith.constant 0 : index
      %get3A_429 = tpu.vector_load %arg15[%get3A_428] {strides = array<i32>} : memref<80xi32, #tpu.memory_space<vmem>>, vector<16xi32>,
      %swap3A_430 = arith.constant 0 : index
      %swap3A_431 = tpu.vector_load %arg19[%swap3A_430] {strides = array<i32>} : memref<80xi32, #tpu.memory_space<vmem>>, vector<16xi32>,
      tpu.vector_store %arg19[%swap3A_430], %get3A_429 {strides = array<i32>} : memref<80xi32, #tpu.memory_space<vmem>>, vector<16xi32>,
      %get3A_432 = arith.constant 16 : index
      %get3A_433 = tpu.vector_load %arg15[%get3A_432] {strides = array<i32>} : memref<80xi32, #tpu.memory_space<vmem>>, vector<16xi32>,
      %swap3A_434 = arith.constant 16 : index
      %swap3A_435 = tpu.vector_load %arg19[%swap3A_434] {strides = array<i32>} : memref<80xi32, #tpu.memory_space<vmem>>, vector<16xi32>,
      tpu.vector_store %arg19[%swap3A_434], %get3A_433 {strides = array<i32>} : memref<80xi32, #tpu.memory_space<vmem>>, vector<16xi32>,
      %get3A_436 = arith.constant 32 : index
      %get3A_437 = tpu.vector_load %arg15[%get3A_436] {strides = array<i32>} : memref<80xi32, #tpu.memory_space<vmem>>, vector<16xi32>,
      %swap3A_438 = arith.constant 32 : index
      %swap3A_439 = tpu.vector_load %arg19[%swap3A_438] {strides = array<i32>} : memref<80xi32, #tpu.memory_space<vmem>>, vector<16xi32>,
      tpu.vector_store %arg19[%swap3A_438], %get3A_437 {strides = array<i32>} : memref<80xi32, #tpu.memory_space<vmem>>, vector<16xi32>,
      %get3A_440 = arith.constant 48 : index
      %get3A_441 = tpu.vector_load %arg15[%get3A_440] {strides = array<i32>} : memref<80xi32, #tpu.memory_space<vmem>>, vector<16xi32>,
      %swap3A_442 = arith.constant 48 : index
      %swap3A_443 = tpu.vector_load %arg19[%swap3A_442] {strides = array<i32>} : memref<80xi32, #tpu.memory_space<vmem>>, vector<16xi32>,
      tpu.vector_store %arg19[%swap3A_442], %get3A_441 {strides = array<i32>} : memref<80xi32, #tpu.memory_space<vmem>>, vector<16xi32>,
      %get3A_444 = arith.constant 64 : index
      %get3A_445 = tpu.vector_load %arg15[%get3A_444] {strides = array<i32>} : memref<80xi32, #tpu.memory_space<vmem>>, vector<16xi32>,
      %swap3A_446 = arith.constant 64 : index
      %swap3A_447 = tpu.vector_load %arg19[%swap3A_446] {strides = array<i32>} : memref<80xi32, #tpu.memory_space<vmem>>, vector<16xi32>,
      tpu.vector_store %arg19[%swap3A_446], %get3A_445 {strides = array<i32>} : memref<80xi32, #tpu.memory_space<vmem>>, vector<16xi32>,
      %parallel_loop3A_448 = arith.constant 0 : i32
      %parallel_loop3A_449 = arith.constant 80 : i32
      %parallel_loop3A_450 = arith.constant 1 : i32
      scf.for %parallel_loop3A_459 = %parallel_loop3A_448 to %parallel_loop3A_449 step %parallel_loop3A_450  : i32 {
        %parallel_loop3A_460 = arith.index_cast %parallel_loop3A_459 : i32 to index
        %parallel_loop3A_461 = arith.constant 0 : index
        %parallel_loop3A_462 = tpu.vector_load %arg23[%parallel_loop3A_460, %parallel_loop3A_461] {strides = array<i32>} : memref<80x16xf32, #tpu.memory_space<vmem>>, vector<16xf32>,
        %parallel_loop3A_463 = arith.index_cast %parallel_loop3A_459 : i32 to index
        %parallel_loop3A_464 = arith.constant 0 : index
        %parallel_loop3A_465 = tpu.vector_load %arg27[%parallel_loop3A_463, %parallel_loop3A_464] {strides = array<i32>} : memref<80x16xf32, #tpu.memory_space<vmem>>, vector<16xf32>,
        %parallel_loop3A_466 = arith.addf %parallel_loop3A_462, %parallel_loop3A_465 : vector<16xf32>
        %parallel_loop3A_467 = arith.constant 2.000000e-01 : f32
        %parallel_loop3A_468 = vector.broadcast %parallel_loop3A_467 : f32 to vector<16xf32>
        %parallel_loop3A_469 = arith.mulf %parallel_loop3A_468, %parallel_loop3A_466 : vector<16xf32>
        %parallel_loop3A_470 = arith.maximumf %parallel_loop3A_466, %parallel_loop3A_469 : vector<16xf32>
        %parallel_loop3A_471 = arith.mulf %parallel_loop3A_470, %get3A_9 : vector<16xf32>
        %parallel_loop3A_472 = vector.shape_cast %xor3A_11 : vector<16xi32> to vector<16x1xi32>
        %parallel_loop3A_473 = vector.shape_cast %parallel_loop3A_472 : vector<16x1xi32> to vector<16xi32>
        %parallel_loop3A_474 = tpu.dynamic_gather %parallel_loop3A_471[%parallel_loop3A_473] in [0] : vector<16xf32>, vector<16xi32> -> vector<16xf32>
        %parallel_loop3A_475 = arith.addf %parallel_loop3A_471, %parallel_loop3A_474 : vector<16xf32>
        %parallel_loop3A_476 = vector.shape_cast %xor3A_14 : vector<16xi32> to vector<16x1xi32>
        %parallel_loop3A_477 = vector.shape_cast %parallel_loop3A_476 : vector<16x1xi32> to vector<16xi32>
        %parallel_loop3A_478 = tpu.dynamic_gather %parallel_loop3A_475[%parallel_loop3A_477] in [0] : vector<16xf32>, vector<16xi32> -> vector<16xf32>
        %parallel_loop3A_479 = arith.addf %parallel_loop3A_475, %parallel_loop3A_478 : vector<16xf32>
        %parallel_loop3A_480 = math.exp %parallel_loop3A_479 : vector<16xf32>
        %parallel_loop3A_481 = arith.mulf %parallel_loop3A_462, %parallel_loop3A_480 : vector<16xf32>
        %parallel_loop3A_482 = arith.index_cast %parallel_loop3A_459 : i32 to index
        %parallel_loop3A_483 = arith.constant 0 : index
        %parallel_loop3A_484 = tpu.vector_load %arg31[%parallel_loop3A_482, %parallel_loop3A_483] {strides = array<i32>} : memref<80x32xf32, #tpu.memory_space<vmem>>, vector<16xf32>,
        tpu.vector_store %arg31[%parallel_loop3A_482, %parallel_loop3A_483], %parallel_loop3A_481 {strides = array<i32>} : memref<80x32xf32, #tpu.memory_space<vmem>>, vector<16xf32>,
        %parallel_loop3A_485 = arith.index_cast %parallel_loop3A_459 : i32 to index
        %parallel_loop3A_486 = arith.constant 16 : index
        %parallel_loop3A_487 = tpu.vector_load %arg31[%parallel_loop3A_485, %parallel_loop3A_486] {strides = array<i32>} : memref<80x32xf32, #tpu.memory_space<vmem>>, vector<16xf32>,
        tpu.vector_store %arg31[%parallel_loop3A_485, %parallel_loop3A_486], %parallel_loop3A_480 {strides = array<i32>} : memref<80x32xf32, #tpu.memory_space<vmem>>, vector<16xf32>,
      } {sc.loop_unroll_factor = 16 : i64, sc.parallel_access}
      %dma_start3A_451 = arith.constant 0 : i32
      %dma_start3A_452 = arith.constant 0 : i32
      %dma_start3A_453 = tpu.memref_slice %arg33[%dma_start3A_451, %dma_start3A_452] : memref<10000x32xf32, #tpu.memory_space<vmem_shared>> -> memref<10000x32xf32, #tpu.memory_space<vmem_shared>>
      tpu.enqueue_indirect_dma source(%arg31 : memref<80x32xf32, #tpu.memory_space<vmem>>) target(%dma_start3A_453 : memref<10000x32xf32, #tpu.memory_space<vmem_shared>>) offsets(%arg19 : memref<80xi32, #tpu.memory_space<vmem>>) semaphore(%arg45 : memref<!tpu.dma_semaphore, #tpu.memory_space<semaphore_mem>>) {add = true}
      %lt3A_454 = arith.constant 30 : i32
      %lt3A_455 = arith.cmpi slt, %scan3A_182, %lt3A_454 : i32
      %convert_element_type3A_456 = arith.extui %lt3A_455 : i1 to i32
      %cond3A_457 = arith.constant 0 : i32
      %cond3A_458 = arith.cmpi ne, %convert_element_type3A_456, %cond3A_457 : i32
      scf.if %cond3A_458 {
        %dma_wait3A_459 = arith.constant 0 : i32
        %dma_wait3A_460 = arith.constant 0 : i32
        %dma_wait3A_461 = tpu.memref_slice %arg4[%dma_wait3A_459, %dma_wait3A_460] : memref<2x320000xi32, #tpu.memory_space<hbm>> -> memref<1x80xi32, #tpu.memory_space<hbm>>
        %dma_wait3A_462 = tpu.memref_squeeze %dma_wait3A_461 : memref<1x80xi32, #tpu.memory_space<hbm>> -> memref<80xi32, #tpu.memory_space<hbm>>
        %dma_wait3A_463 = arith.constant 0 : i32
        %dma_wait3A_464 = tpu.memref_slice %arg4[%dma_wait3A_459, %dma_wait3A_463] : memref<2x320000xi32, #tpu.memory_space<hbm>> -> memref<1x80xi32, #tpu.memory_space<hbm>>
        %dma_wait3A_465 = tpu.memref_squeeze %dma_wait3A_464 : memref<1x80xi32, #tpu.memory_space<hbm>> -> memref<80xi32, #tpu.memory_space<hbm>>
        tpu.wait_dma2 semaphore(%arg35 : memref<!tpu.dma_semaphore, #tpu.memory_space<semaphore_mem>>) src(%dma_wait3A_465 : memref<80xi32, #tpu.memory_space<hbm>>) dst(%arg9 : memref<80xi32, #tpu.memory_space<vmem>>)
        %dma_wait3A_466 = arith.constant 1 : i32
        %dma_wait3A_467 = arith.constant 0 : i32
        %dma_wait3A_468 = tpu.memref_slice %arg4[%dma_wait3A_466, %dma_wait3A_467] : memref<2x320000xi32, #tpu.memory_space<hbm>> -> memref<1x80xi32, #tpu.memory_space<hbm>>
        %dma_wait3A_469 = tpu.memref_squeeze %dma_wait3A_468 : memref<1x80xi32, #tpu.memory_space<hbm>> -> memref<80xi32, #tpu.memory_space<hbm>>
        %dma_wait3A_470 = arith.constant 0 : i32
        %dma_wait3A_471 = tpu.memref_slice %arg4[%dma_wait3A_466, %dma_wait3A_470] : memref<2x320000xi32, #tpu.memory_space<hbm>> -> memref<1x80xi32, #tpu.memory_space<hbm>>
        %dma_wait3A_472 = tpu.memref_squeeze %dma_wait3A_471 : memref<1x80xi32, #tpu.memory_space<hbm>> -> memref<80xi32, #tpu.memory_space<hbm>>
        tpu.wait_dma2 semaphore(%arg35 : memref<!tpu.dma_semaphore, #tpu.memory_space<semaphore_mem>>) src(%dma_wait3A_472 : memref<80xi32, #tpu.memory_space<hbm>>) dst(%arg13 : memref<80xi32, #tpu.memory_space<vmem>>)
        %dma_start3A_473 = arith.constant 0 : i32
        %dma_start3A_474 = arith.constant 0 : i32
        %dma_start3A_475 = tpu.memref_slice %arg2[%dma_start3A_473, %dma_start3A_474] : memref<10000x16xf32, #tpu.memory_space<hbm>> -> memref<10000x16xf32, #tpu.memory_space<hbm>>
        tpu.enqueue_indirect_dma source(%dma_start3A_475 : memref<10000x16xf32, #tpu.memory_space<hbm>>) target(%arg21 : memref<80x16xf32, #tpu.memory_space<vmem>>) offsets(%arg9 : memref<80xi32, #tpu.memory_space<vmem>>) semaphore(%arg39 : memref<!tpu.dma_semaphore, #tpu.memory_space<semaphore_mem>>)
        %dma_start3A_476 = arith.constant 0 : i32
        %dma_start3A_477 = arith.constant 0 : i32
        %dma_start3A_478 = tpu.memref_slice %arg3[%dma_start3A_476, %dma_start3A_477] : memref<10000x16xf32, #tpu.memory_space<hbm>> -> memref<10000x16xf32, #tpu.memory_space<hbm>>
        tpu.enqueue_indirect_dma source(%dma_start3A_478 : memref<10000x16xf32, #tpu.memory_space<hbm>>) target(%arg25 : memref<80x16xf32, #tpu.memory_space<vmem>>) offsets(%arg13 : memref<80xi32, #tpu.memory_space<vmem>>) semaphore(%arg39 : memref<!tpu.dma_semaphore, #tpu.memory_space<semaphore_mem>>)
        %add3A_479 = arith.constant 4 : i32
        %add3A_480 = arith.addi %add3A_410, %add3A_479 : i32
        %mul3A_481 = arith.constant 80 : i32
        %mul3A_482 = arith.muli %add3A_480, %mul3A_481 : i32
        %add3A_483 = arith.addi %mul3A_2, %mul3A_482 : i32
        %dma_start3A_484 = arith.constant 0 : i32
        %dma_start3A_485 = tpu.memref_slice %arg4[%dma_start3A_484, %add3A_483] : memref<2x320000xi32, #tpu.memory_space<hbm>> -> memref<1x80xi32, #tpu.memory_space<hbm>>
        %dma_start3A_486 = tpu.memref_squeeze %dma_start3A_485 : memref<1x80xi32, #tpu.memory_space<hbm>> -> memref<80xi32, #tpu.memory_space<hbm>>
        %dma_start3A_487 = tpu.memref_slice %arg4[%dma_start3A_484, %add3A_483] : memref<2x320000xi32, #tpu.memory_space<hbm>> -> memref<1x80xi32, #tpu.memory_space<hbm>>
        %dma_start3A_488 = tpu.memref_squeeze %dma_start3A_487 : memref<1x80xi32, #tpu.memory_space<hbm>> -> memref<80xi32, #tpu.memory_space<hbm>>
        tpu.enqueue_dma source(%dma_start3A_488 : memref<80xi32, #tpu.memory_space<hbm>>) target(%arg11 : memref<80xi32, #tpu.memory_space<vmem>>) target_semaphore(%arg37 : memref<!tpu.dma_semaphore, #tpu.memory_space<semaphore_mem>>)
        %dma_start3A_489 = arith.constant 1 : i32
        %dma_start3A_490 = tpu.memref_slice %arg4[%dma_start3A_489, %add3A_483] : memref<2x320000xi32, #tpu.memory_space<hbm>> -> memref<1x80xi32, #tpu.memory_space<hbm>>
        %dma_start3A_491 = tpu.memref_squeeze %dma_start3A_490 : memref<1x80xi32, #tpu.memory_space<hbm>> -> memref<80xi32, #tpu.memory_space<hbm>>
        %dma_start3A_492 = tpu.memref_slice %arg4[%dma_start3A_489, %add3A_483] : memref<2x320000xi32, #tpu.memory_space<hbm>> -> memref<1x80xi32, #tpu.memory_space<hbm>>
        %dma_start3A_493 = tpu.memref_squeeze %dma_start3A_492 : memref<1x80xi32, #tpu.memory_space<hbm>> -> memref<80xi32, #tpu.memory_space<hbm>>
        tpu.enqueue_dma source(%dma_start3A_493 : memref<80xi32, #tpu.memory_space<hbm>>) target(%arg15 : memref<80xi32, #tpu.memory_space<vmem>>) target_semaphore(%arg37 : memref<!tpu.dma_semaphore, #tpu.memory_space<semaphore_mem>>)
      } else {
      }
    }
    %scan3A_105 = arith.constant 31 : i32
    %dma_wait3A_106 = arith.constant 0 : i32
    %dma_wait3A_107 = arith.constant 0 : i32
    %dma_wait3A_108 = tpu.memref_slice %arg2[%dma_wait3A_106, %dma_wait3A_107] : memref<10000x16xf32, #tpu.memory_space<hbm>> -> memref<80x16xf32, #tpu.memory_space<hbm>>
    %dma_wait3A_109 = arith.constant 0 : i32
    %dma_wait3A_110 = arith.constant 0 : i32
    %dma_wait3A_111 = tpu.memref_slice %arg2[%dma_wait3A_109, %dma_wait3A_110] : memref<10000x16xf32, #tpu.memory_space<hbm>> -> memref<80x16xf32, #tpu.memory_space<hbm>>
    tpu.wait_dma2 semaphore(%arg38 : memref<!tpu.dma_semaphore, #tpu.memory_space<semaphore_mem>>) src(%dma_wait3A_111 : memref<80x16xf32, #tpu.memory_space<hbm>>) dst(%arg20 : memref<80x16xf32, #tpu.memory_space<vmem>>)
    %dma_wait3A_112 = arith.constant 0 : i32
    %dma_wait3A_113 = arith.constant 0 : i32
    %dma_wait3A_114 = tpu.memref_slice %arg3[%dma_wait3A_112, %dma_wait3A_113] : memref<10000x16xf32, #tpu.memory_space<hbm>> -> memref<80x16xf32, #tpu.memory_space<hbm>>
    %dma_wait3A_115 = arith.constant 0 : i32
    %dma_wait3A_116 = arith.constant 0 : i32
    %dma_wait3A_117 = tpu.memref_slice %arg3[%dma_wait3A_115, %dma_wait3A_116] : memref<10000x16xf32, #tpu.memory_space<hbm>> -> memref<80x16xf32, #tpu.memory_space<hbm>>
    tpu.wait_dma2 semaphore(%arg38 : memref<!tpu.dma_semaphore, #tpu.memory_space<semaphore_mem>>) src(%dma_wait3A_117 : memref<80x16xf32, #tpu.memory_space<hbm>>) dst(%arg24 : memref<80x16xf32, #tpu.memory_space<vmem>>)
    %dma_wait3A_118 = arith.constant 0 : i32
    %dma_wait3A_119 = arith.constant 0 : i32
    %dma_wait3A_120 = tpu.memref_slice %arg33[%dma_wait3A_118, %dma_wait3A_119] : memref<10000x32xf32, #tpu.memory_space<vmem_shared>> -> memref<80x32xf32, #tpu.memory_space<vmem_shared>>
    %dma_wait3A_121 = arith.constant 0 : i32
    %dma_wait3A_122 = arith.constant 0 : i32
    %dma_wait3A_123 = tpu.memref_slice %arg33[%dma_wait3A_121, %dma_wait3A_122] : memref<10000x32xf32, #tpu.memory_space<vmem_shared>> -> memref<80x32xf32, #tpu.memory_space<vmem_shared>>
    tpu.wait_dma2 semaphore(%arg42 : memref<!tpu.dma_semaphore, #tpu.memory_space<semaphore_mem>>) src(%arg28 : memref<80x32xf32, #tpu.memory_space<vmem>>) dst(%dma_wait3A_123 : memref<80x32xf32, #tpu.memory_space<vmem_shared>>)
    %get3A_124 = arith.constant 0 : index
    %get3A_125 = tpu.vector_load %arg12[%get3A_124] {strides = array<i32>} : memref<80xi32, #tpu.memory_space<vmem>>, vector<16xi32>,
    %swap3A = arith.constant 0 : index
    %swap3A_126 = tpu.vector_load %arg16[%swap3A] {strides = array<i32>} : memref<80xi32, #tpu.memory_space<vmem>>, vector<16xi32>,
    tpu.vector_store %arg16[%swap3A], %get3A_125 {strides = array<i32>} : memref<80xi32, #tpu.memory_space<vmem>>, vector<16xi32>,
    %get3A_127 = arith.constant 16 : index
    %get3A_128 = tpu.vector_load %arg12[%get3A_127] {strides = array<i32>} : memref<80xi32, #tpu.memory_space<vmem>>, vector<16xi32>,
    %swap3A_129 = arith.constant 16 : index
    %swap3A_130 = tpu.vector_load %arg16[%swap3A_129] {strides = array<i32>} : memref<80xi32, #tpu.memory_space<vmem>>, vector<16xi32>,
    tpu.vector_store %arg16[%swap3A_129], %get3A_128 {strides = array<i32>} : memref<80xi32, #tpu.memory_space<vmem>>, vector<16xi32>,
    %get3A_131 = arith.constant 32 : index
    %get3A_132 = tpu.vector_load %arg12[%get3A_131] {strides = array<i32>} : memref<80xi32, #tpu.memory_space<vmem>>, vector<16xi32>,
    %swap3A_133 = arith.constant 32 : index
    %swap3A_134 = tpu.vector_load %arg16[%swap3A_133] {strides = array<i32>} : memref<80xi32, #tpu.memory_space<vmem>>, vector<16xi32>,
    tpu.vector_store %arg16[%swap3A_133], %get3A_132 {strides = array<i32>} : memref<80xi32, #tpu.memory_space<vmem>>, vector<16xi32>,
    %get3A_135 = arith.constant 48 : index
    %get3A_136 = tpu.vector_load %arg12[%get3A_135] {strides = array<i32>} : memref<80xi32, #tpu.memory_space<vmem>>, vector<16xi32>,
    %swap3A_137 = arith.constant 48 : index
    %swap3A_138 = tpu.vector_load %arg16[%swap3A_137] {strides = array<i32>} : memref<80xi32, #tpu.memory_space<vmem>>, vector<16xi32>,
    tpu.vector_store %arg16[%swap3A_137], %get3A_136 {strides = array<i32>} : memref<80xi32, #tpu.memory_space<vmem>>, vector<16xi32>,
    %get3A_139 = arith.constant 64 : index
    %get3A_140 = tpu.vector_load %arg12[%get3A_139] {strides = array<i32>} : memref<80xi32, #tpu.memory_space<vmem>>, vector<16xi32>,
    %swap3A_141 = arith.constant 64 : index
    %swap3A_142 = tpu.vector_load %arg16[%swap3A_141] {strides = array<i32>} : memref<80xi32, #tpu.memory_space<vmem>>, vector<16xi32>,
    tpu.vector_store %arg16[%swap3A_141], %get3A_140 {strides = array<i32>} : memref<80xi32, #tpu.memory_space<vmem>>, vector<16xi32>,
    %parallel_loop3A = arith.constant 0 : i32
    %parallel_loop3A_143 = arith.constant 80 : i32
    %parallel_loop3A_144 = arith.constant 1 : i32
    scf.for %parallel_loop3A_182 = %parallel_loop3A to %parallel_loop3A_143 step %parallel_loop3A_144  : i32 {
      %parallel_loop3A_183 = arith.index_cast %parallel_loop3A_182 : i32 to index
      %parallel_loop3A_184 = arith.constant 0 : index
      %parallel_loop3A_185 = tpu.vector_load %arg20[%parallel_loop3A_183, %parallel_loop3A_184] {strides = array<i32>} : memref<80x16xf32, #tpu.memory_space<vmem>>, vector<16xf32>,
      %parallel_loop3A_186 = arith.index_cast %parallel_loop3A_182 : i32 to index
      %parallel_loop3A_187 = arith.constant 0 : index
      %parallel_loop3A_188 = tpu.vector_load %arg24[%parallel_loop3A_186, %parallel_loop3A_187] {strides = array<i32>} : memref<80x16xf32, #tpu.memory_space<vmem>>, vector<16xf32>,
      %parallel_loop3A_189 = arith.addf %parallel_loop3A_185, %parallel_loop3A_188 : vector<16xf32>
      %parallel_loop3A_190 = arith.constant 2.000000e-01 : f32
      %parallel_loop3A_191 = vector.broadcast %parallel_loop3A_190 : f32 to vector<16xf32>
      %parallel_loop3A_192 = arith.mulf %parallel_loop3A_191, %parallel_loop3A_189 : vector<16xf32>
      %parallel_loop3A_193 = arith.maximumf %parallel_loop3A_189, %parallel_loop3A_192 : vector<16xf32>
      %parallel_loop3A_194 = arith.mulf %parallel_loop3A_193, %get3A_9 : vector<16xf32>
      %parallel_loop3A_195 = vector.shape_cast %xor3A_11 : vector<16xi32> to vector<16x1xi32>
      %parallel_loop3A_196 = vector.shape_cast %parallel_loop3A_195 : vector<16x1xi32> to vector<16xi32>
      %parallel_loop3A_197 = tpu.dynamic_gather %parallel_loop3A_194[%parallel_loop3A_196] in [0] : vector<16xf32>, vector<16xi32> -> vector<16xf32>
      %parallel_loop3A_198 = arith.addf %parallel_loop3A_194, %parallel_loop3A_197 : vector<16xf32>
      %parallel_loop3A_199 = vector.shape_cast %xor3A_14 : vector<16xi32> to vector<16x1xi32>
      %parallel_loop3A_200 = vector.shape_cast %parallel_loop3A_199 : vector<16x1xi32> to vector<16xi32>
      %parallel_loop3A_201 = tpu.dynamic_gather %parallel_loop3A_198[%parallel_loop3A_200] in [0] : vector<16xf32>, vector<16xi32> -> vector<16xf32>
      %parallel_loop3A_202 = arith.addf %parallel_loop3A_198, %parallel_loop3A_201 : vector<16xf32>
      %parallel_loop3A_203 = math.exp %parallel_loop3A_202 : vector<16xf32>
      %parallel_loop3A_204 = arith.mulf %parallel_loop3A_185, %parallel_loop3A_203 : vector<16xf32>
      %parallel_loop3A_205 = arith.index_cast %parallel_loop3A_182 : i32 to index
      %parallel_loop3A_206 = arith.constant 0 : index
      %parallel_loop3A_207 = tpu.vector_load %arg28[%parallel_loop3A_205, %parallel_loop3A_206] {strides = array<i32>} : memref<80x32xf32, #tpu.memory_space<vmem>>, vector<16xf32>,
      tpu.vector_store %arg28[%parallel_loop3A_205, %parallel_loop3A_206], %parallel_loop3A_204 {strides = array<i32>} : memref<80x32xf32, #tpu.memory_space<vmem>>, vector<16xf32>,
      %parallel_loop3A_208 = arith.index_cast %parallel_loop3A_182 : i32 to index
      %parallel_loop3A_209 = arith.constant 16 : index
      %parallel_loop3A_210 = tpu.vector_load %arg28[%parallel_loop3A_208, %parallel_loop3A_209] {strides = array<i32>} : memref<80x32xf32, #tpu.memory_space<vmem>>, vector<16xf32>,
      tpu.vector_store %arg28[%parallel_loop3A_208, %parallel_loop3A_209], %parallel_loop3A_203 {strides = array<i32>} : memref<80x32xf32, #tpu.memory_space<vmem>>, vector<16xf32>,
    } {sc.loop_unroll_factor = 16 : i64, sc.parallel_access}
    %dma_start3A_145 = arith.constant 0 : i32
    %dma_start3A_146 = arith.constant 0 : i32
    %dma_start3A_147 = tpu.memref_slice %arg33[%dma_start3A_145, %dma_start3A_146] : memref<10000x32xf32, #tpu.memory_space<vmem_shared>> -> memref<10000x32xf32, #tpu.memory_space<vmem_shared>>
    tpu.enqueue_indirect_dma source(%arg28 : memref<80x32xf32, #tpu.memory_space<vmem>>) target(%dma_start3A_147 : memref<10000x32xf32, #tpu.memory_space<vmem_shared>>) offsets(%arg16 : memref<80xi32, #tpu.memory_space<vmem>>) semaphore(%arg42 : memref<!tpu.dma_semaphore, #tpu.memory_space<semaphore_mem>>) {add = true}
    %dma_wait3A_148 = arith.constant 0 : i32
    %dma_wait3A_149 = arith.constant 0 : i32
    %dma_wait3A_150 = tpu.memref_slice %arg33[%dma_wait3A_148, %dma_wait3A_149] : memref<10000x32xf32, #tpu.memory_space<vmem_shared>> -> memref<80x32xf32, #tpu.memory_space<vmem_shared>>
    %dma_wait3A_151 = arith.constant 0 : i32
    %dma_wait3A_152 = arith.constant 0 : i32
    %dma_wait3A_153 = tpu.memref_slice %arg33[%dma_wait3A_151, %dma_wait3A_152] : memref<10000x32xf32, #tpu.memory_space<vmem_shared>> -> memref<80x32xf32, #tpu.memory_space<vmem_shared>>
    tpu.wait_dma2 semaphore(%arg43 : memref<!tpu.dma_semaphore, #tpu.memory_space<semaphore_mem>>) src(%arg29 : memref<80x32xf32, #tpu.memory_space<vmem>>) dst(%dma_wait3A_153 : memref<80x32xf32, #tpu.memory_space<vmem_shared>>)
    %dma_wait3A_154 = arith.constant 0 : i32
    %dma_wait3A_155 = arith.constant 0 : i32
    %dma_wait3A_156 = tpu.memref_slice %arg33[%dma_wait3A_154, %dma_wait3A_155] : memref<10000x32xf32, #tpu.memory_space<vmem_shared>> -> memref<80x32xf32, #tpu.memory_space<vmem_shared>>
    %dma_wait3A_157 = arith.constant 0 : i32
    %dma_wait3A_158 = arith.constant 0 : i32
    %dma_wait3A_159 = tpu.memref_slice %arg33[%dma_wait3A_157, %dma_wait3A_158] : memref<10000x32xf32, #tpu.memory_space<vmem_shared>> -> memref<80x32xf32, #tpu.memory_space<vmem_shared>>
    tpu.wait_dma2 semaphore(%arg44 : memref<!tpu.dma_semaphore, #tpu.memory_space<semaphore_mem>>) src(%arg30 : memref<80x32xf32, #tpu.memory_space<vmem>>) dst(%dma_wait3A_159 : memref<80x32xf32, #tpu.memory_space<vmem_shared>>)
    %dma_wait3A_160 = arith.constant 0 : i32
    %dma_wait3A_161 = arith.constant 0 : i32
    %dma_wait3A_162 = tpu.memref_slice %arg33[%dma_wait3A_160, %dma_wait3A_161] : memref<10000x32xf32, #tpu.memory_space<vmem_shared>> -> memref<80x32xf32, #tpu.memory_space<vmem_shared>>
    %dma_wait3A_163 = arith.constant 0 : i32
    %dma_wait3A_164 = arith.constant 0 : i32
    %dma_wait3A_165 = tpu.memref_slice %arg33[%dma_wait3A_163, %dma_wait3A_164] : memref<10000x32xf32, #tpu.memory_space<vmem_shared>> -> memref<80x32xf32, #tpu.memory_space<vmem_shared>>
    tpu.wait_dma2 semaphore(%arg45 : memref<!tpu.dma_semaphore, #tpu.memory_space<semaphore_mem>>) src(%arg31 : memref<80x32xf32, #tpu.memory_space<vmem>>) dst(%dma_wait3A_165 : memref<80x32xf32, #tpu.memory_space<vmem_shared>>)
    %dma_wait3A_166 = arith.constant 0 : i32
    %dma_wait3A_167 = arith.constant 0 : i32
    %dma_wait3A_168 = tpu.memref_slice %arg33[%dma_wait3A_166, %dma_wait3A_167] : memref<10000x32xf32, #tpu.memory_space<vmem_shared>> -> memref<80x32xf32, #tpu.memory_space<vmem_shared>>
    %dma_wait3A_169 = arith.constant 0 : i32
    %dma_wait3A_170 = arith.constant 0 : i32
    %dma_wait3A_171 = tpu.memref_slice %arg33[%dma_wait3A_169, %dma_wait3A_170] : memref<10000x32xf32, #tpu.memory_space<vmem_shared>> -> memref<80x32xf32, #tpu.memory_space<vmem_shared>>
    tpu.wait_dma2 semaphore(%arg42 : memref<!tpu.dma_semaphore, #tpu.memory_space<semaphore_mem>>) src(%arg28 : memref<80x32xf32, #tpu.memory_space<vmem>>) dst(%dma_wait3A_171 : memref<80x32xf32, #tpu.memory_space<vmem_shared>>)
    %barrier3A_172 = arith.constant 0 : index
    tpu.barrier barrier_id(%barrier3A_172)
    %mul3A_173 = arith.constant 624 : i32
    %mul3A_174 = arith.muli %arg1, %mul3A_173 : i32
    %mul3A_175 = arith.constant 624 : i32
    %mul3A_176 = arith.muli %arg1, %mul3A_175 : i32
    "tpu.region"() ({
      %run_scoped3A = tpu.sem_alloc : memref<!tpu.dma_semaphore, #tpu.memory_space<semaphore_mem>>
      %dma_start3A_182 = arith.constant 0 : i32
      %dma_start3A_183 = tpu.memref_slice %arg7[%arg0, %mul3A_176, %dma_start3A_182] : memref<2x10000x32xf32, #tpu.memory_space<hbm>> -> memref<1x624x32xf32, #tpu.memory_space<hbm>>
      %dma_start3A_184 = tpu.memref_squeeze %dma_start3A_183 : memref<1x624x32xf32, #tpu.memory_space<hbm>> -> memref<624x32xf32, #tpu.memory_space<hbm>>
      %dma_start3A_185 = arith.constant 0 : i32
      %dma_start3A_186 = tpu.memref_slice %arg33[%mul3A_174, %dma_start3A_185] : memref<10000x32xf32, #tpu.memory_space<vmem_shared>> -> memref<624x32xf32, #tpu.memory_space<vmem_shared>>
      tpu.enqueue_dma source(%dma_start3A_186 : memref<624x32xf32, #tpu.memory_space<vmem_shared>>) target(%dma_start3A_184 : memref<624x32xf32, #tpu.memory_space<hbm>>) target_semaphore(%run_scoped3A : memref<!tpu.dma_semaphore, #tpu.memory_space<semaphore_mem>>)
      %dma_wait3A_187 = arith.constant 0 : i32
      %dma_wait3A_188 = tpu.memref_slice %arg7[%arg0, %mul3A_176, %dma_wait3A_187] : memref<2x10000x32xf32, #tpu.memory_space<hbm>> -> memref<1x624x32xf32, #tpu.memory_space<hbm>>
      %dma_wait3A_189 = tpu.memref_squeeze %dma_wait3A_188 : memref<1x624x32xf32, #tpu.memory_space<hbm>> -> memref<624x32xf32, #tpu.memory_space<hbm>>
      %dma_wait3A_190 = arith.constant 0 : i32
      %dma_wait3A_191 = tpu.memref_slice %arg33[%mul3A_174, %dma_wait3A_190] : memref<10000x32xf32, #tpu.memory_space<vmem_shared>> -> memref<624x32xf32, #tpu.memory_space<vmem_shared>>
      tpu.wait_dma2 semaphore(%run_scoped3A : memref<!tpu.dma_semaphore, #tpu.memory_space<semaphore_mem>>) src(%dma_wait3A_191 : memref<624x32xf32, #tpu.memory_space<vmem_shared>>) dst(%dma_wait3A_189 : memref<624x32xf32, #tpu.memory_space<hbm>>)
      tpu.yield
    }) : () -> ()
    %eq3A_177 = arith.constant 0 : i32
    %eq3A_178 = arith.cmpi eq, %arg1, %eq3A_177 : i32
    %convert_element_type3A_179 = arith.extui %eq3A_178 : i1 to i32
    %cond3A_180 = arith.constant 0 : i32
    %cond3A_181 = arith.cmpi ne, %convert_element_type3A_179, %cond3A_180 : i32
    scf.if %cond3A_181 {
      "tpu.region"() ({
        %run_scoped3A = tpu.sem_alloc : memref<!tpu.dma_semaphore, #tpu.memory_space<semaphore_mem>>
        %dma_start3A_182 = arith.constant 9984 : i32
        %dma_start3A_183 = arith.constant 0 : i32
        %dma_start3A_184 = tpu.memref_slice %arg7[%arg0, %dma_start3A_182, %dma_start3A_183] : memref<2x10000x32xf32, #tpu.memory_space<hbm>> -> memref<1x16x32xf32, #tpu.memory_space<hbm>>
        %dma_start3A_185 = tpu.memref_squeeze %dma_start3A_184 : memref<1x16x32xf32, #tpu.memory_space<hbm>> -> memref<16x32xf32, #tpu.memory_space<hbm>>
        %dma_start3A_186 = arith.constant 9984 : i32
        %dma_start3A_187 = arith.constant 0 : i32
        %dma_start3A_188 = tpu.memref_slice %arg33[%dma_start3A_186, %dma_start3A_187] : memref<10000x32xf32, #tpu.memory_space<vmem_shared>> -> memref<16x32xf32, #tpu.memory_space<vmem_shared>>
        tpu.enqueue_dma source(%dma_start3A_188 : memref<16x32xf32, #tpu.memory_space<vmem_shared>>) target(%dma_start3A_185 : memref<16x32xf32, #tpu.memory_space<hbm>>) target_semaphore(%run_scoped3A : memref<!tpu.dma_semaphore, #tpu.memory_space<semaphore_mem>>)
        %dma_wait3A_189 = arith.constant 9984 : i32
        %dma_wait3A_190 = arith.constant 0 : i32
        %dma_wait3A_191 = tpu.memref_slice %arg7[%arg0, %dma_wait3A_189, %dma_wait3A_190] : memref<2x10000x32xf32, #tpu.memory_space<hbm>> -> memref<1x16x32xf32, #tpu.memory_space<hbm>>
        %dma_wait3A_192 = tpu.memref_squeeze %dma_wait3A_191 : memref<1x16x32xf32, #tpu.memory_space<hbm>> -> memref<16x32xf32, #tpu.memory_space<hbm>>
        %dma_wait3A_193 = arith.constant 9984 : i32
        %dma_wait3A_194 = arith.constant 0 : i32
        %dma_wait3A_195 = tpu.memref_slice %arg33[%dma_wait3A_193, %dma_wait3A_194] : memref<10000x32xf32, #tpu.memory_space<vmem_shared>> -> memref<16x32xf32, #tpu.memory_space<vmem_shared>>
        tpu.wait_dma2 semaphore(%run_scoped3A : memref<!tpu.dma_semaphore, #tpu.memory_space<semaphore_mem>>) src(%dma_wait3A_195 : memref<16x32xf32, #tpu.memory_space<vmem_shared>>) dst(%dma_wait3A_192 : memref<16x32xf32, #tpu.memory_space<hbm>>)
        tpu.yield
      }) : () -> ()
    } else {
    }
    return
  }
}

module attributes {stable_mosaic.version = 14 : i64} {
  func.func @_mm1_body(%arg0: memref<10000x128xf32, #tpu.memory_space<vmem>>, %arg1: memref<128x16xf32, #tpu.memory_space<vmem>>, %arg2: memref<128x16xf32, #tpu.memory_space<vmem>>, %arg3: memref<10000x16xf32, #tpu.memory_space<vmem>>, %arg4: memref<10000x16xf32, #tpu.memory_space<vmem>>) attributes {dimension_semantics = [], scalar_prefetch = 0 : i64, scratch_operands = 0 : i64, tpu.core_type = #tpu.core_type<tc>} {
    %get3A = arith.constant 0 : index
    %get3A_0 = arith.constant 0 : index
    %get3A_1 = vector.load %arg0[%get3A, %get3A_0] : memref<10000x128xf32, #tpu.memory_space<vmem>>, vector<10000x128xf32>
    %get3A_2 = arith.constant 0 : index
    %get3A_3 = arith.constant 0 : index
    %get3A_4 = vector.load %arg1[%get3A_2, %get3A_3] : memref<128x16xf32, #tpu.memory_space<vmem>>, vector<128x16xf32>
    %dot_general3A = arith.constant dense<0.000000e+00> : vector<10000x16xf32>
    %dot_general3A_5 = tpu.matmul %get3A_1, %get3A_4, %dot_general3A {dimension_numbers = #tpu.dot_dimension_numbers<[1], [0], [0], [1], [0, 0, 1, 1], [], []>, transpose_lhs_hint = false} : vector<10000x128xf32>, vector<128x16xf32>, vector<10000x16xf32> -> vector<10000x16xf32>
    %swap3A = arith.constant 0 : index
    %swap3A_6 = arith.constant 0 : index
    %swap3A_7 = vector.load %arg3[%swap3A, %swap3A_6] : memref<10000x16xf32, #tpu.memory_space<vmem>>, vector<10000x16xf32>
    tpu.vector_store %arg3[%swap3A, %swap3A_6], %dot_general3A_5 {strides = array<i32>} : memref<10000x16xf32, #tpu.memory_space<vmem>>, vector<10000x16xf32>,
    %get3A_8 = arith.constant 0 : index
    %get3A_9 = arith.constant 0 : index
    %get3A_10 = vector.load %arg2[%get3A_8, %get3A_9] : memref<128x16xf32, #tpu.memory_space<vmem>>, vector<128x16xf32>
    %dot_general3A_11 = arith.constant dense<0.000000e+00> : vector<10000x16xf32>
    %dot_general3A_12 = tpu.matmul %get3A_1, %get3A_10, %dot_general3A_11 {dimension_numbers = #tpu.dot_dimension_numbers<[1], [0], [0], [1], [0, 0, 1, 1], [], []>, transpose_lhs_hint = false} : vector<10000x128xf32>, vector<128x16xf32>, vector<10000x16xf32> -> vector<10000x16xf32>
    %swap3A_13 = arith.constant 0 : index
    %swap3A_14 = arith.constant 0 : index
    %swap3A_15 = vector.load %arg4[%swap3A_13, %swap3A_14] : memref<10000x16xf32, #tpu.memory_space<vmem>>, vector<10000x16xf32>
    tpu.vector_store %arg4[%swap3A_13, %swap3A_14], %dot_general3A_12 {strides = array<i32>} : memref<10000x16xf32, #tpu.memory_space<vmem>>, vector<10000x16xf32>,
    return
  }
}

module attributes {stable_mosaic.version = 14 : i64} {
  func.func @_mid_body(%arg0: memref<2x2500x128xf32, #tpu.memory_space<vmem>>, %arg1: memref<128x8xf32, #tpu.memory_space<vmem>>, %arg2: memref<1x128xf32, #tpu.memory_space<vmem>>, %arg3: memref<2500x8xf32, #tpu.memory_space<vmem>>) attributes {dimension_semantics = [], scalar_prefetch = 0 : i64, scratch_operands = 0 : i64, tpu.core_type = #tpu.core_type<tc>} {
    %get3A = arith.constant 0 : index
    %get3A_0 = arith.constant 0 : index
    %get3A_1 = arith.constant 0 : index
    %get3A_2 = vector.load %arg0[%get3A, %get3A_0, %get3A_1] : memref<2x2500x128xf32, #tpu.memory_space<vmem>>, vector<1x2500x128xf32>
    %get3A_3 = vector.shape_cast %get3A_2 : vector<1x2500x128xf32> to vector<2500x128xf32>
    %get3A_4 = arith.constant 1 : index
    %get3A_5 = arith.constant 0 : index
    %get3A_6 = arith.constant 0 : index
    %get3A_7 = vector.load %arg0[%get3A_4, %get3A_5, %get3A_6] : memref<2x2500x128xf32, #tpu.memory_space<vmem>>, vector<1x2500x128xf32>
    %get3A_8 = vector.shape_cast %get3A_7 : vector<1x2500x128xf32> to vector<2500x128xf32>
    %add3A = arith.addf %get3A_3, %get3A_8 : vector<2500x128xf32>
    %slice3A = vector.extract_strided_slice %add3A {offsets = [0, 16], sizes = [2500, 112], strides = [1, 1]} : vector<2500x128xf32> to vector<2500x112xf32>
    %slice3A_9 = vector.extract_strided_slice %add3A {offsets = [0, 0], sizes = [2500, 16], strides = [1, 1]} : vector<2500x128xf32> to vector<2500x16xf32>
    %concatenate3A = tpu.concatenate %slice3A, %slice3A_9 in 1 : vector<2500x112xf32>, vector<2500x16xf32> -> vector<2500x128xf32>
    %add3A_10 = arith.constant 1.000000e-16 : f32
    %add3A_11 = vector.broadcast %add3A_10 : f32 to vector<2500x128xf32>
    %add3A_12 = arith.addf %concatenate3A, %add3A_11 : vector<2500x128xf32>
    %div3A = arith.divf %add3A, %add3A_12 : vector<2500x128xf32>
    %get3A_13 = arith.constant 0 : index
    %get3A_14 = arith.constant 0 : index
    %get3A_15 = vector.load %arg2[%get3A_13, %get3A_14] : memref<1x128xf32, #tpu.memory_space<vmem>>, vector<1x128xf32>
    %add3A_16 = vector.broadcast %get3A_15 : vector<1x128xf32> to vector<2500x128xf32>
    %add3A_17 = arith.addf %div3A, %add3A_16 : vector<2500x128xf32>
    %gt3A = arith.constant 0.000000e+00 : f32
    %gt3A_18 = vector.broadcast %gt3A : f32 to vector<2500x128xf32>
    %gt3A_19 = arith.cmpf ogt, %add3A_17, %gt3A_18 : vector<2500x128xf32>
    %exp3A = math.exp %add3A_17 : vector<2500x128xf32>
    %sub3A = arith.constant 1.000000e+00 : f32
    %sub3A_20 = vector.broadcast %sub3A : f32 to vector<2500x128xf32>
    %sub3A_21 = arith.subf %exp3A, %sub3A_20 : vector<2500x128xf32>
    %select_n3A = arith.select %gt3A_19, %add3A_17, %sub3A_21 : vector<2500x128xi1>, vector<2500x128xf32>
    %get3A_22 = arith.constant 0 : index
    %get3A_23 = arith.constant 0 : index
    %get3A_24 = vector.load %arg1[%get3A_22, %get3A_23] : memref<128x8xf32, #tpu.memory_space<vmem>>, vector<128x8xf32>
    %dot_general3A = arith.constant dense<0.000000e+00> : vector<2500x8xf32>
    %dot_general3A_25 = tpu.matmul %select_n3A, %get3A_24, %dot_general3A {dimension_numbers = #tpu.dot_dimension_numbers<[1], [0], [0], [1], [0, 0, 1, 1], [], []>, transpose_lhs_hint = false} : vector<2500x128xf32>, vector<128x8xf32>, vector<2500x8xf32> -> vector<2500x8xf32>
    %swap3A = arith.constant 0 : index
    %swap3A_26 = arith.constant 0 : index
    %swap3A_27 = vector.load %arg3[%swap3A, %swap3A_26] : memref<2500x8xf32, #tpu.memory_space<vmem>>, vector<2500x8xf32>
    tpu.vector_store %arg3[%swap3A, %swap3A_26], %dot_general3A_25 {strides = array<i32>} : memref<2500x8xf32, #tpu.memory_space<vmem>>, vector<2500x8xf32>,
    return
  }
}

module attributes {stable_mosaic.version = 14 : i64} {
  func.func @_fin_body(%arg0: memref<2x1250x128xf32, #tpu.memory_space<vmem>>, %arg1: memref<1x1xf32, #tpu.memory_space<vmem>>, %arg2: memref<1250x128xf32, #tpu.memory_space<vmem>>) attributes {dimension_semantics = [], scalar_prefetch = 0 : i64, scratch_operands = 0 : i64, tpu.core_type = #tpu.core_type<tc>} {
    %get3A = arith.constant 0 : index
    %get3A_0 = arith.constant 0 : index
    %get3A_1 = arith.constant 0 : index
    %get3A_2 = vector.load %arg0[%get3A, %get3A_0, %get3A_1] : memref<2x1250x128xf32, #tpu.memory_space<vmem>>, vector<1x1250x128xf32>
    %get3A_3 = vector.shape_cast %get3A_2 : vector<1x1250x128xf32> to vector<1250x128xf32>
    %get3A_4 = arith.constant 1 : index
    %get3A_5 = arith.constant 0 : index
    %get3A_6 = arith.constant 0 : index
    %get3A_7 = vector.load %arg0[%get3A_4, %get3A_5, %get3A_6] : memref<2x1250x128xf32, #tpu.memory_space<vmem>>, vector<1x1250x128xf32>
    %get3A_8 = vector.shape_cast %get3A_7 : vector<1x1250x128xf32> to vector<1250x128xf32>
    %add3A = arith.addf %get3A_3, %get3A_8 : vector<1250x128xf32>
    %slice3A = vector.extract_strided_slice %add3A {offsets = [0, 1], sizes = [1250, 127], strides = [1, 1]} : vector<1250x128xf32> to vector<1250x127xf32>
    %slice3A_9 = vector.extract_strided_slice %add3A {offsets = [0, 0], sizes = [1250, 1], strides = [1, 1]} : vector<1250x128xf32> to vector<1250x1xf32>
    %concatenate3A = tpu.concatenate %slice3A, %slice3A_9 in 1 : vector<1250x127xf32>, vector<1250x1xf32> -> vector<1250x128xf32>
    %add3A_10 = arith.constant 1.000000e-16 : f32
    %add3A_11 = vector.broadcast %add3A_10 : f32 to vector<1250x128xf32>
    %add3A_12 = arith.addf %concatenate3A, %add3A_11 : vector<1250x128xf32>
    %div3A = arith.divf %add3A, %add3A_12 : vector<1250x128xf32>
    %get3A_13 = arith.constant 0 : index
    %get3A_14 = arith.constant 0 : index
    %get3A_15 = vector.load %arg1[%get3A_13, %get3A_14] : memref<1x1xf32, #tpu.memory_space<vmem>>, vector<1x1xf32>
    %add3A_16 = vector.broadcast %get3A_15 : vector<1x1xf32> to vector<1250x128xf32>
    %add3A_17 = arith.addf %div3A, %add3A_16 : vector<1250x128xf32>
    %logistic3A = arith.negf %add3A_17 : vector<1250x128xf32>
    %logistic3A_18 = math.exp %logistic3A : vector<1250x128xf32>
    %logistic3A_19 = arith.constant 1.000000e+00 : f32
    %logistic3A_20 = vector.broadcast %logistic3A_19 : f32 to vector<1250x128xf32>
    %logistic3A_21 = arith.addf %logistic3A_20, %logistic3A_18 : vector<1250x128xf32>
    %logistic3A_22 = arith.divf %logistic3A_20, %logistic3A_21 : vector<1250x128xf32>
    %swap3A = arith.constant 0 : index
    %swap3A_23 = arith.constant 0 : index
    %swap3A_24 = vector.load %arg2[%swap3A, %swap3A_23] : memref<1250x128xf32, #tpu.memory_space<vmem>>, vector<1250x128xf32>
    tpu.vector_store %arg2[%swap3A, %swap3A_23], %logistic3A_22 {strides = array<i32>} : memref<1250x128xf32, #tpu.memory_space<vmem>>, vector<1250x128xf32>,
    return
  }
}

</mosaic_0001>

<sc_bundles>
// kernel: kernel.10.cloned.1.call-start
scs
__scs_entry_jumppad:
0x0: {  	(pc) =	sbr.rel $0x88, $3  }
0x1: {  	(tag) =	ssettag $0x0;
	lr =	simm.s32 $0x1  }
0x2: {  	[smem:$0x3F97] =	sst lr;
	_ =	strace $0xD0000000  }
0x3: {  	_ = 	snop  }
0x4: {  	_ = 	snop  }
0x5: {  	_ = 	snop  }
0x6: {  	_ = 	snop  }
0x7: {  	_ = 	snop  }
__scs_overlays_trampoline_lowered:
0x8: {  	[smem:$0x3FA6] =	sst s0  }
0x9: {  	[smem:$0x3FA7] =	sst s1  }
0xa: {  	[smem:$0x3FA8] =	sst s2  }
0xb: {  	[smem:$0x3FA9] =	sst s3  }
0xc: {  	[smem:$0x3FAA] =	sst s4  }
0xd: {  	[smem:$0x3FAB] =	sst s5  }
0xe: {  	[smem:$0x3FAC] =	sst s6  }
0xf: {  	[smem:$0x3FAD] =	sst s7  }
0x10: {  	[smem:$0x3FAE] =	sst s8  }
0x11: {  	[smem:$0x3FAF] =	sst s9;
	s0 =	simm.s32 @!p0 $0x0  }
0x12: {  	s1 =	sld [smem:$0x3F95];
	s0 =	simm.s32 @p0 $0x1  }
0x13: {  	[smem:$0x3FB0] =	sst s0;
	s0 =	simm.s32 @!p1 $0x0  }
0x14: {  	s2 =	sld [smem:$0x3F94];
	s0 =	simm.s32 @p1 $0x1  }
0x15: {  	[smem:$0x3FB1] =	sst s0;
	s0 =	simm.s32 @!p2 $0x0  }
0x16: {  	s3 =	sld [smem:$0x3FDB];
	s0 =	simm.s32 @p2 $0x1  }
0x17: {  	s4 =	simm.s32 $0x1BF5;
	[smem:$0x3FB3] =	sst s0  }
0x18: {  	s0 =	sld [smem:$0x3F96];
	_ =	swait.ge [sflag:s4], $0x0  }
0x19: {  	s7 =	sld [smem:$0x3F97]  }
0x1a: {  	s8 =	sadd.s32 $0xFFFFE003, lr  }
0x1b: {  	s9 =	sadd.s32 $0xFFFFFEF7, lr;
	s5 =	simm.s32 $0xFFFFFFFF;
	p2 =	slt.u32 s8, $0xFFFFF086  }
0x1c: {  	p1 =	slt.u32 s9, $0xF7A;
	s5 =	simm.s32 @!p2 $0x0  }
0x1d: {  	s5 =	simm.s32 @p1 $0x1;
	p0 =	seq.s32 s7, s2  }
0x1e: {  	s7 =	smul.u32 @!p0 $0xF7A, s2;
	p2 =	seq.s32 @!p0 s5, $0x0  }
0x1f: {  	s9 =	smul.u32 $0xF7A, s1;
	s8 =	simm.s32 @!p0 $0x1BF5;
	p2 =	por !p2, p0  }
0x20: {  	[sflag:s8] =	ssyncset.s32 @!p0 $0xFFFFF086;
	s6 =	sadd.s32 @!p0 s3, s7;
	s7 =	simm.s32 @!p0 $0x108  }
0x21: {  	s3 =	sadd.s32 s3, s9;
	s6 =	sadd.s32 @!p0 $0x88, s6;
	s7 =	simm.s32 @p2 $0x1082  }
0x22: {  	[simem:s7], [sflag:s8] =	dma.local @!p0 [hbm:s6], $0xF7A  }
0x23: {  	s9 =	sor.u32 $0xD0000000, s2;
	s6 =	simm.s32 $0x108;
	_ =	swait.ge @!p0 [sflag:s8], $0x0  }
0x24: {  	s3 =	sadd.s32 $0x88, s3;
	s6 =	simm.s32 @!p1 $0x1082;
	[sflag:s4] =	ssyncset.s32 $0xFFFFF086  }
0x25: {  	[simem:s6], [sflag:s4] =	dma.local [hbm:s3], $0xF7A  }
0x26: {  	[smem:$0x3F97] =	sst s1;
	(tag) =	ssettag s2;
	_ =	strace s9  }
0x27: {  	s1 =	sld [smem:$0x3FA7]  }
0x28: {  	s2 =	sld [smem:$0x3FA8]  }
0x29: {  	s4 =	sld [smem:$0x3FAA]  }
0x2a: {  	p0 =	seq.s32 s5, $0x0;
	s5 =	sld [smem:$0x3FAB]  }
0x2b: {  	s6 =	sld [smem:$0x3FAC]  }
0x2c: {  	s7 =	sld [smem:$0x3FAD]  }
0x2d: {  	s3 =	simm.s32 $0x108;
	s8 =	sld [smem:$0x3FAE]  }
0x2e: {  	s3 =	simm.s32 @!p0 $0x1082;
	s9 =	sld [smem:$0x3FAF]  }
0x2f: {  	lr =	sadd.s32 s0, s3;
	s0 =	sld [smem:$0x3FA6]  }
0x30: {  	s3 =	sld [smem:$0x3FA9]  }
0x31: {  	[smem:$0x3FB2] =	sst s10  }
0x32: {  	s10 =	sld [smem:$0x3FB0];
	_ =	sdelay $0x3  }
0x33: {  	p0 =	seq.s32 s10, $0x1;
	s10 =	sld [smem:$0x3FB2];
	_ =	sdelay $0x3  }
0x34: {  	[smem:$0x3FB2] =	sst s10  }
0x35: {  	s10 =	sld [smem:$0x3FB1];
	_ =	sdelay $0x3  }
0x36: {  	p1 =	seq.s32 s10, $0x1;
	s10 =	sld [smem:$0x3FB2];
	_ =	sdelay $0x3  }
0x37: {  	[smem:$0x3FB2] =	sst s10  }
0x38: {  	s10 =	sld [smem:$0x3FB3]  }
0x39: {  	_ = 	snop;
	(pc) =	sbr.ind lr, $3  }
0x3a: {  	_ = 	snop  }
0x3b: {  	_ = 	snop  }
0x3c: {  	p2 =	seq.s32 s10, $0x1;
	s10 =	sld [smem:$0x3FB2]  }
0x3d: {  	_ =	shalt  }
0x3e: {  	_ =	shalt  }
0x3f: {  	_ =	shalt  }
0x40: {  	_ =	shalt  }
0x41: {  	_ =	shalt  }
0x42: {  	_ =	shalt  }
0x43: {  	_ =	shalt  }
0x44: {  	_ =	shalt  }
0x45: {  	_ =	shalt  }
0x46: {  	_ =	shalt  }
0x47: {  	_ =	shalt  }
0x48: {  	_ =	shalt  }
0x49: {  	_ =	shalt  }
0x4a: {  	_ =	shalt  }
0x4b: {  	_ =	shalt  }
0x4c: {  	_ =	shalt  }
0x4d: {  	_ =	shalt  }
0x4e: {  	_ =	shalt  }
0x4f: {  	_ =	shalt  }
0x50: {  	_ =	shalt  }
0x51: {  	_ =	shalt  }
0x52: {  	_ =	shalt  }
0x53: {  	_ =	shalt  }
0x54: {  	_ =	shalt  }
0x55: {  	_ =	shalt  }
0x56: {  	_ =	shalt  }
0x57: {  	_ =	shalt  }
0x58: {  	_ =	shalt  }
0x59: {  	_ =	shalt  }
0x5a: {  	_ =	shalt  }
0x5b: {  	_ =	shalt  }
0x5c: {  	_ =	shalt  }
0x5d: {  	_ =	shalt  }
0x5e: {  	_ =	shalt  }
0x5f: {  	_ =	shalt  }
0x60: {  	_ =	shalt  }
0x61: {  	_ =	shalt  }
0x62: {  	_ =	shalt  }
0x63: {  	_ =	shalt  }
0x64: {  	_ =	shalt  }
0x65: {  	_ =	shalt  }
0x66: {  	_ =	shalt  }
0x67: {  	_ =	shalt  }
0x68: {  	_ =	shalt  }
0x69: {  	_ =	shalt  }
0x6a: {  	_ =	shalt  }
0x6b: {  	_ =	shalt  }
0x6c: {  	_ =	shalt  }
0x6d: {  	_ =	shalt  }
0x6e: {  	_ =	shalt  }
0x6f: {  	_ =	shalt  }
0x70: {  	_ =	shalt  }
0x71: {  	_ =	shalt  }
0x72: {  	_ =	shalt  }
0x73: {  	_ =	shalt  }
0x74: {  	_ =	shalt  }
0x75: {  	_ =	shalt  }
0x76: {  	_ =	shalt  }
0x77: {  	_ =	shalt  }
0x78: {  	_ =	shalt  }
0x79: {  	_ =	shalt  }
0x7a: {  	_ =	shalt  }
0x7b: {  	_ =	shalt  }
0x7c: {  	_ =	shalt  }
0x7d: {  	_ =	shalt  }
0x7e: {  	_ =	shalt  }
0x7f: {  	_ =	shalt  }
0x80: {  	_ =	shalt  }
0x81: {  	_ =	shalt  }
0x82: {  	_ =	shalt  }
0x83: {  	_ =	shalt  }
0x84: {  	_ =	shalt  }
0x85: {  	_ =	shalt  }
0x86: {  	_ =	shalt  }
0x87: {  	_ =	shalt  }
.Lfunc_end0:
.L_simem_size_0:
called_computation.1_lowered:
.L_overlay_start_0:
0x88: {  	s2 =	sld [smem:$0x3FD9]  }
0x89: {  	s3 =	sld [smem:$0x3FFE];
	_ =	sdelay $0x1  }
0x8a: {  	s1 =	srdreg.scid  }
0x8b: {  	s0 =	sand.u32 $0x1, s1  }
0x8c: {  	s17 =	sshll.u32 s0, $0xA;
	s2 =	sadd.s32 s3, s2  }
0x8d: {  	s2 =	sadd.s32 s2, s17  }
0x8e: {  	[smem:$0x3FBE] =	sst s2  }
0x8f: {  	_ = 	snop  }
0x90: {  	s2 =	sld [smem:$0x3FD0];
	(tm) =	ssettm $0x1  }
0x91: {  	s18 =	sld [smem:$0x3FFB];
	_ =	sdelay $0x3  }
0x92: {  	_ =	strace s18  }
0x93: {  	s3 =	sld [smem:$0x3FFC];
	_ =	sdelay $0x3  }
0x94: {  	_ =	strace s3  }
0x95: {  	s3 =	sld [smem:$0x3FFD];
	_ =	sdelay $0x3  }
0x96: {  	_ =	strace s3  }
0x97: {  	_ =	strace $0x8FFFFFFF  }
0x98: {  	s19 =	sld [smem:$0x3FDB];
	_ =	sdelay $0x1  }
0x99: {  	s4 =	simm.s32 $_scs_section_size  }
0x9a: {  	s5 =	simm.s32 $_size__tile_overlayer_lowered;
	s6 =	simm.s32 $_tile_overlayer_lowered  }
0x9b: {  	s22 =	simm.s32 $0x1BFF;
	s21 =	sshll.u32 s6, $0x1;
	s3 =	sadd.s32 s4, s19  }
0x9c: {  	s7 =	simm.s32 $0x0;
	s20 =	sshll.u32 s5, $0x1;
	s5 =	sadd.s32 s21, s3  }
0x9d: {  	[timem:s7], [sflag:s22] =	dma.local [hbm:s5], s20  }
0x9e: {  	_ =	swait.ge [sflag:s22], s20  }
0x9f: {  	s4 =	ssub.s32 $0x0, s20;
	[sflag:s22] =	ssyncset.done $0x0  }
0xa0: {  	[sflag:s22] =	ssyncadd.s32 s4;
	_ =	sdelay $0x1  }
0xa1: {  	s23 =	simm.s32 $0x1B8B  }
0xa2: {  	_ =	swait.ge [sflag:s23], $0x1  }
0xa3: {  	[sflag:s23] =	ssyncset.done $0x0  }
0xa4: {  	s25 =	simm.s32 $0x1B8E;
	s24 =	sld [smem:$0x3FFE];
	[sflag:s23] =	ssyncadd.s32 $0xFFFFFFFF  }
0xa5: {  	s26 =	simm.s32 $execute0_lowered;
	[smem:$0x3FD2] =	sst s25  }
0xa6: {  	s5 =	sshll.u32 s26, $0x1;
	_ =	strace $0x80000049;
	[dreg:$0x1] =	wrdreg $0xFFFFFFFF  }
0xa7: {  	s28 =	simm.s32 $_size_execute0_lowered;
	s3 =	sadd.s32 s3, s5;
	[dreg:$0x0] =	wrdreg $0x0  }
0xa8: {  	s5 =	sshll.u32 s28, $0x1;
	[dreg:$0x2] =	wrdreg s3  }
0xa9: {  	[dreg:$0x3] =	wrdreg s5  }
0xaa: {  	[dreg:$0x4] =	wrdreg $0xC0  }
0xab: {  	_ =	task [dreg:s7], $0x5FFFF  }
0xac: {  	[dreg:$0x1] =	wrdreg $0xFFFFFFFF  }
0xad: {  	[dreg:$0x0] =	wrdreg $0x60  }
0xae: {  	[dreg:$0x2] =	wrdreg s24  }
0xaf: {  	[dreg:$0x3] =	wrdreg s2  }
0xb0: {  	[dreg:$0x4] =	wrdreg $0x150500  }
0xb1: {  	[dreg:$0x5] =	wrdreg $0x9  }
0xb2: {  	_ =	task.clear_ibuf [dreg:s7], $0x6FFFF;
	_ =	strace $0x90000049  }
0xb3: {  	s29 =	simm.s32 $0x9;
	_ =	strace $0x8000004B  }
0xb4: {  	_ =	swait.ge [sflag:s29], $0x1  }
0xb5: {  	[sflag:s29] =	ssyncadd.s32 $0xFFFFFFFF  }
0xb6: {  	_ =	strace $0x9000004B  }
0xb7: {  	_ =	sfence  }
0xb8: {  	s30 =	sld [smem:$0x0];
	_ =	sdelay $0x2  }
0xb9: {  	s31 =	sshll.u32 s1, $0xD;
	s1 =	sshrl.u32 s1, $0x2  }
0xba: {  	s3 =	sand.u32 $0x4000, s31;
	s1 =	sadd.s32 s1, s30  }
0xbb: {  	s0 =	sor.u32 s3, s0;
	s1 =	sshll.u32 s1, $0x11  }
0xbc: {  	s0 =	sor.u32 s1, s0  }
0xbd: {  	s0 =	sadd.s32 $0x8F2B, s0  }
0xbe: {  	[sflag:s0] =	ssyncadd.remote.s32 $0x1  }
0xbf: {  	_ =	sfence.sel $0xFFFF  }
0xc0: {  	[dreg:$0x0] =	wrdreg $0xFFFFFFFF;
	(pc) =	sbr.abs _section_cstart, $3  }
0xc1: {  	[dreg:$0x1] =	wrdreg $0xFFFFFFFF  }
0xc2: {  	_ =	task.clear_ibuf [dreg:s7], $0x2FFFF;
	_ =	strace $0x9FFFFFFF  }
0xc3: {  	(tm) =	ssettm $0x7FFFFFFF  }
tec
execute0_lowered:
.L_overlay_start_1:
0x0: {  	(tag) =	ssettag $0x1  }
0x1: {  	s0 =	rddreg [dreg:$0x0]  }
0x2: {  	s2 =	rddreg [dreg:$0x2]  }
0x3: {  	s3 =	simm.s32 $0x0;
	s1 =	srdreg.scid;
	s28 =	simm.s32 $0x2D0  }
0x4: {  	s29 =	simm.s32 $0x3;
	s30 =	simm.s32 $0x320;
	s31 =	simm.s32 $0x370  }
0x5: {  	[smem:$0x7FF] =	sst s3;
	s4 =	sadd.s32 $0x1800, s0;
	s5 =	sadd.s32 $0xB800, s0  }
0x6: {  	s1 =	sand.u32 $0x1, s1;
	s12 =	sadd.s32 $0x4000, s0;
	s10 =	sadd.s32 $0x1F200, s0  }
0x7: {  	s14 =	sadd.s32 $0x27000, s2;
	_ =	strace $0x8000004A;
	[dreg:$0x4] =	wrdreg s4  }
0x8: {  	s0 =	sadd.s32 $0x8E00, s0;
	s4 =	stileid.u32;
	[dreg:$0x5] =	wrdreg s12  }
0x9: {  	s6 =	ssub.s32 $0x2, s1;
	[dreg:$0x9] =	wrdreg s14;
	s15 =	smul.u32 $0x27100, s1  }
0xa: {  	[dreg:$0xa] =	wrdreg s0;
	s7 =	sshrl.u32 s6, $0x1;
	s9 =	smul.u32 $0x2700, s4  }
0xb: {  	s8 =	sshll.u32 s4, $0x1;
	s11 =	sshll.u32 s4, $0x6;
	s16 =	smul.u32 $0x4E20, s4  }
0xc: {  	p0 =	sne.s32 s4, $0x0;
	s25 =	sor.u32 s1, s8;
	s1 =	smul.u32 $0x2710, s1  }
0xd: {  	s4 =	simm.s32 $0x3C0;
	s6 =	ssub.s32 s6, s7;
	s7 =	smul.u32 $0x2710, s25  }
0xe: {  	s26 =	sshrl.u32 s9, $0x3;
	s13 =	sadd.s32 s9, s2;
	s17 =	sadd.s32 s9, s15  }
0xf: {  	s6 =	smax.u32 s6, $0x1;
	[dreg:$0x6] =	wrdreg s13;
	s8 =	sadd.s32 s12, s26  }
0x10: {  	s12 =	sor.u32 $0x1C09, s11;
	s0 =	sadd.s32 s1, s16;
	[dreg:$0x10] =	wrdreg s6  }
0x11: {  	[dreg:$0x7] =	wrdreg s8;
	s7 =	sshrl.u32 s7, $0x3;
	s8 =	sshrl.u32 s15, $0x3  }
0x12: {  	s21 =	sadd.s32 $0x230, s0;
	s22 =	sadd.s32 $0x4E430, s0;
	s24 =	sadd.s32 $0x1E0, s0  }
0x13: {  	s25 =	sadd.s32 $0x4E3E0, s0;
	s26 =	sadd.s32 $0x190, s0;
	s13 =	sadd.s32 $0x4E340, s0  }
0x14: {  	[dreg:$0x8] =	wrdreg s12;
	s11 =	sadd.s32 s5, s7;
	s19 =	sadd.s32 s10, s8  }
0x15: {  	s1 =	sshrl.u32 s21, $0x3;
	s23 =	sshrl.u32 s22, $0x3;
	s8 =	sshrl.u32 s25, $0x3  }
0x16: {  	s9 =	sshrl.u32 s26, $0x3;
	s14 =	sshrl.u32 s13, $0x3;
	s13 =	simm.s32 $0x50  }
0x17: {  	s7 =	sadd.s32 $0x9C40, s11;
	s18 =	sadd.s32 $0xA, s11;
	s20 =	sadd.s32 $0x4E00, s19  }
0x18: {  	s19 =	sadd.s32 s23, s5;
	s21 =	sadd.s32 s8, s5;
	s22 =	sadd.s32 s9, s5  }
0x19: {  	s25 =	sadd.s32 s14, s5;
	s15 =	sadd.s32 $0x9C4A, s11;
	[dreg:$0xb] =	wrdreg s11  }
0x1a: {  	s16 =	sadd.s32 $0x14, s11;
	s26 =	sadd.s32 $0x9C5E, s11;
	[dreg:$0xc] =	wrdreg s7  }
0x1b: {  	s9 =	simm.s32 $0x9;
	s8 =	simm.s32 $0xDC0;
	[dreg:$0xd] =	wrdreg s18  }
0x1c: {  	s14 =	simm.s32 $0x0;
	s7 =	sshrl.u32 s17, $0x3;
	[dreg:$0xf] =	wrdreg s20  }
0x1d: {  	s18 =	sadd.s32 s1, s5;
	s1 =	sshrl.u32 s24, $0x3;
	[dreg:$0x12] =	wrdreg s15  }
0x1e: {  	[dreg:$0x13] =	wrdreg s16;
	s17 =	sadd.s32 $0x9C54, s11;
	s24 =	sadd.s32 $0x1E, s11  }
0x1f: {  	[dreg:$0x16] =	wrdreg s26;
	s11 =	simm.s32 $0x140;
	s15 =	simm.s32 $0x230  }
0x20: {  	v0 =	vlaneseq.u32;
	s16 =	simm.s32 $0x1;
	s26 =	simm.s32 $0x2;
	s7 =	sadd.s32 s10, s7  }
.Ltmp0:
0x21: {  	v0 =	vmul.u32 $0x10, v0;
	s20 =	sadd.s32 s1, s5;
	[dreg:$0x14] =	wrdreg s17;
	(pc) =	sbr.rel .LBB2_1-.Ltmp0, $4  }
0x22: {  	s10 =	sadd.s32 $0x4E390, s0;
	s0 =	sadd.s32 $0x140, s0;
	[dreg:$0x15] =	wrdreg s24  }
0x23: {  	v1 =	vor.u32 $0x1, v0;
	v2 =	vor.u32 $0x100, v0;
	v3 =	vor.u32 $0x101, v0;
	s17 =	simm.s32 $0x280;
	s24 =	simm.s32 $0x4;
	[dreg:$0xe] =	wrdreg s7  }
0x24: {  	v4 =	vor.u32 $0x200, v0;
	v5 =	vor.u32 $0x201, v0;
	v6 =	vor.u32 $0x300, v0;
	s1 =	sshrl.u32 s10, $0x3;
	[dreg:$0x11] =	wrdreg s0;
	s7 =	simm.s32 $0x8C0  }
0x25: {  	v7 =	vor.u32 $0x301, v0;
	v8 =	vor.u32 $0x400, v0;
	v9 =	vor.u32 $0x401, v0;
	s10 =	simm.s32 $0x12C0;
	s23 =	sadd.s32 s1, s5;
	s1 =	simm.s32 $0x17C0  }
.LBB2_4:
0x26: {  	_ =	swait.ge [sflag:s16], $0x50  }
0x27: {  	[sflag:s16] =	ssyncset.done $0x0  }
0x28: {  	[sflag:s16] =	ssyncadd.s32 $0xFFFFFFB0  }
0x29: {  	_ =	swait.ge [sflag:s16], $0x50  }
0x2a: {  	[sflag:s16] =	ssyncset.done $0x0  }
0x2b: {  	s0 =	simm.s32 $0x5;
	[sflag:s16] =	ssyncadd.s32 $0xFFFFFFB0  }
0x2c: {  	_ =	swait.ge [sflag:s0], $0x500  }
0x2d: {  	[sflag:s0] =	ssyncset.done $0x0  }
0x2e: {  	[sflag:s0] =	ssyncadd.s32 $0xFFFFFB00  }
0x2f: {  	v11 =	vld [tilespmem:$0x140]  }
0x30: {  	v12 =	vld [tilespmem:$0x150]  }
0x31: {  	v13 =	vld [tilespmem:$0x160]  }
0x32: {  	v14 =	vld [tilespmem:$0x170]  }
0x33: {  	v15 =	vld [tilespmem:$0x180]  }
0x34: {  	v16 =	vld [tilespmem:$0x0]  }
0x35: {  	v17 =	vld [tilespmem:$0x140]  }
0x36: {  	v18 =	vld [tilespmem:$0x10]  }
0x37: {  	v20 =	vld [tilespmem:$0x20]  }
0x38: {  	v45 =	vld [tilespmem:$0x30]  }
0x39: {  	v19 =	vld [tilespmem:$0x150]  }
0x3a: {  	v52 =	vld [tilespmem:$0x40];
	[tilespmem:$0x280] =	vst v11;
	v11 =	vshll.u32 v16, $0x3  }
0x3b: {  	v21 =	vld [tilespmem:$0x160];
	[tilespmem:$0x290] =	vst v12;
	v46 =	vshll.u32 v18, $0x3  }
0x3c: {  	v48 =	vld [tilespmem:$0x170];
	[tilespmem:$0x2A0] =	vst v13;
	v50 =	vshll.u32 v20, $0x3  }
0x3d: {  	v43 =	vshll.u32 v17, $0x3;
	[tilespmem:$0x2B0] =	vst v14;
	v16 =	vshll.u32 v45, $0x3  }
0x3e: {  	[tilespmem:$0x2C0] =	vst v15;
	v44 =	vor.u32 $0x1, v43  }
0x3f: {  	v47 =	vshll.u32 v19, $0x3;
	v20 =	vshll.u32 v52, $0x3;
	v11 =	vld.idx.msk [tilespmem:v11+s1+$0x0], $0xffff  }
0x40: {  	v51 =	vshll.u32 v21, $0x3;
	v49 =	vor.u32 $0x1, v47;
	v13 =	vld.idx.msk [tilespmem:v46+s1+$0x0], $0xffff  }
0x41: {  	v18 =	vshll.u32 v48, $0x3;
	v19 =	vor.u32 $0x1, v51;
	v17 =	vld.idx.msk [tilespmem:v50+s1+$0x0], $0xffff  }
0x42: {  	v15 =	vshll.u32 v15, $0x3;
	v18 =	vor.u32 $0x1, v18;
	v16 =	vld.idx.msk [tilespmem:v16+s1+$0x0], $0xffff  }
0x43: {  	v15 =	vor.u32 $0x1, v15;
	v12 =	vld.idx.msk [tilespmem:v44+s1+$0x0], $0xffff  }
0x44: {  	v20 =	vld.idx.msk [tilespmem:v20+s1+$0x0], $0xffff  }
0x45: {  	v14 =	vld.idx.msk [tilespmem:v49+s1+$0x0], $0xffff  }
0x46: {  	v19 =	vld.idx.msk [tilespmem:v19+s1+$0x0], $0xffff  }
0x47: {  	v18 =	vld.idx.msk [tilespmem:v18+s1+$0x0], $0xffff  }
0x48: {  	v15 =	vld.idx.msk [tilespmem:v15+s1+$0x0], $0xffff;
	v12 =	vadd.f32 v12, v11;
	_ =	sdelay $0x1  }
0x49: {  	v14 =	vadd.f32 v14, v13;
	v53 =	vmul.f32 $2.000000030e-01, v12  }
0x4a: {  	v19 =	vadd.f32 v19, v17  }
0x4b: {  	v18 =	vadd.f32 v18, v16;
	v54 =	vmul.f32 $2.000000030e-01, v14;
	v12 =	vmax.f32 v12, v53  }
0x4c: {  	v15 =	vadd.f32 v15, v20;
	v12 =	vmul.f32 v12, v10  }
0x4d: {  	v22 =	vmul.f32 $2.000000030e-01, v19;
	v55 =	vmul.f32 $2.000000030e-01, v18;
	v14 =	vmax.f32 v14, v54  }
0x4e: {  	v14 =	vmul.f32 v14, v10;
	v12 =	vmul.f32 $1.442695020e+00, v12  }
0x4f: {  	v58 =	vmul.f32 $2.000000030e-01, v15;
	v19 =	vmax.f32 v19, v22  }
0x50: {  	v18 =	vmax.f32 v18, v55;
	v56 =	vmul.f32 $1.442695020e+00, v14;
	(erf) = vpow2.f32 v12  }
0x51: {  	v60 =	vmax.f32 v15, v58;
	v19 =	vmul.f32 v19, v10;
	v59 =	vmul.f32 v18, v10  }
0x52: {  	v10 =	vmul.f32 v60, v10;
	(erf) = vpow2.f32 v56  }
0x53: {  	v57 =	vmul.f32 $1.442695020e+00, v19  }
0x54: {  	v10 =	vmul.f32 $1.442695020e+00, v10  }
0x55: {  	v12 =	vmul.f32 $1.442695020e+00, v59;
	(erf) = vpow2.f32 v57;
	_ =	sdelay $0x1  }
0x56: {  	(erf) = vpow2.f32 v12;
	_ =	sdelay $0x1  }
0x57: {  	(erf) = vpow2.f32 v10;
	v10 =	vpop (erf)  }
0x58: {  	v11 =	vmul.f32 v10, v11  }
0x59: {  	v61 =	vpop (erf)  }
0x5a: {  	[tilespmem:v0+s4+$0x0] =	vst.idx.msk $0xffff, v11;
	v11 =	vmul.f32 v61, v13;
	_ =	sdelay $0x1  }
0x5b: {  	v62 =	vpop (erf);
	[tilespmem:v1+s4+$0x0] =	vst.idx.msk $0xffff, v10  }
0x5c: {  	v10 =	vmul.f32 v62, v17;
	[tilespmem:v2+s4+$0x0] =	vst.idx.msk $0xffff, v11  }
0x5d: {  	[tilespmem:v3+s4+$0x0] =	vst.idx.msk $0xffff, v61;
	v11 =	vpop (erf)  }
0x5e: {  	[tilespmem:v4+s4+$0x0] =	vst.idx.msk $0xffff, v10;
	v10 =	vmul.f32 v11, v16  }
0x5f: {  	[tilespmem:v5+s4+$0x0] =	vst.idx.msk $0xffff, v62;
	v63 =	vpop (erf)  }
0x60: {  	[tilespmem:v6+s4+$0x0] =	vst.idx.msk $0xffff, v10;
	v10 =	vmul.f32 v63, v20  }
0x61: {  	[tilespmem:v7+s4+$0x0] =	vst.idx.msk $0xffff, v11  }
0x62: {  	[tilespmem:v8+s4+$0x0] =	vst.idx.msk $0xffff, v10  }
0x63: {  	s6 =	simm.s32 $0x6;
	[tilespmem:v9+s4+$0x0] =	vst.idx.msk $0xffff, v63  }
0x64: {  	[spmem:s2] =	stream.indirect.scatter.add.f32 [tilespmem:s4], [sflag:$0x5], $0x10, s17, s13, $0xb8;
	[tilespmem:$0x17760] =	vst v63  }
0x65: {  	_ =	swait.ge [sflag:s6], $0x500  }
0x66: {  	[sflag:s6] =	ssyncset.done $0x0  }
0x67: {  	s12 =	simm.s32 $0x7;
	[sflag:s6] =	ssyncadd.s32 $0xFFFFFB00  }
0x68: {  	_ =	swait.ge [sflag:s12], $0x500  }
0x69: {  	[sflag:s12] =	ssyncset.done $0x0  }
0x6a: {  	s14 =	simm.s32 $0x8;
	[sflag:s12] =	ssyncadd.s32 $0xFFFFFB00  }
0x6b: {  	_ =	swait.ge [sflag:s14], $0x500  }
0x6c: {  	[sflag:s14] =	ssyncset.done $0x0  }
0x6d: {  	[sflag:s14] =	ssyncadd.s32 $0xFFFFFB00  }
0x6e: {  	_ =	swait.ge [sflag:s0], $0x500  }
0x6f: {  	[sflag:s0] =	ssyncset.done $0x0  }
0x70: {  	[sflag:s0] =	ssyncadd.s32 $0xFFFFFB00  }
0x71: {  	[bflag:$0x0] =	sbarrier.arrive $0xFFFF  }
0x72: {  	s12 =	rddreg [dreg:$0x8]  }
0x73: {  	s9 =	rddreg [dreg:$0xe]  }
0x74: {  	s14 =	rddreg [dreg:$0x18]  }
0x75: {  	[hbm:s9], [sflag:s12] =	dma.local [spmem:s14], $0x4E0  }
0x76: {  	s9 =	simm.s32 $0x9  }
0x77: {  	_ =	swait.ge [sflag:s9], $0x4E0  }
0x78: {  	[sflag:s9] =	ssyncset.done $0x0;
	s0 =	rddreg [dreg:$0xf]  }
0x79: {  	s6 =	rddreg [dreg:$0x19];
	[sflag:s9] =	ssyncadd.s32 $0xFFFFFB20  }
0x7a: {  	[hbm:s0], [sflag:s12] =	dma.local @!p0 [spmem:s6], $0x20  }
0x7b: {  	s0 =	simm.s32 @!p0 $0x9  }
0x7c: {  	_ =	swait.ge @!p0 [sflag:s0], $0x20  }
0x7d: {  	s14 =	rddreg [dreg:$0x17]  }
0x7e: {  	s6 =	rddreg [dreg:$0x10];
	s14 =	sadd.s32 $0x1, s14  }
0x7f: {  	p1 =	sne.s32 s14, s6  }
.Ltmp1:
0x80: {  	_ = 	snop;
	(pc) =	sbr.rel @!p1 .LBB2_5-.Ltmp1, $3  }
0x81: {  	_ =	sdelay $0x1  }
0x82: {  	[sflag:s0] =	ssyncset.done @!p0 $0x0  }
0x83: {  	[sflag:s0] =	ssyncadd.s32 @!p0 $0xFFFFFFE0  }
.LBB2_1:
0x84: {  	[dreg:$0x17] =	wrdreg s14  }
0x85: {  	s0 =	rddreg [dreg:$0x6]  }
0x86: {  	s14 =	rddreg [dreg:$0x7];
	s6 =	sshrl.u32 s0, $0x3  }
0x87: {  	[dreg:$0x18] =	wrdreg s6  }
0x88: {  	[spmem:s6], [sflag:s12] =	dma.local [hbm:s14], $0x4E0  }
0x89: {  	_ =	swait.ge [sflag:s9], $0x4E0  }
0x8a: {  	s0 =	rddreg [dreg:$0x9]  }
0x8b: {  	[sflag:s9] =	ssyncset.done $0x0;
	s6 =	sshrl.u32 @!p0 s0, $0x3;
	s0 =	rddreg [dreg:$0xa]  }
0x8c: {  	[sflag:s9] =	ssyncadd.s32 $0xFFFFFB20;
	[dreg:$0x19] =	wrdreg s6  }
0x8d: {  	[spmem:s6], [sflag:s12] =	dma.local @!p0 [hbm:s0], $0x20  }
0x8e: {  	s6 =	simm.s32 @!p0 $0x9  }
0x8f: {  	_ =	swait.ge @!p0 [sflag:s6], $0x20  }
0x90: {  	[sflag:s6] =	ssyncset.done @!p0 $0x0  }
0x91: {  	[sflag:s6] =	ssyncadd.s32 @!p0 $0xFFFFFFE0;
	s6 =	rddreg [dreg:$0x4]  }
0x92: {  	[tilespmem:s1], [sflag:$0x9] =	stream.linear.gather [hbm4b:s6+s3], $0x13880, $0x38;
	[tilespmem:$0x17760] =	vst v63  }
0x93: {  	_ =	swait.ge [sflag:s9], $0x13880  }
0x94: {  	[sflag:s9] =	ssyncset.done $0x0  }
0x95: {  	[sflag:s9] =	ssyncadd.s32 $0xFFFEC780  }
0x96: {  	s14 =	simm.s32 $0x15040;
	s12 =	rddreg [dreg:$0x1]  }
0x97: {  	[tilespmem:s14], [sflag:$0x9] =	stream.linear.gather [hbm4b:s12+s3], $0x10, $0x38;
	[tilespmem:$0x17760] =	vst v63  }
0x98: {  	_ =	swait.ge [sflag:s9], $0x10  }
0x99: {  	[sflag:s9] =	ssyncset.done $0x0  }
0x9a: {  	s12 =	rddreg [dreg:$0x5];
	[sflag:s9] =	ssyncadd.s32 $0xFFFFFFF0  }
0x9b: {  	[tilespmem:s4], [sflag:$0x9] =	stream.linear.gather [hbm4b:s12+s3], $0x500, $0x38;
	[tilespmem:$0x17760] =	vst v63  }
0x9c: {  	_ =	swait.ge [sflag:s9], $0x500  }
0x9d: {  	[sflag:s9] =	ssyncset.done $0x0  }
0x9e: {  	[sflag:s9] =	ssyncadd.s32 $0xFFFFFB00  }
0x9f: {  	[tilespmem:s7], [sflag:$0x9] =	stream.linear.gather [hbm4b:s12+s3], $0x500, $0x38;
	[tilespmem:$0x17760] =	vst v63  }
0xa0: {  	_ =	swait.ge [sflag:s9], $0x500  }
0xa1: {  	[sflag:s9] =	ssyncset.done $0x0  }
0xa2: {  	[sflag:s9] =	ssyncadd.s32 $0xFFFFFB00  }
0xa3: {  	[tilespmem:s8], [sflag:$0x9] =	stream.linear.gather [hbm4b:s12+s3], $0x500, $0x38;
	[tilespmem:$0x17760] =	vst v63  }
0xa4: {  	_ =	swait.ge [sflag:s9], $0x500  }
0xa5: {  	[sflag:s9] =	ssyncset.done $0x0  }
0xa6: {  	[sflag:s9] =	ssyncadd.s32 $0xFFFFFB00  }
0xa7: {  	[tilespmem:s10], [sflag:$0x9] =	stream.linear.gather [hbm4b:s12+s3], $0x500, $0x38;
	[tilespmem:$0x17760] =	vst v63  }
0xa8: {  	_ =	swait.ge [sflag:s9], $0x500  }
0xa9: {  	[sflag:s9] =	ssyncset.done $0x0  }
0xaa: {  	[sflag:s9] =	ssyncadd.s32 $0xFFFFFB00  }
0xab: {  	[bflag:$0x0] =	sbarrier.arrive $0xFFFF  }
0xac: {  	s14 =	rddreg [dreg:$0xb]  }
0xad: {  	s6 =	rddreg [dreg:$0xc]  }
0xae: {  	v10 =	vld [tilespmem:$0x15040];
	[tilespmem:s3], [sflag:$0x1] =	stream.linear.gather [hbm4b:s14+s3], $0x50, $0x38  }
0xaf: {  	s9 =	rddreg [dreg:$0xd]  }
0xb0: {  	[tilespmem:s11], [sflag:$0x1] =	stream.linear.gather [hbm4b:s6+s3], $0x50, $0x38;
	[tilespmem:$0x17760] =	vst v63  }
0xb1: {  	s12 =	rddreg [dreg:$0x12]  }
0xb2: {  	[tilespmem:s13], [sflag:$0x2] =	stream.linear.gather [hbm4b:s9+s3], $0x50, $0x38;
	[tilespmem:$0x17760] =	vst v63  }
0xb3: {  	s14 =	simm.s32 $0x190;
	s6 =	rddreg [dreg:$0x13]  }
0xb4: {  	[tilespmem:s14], [sflag:$0x2] =	stream.linear.gather [hbm4b:s12+s3], $0x50, $0x38;
	[tilespmem:$0x17760] =	vst v63  }
0xb5: {  	s9 =	simm.s32 $0xA0;
	s12 =	rddreg [dreg:$0x14]  }
0xb6: {  	[tilespmem:s9], [sflag:$0x3] =	stream.linear.gather [hbm4b:s6+s3], $0x50, $0x38;
	[tilespmem:$0x17760] =	vst v63  }
0xb7: {  	s14 =	simm.s32 $0x1E0;
	s9 =	rddreg [dreg:$0x15]  }
0xb8: {  	[tilespmem:s14], [sflag:$0x3] =	stream.linear.gather [hbm4b:s12+s3], $0x50, $0x38;
	[tilespmem:$0x17760] =	vst v63  }
0xb9: {  	s6 =	rddreg [dreg:$0x11];
	s12 =	simm.s32 $0xF0  }
0xba: {  	[tilespmem:s12], [sflag:$0x4] =	stream.linear.gather [hbm4b:s9+s3], $0x50, $0x38;
	[tilespmem:$0x17760] =	vst v63  }
0xbb: {  	s14 =	rddreg [dreg:$0x16];
	s9 =	simm.s32 $0x0  }
0xbc: {  	[tilespmem:s15], [sflag:$0x4] =	stream.linear.gather [hbm4b:s14+s3], $0x50, $0x38;
	[tilespmem:$0x17760] =	vst v63  }
.LBB2_2:
0xbd: {  	_ =	swait.ge [sflag:s16], $0x50  }
0xbe: {  	[sflag:s16] =	ssyncset.done $0x0  }
0xbf: {  	[sflag:s16] =	ssyncadd.s32 $0xFFFFFFB0  }
0xc0: {  	_ =	swait.ge [sflag:s16], $0x50  }
0xc1: {  	p1 =	seq.s32 s9, $0x0;
	[sflag:s16] =	ssyncset.done $0x0  }
0xc2: {  	s12 =	simm.s32 @!p1 $0x5;
	[sflag:s16] =	ssyncadd.s32 $0xFFFFFFB0  }
0xc3: {  	_ =	swait.ge @!p1 [sflag:s12], $0x500  }
0xc4: {  	[sflag:s12] =	ssyncset.done @!p1 $0x0  }
0xc5: {  	[sflag:s12] =	ssyncadd.s32 @!p1 $0xFFFFFB00  }
0xc6: {  	v11 =	vld [tilespmem:$0x140]  }
0xc7: {  	v12 =	vld [tilespmem:$0x150]  }
0xc8: {  	v13 =	vld [tilespmem:$0x160]  }
0xc9: {  	v14 =	vld [tilespmem:$0x170]  }
0xca: {  	v15 =	vld [tilespmem:$0x180]  }
0xcb: {  	v16 =	vld [tilespmem:$0x0]  }
0xcc: {  	v17 =	vld [tilespmem:$0x140]  }
0xcd: {  	v18 =	vld [tilespmem:$0x10]  }
0xce: {  	v20 =	vld [tilespmem:$0x20]  }
0xcf: {  	v19 =	vld [tilespmem:$0x150]  }
0xd0: {  	v60 =	vld [tilespmem:$0x30]  }
0xd1: {  	v21 =	vld [tilespmem:$0x160];
	[tilespmem:$0x280] =	vst v11;
	v11 =	vshll.u32 v16, $0x3  }
0xd2: {  	v63 =	vld [tilespmem:$0x170];
	[tilespmem:$0x290] =	vst v12;
	v61 =	vshll.u32 v18, $0x3  }
0xd3: {  	v58 =	vshll.u32 v17, $0x3;
	[tilespmem:$0x2A0] =	vst v13;
	v25 =	vshll.u32 v20, $0x3  }
0xd4: {  	v27 =	vld [tilespmem:$0x40];
	[tilespmem:$0x2B0] =	vst v14;
	v59 =	vor.u32 $0x1, v58  }
0xd5: {  	v62 =	vshll.u32 v19, $0x3;
	[tilespmem:$0x2C0] =	vst v15;
	v16 =	vshll.u32 v60, $0x3  }
0xd6: {  	v26 =	vshll.u32 v21, $0x3;
	v24 =	vor.u32 $0x1, v62;
	v11 =	vld.idx.msk [tilespmem:v11+s1+$0x0], $0xffff  }
0xd7: {  	v18 =	vshll.u32 v63, $0x3;
	v19 =	vor.u32 $0x1, v26;
	v13 =	vld.idx.msk [tilespmem:v61+s1+$0x0], $0xffff  }
0xd8: {  	v18 =	vor.u32 $0x1, v18;
	v17 =	vld.idx.msk [tilespmem:v25+s1+$0x0], $0xffff  }
0xd9: {  	v20 =	vshll.u32 v27, $0x3;
	v15 =	vshll.u32 v15, $0x3;
	v12 =	vld.idx.msk [tilespmem:v59+s1+$0x0], $0xffff  }
0xda: {  	v15 =	vor.u32 $0x1, v15;
	v16 =	vld.idx.msk [tilespmem:v16+s1+$0x0], $0xffff  }
0xdb: {  	v14 =	vld.idx.msk [tilespmem:v24+s1+$0x0], $0xffff  }
0xdc: {  	v19 =	vld.idx.msk [tilespmem:v19+s1+$0x0], $0xffff  }
0xdd: {  	v18 =	vld.idx.msk [tilespmem:v18+s1+$0x0], $0xffff  }
0xde: {  	v20 =	vld.idx.msk [tilespmem:v20+s1+$0x0], $0xffff;
	v12 =	vadd.f32 v12, v11  }
0xdf: {  	v15 =	vld.idx.msk [tilespmem:v15+s1+$0x0], $0xffff  }
0xe0: {  	v14 =	vadd.f32 v14, v13;
	v28 =	vmul.f32 $2.000000030e-01, v12  }
0xe1: {  	v19 =	vadd.f32 v19, v17  }
0xe2: {  	v18 =	vadd.f32 v18, v16;
	v29 =	vmul.f32 $2.000000030e-01, v14;
	v12 =	vmax.f32 v12, v28  }
0xe3: {  	v22 =	vmul.f32 $2.000000030e-01, v19;
	v12 =	vmul.f32 v12, v10  }
0xe4: {  	v15 =	vadd.f32 v15, v20;
	v30 =	vmul.f32 $2.000000030e-01, v18;
	v14 =	vmax.f32 v14, v29  }
0xe5: {  	v19 =	vmax.f32 v19, v22;
	v14 =	vmul.f32 v14, v10;
	v12 =	vmul.f32 $1.442695020e+00, v12  }
0xe6: {  	v33 =	vmul.f32 $2.000000030e-01, v15;
	v19 =	vmul.f32 v19, v10  }
0xe7: {  	v18 =	vmax.f32 v18, v30;
	v31 =	vmul.f32 $1.442695020e+00, v14;
	(erf) = vpow2.f32 v12  }
0xe8: {  	v34 =	vmul.f32 v18, v10  }
0xe9: {  	v35 =	vmax.f32 v15, v33;
	v32 =	vmul.f32 $1.442695020e+00, v19;
	(erf) = vpow2.f32 v31  }
0xea: {  	v14 =	vmul.f32 v35, v10  }
0xeb: {  	v12 =	vmul.f32 $1.442695020e+00, v34;
	(erf) = vpow2.f32 v32;
	_ =	sdelay $0x1  }
0xec: {  	v36 =	vmul.f32 $1.442695020e+00, v14;
	(erf) = vpow2.f32 v12;
	_ =	sdelay $0x1  }
0xed: {  	(erf) = vpow2.f32 v36  }
0xee: {  	v37 =	vpop (erf)  }
0xef: {  	v11 =	vmul.f32 v37, v11  }
0xf0: {  	v38 =	vpop (erf)  }
0xf1: {  	[tilespmem:v0+s4+$0x0] =	vst.idx.msk $0xffff, v11;
	v11 =	vmul.f32 v38, v13  }
0xf2: {  	v39 =	vpop (erf);
	[tilespmem:v1+s4+$0x0] =	vst.idx.msk $0xffff, v37  }
0xf3: {  	[tilespmem:v2+s4+$0x0] =	vst.idx.msk $0xffff, v11;
	v11 =	vmul.f32 v39, v17  }
0xf4: {  	v40 =	vpop (erf);
	[tilespmem:v3+s4+$0x0] =	vst.idx.msk $0xffff, v38  }
0xf5: {  	[tilespmem:v4+s4+$0x0] =	vst.idx.msk $0xffff, v11;
	v11 =	vmul.f32 v40, v16  }
0xf6: {  	v41 =	vpop (erf);
	[tilespmem:v5+s4+$0x0] =	vst.idx.msk $0xffff, v39  }
0xf7: {  	[tilespmem:v6+s4+$0x0] =	vst.idx.msk $0xffff, v11;
	v11 =	vmul.f32 v41, v20  }
0xf8: {  	[tilespmem:v7+s4+$0x0] =	vst.idx.msk $0xffff, v40  }
0xf9: {  	[tilespmem:v8+s4+$0x0] =	vst.idx.msk $0xffff, v11  }
0xfa: {  	s0 =	sshrl.u32 s6, $0x3;
	[tilespmem:v9+s4+$0x0] =	vst.idx.msk $0xffff, v41  }
0xfb: {  	[spmem:s2] =	stream.indirect.scatter.add.f32 [tilespmem:s4], [sflag:$0x5], $0x10, s17, s13, $0xb8;
	[tilespmem:$0x17760] =	vst v63  }
0xfc: {  	s12 =	sadd.s32 s5, s0  }
0xfd: {  	[tilespmem:s3], [sflag:$0x1] =	stream.linear.gather [hbm4b:s12+s3], $0x50, $0x38;
	[tilespmem:$0x17760] =	vst v63  }
0xfe: {  	s14 =	sadd.s32 s9, s25  }
0xff: {  	[tilespmem:s11], [sflag:$0x1] =	stream.linear.gather [hbm4b:s14+s3], $0x50, $0x38;
	[tilespmem:$0x17760] =	vst v63  }
0x100: {  	_ =	swait.ge [sflag:s26], $0x50  }
0x101: {  	[sflag:s26] =	ssyncset.done $0x0  }
0x102: {  	[sflag:s26] =	ssyncadd.s32 $0xFFFFFFB0  }
0x103: {  	_ =	swait.ge [sflag:s26], $0x50  }
0x104: {  	[sflag:s26] =	ssyncset.done $0x0  }
0x105: {  	s12 =	simm.s32 @!p1 $0x6;
	[sflag:s26] =	ssyncadd.s32 $0xFFFFFFB0  }
0x106: {  	_ =	swait.ge @!p1 [sflag:s12], $0x500  }
0x107: {  	[sflag:s12] =	ssyncset.done @!p1 $0x0  }
0x108: {  	[sflag:s12] =	ssyncadd.s32 @!p1 $0xFFFFFB00  }
0x109: {  	v11 =	vld [tilespmem:$0x190]  }
0x10a: {  	v42 =	vld [tilespmem:$0x1A0]  }
0x10b: {  	v43 =	vld [tilespmem:$0x1B0]  }
0x10c: {  	v44 =	vld [tilespmem:$0x1C0]  }
0x10d: {  	v45 =	vld [tilespmem:$0x1D0]  }
0x10e: {  	v46 =	vld [tilespmem:$0x50]  }
0x10f: {  	v47 =	vld [tilespmem:$0x190]  }
0x110: {  	v48 =	vld [tilespmem:$0x60]  }
0x111: {  	v50 =	vld [tilespmem:$0x70]  }
0x112: {  	v49 =	vld [tilespmem:$0x1A0]  }
0x113: {  	v54 =	vld [tilespmem:$0x80]  }
0x114: {  	v51 =	vld [tilespmem:$0x1B0];
	[tilespmem:$0x2D0] =	vst v11;
	v11 =	vshll.u32 v46, $0x3  }
0x115: {  	v57 =	vld [tilespmem:$0x1C0];
	[tilespmem:$0x2E0] =	vst v42;
	v55 =	vshll.u32 v48, $0x3  }
0x116: {  	v52 =	vshll.u32 v47, $0x3;
	[tilespmem:$0x2F0] =	vst v43;
	v59 =	vshll.u32 v50, $0x3  }
0x117: {  	v61 =	vld [tilespmem:$0x90];
	[tilespmem:$0x300] =	vst v44;
	v53 =	vor.u32 $0x1, v52  }
0x118: {  	v56 =	vshll.u32 v49, $0x3;
	[tilespmem:$0x310] =	vst v45;
	v16 =	vshll.u32 v54, $0x3  }
0x119: {  	v60 =	vshll.u32 v51, $0x3;
	v58 =	vor.u32 $0x1, v56;
	v11 =	vld.idx.msk [tilespmem:v11+s1+$0x0], $0xffff  }
0x11a: {  	v18 =	vshll.u32 v57, $0x3;
	v19 =	vor.u32 $0x1, v60;
	v13 =	vld.idx.msk [tilespmem:v55+s1+$0x0], $0xffff  }
0x11b: {  	v18 =	vor.u32 $0x1, v18;
	v17 =	vld.idx.msk [tilespmem:v59+s1+$0x0], $0xffff  }
0x11c: {  	v20 =	vshll.u32 v61, $0x3;
	v15 =	vshll.u32 v45, $0x3;
	v12 =	vld.idx.msk [tilespmem:v53+s1+$0x0], $0xffff  }
0x11d: {  	v15 =	vor.u32 $0x1, v15;
	v16 =	vld.idx.msk [tilespmem:v16+s1+$0x0], $0xffff  }
0x11e: {  	v14 =	vld.idx.msk [tilespmem:v58+s1+$0x0], $0xffff  }
0x11f: {  	v19 =	vld.idx.msk [tilespmem:v19+s1+$0x0], $0xffff  }
0x120: {  	v18 =	vld.idx.msk [tilespmem:v18+s1+$0x0], $0xffff  }
0x121: {  	v20 =	vld.idx.msk [tilespmem:v20+s1+$0x0], $0xffff;
	v12 =	vadd.f32 v12, v11  }
0x122: {  	v15 =	vld.idx.msk [tilespmem:v15+s1+$0x0], $0xffff  }
0x123: {  	v14 =	vadd.f32 v14, v13;
	v62 =	vmul.f32 $2.000000030e-01, v12  }
0x124: {  	v19 =	vadd.f32 v19, v17  }
0x125: {  	v18 =	vadd.f32 v18, v16;
	v63 =	vmul.f32 $2.000000030e-01, v14;
	v12 =	vmax.f32 v12, v62  }
0x126: {  	v24 =	vmul.f32 $2.000000030e-01, v19;
	v12 =	vmul.f32 v12, v10  }
0x127: {  	v15 =	vadd.f32 v15, v20;
	v25 =	vmul.f32 $2.000000030e-01, v18;
	v14 =	vmax.f32 v14, v63  }
0x128: {  	v19 =	vmax.f32 v19, v24;
	v14 =	vmul.f32 v14, v10;
	v12 =	vmul.f32 $1.442695020e+00, v12  }
0x129: {  	v28 =	vmul.f32 $2.000000030e-01, v15;
	v19 =	vmul.f32 v19, v10  }
0x12a: {  	v18 =	vmax.f32 v18, v25;
	v26 =	vmul.f32 $1.442695020e+00, v14;
	(erf) = vpow2.f32 v12  }
0x12b: {  	v29 =	vmul.f32 v18, v10  }
0x12c: {  	v30 =	vmax.f32 v15, v28;
	v27 =	vmul.f32 $1.442695020e+00, v19;
	(erf) = vpow2.f32 v26  }
0x12d: {  	v14 =	vmul.f32 v30, v10  }
0x12e: {  	v12 =	vmul.f32 $1.442695020e+00, v29;
	(erf) = vpow2.f32 v27;
	_ =	sdelay $0x1  }
0x12f: {  	v31 =	vmul.f32 $1.442695020e+00, v14;
	(erf) = vpow2.f32 v12;
	_ =	sdelay $0x1  }
0x130: {  	(erf) = vpow2.f32 v31  }
0x131: {  	v32 =	vpop (erf)  }
0x132: {  	v11 =	vmul.f32 v32, v11  }
0x133: {  	v33 =	vpop (erf)  }
0x134: {  	[tilespmem:v0+s7+$0x0] =	vst.idx.msk $0xffff, v11;
	v11 =	vmul.f32 v33, v13  }
0x135: {  	v34 =	vpop (erf);
	[tilespmem:v1+s7+$0x0] =	vst.idx.msk $0xffff, v32  }
0x136: {  	[tilespmem:v2+s7+$0x0] =	vst.idx.msk $0xffff, v11;
	v11 =	vmul.f32 v34, v17  }
0x137: {  	v35 =	vpop (erf);
	[tilespmem:v3+s7+$0x0] =	vst.idx.msk $0xffff, v33  }
0x138: {  	[tilespmem:v4+s7+$0x0] =	vst.idx.msk $0xffff, v11;
	v11 =	vmul.f32 v35, v16  }
0x139: {  	v36 =	vpop (erf);
	[tilespmem:v5+s7+$0x0] =	vst.idx.msk $0xffff, v34  }
0x13a: {  	[tilespmem:v6+s7+$0x0] =	vst.idx.msk $0xffff, v11;
	v11 =	vmul.f32 v36, v20  }
0x13b: {  	[tilespmem:v7+s7+$0x0] =	vst.idx.msk $0xffff, v35  }
0x13c: {  	[tilespmem:v8+s7+$0x0] =	vst.idx.msk $0xffff, v11  }
0x13d: {  	p2 =	seq.s32 s9, $0x4B0;
	[tilespmem:v9+s7+$0x0] =	vst.idx.msk $0xffff, v36  }
0x13e: {  	[spmem:s2] =	stream.indirect.scatter.add.f32 [tilespmem:s7], [sflag:$0x6], $0x10, s28, s13, $0xb8;
	[tilespmem:$0x17760] =	vst v63  }
0x13f: {  	s0 =	sadd.s32 @!p2 s9, s22;
	s14 =	simm.s32 @!p2 $0x50;
	s12 =	simm.s32 @!p2 $0x0  }
0x140: {  	[tilespmem:s14], [sflag:$0x2] =	stream.linear.gather @!p2 [hbm4b:s0+s12], $0x50, $0x38;
	[tilespmem:$0x17760] =	vst v63  }
0x141: {  	s0 =	sadd.s32 @!p2 s9, s23;
	s14 =	simm.s32 @!p2 $0x190  }
0x142: {  	[tilespmem:s14], [sflag:$0x2] =	stream.linear.gather @!p2 [hbm4b:s0+s12], $0x50, $0x38;
	[tilespmem:$0x17760] =	vst v63  }
0x143: {  	_ =	swait.ge [sflag:s29], $0x50  }
0x144: {  	[sflag:s29] =	ssyncset.done $0x0  }
0x145: {  	[sflag:s29] =	ssyncadd.s32 $0xFFFFFFB0  }
0x146: {  	_ =	swait.ge [sflag:s29], $0x50  }
0x147: {  	[sflag:s29] =	ssyncset.done $0x0  }
0x148: {  	s0 =	simm.s32 @!p1 $0x7;
	[sflag:s29] =	ssyncadd.s32 $0xFFFFFFB0  }
0x149: {  	_ =	swait.ge @!p1 [sflag:s0], $0x500  }
0x14a: {  	[sflag:s0] =	ssyncset.done @!p1 $0x0  }
0x14b: {  	[sflag:s0] =	ssyncadd.s32 @!p1 $0xFFFFFB00  }
0x14c: {  	v11 =	vld [tilespmem:$0x1E0]  }
0x14d: {  	v37 =	vld [tilespmem:$0x1F0]  }
0x14e: {  	v38 =	vld [tilespmem:$0x200]  }
0x14f: {  	v39 =	vld [tilespmem:$0x210]  }
0x150: {  	v40 =	vld [tilespmem:$0x220]  }
0x151: {  	v41 =	vld [tilespmem:$0xA0]  }
0x152: {  	v42 =	vld [tilespmem:$0x1E0]  }
0x153: {  	v43 =	vld [tilespmem:$0xB0]  }
0x154: {  	v45 =	vld [tilespmem:$0xC0]  }
0x155: {  	v44 =	vld [tilespmem:$0x1F0]  }
0x156: {  	v49 =	vld [tilespmem:$0xD0]  }
0x157: {  	v46 =	vld [tilespmem:$0x200];
	[tilespmem:$0x320] =	vst v11;
	v11 =	vshll.u32 v41, $0x3  }
0x158: {  	v52 =	vld [tilespmem:$0x210];
	[tilespmem:$0x330] =	vst v37;
	v50 =	vshll.u32 v43, $0x3  }
0x159: {  	v47 =	vshll.u32 v42, $0x3;
	[tilespmem:$0x340] =	vst v38;
	v54 =	vshll.u32 v45, $0x3  }
0x15a: {  	v56 =	vld [tilespmem:$0xE0];
	[tilespmem:$0x350] =	vst v39;
	v48 =	vor.u32 $0x1, v47  }
0x15b: {  	v51 =	vshll.u32 v44, $0x3;
	[tilespmem:$0x360] =	vst v40;
	v16 =	vshll.u32 v49, $0x3  }
0x15c: {  	v55 =	vshll.u32 v46, $0x3;
	v53 =	vor.u32 $0x1, v51;
	v11 =	vld.idx.msk [tilespmem:v11+s1+$0x0], $0xffff  }
0x15d: {  	v18 =	vshll.u32 v52, $0x3;
	v19 =	vor.u32 $0x1, v55;
	v13 =	vld.idx.msk [tilespmem:v50+s1+$0x0], $0xffff  }
0x15e: {  	v18 =	vor.u32 $0x1, v18;
	v17 =	vld.idx.msk [tilespmem:v54+s1+$0x0], $0xffff  }
0x15f: {  	v20 =	vshll.u32 v56, $0x3;
	v15 =	vshll.u32 v40, $0x3;
	v12 =	vld.idx.msk [tilespmem:v48+s1+$0x0], $0xffff  }
0x160: {  	v15 =	vor.u32 $0x1, v15;
	v16 =	vld.idx.msk [tilespmem:v16+s1+$0x0], $0xffff  }
0x161: {  	v14 =	vld.idx.msk [tilespmem:v53+s1+$0x0], $0xffff  }
0x162: {  	v19 =	vld.idx.msk [tilespmem:v19+s1+$0x0], $0xffff  }
0x163: {  	v18 =	vld.idx.msk [tilespmem:v18+s1+$0x0], $0xffff  }
0x164: {  	v20 =	vld.idx.msk [tilespmem:v20+s1+$0x0], $0xffff;
	v12 =	vadd.f32 v12, v11  }
0x165: {  	v15 =	vld.idx.msk [tilespmem:v15+s1+$0x0], $0xffff  }
0x166: {  	v14 =	vadd.f32 v14, v13;
	v57 =	vmul.f32 $2.000000030e-01, v12  }
0x167: {  	v19 =	vadd.f32 v19, v17  }
0x168: {  	v18 =	vadd.f32 v18, v16;
	v58 =	vmul.f32 $2.000000030e-01, v14;
	v12 =	vmax.f32 v12, v57  }
0x169: {  	v59 =	vmul.f32 $2.000000030e-01, v19;
	v12 =	vmul.f32 v12, v10  }
0x16a: {  	v15 =	vadd.f32 v15, v20;
	v60 =	vmul.f32 $2.000000030e-01, v18;
	v14 =	vmax.f32 v14, v58  }
0x16b: {  	v19 =	vmax.f32 v19, v59;
	v14 =	vmul.f32 v14, v10;
	v12 =	vmul.f32 $1.442695020e+00, v12  }
0x16c: {  	v63 =	vmul.f32 $2.000000030e-01, v15;
	v19 =	vmul.f32 v19, v10  }
0x16d: {  	v18 =	vmax.f32 v18, v60;
	v61 =	vmul.f32 $1.442695020e+00, v14;
	(erf) = vpow2.f32 v12  }
0x16e: {  	v21 =	vmul.f32 v18, v10  }
0x16f: {  	v22 =	vmax.f32 v15, v63;
	v62 =	vmul.f32 $1.442695020e+00, v19;
	(erf) = vpow2.f32 v61  }
0x170: {  	v14 =	vmul.f32 v22, v10  }
0x171: {  	v12 =	vmul.f32 $1.442695020e+00, v21;
	(erf) = vpow2.f32 v62;
	_ =	sdelay $0x1  }
0x172: {  	v23 =	vmul.f32 $1.442695020e+00, v14;
	(erf) = vpow2.f32 v12;
	_ =	sdelay $0x1  }
0x173: {  	(erf) = vpow2.f32 v23  }
0x174: {  	v24 =	vpop (erf)  }
0x175: {  	v11 =	vmul.f32 v24, v11  }
0x176: {  	v25 =	vpop (erf)  }
0x177: {  	[tilespmem:v0+s8+$0x0] =	vst.idx.msk $0xffff, v11;
	v11 =	vmul.f32 v25, v13  }
0x178: {  	v26 =	vpop (erf);
	[tilespmem:v1+s8+$0x0] =	vst.idx.msk $0xffff, v24  }
0x179: {  	[tilespmem:v2+s8+$0x0] =	vst.idx.msk $0xffff, v11;
	v11 =	vmul.f32 v26, v17  }
0x17a: {  	v27 =	vpop (erf);
	[tilespmem:v3+s8+$0x0] =	vst.idx.msk $0xffff, v25  }
0x17b: {  	[tilespmem:v4+s8+$0x0] =	vst.idx.msk $0xffff, v11;
	v11 =	vmul.f32 v27, v16  }
0x17c: {  	v28 =	vpop (erf);
	[tilespmem:v5+s8+$0x0] =	vst.idx.msk $0xffff, v26  }
0x17d: {  	[tilespmem:v6+s8+$0x0] =	vst.idx.msk $0xffff, v11;
	v11 =	vmul.f32 v28, v20  }
0x17e: {  	[tilespmem:v7+s8+$0x0] =	vst.idx.msk $0xffff, v27  }
0x17f: {  	[tilespmem:v8+s8+$0x0] =	vst.idx.msk $0xffff, v11  }
0x180: {  	[tilespmem:v9+s8+$0x0] =	vst.idx.msk $0xffff, v28  }
0x181: {  	[spmem:s2] =	stream.indirect.scatter.add.f32 [tilespmem:s8], [sflag:$0x7], $0x10, s30, s13, $0xb8;
	[tilespmem:$0x17760] =	vst v63  }
0x182: {  	s14 =	simm.s32 @!p2 $0xA0;
	s0 =	sadd.s32 @!p2 s9, s20  }
0x183: {  	[tilespmem:s14], [sflag:$0x3] =	stream.linear.gather @!p2 [hbm4b:s0+s12], $0x50, $0x38;
	[tilespmem:$0x17760] =	vst v63  }
0x184: {  	s0 =	sadd.s32 @!p2 s9, s21;
	s14 =	simm.s32 @!p2 $0x1E0  }
0x185: {  	[tilespmem:s14], [sflag:$0x3] =	stream.linear.gather @!p2 [hbm4b:s0+s12], $0x50, $0x38;
	[tilespmem:$0x17760] =	vst v63  }
0x186: {  	_ =	swait.ge [sflag:s24], $0x50  }
0x187: {  	[sflag:s24] =	ssyncset.done $0x0  }
0x188: {  	[sflag:s24] =	ssyncadd.s32 $0xFFFFFFB0  }
0x189: {  	_ =	swait.ge [sflag:s24], $0x50  }
0x18a: {  	[sflag:s24] =	ssyncset.done $0x0  }
0x18b: {  	s0 =	simm.s32 @!p1 $0x8;
	[sflag:s24] =	ssyncadd.s32 $0xFFFFFFB0  }
0x18c: {  	_ =	swait.ge @!p1 [sflag:s0], $0x500  }
0x18d: {  	[sflag:s0] =	ssyncset.done @!p1 $0x0  }
0x18e: {  	[sflag:s0] =	ssyncadd.s32 @!p1 $0xFFFFFB00  }
0x18f: {  	v11 =	vld [tilespmem:$0x230]  }
0x190: {  	v29 =	vld [tilespmem:$0x240]  }
0x191: {  	v30 =	vld [tilespmem:$0x250]  }
0x192: {  	v31 =	vld [tilespmem:$0x260]  }
0x193: {  	v32 =	vld [tilespmem:$0x270]  }
0x194: {  	v33 =	vld [tilespmem:$0xF0]  }
0x195: {  	v34 =	vld [tilespmem:$0x230]  }
0x196: {  	v35 =	vld [tilespmem:$0x100]  }
0x197: {  	v37 =	vld [tilespmem:$0x110]  }
0x198: {  	v36 =	vld [tilespmem:$0x240]  }
0x199: {  	v41 =	vld [tilespmem:$0x120]  }
0x19a: {  	v38 =	vld [tilespmem:$0x250];
	[tilespmem:$0x370] =	vst v11;
	v11 =	vshll.u32 v33, $0x3  }
0x19b: {  	v44 =	vld [tilespmem:$0x260];
	[tilespmem:$0x380] =	vst v29;
	v42 =	vshll.u32 v35, $0x3  }
0x19c: {  	v39 =	vshll.u32 v34, $0x3;
	[tilespmem:$0x390] =	vst v30;
	v46 =	vshll.u32 v37, $0x3  }
0x19d: {  	v48 =	vld [tilespmem:$0x130];
	[tilespmem:$0x3A0] =	vst v31;
	v40 =	vor.u32 $0x1, v39  }
0x19e: {  	v43 =	vshll.u32 v36, $0x3;
	[tilespmem:$0x3B0] =	vst v32;
	v16 =	vshll.u32 v41, $0x3  }
0x19f: {  	v47 =	vshll.u32 v38, $0x3;
	v45 =	vor.u32 $0x1, v43;
	v11 =	vld.idx.msk [tilespmem:v11+s1+$0x0], $0xffff  }
0x1a0: {  	v18 =	vshll.u32 v44, $0x3;
	v19 =	vor.u32 $0x1, v47;
	v13 =	vld.idx.msk [tilespmem:v42+s1+$0x0], $0xffff  }
0x1a1: {  	v18 =	vor.u32 $0x1, v18;
	v17 =	vld.idx.msk [tilespmem:v46+s1+$0x0], $0xffff  }
0x1a2: {  	v20 =	vshll.u32 v48, $0x3;
	v15 =	vshll.u32 v32, $0x3;
	v12 =	vld.idx.msk [tilespmem:v40+s1+$0x0], $0xffff  }
0x1a3: {  	v15 =	vor.u32 $0x1, v15;
	v16 =	vld.idx.msk [tilespmem:v16+s1+$0x0], $0xffff  }
0x1a4: {  	v14 =	vld.idx.msk [tilespmem:v45+s1+$0x0], $0xffff  }
0x1a5: {  	v19 =	vld.idx.msk [tilespmem:v19+s1+$0x0], $0xffff  }
0x1a6: {  	v18 =	vld.idx.msk [tilespmem:v18+s1+$0x0], $0xffff  }
0x1a7: {  	v20 =	vld.idx.msk [tilespmem:v20+s1+$0x0], $0xffff;
	v12 =	vadd.f32 v12, v11  }
0x1a8: {  	v15 =	vld.idx.msk [tilespmem:v15+s1+$0x0], $0xffff  }
0x1a9: {  	v14 =	vadd.f32 v14, v13;
	v49 =	vmul.f32 $2.000000030e-01, v12  }
0x1aa: {  	v19 =	vadd.f32 v19, v17  }
0x1ab: {  	v18 =	vadd.f32 v18, v16;
	v50 =	vmul.f32 $2.000000030e-01, v14;
	v12 =	vmax.f32 v12, v49  }
0x1ac: {  	v51 =	vmul.f32 $2.000000030e-01, v19;
	v12 =	vmul.f32 v12, v10  }
0x1ad: {  	v15 =	vadd.f32 v15, v20;
	v52 =	vmul.f32 $2.000000030e-01, v18;
	v14 =	vmax.f32 v14, v50  }
0x1ae: {  	v19 =	vmax.f32 v19, v51;
	v14 =	vmul.f32 v14, v10;
	v12 =	vmul.f32 $1.442695020e+00, v12  }
0x1af: {  	v55 =	vmul.f32 $2.000000030e-01, v15;
	v19 =	vmul.f32 v19, v10  }
0x1b0: {  	v18 =	vmax.f32 v18, v52;
	v53 =	vmul.f32 $1.442695020e+00, v14;
	(erf) = vpow2.f32 v12  }
0x1b1: {  	v56 =	vmul.f32 v18, v10  }
0x1b2: {  	v57 =	vmax.f32 v15, v55;
	v54 =	vmul.f32 $1.442695020e+00, v19;
	(erf) = vpow2.f32 v53  }
0x1b3: {  	v14 =	vmul.f32 v57, v10  }
0x1b4: {  	v12 =	vmul.f32 $1.442695020e+00, v56;
	(erf) = vpow2.f32 v54;
	_ =	sdelay $0x1  }
0x1b5: {  	v58 =	vmul.f32 $1.442695020e+00, v14;
	(erf) = vpow2.f32 v12;
	_ =	sdelay $0x1  }
0x1b6: {  	(erf) = vpow2.f32 v58  }
0x1b7: {  	v59 =	vpop (erf)  }
0x1b8: {  	v11 =	vmul.f32 v59, v11  }
0x1b9: {  	v60 =	vpop (erf)  }
0x1ba: {  	[tilespmem:v0+s10+$0x0] =	vst.idx.msk $0xffff, v11;
	v11 =	vmul.f32 v60, v13  }
0x1bb: {  	v61 =	vpop (erf);
	[tilespmem:v1+s10+$0x0] =	vst.idx.msk $0xffff, v59  }
0x1bc: {  	[tilespmem:v2+s10+$0x0] =	vst.idx.msk $0xffff, v11;
	v11 =	vmul.f32 v61, v17  }
0x1bd: {  	v62 =	vpop (erf);
	[tilespmem:v3+s10+$0x0] =	vst.idx.msk $0xffff, v60  }
0x1be: {  	[tilespmem:v4+s10+$0x0] =	vst.idx.msk $0xffff, v11;
	v11 =	vmul.f32 v62, v16  }
0x1bf: {  	v63 =	vpop (erf);
	[tilespmem:v5+s10+$0x0] =	vst.idx.msk $0xffff, v61  }
.Ltmp2:
0x1c0: {  	[tilespmem:v6+s10+$0x0] =	vst.idx.msk $0xffff, v11;
	v11 =	vmul.f32 v63, v20;
	(pc) =	sbr.rel @p2 .LBB2_4-.Ltmp2, $4  }
0x1c1: {  	[tilespmem:v7+s10+$0x0] =	vst.idx.msk $0xffff, v62  }
0x1c2: {  	[tilespmem:v8+s10+$0x0] =	vst.idx.msk $0xffff, v11  }
0x1c3: {  	[tilespmem:v9+s10+$0x0] =	vst.idx.msk $0xffff, v63  }
0x1c4: {  	[spmem:s2] =	stream.indirect.scatter.add.f32 [tilespmem:s10], [sflag:$0x8], $0x10, s31, s13, $0xb8;
	[tilespmem:$0x17760] =	vst v63  }
.Ltmp3:
0x1c5: {  	(pc) =	sbr.rel .LBB2_2-.Ltmp3, $4  }
0x1c6: {  	s0 =	sadd.s32 s9, s18;
	s12 =	simm.s32 $0xF0  }
0x1c7: {  	[tilespmem:s12], [sflag:$0x4] =	stream.linear.gather [hbm4b:s0+s3], $0x50, $0x38;
	[tilespmem:$0x17760] =	vst v63  }
0x1c8: {  	s14 =	sadd.s32 s9, s19;
	s9 =	sadd.s32 $0x28, s9;
	s6 =	sadd.s32 $0x140, s6  }
0x1c9: {  	[tilespmem:s15], [sflag:$0x4] =	stream.linear.gather [hbm4b:s14+s3], $0x50, $0x38;
	[tilespmem:$0x17760] =	vst v63  }
.LBB2_5:
0x1ca: {  	_ =	sfence.sel $0x180000  }
0x1cb: {  	[bflag:$0x0] =	sbarrier.arrive $0xFFFF  }
0x1cc: {  	_ =	strace $0x9000004A  }
0x1cd: {  	[bflag:$0x2] =	sbarrier.arrive $0xFFFF  }
0x1ce: {  	s0 =	rddreg [dreg:$0x3]  }
0x1cf: {  	s0 =	sadd.s32 @!p0 $0x100000, s0  }
0x1d0: {  	[sflag:s0] =	ssyncadd.tile.s32 @!p0 $0x1;
	_ =	shalt  }
.Lfunc_end2:
_tile_overlayer_lowered:
.L_overlay_start_2:
0x1d1: {  	(tag) =	ssettag $0x2  }
0x1d2: {  	s0 =	rddreg [dreg:$0x0];
	s2 =	stileid.u32  }
0x1d3: {  	s1 =	rddreg [dreg:$0x1];
	p0 =	sne.s32 s2, $0x0  }
0x1d4: {  	s3 =	rddreg [dreg:$0x2];
	[bflag:$0x3] =	sbarrier.arrive $0xFFFF;
	s2 =	simm.s32 @!p0 $0x1C09  }
0x1d5: {  	[timem:s3], [sflag:s2] =	dma.local @!p0 [hbm:s0], s1  }
0x1d6: {  	s0 =	simm.s32 @!p0 $0x9  }
0x1d7: {  	_ =	swait.ge @!p0 [sflag:s0], s1  }
0x1d8: {  	s1 =	ssub.s32 @!p0 $0x0, s1;
	[sflag:s0] =	ssyncset.done @!p0 $0x0  }
0x1d9: {  	[sflag:s0] =	ssyncadd.s32 @!p0 s1  }
0x1da: {  	[bflag:$0x3] =	sbarrier.arrive $0xFFFF  }
0x1db: {  	_ =	shalt  }

// kernel: kernel.7.cloned.1.call-start
scs
__scs_entry_jumppad:
0x0: {  	(pc) =	sbr.rel $0x88, $3  }
0x1: {  	(tag) =	ssettag $0x0;
	lr =	simm.s32 $0x1  }
0x2: {  	[smem:$0x3F97] =	sst lr;
	_ =	strace $0xD0000000  }
0x3: {  	_ = 	snop  }
0x4: {  	_ = 	snop  }
0x5: {  	_ = 	snop  }
0x6: {  	_ = 	snop  }
0x7: {  	_ = 	snop  }
__scs_overlays_trampoline_lowered:
0x8: {  	[smem:$0x3FA6] =	sst s0  }
0x9: {  	[smem:$0x3FA7] =	sst s1  }
0xa: {  	[smem:$0x3FA8] =	sst s2  }
0xb: {  	[smem:$0x3FA9] =	sst s3  }
0xc: {  	[smem:$0x3FAA] =	sst s4  }
0xd: {  	[smem:$0x3FAB] =	sst s5  }
0xe: {  	[smem:$0x3FAC] =	sst s6  }
0xf: {  	[smem:$0x3FAD] =	sst s7  }
0x10: {  	[smem:$0x3FAE] =	sst s8  }
0x11: {  	[smem:$0x3FAF] =	sst s9;
	s0 =	simm.s32 @!p0 $0x0  }
0x12: {  	s1 =	sld [smem:$0x3F95];
	s0 =	simm.s32 @p0 $0x1  }
0x13: {  	[smem:$0x3FB0] =	sst s0;
	s0 =	simm.s32 @!p1 $0x0  }
0x14: {  	s2 =	sld [smem:$0x3F94];
	s0 =	simm.s32 @p1 $0x1  }
0x15: {  	[smem:$0x3FB1] =	sst s0;
	s0 =	simm.s32 @!p2 $0x0  }
0x16: {  	s3 =	sld [smem:$0x3FDB];
	s0 =	simm.s32 @p2 $0x1  }
0x17: {  	s4 =	simm.s32 $0x1BF5;
	[smem:$0x3FB3] =	sst s0  }
0x18: {  	s0 =	sld [smem:$0x3F96];
	_ =	swait.ge [sflag:s4], $0x0  }
0x19: {  	s7 =	sld [smem:$0x3F97]  }
0x1a: {  	s8 =	sadd.s32 $0xFFFFE003, lr  }
0x1b: {  	s9 =	sadd.s32 $0xFFFFFEF7, lr;
	s5 =	simm.s32 $0xFFFFFFFF;
	p2 =	slt.u32 s8, $0xFFFFF086  }
0x1c: {  	p1 =	slt.u32 s9, $0xF7A;
	s5 =	simm.s32 @!p2 $0x0  }
0x1d: {  	s5 =	simm.s32 @p1 $0x1;
	p0 =	seq.s32 s7, s2  }
0x1e: {  	s7 =	smul.u32 @!p0 $0xF7A, s2;
	p2 =	seq.s32 @!p0 s5, $0x0  }
0x1f: {  	s9 =	smul.u32 $0xF7A, s1;
	s8 =	simm.s32 @!p0 $0x1BF5;
	p2 =	por !p2, p0  }
0x20: {  	[sflag:s8] =	ssyncset.s32 @!p0 $0xFFFFF086;
	s6 =	sadd.s32 @!p0 s3, s7;
	s7 =	simm.s32 @!p0 $0x108  }
0x21: {  	s3 =	sadd.s32 s3, s9;
	s6 =	sadd.s32 @!p0 $0x88, s6;
	s7 =	simm.s32 @p2 $0x1082  }
0x22: {  	[simem:s7], [sflag:s8] =	dma.local @!p0 [hbm:s6], $0xF7A  }
0x23: {  	s9 =	sor.u32 $0xD0000000, s2;
	s6 =	simm.s32 $0x108;
	_ =	swait.ge @!p0 [sflag:s8], $0x0  }
0x24: {  	s3 =	sadd.s32 $0x88, s3;
	s6 =	simm.s32 @!p1 $0x1082;
	[sflag:s4] =	ssyncset.s32 $0xFFFFF086  }
0x25: {  	[simem:s6], [sflag:s4] =	dma.local [hbm:s3], $0xF7A  }
0x26: {  	[smem:$0x3F97] =	sst s1;
	(tag) =	ssettag s2;
	_ =	strace s9  }
0x27: {  	s1 =	sld [smem:$0x3FA7]  }
0x28: {  	s2 =	sld [smem:$0x3FA8]  }
0x29: {  	s4 =	sld [smem:$0x3FAA]  }
0x2a: {  	p0 =	seq.s32 s5, $0x0;
	s5 =	sld [smem:$0x3FAB]  }
0x2b: {  	s6 =	sld [smem:$0x3FAC]  }
0x2c: {  	s7 =	sld [smem:$0x3FAD]  }
0x2d: {  	s3 =	simm.s32 $0x108;
	s8 =	sld [smem:$0x3FAE]  }
0x2e: {  	s3 =	simm.s32 @!p0 $0x1082;
	s9 =	sld [smem:$0x3FAF]  }
0x2f: {  	lr =	sadd.s32 s0, s3;
	s0 =	sld [smem:$0x3FA6]  }
0x30: {  	s3 =	sld [smem:$0x3FA9]  }
0x31: {  	[smem:$0x3FB2] =	sst s10  }
0x32: {  	s10 =	sld [smem:$0x3FB0];
	_ =	sdelay $0x3  }
0x33: {  	p0 =	seq.s32 s10, $0x1;
	s10 =	sld [smem:$0x3FB2];
	_ =	sdelay $0x3  }
0x34: {  	[smem:$0x3FB2] =	sst s10  }
0x35: {  	s10 =	sld [smem:$0x3FB1];
	_ =	sdelay $0x3  }
0x36: {  	p1 =	seq.s32 s10, $0x1;
	s10 =	sld [smem:$0x3FB2];
	_ =	sdelay $0x3  }
0x37: {  	[smem:$0x3FB2] =	sst s10  }
0x38: {  	s10 =	sld [smem:$0x3FB3]  }
0x39: {  	_ = 	snop;
	(pc) =	sbr.ind lr, $3  }
0x3a: {  	_ = 	snop  }
0x3b: {  	_ = 	snop  }
0x3c: {  	p2 =	seq.s32 s10, $0x1;
	s10 =	sld [smem:$0x3FB2]  }
0x3d: {  	_ =	shalt  }
0x3e: {  	_ =	shalt  }
0x3f: {  	_ =	shalt  }
0x40: {  	_ =	shalt  }
0x41: {  	_ =	shalt  }
0x42: {  	_ =	shalt  }
0x43: {  	_ =	shalt  }
0x44: {  	_ =	shalt  }
0x45: {  	_ =	shalt  }
0x46: {  	_ =	shalt  }
0x47: {  	_ =	shalt  }
0x48: {  	_ =	shalt  }
0x49: {  	_ =	shalt  }
0x4a: {  	_ =	shalt  }
0x4b: {  	_ =	shalt  }
0x4c: {  	_ =	shalt  }
0x4d: {  	_ =	shalt  }
0x4e: {  	_ =	shalt  }
0x4f: {  	_ =	shalt  }
0x50: {  	_ =	shalt  }
0x51: {  	_ =	shalt  }
0x52: {  	_ =	shalt  }
0x53: {  	_ =	shalt  }
0x54: {  	_ =	shalt  }
0x55: {  	_ =	shalt  }
0x56: {  	_ =	shalt  }
0x57: {  	_ =	shalt  }
0x58: {  	_ =	shalt  }
0x59: {  	_ =	shalt  }
0x5a: {  	_ =	shalt  }
0x5b: {  	_ =	shalt  }
0x5c: {  	_ =	shalt  }
0x5d: {  	_ =	shalt  }
0x5e: {  	_ =	shalt  }
0x5f: {  	_ =	shalt  }
0x60: {  	_ =	shalt  }
0x61: {  	_ =	shalt  }
0x62: {  	_ =	shalt  }
0x63: {  	_ =	shalt  }
0x64: {  	_ =	shalt  }
0x65: {  	_ =	shalt  }
0x66: {  	_ =	shalt  }
0x67: {  	_ =	shalt  }
0x68: {  	_ =	shalt  }
0x69: {  	_ =	shalt  }
0x6a: {  	_ =	shalt  }
0x6b: {  	_ =	shalt  }
0x6c: {  	_ =	shalt  }
0x6d: {  	_ =	shalt  }
0x6e: {  	_ =	shalt  }
0x6f: {  	_ =	shalt  }
0x70: {  	_ =	shalt  }
0x71: {  	_ =	shalt  }
0x72: {  	_ =	shalt  }
0x73: {  	_ =	shalt  }
0x74: {  	_ =	shalt  }
0x75: {  	_ =	shalt  }
0x76: {  	_ =	shalt  }
0x77: {  	_ =	shalt  }
0x78: {  	_ =	shalt  }
0x79: {  	_ =	shalt  }
0x7a: {  	_ =	shalt  }
0x7b: {  	_ =	shalt  }
0x7c: {  	_ =	shalt  }
0x7d: {  	_ =	shalt  }
0x7e: {  	_ =	shalt  }
0x7f: {  	_ =	shalt  }
0x80: {  	_ =	shalt  }
0x81: {  	_ =	shalt  }
0x82: {  	_ =	shalt  }
0x83: {  	_ =	shalt  }
0x84: {  	_ =	shalt  }
0x85: {  	_ =	shalt  }
0x86: {  	_ =	shalt  }
0x87: {  	_ =	shalt  }
.Lfunc_end0:
.L_simem_size_0:
called_computation_lowered:
.L_overlay_start_0:
0x88: {  	s2 =	sld [smem:$0x3FD9]  }
0x89: {  	s3 =	sld [smem:$0x3FFE];
	_ =	sdelay $0x1  }
0x8a: {  	s1 =	srdreg.scid  }
0x8b: {  	s0 =	sand.u32 $0x1, s1  }
0x8c: {  	s17 =	sshll.u32 s0, $0xA;
	s2 =	sadd.s32 s3, s2  }
0x8d: {  	s2 =	sadd.s32 s2, s17  }
0x8e: {  	[smem:$0x3FBE] =	sst s2  }
0x8f: {  	_ = 	snop  }
0x90: {  	s2 =	sld [smem:$0x3FD0];
	(tm) =	ssettm $0x1  }
0x91: {  	s18 =	sld [smem:$0x3FFB];
	_ =	sdelay $0x3  }
0x92: {  	_ =	strace s18  }
0x93: {  	s3 =	sld [smem:$0x3FFC];
	_ =	sdelay $0x3  }
0x94: {  	_ =	strace s3  }
0x95: {  	s3 =	sld [smem:$0x3FFD];
	_ =	sdelay $0x3  }
0x96: {  	_ =	strace s3  }
0x97: {  	_ =	strace $0x8FFFFFFF  }
0x98: {  	s19 =	sld [smem:$0x3FDB];
	_ =	sdelay $0x1  }
0x99: {  	s4 =	simm.s32 $_scs_section_size  }
0x9a: {  	s5 =	simm.s32 $_size__tile_overlayer_lowered;
	s6 =	simm.s32 $_tile_overlayer_lowered  }
0x9b: {  	s22 =	simm.s32 $0x1BFF;
	s21 =	sshll.u32 s6, $0x1;
	s3 =	sadd.s32 s4, s19  }
0x9c: {  	s7 =	simm.s32 $0x0;
	s20 =	sshll.u32 s5, $0x1;
	s5 =	sadd.s32 s21, s3  }
0x9d: {  	[timem:s7], [sflag:s22] =	dma.local [hbm:s5], s20  }
0x9e: {  	_ =	swait.ge [sflag:s22], s20  }
0x9f: {  	s4 =	ssub.s32 $0x0, s20;
	[sflag:s22] =	ssyncset.done $0x0  }
0xa0: {  	[sflag:s22] =	ssyncadd.s32 s4;
	_ =	sdelay $0x1  }
0xa1: {  	s23 =	simm.s32 $0x1B8B  }
0xa2: {  	_ =	swait.ge [sflag:s23], $0x1  }
0xa3: {  	[sflag:s23] =	ssyncset.done $0x0  }
0xa4: {  	s25 =	simm.s32 $0x1B8E;
	s24 =	sld [smem:$0x3FFE];
	[sflag:s23] =	ssyncadd.s32 $0xFFFFFFFF  }
0xa5: {  	s26 =	simm.s32 $execute0_lowered;
	[smem:$0x3FD2] =	sst s25  }
0xa6: {  	s5 =	sshll.u32 s26, $0x1;
	_ =	strace $0x80000046;
	[dreg:$0x1] =	wrdreg $0xFFFFFFFF  }
0xa7: {  	s28 =	simm.s32 $_size_execute0_lowered;
	s3 =	sadd.s32 s3, s5;
	[dreg:$0x0] =	wrdreg $0x0  }
0xa8: {  	s5 =	sshll.u32 s28, $0x1;
	[dreg:$0x2] =	wrdreg s3  }
0xa9: {  	[dreg:$0x3] =	wrdreg s5  }
0xaa: {  	[dreg:$0x4] =	wrdreg $0xC0  }
0xab: {  	_ =	task [dreg:s7], $0x5FFFF  }
0xac: {  	[dreg:$0x1] =	wrdreg $0xFFFFFFFF  }
0xad: {  	[dreg:$0x0] =	wrdreg $0x60  }
0xae: {  	[dreg:$0x2] =	wrdreg s24  }
0xaf: {  	[dreg:$0x3] =	wrdreg s2  }
0xb0: {  	[dreg:$0x4] =	wrdreg $0x53D00  }
0xb1: {  	[dreg:$0x5] =	wrdreg $0x9  }
0xb2: {  	_ =	task.clear_ibuf [dreg:s7], $0x6FFFF;
	_ =	strace $0x90000046  }
0xb3: {  	s29 =	simm.s32 $0x9;
	_ =	strace $0x80000048  }
0xb4: {  	_ =	swait.ge [sflag:s29], $0x1  }
0xb5: {  	[sflag:s29] =	ssyncadd.s32 $0xFFFFFFFF  }
0xb6: {  	_ =	strace $0x90000048  }
0xb7: {  	_ =	sfence  }
0xb8: {  	s30 =	sld [smem:$0x0];
	_ =	sdelay $0x2  }
0xb9: {  	s31 =	sshll.u32 s1, $0xD;
	s1 =	sshrl.u32 s1, $0x2  }
0xba: {  	s3 =	sand.u32 $0x4000, s31;
	s1 =	sadd.s32 s1, s30  }
0xbb: {  	s0 =	sor.u32 s3, s0;
	s1 =	sshll.u32 s1, $0x11  }
0xbc: {  	s0 =	sor.u32 s1, s0  }
0xbd: {  	s0 =	sadd.s32 $0x8F2B, s0  }
0xbe: {  	[sflag:s0] =	ssyncadd.remote.s32 $0x1  }
0xbf: {  	_ =	sfence.sel $0xFFFF  }
0xc0: {  	[dreg:$0x0] =	wrdreg $0xFFFFFFFF;
	(pc) =	sbr.abs _section_cstart, $3  }
0xc1: {  	[dreg:$0x1] =	wrdreg $0xFFFFFFFF  }
0xc2: {  	_ =	task.clear_ibuf [dreg:s7], $0x2FFFF;
	_ =	strace $0x9FFFFFFF  }
0xc3: {  	(tm) =	ssettm $0x7FFFFFFF  }
tec
execute0_lowered:
.L_overlay_start_1:
0x0: {  	(tag) =	ssettag $0x1  }
0x1: {  	s0 =	rddreg [dreg:$0x0]  }
0x2: {  	s2 =	rddreg [dreg:$0x2];
	s3 =	simm.s32 $0x0  }
0x3: {  	s1 =	stileid.u32;
	s8 =	srdreg.scid;
	s30 =	simm.s32 $0x140  }
0x4: {  	s31 =	simm.s32 $0x50;
	[smem:$0x7FF] =	sst s3;
	s4 =	sadd.s32 $0x1800, s0  }
0x5: {  	s7 =	smul.u32 $0x4E00, s1;
	s5 =	sadd.s32 $0x6800, s0;
	s6 =	sadd.s32 $0xB800, s0  }
0x6: {  	s8 =	sand.u32 $0x1, s8;
	s11 =	sshll.u32 s1, $0x1;
	s13 =	sadd.s32 $0x29000, s0  }
0x7: {  	s16 =	sshll.u32 s1, $0x6;
	s17 =	sadd.s32 $0x4E000, s2;
	p0 =	sne.s32 s1, $0x0  }
0x8: {  	_ =	strace $0x80000047;
	s10 =	ssub.s32 $0x2, s8;
	s11 =	sor.u32 s8, s11  }
0x9: {  	s25 =	sor.u32 $0x1C0D, s16;
	[dreg:$0x7] =	wrdreg s17;
	s19 =	smul.u32 $0x4E200, s8  }
0xa: {  	s8 =	simm.s32 $0x230;
	s17 =	simm.s32 $0x5;
	s16 =	simm.s32 $0x8  }
0xb: {  	s9 =	sshrl.u32 s7, $0x3;
	s12 =	sshrl.u32 s10, $0x1;
	s11 =	smul.u32 $0x2710, s11  }
0xc: {  	s15 =	sadd.s32 s7, s2;
	[dreg:$0x6] =	wrdreg s25;
	s9 =	sadd.s32 s9, s0  }
0xd: {  	s10 =	ssub.s32 s10, s12;
	[dreg:$0x4] =	wrdreg s15;
	s0 =	sadd.s32 $0x28E00, s0  }
0xe: {  	s7 =	sadd.s32 s7, s19;
	s12 =	simm.s32 $0x6;
	s15 =	simm.s32 $0x4  }
0xf: {  	s9 =	sadd.s32 $0x1F200, s9;
	s18 =	sshrl.u32 s11, $0x3;
	[dreg:$0x8] =	wrdreg s0  }
0x10: {  	s7 =	sshrl.u32 s7, $0x3;
	s28 =	smax.u32 s10, $0x1;
	[dreg:$0x5] =	wrdreg s9  }
0x11: {  	s0 =	sshrl.u32 s19, $0x3;
	s7 =	sadd.s32 s13, s7;
	[dreg:$0x12] =	wrdreg s28  }
0x12: {  	s19 =	sadd.s32 $0x140, s11;
	s9 =	sadd.s32 s6, s18;
	[dreg:$0x10] =	wrdreg s7  }
0x13: {  	s10 =	simm.s32 $0x1;
	s20 =	sadd.s32 $0x9C40, s9;
	[dreg:$0x9] =	wrdreg s9  }
0x14: {  	v0 =	vimm.s32 $0xEFCDAB89;
	v1 =	vimm.s32 $0x67452301;
	s0 =	sadd.s32 s13, s0;
	s21 =	sadd.s32 $0xA, s9;
	[dreg:$0xa] =	wrdreg s20  }
0x15: {  	v2 =	vimm.s32 $0xDCFE98BA;
	v3 =	vimm.s32 $0x54761032;
	v0 =	vunpack.c.l.s4.s8 v0;
	s18 =	simm.s32 $0x280;
	s22 =	sadd.s32 $0x9C4A, s9;
	[dreg:$0xb] =	wrdreg s21  }
0x16: {  	v1 =	vunpack.c.l.s4.s8 v1;
	v2 =	vunpack.c.l.s4.s8 v2;
	v3 =	vunpack.c.l.s4.s8 v3;
	s13 =	simm.s32 $0x0;
	s23 =	sadd.s32 $0x14, s9;
	[dreg:$0xc] =	wrdreg s22  }
0x17: {  	v0 =	vunpack.c.0.s8.s32 v0;
	s24 =	sadd.s32 $0x9C54, s9;
	s26 =	sadd.s32 $0x1E, s9;
	[dreg:$0xd] =	wrdreg s23  }
0x18: {  	v1 =	vunpack.c.0.s8.s32 v1;
	v2 =	vunpack.c.0.s8.s32 v2;
	v3 =	vunpack.c.0.s8.s32 v3;
	s0 =	sadd.s32 $0x9C00, s0;
	s29 =	sadd.s32 $0x9C5E, s9;
	[dreg:$0xe] =	wrdreg s24  }
0x19: {  	s9 =	simm.s32 $0xD;
	s7 =	simm.s32 $0xF0;
	[dreg:$0xf] =	wrdreg s26  }
0x1a: {  	v0 =	vcombine.low v1, v0;
	v1 =	vcombine.low v3, v2;
	s21 =	sadd.s32 $0x190, s11;
	s22 =	sadd.s32 $0x1E0, s11;
	[dreg:$0x11] =	wrdreg s0  }
0x1b: {  	s23 =	sadd.s32 $0x230, s11;
	[dreg:$0x13] =	wrdreg s29;
	s11 =	simm.s32 $0x2  }
0x1c: {  	v0 =	vand.u32 $0xF, v0;
	v1 =	vand.u32 $0xF, v1;
	s20 =	simm.s32 $0x2BC0;
	s24 =	simm.s32 $0x3;
	s26 =	simm.s32 $0x7  }
.LBB2_1:
0x1d: {  	[dreg:$0x14] =	wrdreg s13  }
0x1e: {  	s0 =	rddreg [dreg:$0x4]  }
0x1f: {  	s14 =	rddreg [dreg:$0x5];
	s1 =	sshrl.u32 s0, $0x3  }
0x20: {  	[dreg:$0x15] =	wrdreg s1  }
0x21: {  	[spmem:s1], [sflag:s25] =	dma.local [hbm:s14], $0x9C0  }
0x22: {  	_ =	swait.ge [sflag:s9], $0x9C0  }
0x23: {  	s0 =	rddreg [dreg:$0x7]  }
0x24: {  	[sflag:s9] =	ssyncset.done $0x0;
	s1 =	sshrl.u32 @!p0 s0, $0x3;
	s0 =	rddreg [dreg:$0x8]  }
0x25: {  	[sflag:s9] =	ssyncadd.s32 $0xFFFFF640;
	[dreg:$0x16] =	wrdreg s1  }
0x26: {  	[spmem:s1], [sflag:s25] =	dma.local @!p0 [hbm:s0], $0x40  }
0x27: {  	s0 =	simm.s32 @!p0 $0xD  }
0x28: {  	_ =	swait.ge @!p0 [sflag:s0], $0x40  }
0x29: {  	[sflag:s0] =	ssyncset.done @!p0 $0x0  }
0x2a: {  	[sflag:s0] =	ssyncadd.s32 @!p0 $0xFFFFFFC0  }
0x2b: {  	s29 =	simm.s32 $0x53C0;
	s0 =	rddreg [dreg:$0x1]  }
0x2c: {  	[tilespmem:s29], [sflag:$0xD] =	stream.linear.gather [hbm4b:s0+s3], $0x10, $0x38;
	[tilespmem:$0xA1F0] =	vst v63  }
0x2d: {  	_ =	swait.ge [sflag:s9], $0x10  }
0x2e: {  	[sflag:s9] =	ssyncset.done $0x0  }
0x2f: {  	[sflag:s9] =	ssyncadd.s32 $0xFFFFFFF0  }
0x30: {  	[bflag:$0x0] =	sbarrier.arrive $0xFFFF  }
0x31: {  	s13 =	rddreg [dreg:$0x9]  }
0x32: {  	v2 =	vld [tilespmem:$0x53C0];
	[tilespmem:s3], [sflag:$0x1] =	stream.linear.gather [hbm4b:s13+s3], $0x50, $0x38  }
0x33: {  	s14 =	rddreg [dreg:$0xa]  }
0x34: {  	[tilespmem:s30], [sflag:$0x1] =	stream.linear.gather [hbm4b:s14+s3], $0x50, $0x38;
	[tilespmem:$0xA1F0] =	vst v63  }
0x35: {  	s25 =	rddreg [dreg:$0xb]  }
0x36: {  	[tilespmem:s31], [sflag:$0x2] =	stream.linear.gather [hbm4b:s25+s3], $0x50, $0x38;
	[tilespmem:$0xA1F0] =	vst v63  }
0x37: {  	s1 =	simm.s32 $0x190;
	s29 =	rddreg [dreg:$0xc]  }
0x38: {  	[tilespmem:s1], [sflag:$0x2] =	stream.linear.gather [hbm4b:s29+s3], $0x50, $0x38;
	[tilespmem:$0xA1F0] =	vst v63  }
0x39: {  	s9 =	rddreg [dreg:$0xd];
	s13 =	simm.s32 $0xA0  }
0x3a: {  	[tilespmem:s13], [sflag:$0x3] =	stream.linear.gather [hbm4b:s9+s3], $0x50, $0x38;
	[tilespmem:$0xA1F0] =	vst v63  }
0x3b: {  	s14 =	rddreg [dreg:$0xe];
	s25 =	simm.s32 $0x1E0  }
0x3c: {  	[tilespmem:s25], [sflag:$0x3] =	stream.linear.gather [hbm4b:s14+s3], $0x50, $0x38;
	[tilespmem:$0xA1F0] =	vst v63  }
0x3d: {  	s29 =	rddreg [dreg:$0xf]  }
0x3e: {  	[tilespmem:s7], [sflag:$0x4] =	stream.linear.gather [hbm4b:s29+s3], $0x50, $0x38;
	[tilespmem:$0xA1F0] =	vst v63  }
0x3f: {  	s9 =	rddreg [dreg:$0x13]  }
0x40: {  	[tilespmem:s8], [sflag:$0x4] =	stream.linear.gather [hbm4b:s9+s3], $0x50, $0x38;
	[tilespmem:$0xA1F0] =	vst v63  }
0x41: {  	_ =	swait.ge [sflag:s10], $0x50  }
0x42: {  	[sflag:s10] =	ssyncset.done $0x0  }
0x43: {  	[sflag:s10] =	ssyncadd.s32 $0xFFFFFFB0  }
0x44: {  	_ =	swait.ge [sflag:s10], $0x50  }
0x45: {  	[sflag:s10] =	ssyncset.done $0x0  }
0x46: {  	[sflag:s10] =	ssyncadd.s32 $0xFFFFFFB0  }
0x47: {  	_ =	swait.ge [sflag:s11], $0x50  }
0x48: {  	[sflag:s11] =	ssyncset.done $0x0  }
0x49: {  	[sflag:s11] =	ssyncadd.s32 $0xFFFFFFB0  }
0x4a: {  	_ =	swait.ge [sflag:s11], $0x50  }
0x4b: {  	[sflag:s11] =	ssyncset.done $0x0  }
0x4c: {  	s13 =	simm.s32 $0x3C0;
	[sflag:s11] =	ssyncadd.s32 $0xFFFFFFB0  }
0x4d: {  	[tilespmem:s13], [sflag:$0x5] =	stream.indirect.gather [hbm4b:s4+s31], $0x10, s3, s31, $0xb8;
	[tilespmem:$0xA1F0] =	vst v63  }
0x4e: {  	s14 =	simm.s32 $0x17C0  }
0x4f: {  	[tilespmem:s14], [sflag:$0x5] =	stream.indirect.gather [hbm4b:s5+s31], $0x10, s30, s31, $0xb8;
	[tilespmem:$0xA1F0] =	vst v63  }
0x50: {  	s25 =	simm.s32 $0x8C0  }
0x51: {  	[tilespmem:s25], [sflag:$0x6] =	stream.indirect.gather [hbm4b:s4+s31], $0x10, s31, s31, $0xb8;
	[tilespmem:$0xA1F0] =	vst v63  }
0x52: {  	s28 =	simm.s32 $0x0;
	s29 =	simm.s32 $0x1CC0;
	s14 =	simm.s32 $0x190  }
0x53: {  	[tilespmem:s29], [sflag:$0x6] =	stream.indirect.gather [hbm4b:s5+s31], $0x10, s1, s31, $0xb8;
	[tilespmem:$0xA1F0] =	vst v63  }
.LBB2_2:
0x54: {  	_ =	swait.ge [sflag:s17], $0x500  }
0x55: {  	[sflag:s17] =	ssyncset.done $0x0  }
0x56: {  	[sflag:s17] =	ssyncadd.s32 $0xFFFFFB00  }
0x57: {  	_ =	swait.ge [sflag:s17], $0x500  }
0x58: {  	p1 =	seq.s32 s28, $0x0;
	[sflag:s17] =	ssyncset.done $0x0  }
0x59: {  	s0 =	simm.s32 @!p1 $0x9;
	[sflag:s17] =	ssyncadd.s32 $0xFFFFFB00  }
0x5a: {  	_ =	swait.ge @!p1 [sflag:s0], $0xA00  }
0x5b: {  	[sflag:s0] =	ssyncset.done @!p1 $0x0  }
0x5c: {  	[sflag:s0] =	ssyncadd.s32 @!p1 $0xFFFFF600  }
0x5d: {  	v3 =	vld [tilespmem:$0x140]  }
0x5e: {  	v4 =	vld [tilespmem:$0x150]  }
0x5f: {  	v5 =	vld [tilespmem:$0x160]  }
0x60: {  	v6 =	vld [tilespmem:$0x170]  }
0x61: {  	v7 =	vld [tilespmem:$0x180]  }
0x62: {  	[tilespmem:$0x280] =	vst v3  }
0x63: {  	[tilespmem:$0x290] =	vst v4  }
0x64: {  	[tilespmem:$0x2A0] =	vst v5  }
0x65: {  	[tilespmem:$0x2B0] =	vst v6  }
0x66: {  	s9 =	simm.s32 $0x440;
	[tilespmem:$0x2C0] =	vst v7  }
0x67: {  	s1 =	simm.s32 $0x1840;
	v11 =	vld [tilespmem:s9+$0x70]  }
0x68: {  	v3 =	vld [tilespmem:s1+$0x70]  }
0x69: {  	v13 =	vld [tilespmem:s1+$0xFFFFFF80]  }
0x6a: {  	v12 =	vld [tilespmem:s9+$0xFFFFFF90]  }
0x6b: {  	v4 =	vld [tilespmem:s1+$0xFFFFFF90]  }
0x6c: {  	v17 =	vld [tilespmem:s9+$0xFFFFFFA0]  }
0x6d: {  	v21 =	vld [tilespmem:s9+$0xFFFFFFD0]  }
0x6e: {  	v5 =	vld [tilespmem:s1+$0xFFFFFFA0]  }
0x6f: {  	v18 =	vld [tilespmem:s9+$0xFFFFFFB0]  }
0x70: {  	v6 =	vld [tilespmem:s1+$0xFFFFFFB0]  }
0x71: {  	v19 =	vld [tilespmem:s9+$0xFFFFFFC0]  }
0x72: {  	v8 =	vld [tilespmem:s1+$0xFFFFFFC0];
	[tilespmem:$0x1FFE0] =	vst v21  }
0x73: {  	v3 =	vadd.f32 v3, v11;
	v25 =	vld [tilespmem:s9+$0xFFFFFFE0];
	_ =	sdelay $0x1  }
0x74: {  	v7 =	vmul.f32 $2.000000030e-01, v3  }
0x75: {  	v4 =	vadd.f32 v4, v12;
	v9 =	vld [tilespmem:s1+$0xFFFFFFD0]  }
0x76: {  	v5 =	vadd.f32 v5, v17;
	v3 =	vmax.f32 v3, v7  }
0x77: {  	v8 =	vadd.f32 v8, v19;
	v7 =	vmul.f32 v3, v2;
	v3 =	vmul.f32 $2.000000030e-01, v4;
	[tilespmem:$0x1FFF0] =	vst v25  }
0x78: {  	v14 =	vmul.f32 $2.000000030e-01, v5;
	v15 =	vld [tilespmem:s1+$0xFFFFFFE0]  }
0x79: {  	v20 =	vmul.f32 $2.000000030e-01, v8;
	v4 =	vmax.f32 v4, v3;
	v3 =	vld [tilespmem:s9+$0xFFFFFFF0]  }
0x7a: {  	v5 =	vmax.f32 v5, v14;
	v9 =	vadd.f32 v9, v21;
	v10 =	vperm.xlane v7, v0;
	v14 =	vld [tilespmem:s1+$0xFFFFFFF0]  }
0x7b: {  	v6 =	vadd.f32 v6, v18;
	v8 =	vmax.f32 v8, v20;
	v23 =	vmul.f32 v5, v2;
	v39 =	vld [tilespmem:s9+$0xFFFFFF80]  }
0x7c: {  	v5 =	vld [tilespmem:s9+$0x10];
	v16 =	vmul.f32 v4, v2;
	v24 =	vmul.f32 $2.000000030e-01, v9;
	v7 =	vadd.f32 v7, v10  }
0x7d: {  	v33 =	vmul.f32 v8, v2;
	v20 =	vld [tilespmem:s1+$0x10];
	v10 =	vmul.f32 $2.000000030e-01, v6  }
0x7e: {  	v31 =	vld [tilespmem:s1+$0x40];
	v22 =	vperm.xlane v16, v0;
	v8 =	vmax.f32 v9, v24;
	v21 =	vperm.xlane v7, v1  }
0x7f: {  	v4 =	vld [tilespmem:s9+$0x0];
	v6 =	vmax.f32 v6, v10;
	v34 =	vmul.f32 v8, v2;
	v15 =	vadd.f32 v15, v25  }
0x80: {  	v10 =	vld [tilespmem:s1+$0x0];
	v27 =	vmul.f32 v6, v2;
	v14 =	vadd.f32 v14, v3;
	v13 =	vadd.f32 v13, v39  }
0x81: {  	v8 =	vld [tilespmem:s9+$0x40];
	v7 =	vadd.f32 v7, v21;
	v21 =	vperm.xlane v23, v0;
	v35 =	vperm.xlane v34, v0  }
0x82: {  	v16 =	vadd.f32 v16, v22;
	v28 =	vmul.f32 $2.000000030e-01, v15;
	v30 =	vperm.xlane v27, v0  }
0x83: {  	v20 =	vadd.f32 v20, v5;
	v24 =	vmul.f32 $2.000000030e-01, v14;
	v57 =	vmul.f32 $2.000000030e-01, v13  }
0x84: {  	v9 =	vld [tilespmem:s1+$0x20];
	v60 =	vperm.xlane v16, v1;
	v29 =	vmul.f32 $1.442695020e+00, v7;
	v34 =	vadd.f32 v34, v35  }
0x85: {  	v6 =	vld [tilespmem:s9+$0x20];
	v10 =	vadd.f32 v10, v4;
	v15 =	vmax.f32 v15, v28;
	v14 =	vmax.f32 v14, v24  }
0x86: {  	v41 =	vadd.f32 v31, v8;
	(erf) = vpow2.f32 v29;
	v29 =	vperm.xlane v33, v0  }
0x87: {  	v7 =	vld [tilespmem:s9+$0x30];
	v13 =	vmax.f32 v13, v57;
	v15 =	vmul.f32 v15, v2;
	v14 =	vmul.f32 v14, v2  }
0x88: {  	v28 =	vld [tilespmem:s1+$0x30];
	v16 =	vadd.f32 v16, v60;
	v13 =	vmul.f32 v13, v2;
	v63 =	vperm.xlane v34, v1  }
0x89: {  	v21 =	vadd.f32 v23, v21;
	v24 =	vmul.f32 $2.000000030e-01, v10;
	v42 =	vmul.f32 $2.000000030e-01, v41  }
0x8a: {  	v37 =	vld [tilespmem:s1+$0x50];
	v32 =	vadd.f32 v9, v6;
	v16 =	vmul.f32 $1.442695020e+00, v16;
	v22 =	vperm.xlane v15, v0  }
0x8b: {  	v9 =	vld [tilespmem:s9+$0x50];
	v23 =	vperm.xlane v14, v0;
	v29 =	vadd.f32 v33, v29;
	v34 =	vadd.f32 v34, v63  }
0x8c: {  	v10 =	vmax.f32 v10, v24;
	v24 =	vmul.f32 $2.000000030e-01, v20;
	v52 =	vmax.f32 v41, v42  }
0x8d: {  	v36 =	vmul.f32 v10, v2;
	v28 =	vadd.f32 v28, v7;
	v54 =	vmul.f32 v52, v2  }
0x8e: {  	v38 =	vld [tilespmem:s1+$0x60];
	v15 =	vadd.f32 v15, v22;
	v14 =	vadd.f32 v14, v23;
	v62 =	vperm.xlane v29, v1  }
0x8f: {  	v10 =	vld [tilespmem:s9+$0x60];
	v34 =	vmul.f32 $1.442695020e+00, v34;
	v20 =	vmax.f32 v20, v24;
	v24 =	vmul.f32 $2.000000030e-01, v32  }
0x90: {  	v37 =	vadd.f32 v37, v9;
	v20 =	vmul.f32 v20, v2;
	v40 =	vmul.f32 $2.000000030e-01, v28  }
0x91: {  	v43 =	vperm.xlane v54, v0;
	v48 =	vperm.xlane v15, v1  }
0x92: {  	v49 =	vperm.xlane v14, v1;
	v24 =	vmax.f32 v32, v24;
	v53 =	vmul.f32 $2.000000030e-01, v37  }
0x93: {  	v24 =	vmul.f32 v24, v2;
	v28 =	vmax.f32 v28, v40;
	v33 =	vadd.f32 v54, v43  }
0x94: {  	v15 =	vadd.f32 v15, v48;
	v32 =	vpop (erf);
	v38 =	vadd.f32 v38, v10;
	v28 =	vmul.f32 v28, v2  }
0x95: {  	v31 =	vmul.f32 v32, v11;
	v11 =	vadd.f32 v27, v30;
	v27 =	vperm.xlane v36, v0  }
0x96: {  	v37 =	vmax.f32 v37, v53;
	v30 =	vperm.xlane v20, v0;
	v55 =	vperm.xlane v24, v0  }
0x97: {  	v58 =	vmul.f32 v37, v2;
	v52 =	vperm.xlane v33, v1  }
0x98: {  	v15 =	vmul.f32 $1.442695020e+00, v15;
	v56 =	vmul.f32 $2.000000030e-01, v38  }
0x99: {  	s25 =	simm.s32 $0x1940;
	v59 =	vperm.xlane v28, v0;
	v22 =	vperm.xlane v58, v0;
	v23 =	vadd.f32 v36, v27  }
0x9a: {  	s13 =	simm.s32 $0x540;
	v53 =	vld [tilespmem:s25+$0x70];
	v20 =	vadd.f32 v20, v30;
	v30 =	vperm.xlane v13, v0;
	v38 =	vmax.f32 v38, v56  }
0x9b: {  	v24 =	vadd.f32 v24, v55;
	v61 =	vperm.xlane v11, v1;
	v36 =	vld [tilespmem:s13+$0x70];
	v38 =	vmul.f32 v38, v2  }
0x9c: {  	v28 =	vadd.f32 v28, v59;
	v13 =	vadd.f32 v13, v30;
	v30 =	vperm.xlane v21, v1  }
0x9d: {  	v22 =	vadd.f32 v58, v22;
	v50 =	vperm.xlane v20, v1;
	v27 =	vperm.xlane v38, v0  }
0x9e: {  	v51 =	vperm.xlane v24, v1;
	v11 =	vadd.f32 v11, v61;
	v44 =	vperm.xlane v28, v1  }
0x9f: {  	v21 =	vadd.f32 v21, v30;
	v38 =	vadd.f32 v38, v27;
	v27 =	vperm.xlane v13, v1  }
0xa0: {  	v30 =	vperm.xlane v23, v1;
	v45 =	vperm.xlane v22, v1;
	v55 =	vadd.f32 v53, v36  }
0xa1: {  	v11 =	vmul.f32 $1.442695020e+00, v11;
	v21 =	vmul.f32 $1.442695020e+00, v21;
	v13 =	vadd.f32 v13, v27  }
0xa2: {  	v23 =	vadd.f32 v23, v30;
	v22 =	vadd.f32 v22, v45;
	v40 =	vmul.f32 $2.000000030e-01, v55  }
0xa3: {  	v27 =	vadd.f32 v29, v62;
	v29 =	vperm.xlane v38, v1;
	v13 =	vmul.f32 $1.442695020e+00, v13  }
0xa4: {  	v23 =	vmul.f32 $1.442695020e+00, v23;
	v22 =	vmul.f32 $1.442695020e+00, v22;
	v56 =	vmax.f32 v55, v40  }
0xa5: {  	v57 =	vmul.f32 v56, v2;
	(erf) = vpow2.f32 v13  }
0xa6: {  	v14 =	vadd.f32 v14, v49;
	v37 =	vmul.f32 $1.442695020e+00, v27;
	(erf) = vpow2.f32 v16  }
0xa7: {  	v46 =	vld [tilespmem:s25+$0xFFFFFFF0];
	v59 =	vperm.xlane v57, v0;
	(erf) = vpow2.f32 v21  }
0xa8: {  	v30 =	vld [tilespmem:s25+$0xFFFFFFA0];
	v16 =	vadd.f32 v20, v50;
	v20 =	vmul.f32 $1.442695020e+00, v14;
	(erf) = vpow2.f32 v11  }
0xa9: {  	v13 =	vld [tilespmem:s13+$0xFFFFFF90];
	v21 =	vadd.f32 v24, v51;
	v11 =	vadd.f32 v28, v44;
	(erf) = vpow2.f32 v37  }
0xaa: {  	v24 =	vld [tilespmem:s25+$0xFFFFFF90];
	v28 =	vmul.f32 $1.442695020e+00, v16;
	v16 =	vadd.f32 v33, v52;
	(erf) = vpow2.f32 v34  }
0xab: {  	v14 =	vld [tilespmem:s13+$0xFFFFFFA0];
	v54 =	vmul.f32 $1.442695020e+00, v11;
	(erf) = vpow2.f32 v15  }
0xac: {  	v11 =	vadd.f32 v38, v29;
	v29 =	vmul.f32 $1.442695020e+00, v16;
	v16 =	vld [tilespmem:s13+$0xFFFFFFC0];
	(erf) = vpow2.f32 v20  }
0xad: {  	v21 =	vmul.f32 $1.442695020e+00, v21;
	v15 =	vld [tilespmem:s13+$0xFFFFFFB0];
	(erf) = vpow2.f32 v23  }
0xae: {  	v20 =	vld [tilespmem:s25+$0xFFFFFFB0];
	v23 =	vmul.f32 $1.442695020e+00, v11;
	(erf) = vpow2.f32 v28;
	v33 =	vpop (erf)  }
0xaf: {  	v28 =	vld [tilespmem:s25+$0xFFFFFFC0];
	(erf) = vpow2.f32 v21;
	v37 =	vpop (erf);
	v21 =	vadd.f32 v24, v13;
	v34 =	vmul.f32 v33, v39  }
0xb0: {  	v58 =	vld [tilespmem:s25+$0xFFFFFFE0];
	(erf) = vpow2.f32 v54;
	v35 =	vmul.f32 v37, v12  }
0xb1: {  	v30 =	vadd.f32 v30, v14;
	v11 =	vld [tilespmem:s13+$0xFFFFFFD0];
	v38 =	vpop (erf);
	(erf) = vpow2.f32 v29;
	v29 =	vmul.f32 $2.000000030e-01, v21  }
0xb2: {  	v24 =	vld [tilespmem:s25+$0xFFFFFFD0];
	v41 =	vmul.f32 v38, v17;
	v39 =	vpop (erf);
	(erf) = vpow2.f32 v22  }
0xb3: {  	v12 =	vld [tilespmem:s13+$0xFFFFFFE0];
	v20 =	vadd.f32 v20, v15;
	v22 =	vmul.f32 $2.000000030e-01, v30;
	v42 =	vmul.f32 v39, v18  }
0xb4: {  	v17 =	vld [tilespmem:s13+$0xFFFFFFF0];
	v40 =	vpop (erf);
	v21 =	vmax.f32 v21, v29;
	(erf) = vpow2.f32 v23;
	v28 =	vadd.f32 v28, v16  }
0xb5: {  	v60 =	vld [tilespmem:s25+$0x0];
	v23 =	vmul.f32 $2.000000030e-01, v20;
	v29 =	vadd.f32 v57, v59;
	v43 =	vmul.f32 v40, v19  }
0xb6: {  	v18 =	vld [tilespmem:s13+$0x0];
	v47 =	vmul.f32 v21, v2;
	v21 =	vmax.f32 v30, v22;
	v22 =	vmul.f32 $2.000000030e-01, v28  }
0xb7: {  	v48 =	vld [tilespmem:s25+$0x10];
	v24 =	vadd.f32 v24, v11;
	v30 =	vperm.xlane v29, v1;
	v50 =	vmul.f32 v21, v2  }
0xb8: {  	v53 =	vld [tilespmem:s25+$0x30];
	v21 =	vmax.f32 v20, v23;
	v44 =	vadd.f32 v58, v12;
	v49 =	vperm.xlane v47, v0  }
0xb9: {  	v19 =	vld [tilespmem:s13+$0x10];
	v23 =	vmul.f32 $2.000000030e-01, v24;
	v52 =	vmul.f32 v21, v2;
	v46 =	vadd.f32 v46, v17  }
0xba: {  	v59 =	vld [tilespmem:s25+$0x60];
	v29 =	vadd.f32 v29, v30;
	v51 =	vperm.xlane v50, v0;
	v22 =	vmax.f32 v28, v22  }
0xbb: {  	v20 =	vld [tilespmem:s13+$0x20];
	v28 =	vmul.f32 $2.000000030e-01, v44;
	v45 =	vadd.f32 v60, v18;
	v54 =	vperm.xlane v52, v0  }
0xbc: {  	v30 =	vld [tilespmem:s25+$0x20];
	v55 =	vmul.f32 v22, v2;
	v23 =	vmax.f32 v24, v23;
	v24 =	vmul.f32 $2.000000030e-01, v46  }
0xbd: {  	v21 =	vld [tilespmem:s13+$0x30];
	v47 =	vadd.f32 v47, v49;
	v29 =	vmul.f32 $1.442695020e+00, v29;
	v57 =	vmul.f32 v23, v2  }
0xbe: {  	v22 =	vld [tilespmem:s13+$0x40];
	v28 =	vmax.f32 v44, v28;
	v61 =	vmul.f32 $2.000000030e-01, v45;
	v50 =	vadd.f32 v50, v51  }
0xbf: {  	v23 =	vld [tilespmem:s13+$0x50];
	v56 =	vperm.xlane v55, v0;
	v24 =	vmax.f32 v46, v24;
	v46 =	vadd.f32 v48, v19  }
0xc0: {  	v48 =	vld [tilespmem:s25+$0x50];
	v49 =	vmul.f32 v28, v2;
	(erf) = vpow2.f32 v29;
	v28 =	vmax.f32 v45, v61  }
0xc1: {  	v29 =	vld [tilespmem:s25+$0x40];
	v51 =	vperm.xlane v57, v0;
	v44 =	vmul.f32 $2.000000030e-01, v46;
	v45 =	vadd.f32 v30, v20  }
0xc2: {  	s9 =	simm.s32 $0x2CC0;
	v52 =	vadd.f32 v52, v54;
	v58 =	vmul.f32 v24, v2;
	v24 =	vld [tilespmem:s13+$0x60];
	v60 =	vmul.f32 v28, v2  }
0xc3: {  	[tilespmem:s9+$0xF0] =	vst v32;
	v27 =	vld [tilespmem:s25+$0xFFFFFF80];
	v51 =	vadd.f32 v57, v51;
	v28 =	vmax.f32 v46, v44;
	v62 =	vmul.f32 $2.000000030e-01, v45  }
0xc4: {  	[tilespmem:s9+$0xE0] =	vst v31;
	v30 =	vld [tilespmem:s13+$0xFFFFFF80];
	v46 =	vadd.f32 v53, v21;
	v53 =	vperm.xlane v49, v0;
	v25 =	vperm.xlane v60, v0  }
0xc5: {  	[tilespmem:s9+$0xFFFFFF10] =	vst v33;
	v54 =	vmul.f32 v28, v2;
	v48 =	vadd.f32 v48, v23;
	v28 =	vmax.f32 v45, v62  }
0xc6: {  	[tilespmem:s9+$0xFFFFFF30] =	vst v37;
	v44 =	vmul.f32 $2.000000030e-01, v46;
	v29 =	vadd.f32 v29, v22;
	v45 =	vadd.f32 v55, v56  }
0xc7: {  	[tilespmem:s9+$0xFFFFFF00] =	vst v34;
	v55 =	vperm.xlane v58, v0;
	v59 =	vadd.f32 v59, v24;
	v49 =	vadd.f32 v49, v53  }
0xc8: {  	[tilespmem:s9+$0xFFFFFF50] =	vst v38;
	v25 =	vadd.f32 v60, v25;
	v63 =	vmul.f32 v28, v2;
	v28 =	vmul.f32 $2.000000030e-01, v48  }
0xc9: {  	[tilespmem:s9+$0xFFFFFF20] =	vst v35;
	v61 =	vadd.f32 v27, v30;
	v56 =	vmul.f32 $2.000000030e-01, v29;
	v44 =	vmax.f32 v46, v44  }
0xca: {  	[tilespmem:s9+$0xFFFFFF80] =	vst v43;
	v43 =	vperm.xlane v25, v1;
	v48 =	vmax.f32 v48, v28;
	v44 =	vmul.f32 v44, v2  }
0xcb: {  	[tilespmem:s9+$0xFFFFFF70] =	vst v39;
	v53 =	vperm.xlane v63, v0;
	v46 =	vmax.f32 v29, v56;
	v29 =	vmul.f32 $2.000000030e-01, v59  }
0xcc: {  	[tilespmem:s9+$0xFFFFFF40] =	vst v41;
	v62 =	vpop (erf);
	v55 =	vadd.f32 v58, v55;
	v56 =	vmul.f32 $2.000000030e-01, v61;
	v48 =	vmul.f32 v48, v2  }
0xcd: {  	[tilespmem:s9+$0xFFFFFF90] =	vst v40;
	v26 =	vpop (erf);
	v46 =	vmul.f32 v46, v2;
	v58 =	vperm.xlane v44, v0;
	v57 =	vmax.f32 v59, v29  }
0xce: {  	[tilespmem:s9+$0xFFFFFF60] =	vst v42;
	v27 =	vpop (erf);
	v59 =	vperm.xlane v54, v0;
	v56 =	vmax.f32 v61, v56;
	v57 =	vmul.f32 v57, v2  }
0xcf: {  	[tilespmem:s9+$0xFFFFFFB0] =	vst v62;
	v25 =	vadd.f32 v25, v43;
	v28 =	vpop (erf);
	v56 =	vmul.f32 v56, v2;
	v60 =	vperm.xlane v46, v0  }
0xd0: {  	[tilespmem:s9+$0xFFFFFFD0] =	vst v26;
	v53 =	vadd.f32 v63, v53;
	v29 =	vpop (erf);
	v54 =	vadd.f32 v54, v59;
	v63 =	vperm.xlane v57, v0  }
0xd1: {  	[tilespmem:s9+$0xFFFFFFF0] =	vst v27;
	v59 =	vperm.xlane v48, v0;
	v31 =	vpop (erf);
	v61 =	vperm.xlane v56, v0;
	v46 =	vadd.f32 v46, v60  }
0xd2: {  	[tilespmem:s9+$0x10] =	vst v28;
	v60 =	vperm.xlane v47, v1;
	v32 =	vpop (erf);
	v41 =	vadd.f32 v57, v63;
	v63 =	vperm.xlane v52, v1  }
0xd3: {  	[tilespmem:s9+$0x30] =	vst v29;
	v37 =	vadd.f32 v48, v59;
	v33 =	vpop (erf);
	v48 =	vadd.f32 v56, v61;
	v56 =	vperm.xlane v45, v1  }
0xd4: {  	v44 =	vadd.f32 v44, v58;
	[tilespmem:s9+$0x50] =	vst v31;
	v34 =	vpop (erf);
	v39 =	vadd.f32 v52, v63;
	v52 =	vperm.xlane v55, v1  }
0xd5: {  	v61 =	vperm.xlane v50, v1;
	v38 =	vadd.f32 v47, v60;
	[tilespmem:s9+$0x70] =	vst v32;
	v35 =	vpop (erf);
	v40 =	vadd.f32 v45, v56  }
0xd6: {  	[tilespmem:s9+$0x90] =	vst v33;
	v56 =	vperm.xlane v44, v1;
	v59 =	vpop (erf);
	v52 =	vadd.f32 v55, v52;
	v55 =	vperm.xlane v41, v1  }
0xd7: {  	v50 =	vadd.f32 v50, v61;
	v61 =	vperm.xlane v51, v1;
	[tilespmem:s9+$0xB0] =	vst v34;
	v36 =	vmul.f32 v59, v36  }
0xd8: {  	s0 =	simm.s32 $0x2EC0;
	[tilespmem:s9+$0xD0] =	vst v35;
	v56 =	vadd.f32 v44, v56;
	v44 =	vmul.f32 $1.442695020e+00, v25;
	v25 =	vadd.f32 v41, v55  }
0xd9: {  	v60 =	vperm.xlane v48, v1;
	v57 =	vadd.f32 v51, v61;
	v51 =	vmul.f32 $1.442695020e+00, v50;
	[tilespmem:s0+$0xE0] =	vst v36  }
0xda: {  	v50 =	vmul.f32 $1.442695020e+00, v40;
	v40 =	vmul.f32 $1.442695020e+00, v25;
	v25 =	vld [tilespmem:$0x1FFE0]  }
0xdb: {  	v58 =	vperm.xlane v46, v1;
	v63 =	vperm.xlane v49, v1  }
0xdc: {  	v45 =	vperm.xlane v53, v1;
	v38 =	vmul.f32 $1.442695020e+00, v38;
	v42 =	vadd.f32 v48, v60  }
0xdd: {  	v48 =	vperm.xlane v54, v1;
	v47 =	vadd.f32 v49, v63;
	v60 =	vperm.xlane v37, v1  }
0xde: {  	v45 =	vadd.f32 v53, v45;
	v39 =	vmul.f32 $1.442695020e+00, v39;
	v61 =	vmul.f32 $1.442695020e+00, v42;
	[tilespmem:s0+$0xF0] =	vst v59  }
0xdf: {  	v42 =	vadd.f32 v54, v48;
	v48 =	vmul.f32 $1.442695020e+00, v52;
	v52 =	vmul.f32 v62, v25;
	v25 =	vld [tilespmem:$0x1FFF0]  }
0xe0: {  	v63 =	vadd.f32 v46, v58;
	v49 =	vmul.f32 $1.442695020e+00, v57;
	v43 =	vmul.f32 $1.442695020e+00, v47  }
0xe1: {  	v37 =	vadd.f32 v37, v60;
	v45 =	vmul.f32 $1.442695020e+00, v45;
	v46 =	vmul.f32 $1.442695020e+00, v56  }
0xe2: {  	v47 =	vmul.f32 $1.442695020e+00, v42;
	v42 =	vmul.f32 $1.442695020e+00, v63  }
0xe3: {  	v41 =	vmul.f32 $1.442695020e+00, v37;
	(erf) = vpow2.f32 v61  }
0xe4: {  	s29 =	simm.s32 $0x640;
	s1 =	simm.s32 $0x10;
	(erf) = vpow2.f32 v38;
	v25 =	vmul.f32 v26, v25  }
.LBB2_3:
0xe5: {  	v38 =	vld [tilespmem:s29+$0x70];
	s25 =	sadd.s32 $0x100, s25;
	(erf) = vpow2.f32 v51;
	[tilespmem:s9+$0xFFFFFFA0] =	vst v52;
	v26 =	vmul.f32 v27, v3;
	v3 =	vmov v17  }
0xe6: {  	s1 =	sadd.s32 $0x10, s1;
	v17 =	vld [tilespmem:s25+$0x70];
	(erf) = vpow2.f32 v39;
	[tilespmem:s9+$0xFFFFFFC0] =	vst v25;
	v25 =	vmul.f32 v28, v4;
	v4 =	vmov v18  }
0xe7: {  	p2 =	slt.u32 s1, $0x40;
	v18 =	vmul.f32 v29, v5;
	v5 =	vmov v19;
	v39 =	vld [tilespmem:s25+$0xFFFFFF80];
	(erf) = vpow2.f32 v50;
	[tilespmem:s9+$0xFFFFFFE0] =	vst v26  }
0xe8: {  	v19 =	vld [tilespmem:s29+$0xFFFFFF90];
	(erf) = vpow2.f32 v49;
	[tilespmem:s9+$0x0] =	vst v25;
	v25 =	vmul.f32 v31, v6;
	v6 =	vmov v20  }
0xe9: {  	v20 =	vld [tilespmem:s25+$0xFFFFFF90];
	(erf) = vpow2.f32 v43;
	[tilespmem:s9+$0x20] =	vst v18;
	v18 =	vmul.f32 v32, v7;
	v7 =	vmov v21  }
0xea: {  	v21 =	vmul.f32 v33, v8;
	v8 =	vmov v22;
	v43 =	vld [tilespmem:s29+$0xFFFFFFA0];
	(erf) = vpow2.f32 v48;
	[tilespmem:s9+$0x40] =	vst v25  }
0xeb: {  	v22 =	vld [tilespmem:s25+$0xFFFFFFA0];
	v17 =	vadd.f32 v17, v38;
	(erf) = vpow2.f32 v44;
	[tilespmem:s9+$0x60] =	vst v18;
	v18 =	vmul.f32 v34, v9;
	v9 =	vmovc v23  }
0xec: {  	v44 =	vld [tilespmem:s29+$0xFFFFFFB0];
	v23 =	vpop (erf);
	(erf) = vpow2.f32 v47;
	[tilespmem:s9+$0x80] =	vst v21;
	v21 =	vmul.f32 v35, v10;
	v10 =	vmov v24  }
0xed: {  	v24 =	vld [tilespmem:s25+$0xFFFFFFB0];
	v25 =	vmul.f32 $2.000000030e-01, v17;
	v27 =	vpop (erf);
	(erf) = vpow2.f32 v45;
	[tilespmem:s9+$0xA0] =	vst v18  }
0xee: {  	v33 =	vmul.f32 v23, v30;
	v18 =	vadd.f32 v20, v19;
	v45 =	vld [tilespmem:s29+$0xFFFFFFC0];
	v28 =	vpop (erf);
	(erf) = vpow2.f32 v46;
	[tilespmem:s9+$0xC0] =	vst v21;
	s9 =	smov.u32 s0  }
0xef: {  	v32 =	vmul.f32 v27, v13;
	v21 =	vld [tilespmem:s25+$0xFFFFFFC0];
	v17 =	vmax.f32 v17, v25;
	[tilespmem:s0+$0xFFFFFF10] =	vst v23;
	v23 =	vpop (erf);
	(erf) = vpow2.f32 v42  }
0xf0: {  	v29 =	vmul.f32 $2.000000030e-01, v18;
	v22 =	vadd.f32 v22, v43;
	v25 =	vld [tilespmem:s29+$0xFFFFFFD0];
	v30 =	vmul.f32 v17, v2;
	[tilespmem:s0+$0xFFFFFF00] =	vst v33;
	v20 =	vpop (erf)  }
0xf1: {  	v13 =	vmov v19;
	v14 =	vmul.f32 v28, v14;
	v31 =	vld [tilespmem:s25+$0xFFFFFFD0];
	[tilespmem:s0+$0xFFFFFF20] =	vst v32;
	v26 =	vpop (erf);
	(erf) = vpow2.f32 v41  }
0xf2: {  	v19 =	vmul.f32 $2.000000030e-01, v22;
	v24 =	vadd.f32 v24, v44;
	v36 =	vld [tilespmem:s29+$0xFFFFFFE0];
	v32 =	vperm.xlane v30, v0;
	[tilespmem:s0+$0xFFFFFF30] =	vst v27;
	v37 =	vpop (erf)  }
0xf3: {  	v18 =	vmax.f32 v18, v29;
	v33 =	vld [tilespmem:s25+$0xFFFFFFE0];
	[tilespmem:s0+$0xFFFFFF40] =	vst v14;
	v14 =	vmul.f32 v23, v15;
	v27 =	vpop (erf);
	(erf) = vpow2.f32 v40  }
0xf4: {  	v15 =	vmul.f32 $2.000000030e-01, v24;
	v21 =	vadd.f32 v21, v45;
	v17 =	vld [tilespmem:s29+$0xFFFFFFF0];
	v30 =	vadd.f32 v30, v32;
	[tilespmem:s0+$0xFFFFFF50] =	vst v28;
	v28 =	vpop (erf)  }
0xf5: {  	v40 =	vmul.f32 v18, v2;
	v19 =	vmax.f32 v22, v19;
	v22 =	vld [tilespmem:s25+$0xFFFFFFF0];
	[tilespmem:s0+$0xFFFFFF60] =	vst v14;
	v14 =	vmul.f32 v20, v16;
	v29 =	vpop (erf)  }
0xf6: {  	v16 =	vmul.f32 $2.000000030e-01, v21;
	v35 =	vadd.f32 v31, v25;
	v18 =	vld [tilespmem:s29+$0x0];
	v34 =	vperm.xlane v30, v1;
	[tilespmem:s0+$0xFFFFFF70] =	vst v23;
	v31 =	vpop (erf)  }
0xf7: {  	v41 =	vmul.f32 v19, v2;
	v23 =	vperm.xlane v40, v0;
	v15 =	vmax.f32 v24, v15;
	v24 =	vld [tilespmem:s25+$0x0];
	[tilespmem:s0+$0xFFFFFF80] =	vst v14;
	v32 =	vpop (erf)  }
0xf8: {  	v14 =	vmul.f32 $2.000000030e-01, v35;
	v42 =	vadd.f32 v33, v36;
	v19 =	vld [tilespmem:s29+$0x10];
	v30 =	vadd.f32 v30, v34;
	[tilespmem:s0+$0xFFFFFF90] =	vst v20;
	v33 =	vpop (erf)  }
0xf9: {  	v46 =	vperm.xlane v41, v0;
	v47 =	vmul.f32 v15, v2;
	v15 =	vmax.f32 v21, v16;
	v16 =	vld [tilespmem:s25+$0x10];
	[tilespmem:s0+$0xFFFFFFB0] =	vst v26  }
0xfa: {  	v48 =	vmul.f32 $2.000000030e-01, v42;
	v22 =	vadd.f32 v22, v17;
	v20 =	vld [tilespmem:s29+$0x20];
	v30 =	vmul.f32 $1.442695020e+00, v30;
	[tilespmem:s0+$0xFFFFFFD0] =	vst v37;
	v34 =	vpop (erf)  }
0xfb: {  	v49 =	vperm.xlane v47, v0;
	v50 =	vmul.f32 v15, v2;
	v14 =	vmax.f32 v35, v14;
	v15 =	vld [tilespmem:s25+$0x20];
	[tilespmem:s0+$0xFFFFFFF0] =	vst v27  }
0xfc: {  	v51 =	vmul.f32 $2.000000030e-01, v22;
	v24 =	vadd.f32 v24, v18;
	v21 =	vld [tilespmem:s29+$0x30];
	(erf) = vpow2.f32 v30;
	[tilespmem:s0+$0x10] =	vst v28;
	v35 =	vpop (erf)  }
0xfd: {  	v52 =	vperm.xlane v50, v0;
	v53 =	vmul.f32 v14, v2;
	v30 =	vmax.f32 v42, v48;
	v42 =	vld [tilespmem:s25+$0x30];
	[tilespmem:s0+$0x30] =	vst v29  }
0xfe: {  	v14 =	vmovc v43;
	v48 =	vmax.f32 v22, v51;
	v51 =	vmul.f32 $2.000000030e-01, v24;
	v16 =	vadd.f32 v16, v19;
	v22 =	vld [tilespmem:s29+$0x40];
	[tilespmem:s0+$0x50] =	vst v31  }
0xff: {  	v40 =	vadd.f32 v40, v23;
	v43 =	vmul.f32 v30, v2;
	v48 =	vmul.f32 v48, v2;
	v54 =	vld [tilespmem:s25+$0x40];
	[tilespmem:s0+$0x70] =	vst v32  }
0x100: {  	v24 =	vmax.f32 v24, v51;
	v30 =	vmul.f32 $2.000000030e-01, v16;
	v51 =	vadd.f32 v15, v20;
	v23 =	vld [tilespmem:s29+$0x50];
	[tilespmem:s0+$0x90] =	vst v33;
	v15 =	vmovc v44  }
0x101: {  	v41 =	vadd.f32 v41, v46;
	v44 =	vperm.xlane v53, v0;
	v46 =	vmul.f32 v24, v2;
	v55 =	vld [tilespmem:s25+$0x50];
	[tilespmem:s0+$0xB0] =	vst v34  }
0x102: {  	v30 =	vmax.f32 v16, v30;
	v56 =	vmul.f32 $2.000000030e-01, v51;
	v42 =	vadd.f32 v42, v21;
	v24 =	vld [tilespmem:s29+$0x60];
	[tilespmem:s0+$0xD0] =	vst v35;
	v16 =	vmovc v45  }
0x103: {  	v45 =	vadd.f32 v47, v49;
	v47 =	vperm.xlane v43, v0;
	v49 =	vmul.f32 v30, v2;
	v57 =	vld [tilespmem:s25+$0x60]  }
0x104: {  	v30 =	vld [tilespmem:s29+$0xFFFFFF80];
	v51 =	vmax.f32 v51, v56;
	v56 =	vmul.f32 $2.000000030e-01, v42;
	v54 =	vadd.f32 v54, v22  }
0x105: {  	v50 =	vadd.f32 v50, v52;
	v52 =	vperm.xlane v48, v0;
	v51 =	vmul.f32 v51, v2;
	v58 =	vpop (erf)  }
0x106: {  	v59 =	vmul.f32 $2.000000030e-01, v54;
	v55 =	vadd.f32 v55, v23;
	v38 =	vmul.f32 v58, v38  }
0x107: {  	s0 =	sadd.s32 $0x200, s0;
	v60 =	vperm.xlane v46, v0;
	v61 =	vperm.xlane v49, v0;
	v42 =	vmax.f32 v42, v56  }
0x108: {  	v54 =	vmax.f32 v54, v59;
	v56 =	vmul.f32 $2.000000030e-01, v55;
	v57 =	vadd.f32 v57, v24;
	[tilespmem:s0+$0xE0] =	vst v38  }
0x109: {  	v38 =	vadd.f32 v39, v30;
	v39 =	vmul.f32 v42, v2;
	v42 =	vmul.f32 v54, v2;
	[tilespmem:s0+$0xF0] =	vst v58  }
0x10a: {  	v54 =	vperm.xlane v51, v0;
	v55 =	vmax.f32 v55, v56;
	v56 =	vmul.f32 $2.000000030e-01, v57  }
0x10b: {  	v44 =	vadd.f32 v53, v44;
	v58 =	vmul.f32 $2.000000030e-01, v38;
	v53 =	vmul.f32 v55, v2  }
0x10c: {  	v55 =	vperm.xlane v39, v0;
	v59 =	vperm.xlane v42, v0;
	v56 =	vmax.f32 v57, v56  }
0x10d: {  	v38 =	vmax.f32 v38, v58;
	v57 =	vperm.xlane v53, v0;
	v56 =	vmul.f32 v56, v2  }
0x10e: {  	v43 =	vadd.f32 v43, v47;
	v47 =	vadd.f32 v48, v52;
	v38 =	vmul.f32 v38, v2  }
0x10f: {  	v46 =	vadd.f32 v46, v60;
	v48 =	vadd.f32 v49, v61;
	v49 =	vperm.xlane v56, v0  }
0x110: {  	v51 =	vadd.f32 v51, v54;
	v39 =	vadd.f32 v39, v55;
	v52 =	vperm.xlane v38, v0  }
0x111: {  	v54 =	vperm.xlane v40, v1;
	v42 =	vadd.f32 v42, v59;
	v53 =	vadd.f32 v53, v57  }
0x112: {  	v49 =	vadd.f32 v56, v49;
	v38 =	vadd.f32 v38, v52;
	v52 =	vperm.xlane v41, v1  }
0x113: {  	v40 =	vadd.f32 v40, v54;
	v54 =	vperm.xlane v45, v1;
	v55 =	vperm.xlane v50, v1  }
0x114: {  	v56 =	vperm.xlane v38, v1;
	v41 =	vadd.f32 v41, v52;
	v52 =	vperm.xlane v44, v1  }
0x115: {  	v45 =	vadd.f32 v45, v54;
	v54 =	vperm.xlane v43, v1;
	v57 =	vperm.xlane v47, v1  }
0x116: {  	v58 =	vperm.xlane v48, v1;
	v38 =	vadd.f32 v38, v56;
	v56 =	vperm.xlane v46, v1  }
0x117: {  	v50 =	vadd.f32 v50, v55;
	v55 =	vperm.xlane v51, v1;
	v59 =	vperm.xlane v39, v1  }
0x118: {  	v60 =	vperm.xlane v53, v1;
	v44 =	vadd.f32 v44, v52;
	v52 =	vperm.xlane v42, v1  }
0x119: {  	v43 =	vadd.f32 v43, v54;
	v47 =	vadd.f32 v47, v57;
	v54 =	vperm.xlane v49, v1  }
0x11a: {  	v38 =	vmul.f32 $1.442695020e+00, v38;
	v46 =	vadd.f32 v46, v56;
	v56 =	vadd.f32 v48, v58  }
0x11b: {  	v57 =	vmul.f32 $1.442695020e+00, v40;
	v40 =	vadd.f32 v51, v55;
	v55 =	vadd.f32 v39, v59  }
0x11c: {  	v51 =	vmul.f32 $1.442695020e+00, v41;
	v41 =	vadd.f32 v42, v52;
	v52 =	vadd.f32 v53, v60  }
0x11d: {  	v39 =	vmul.f32 $1.442695020e+00, v45;
	v50 =	vmul.f32 $1.442695020e+00, v50;
	v53 =	vadd.f32 v49, v54  }
0x11e: {  	v43 =	vmul.f32 $1.442695020e+00, v43;
	v49 =	vmul.f32 $1.442695020e+00, v44  }
0x11f: {  	v48 =	vmul.f32 $1.442695020e+00, v47;
	v44 =	vmul.f32 $1.442695020e+00, v46  }
.Ltmp0:
0x120: {  	v45 =	vmul.f32 $1.442695020e+00, v40;
	v47 =	vmul.f32 $1.442695020e+00, v56;
	(pc) =	sbr.rel @p2 .LBB2_3-.Ltmp0, $4  }
0x121: {  	v46 =	vmul.f32 $1.442695020e+00, v55;
	v42 =	vmul.f32 $1.442695020e+00, v41  }
0x122: {  	v41 =	vmul.f32 $1.442695020e+00, v52;
	v40 =	vmul.f32 $1.442695020e+00, v53  }
0x123: {  	v52 =	vmul.f32 v26, v11;
	v11 =	vmov v25;
	(erf) = vpow2.f32 v38  }
0x124: {  	s29 =	sadd.s32 $0x100, s29;
	v25 =	vmul.f32 v37, v12;
	v12 =	vmov v36;
	(erf) = vpow2.f32 v57  }
0x125: {  	v3 =	vmul.f32 v27, v3;
	_ =	sdelay $0x1  }
0x126: {  	[tilespmem:s9+$0xFFFFFFE0] =	vst v3;
	v3 =	vmul.f32 v29, v5  }
0x127: {  	v4 =	vmul.f32 v28, v4;
	(erf) = vpow2.f32 v51  }
0x128: {  	[tilespmem:s9+$0x20] =	vst v3;
	v3 =	vmul.f32 v32, v7  }
0x129: {  	[tilespmem:s9+$0x0] =	vst v4;
	v4 =	vmul.f32 v31, v6  }
0x12a: {  	(erf) = vpow2.f32 v39;
	[tilespmem:s9+$0x60] =	vst v3;
	v3 =	vmul.f32 v34, v9  }
0x12b: {  	[tilespmem:s9+$0x40] =	vst v4;
	v4 =	vmul.f32 v33, v8  }
0x12c: {  	[tilespmem:s9+$0xFFFFFFA0] =	vst v52;
	(erf) = vpow2.f32 v50  }
0x12d: {  	[tilespmem:s9+$0x80] =	vst v4;
	v4 =	vmul.f32 v35, v10;
	v5 =	vpop (erf)  }
0x12e: {  	[tilespmem:s9+$0xA0] =	vst v3;
	v3 =	vpop (erf)  }
0x12f: {  	v6 =	vmul.f32 v5, v30;
	[tilespmem:s9+$0xC0] =	vst v4;
	v4 =	vmul.f32 v3, v13  }
0x130: {  	[tilespmem:s0+$0xFFFFFF10] =	vst v5;
	v5 =	vpop (erf)  }
0x131: {  	(erf) = vpow2.f32 v49;
	[tilespmem:s0+$0xFFFFFF20] =	vst v4;
	v4 =	vmul.f32 v5, v14  }
0x132: {  	[tilespmem:s9+$0xFFFFFFC0] =	vst v25;
	(erf) = vpow2.f32 v43  }
0x133: {  	[tilespmem:s0+$0xFFFFFF00] =	vst v6;
	(erf) = vpow2.f32 v48;
	v6 =	vpop (erf)  }
0x134: {  	[tilespmem:s0+$0xFFFFFF30] =	vst v3;
	v3 =	vmul.f32 v6, v15  }
0x135: {  	(erf) = vpow2.f32 v44;
	[tilespmem:s0+$0xFFFFFF40] =	vst v4;
	v4 =	vpop (erf)  }
0x136: {  	[tilespmem:s0+$0xFFFFFF60] =	vst v3;
	v3 =	vmul.f32 v4, v16  }
0x137: {  	[tilespmem:s0+$0xFFFFFF50] =	vst v5;
	(erf) = vpow2.f32 v47  }
0x138: {  	[tilespmem:s0+$0xFFFFFF70] =	vst v6  }
0x139: {  	(erf) = vpow2.f32 v45;
	[tilespmem:s0+$0xFFFFFF90] =	vst v4  }
0x13a: {  	[tilespmem:s0+$0xFFFFFF80] =	vst v3;
	v3 =	vpop (erf)  }
0x13b: {  	(erf) = vpow2.f32 v46;
	v4 =	vpop (erf);
	[tilespmem:s0+$0xFFFFFFB0] =	vst v3  }
0x13c: {  	v3 =	vmul.f32 v3, v11;
	v5 =	vpop (erf);
	[tilespmem:s0+$0xFFFFFFD0] =	vst v4  }
0x13d: {  	(erf) = vpow2.f32 v42;
	[tilespmem:s0+$0xFFFFFFF0] =	vst v5  }
0x13e: {  	v4 =	vmul.f32 v4, v12;
	v6 =	vpop (erf);
	[tilespmem:s0+$0xFFFFFFA0] =	vst v3  }
0x13f: {  	(erf) = vpow2.f32 v41;
	[tilespmem:s0+$0x10] =	vst v6  }
0x140: {  	v3 =	vmul.f32 v5, v17;
	v7 =	vpop (erf);
	[tilespmem:s0+$0xFFFFFFC0] =	vst v4  }
0x141: {  	(erf) = vpow2.f32 v40;
	[tilespmem:s0+$0x30] =	vst v7  }
0x142: {  	v4 =	vmul.f32 v6, v18;
	v8 =	vpop (erf);
	[tilespmem:s0+$0xFFFFFFE0] =	vst v3  }
0x143: {  	[tilespmem:s0+$0x50] =	vst v8  }
0x144: {  	v3 =	vmul.f32 v7, v19;
	v9 =	vpop (erf);
	[tilespmem:s0+$0x0] =	vst v4  }
0x145: {  	[tilespmem:s0+$0x70] =	vst v9  }
0x146: {  	v4 =	vmul.f32 v8, v20;
	v10 =	vpop (erf);
	[tilespmem:s0+$0x20] =	vst v3  }
0x147: {  	[tilespmem:s0+$0x90] =	vst v10  }
0x148: {  	v3 =	vmul.f32 v9, v21;
	v13 =	vpop (erf);
	[tilespmem:s0+$0x40] =	vst v4  }
0x149: {  	[tilespmem:s0+$0xB0] =	vst v13  }
0x14a: {  	v4 =	vmul.f32 v10, v22;
	v14 =	vpop (erf);
	[tilespmem:s0+$0x60] =	vst v3  }
0x14b: {  	v3 =	vmul.f32 v13, v23;
	[tilespmem:s0+$0xD0] =	vst v14  }
0x14c: {  	[tilespmem:s0+$0x80] =	vst v4;
	v4 =	vmul.f32 v14, v24  }
0x14d: {  	[tilespmem:s0+$0xA0] =	vst v3  }
0x14e: {  	[tilespmem:s0+$0xC0] =	vst v4  }
0x14f: {  	[spmem:s2] =	stream.indirect.scatter.add.f32 [tilespmem:s20], [sflag:$0x9], $0x20, s18, s31, $0xb8;
	[tilespmem:$0xA1F0] =	vst v63  }
0x150: {  	_ =	swait.ge [sflag:s24], $0x50  }
0x151: {  	[sflag:s24] =	ssyncset.done $0x0  }
0x152: {  	[sflag:s24] =	ssyncadd.s32 $0xFFFFFFB0  }
0x153: {  	_ =	swait.ge [sflag:s24], $0x50  }
0x154: {  	[sflag:s24] =	ssyncset.done $0x0  }
0x155: {  	s25 =	simm.s32 $0xA0;
	s1 =	simm.s32 $0xDC0;
	[sflag:s24] =	ssyncadd.s32 $0xFFFFFFB0  }
0x156: {  	[tilespmem:s1], [sflag:$0x7] =	stream.indirect.gather [hbm4b:s4+s31], $0x10, s25, s31, $0xb8;
	[tilespmem:$0xA1F0] =	vst v63  }
0x157: {  	s13 =	simm.s32 $0x21C0;
	s9 =	simm.s32 $0x1E0;
	s25 =	smul.u32 $0x140, s28  }
0x158: {  	[tilespmem:s13], [sflag:$0x7] =	stream.indirect.gather [hbm4b:s5+s31], $0x10, s9, s31, $0xb8;
	[tilespmem:$0xA1F0] =	vst v63  }
0x159: {  	s9 =	sadd.s32 s25, s19  }
0x15a: {  	s0 =	sshrl.u32 s9, $0x3  }
0x15b: {  	s0 =	sadd.s32 s6, s0  }
0x15c: {  	[tilespmem:s3], [sflag:$0x1] =	stream.linear.gather [hbm4b:s0+s3], $0x50, $0x38;
	[tilespmem:$0xA1F0] =	vst v63  }
0x15d: {  	s0 =	sadd.s32 $0x9C40, s0  }
0x15e: {  	[tilespmem:s30], [sflag:$0x1] =	stream.linear.gather [hbm4b:s0+s3], $0x50, $0x38;
	[tilespmem:$0xA1F0] =	vst v63  }
0x15f: {  	_ =	swait.ge [sflag:s12], $0x500  }
0x160: {  	[sflag:s12] =	ssyncset.done $0x0  }
0x161: {  	[sflag:s12] =	ssyncadd.s32 $0xFFFFFB00  }
0x162: {  	_ =	swait.ge [sflag:s12], $0x500  }
0x163: {  	[sflag:s12] =	ssyncset.done $0x0  }
0x164: {  	s0 =	simm.s32 @!p1 $0xA;
	[sflag:s12] =	ssyncadd.s32 $0xFFFFFB00  }
0x165: {  	_ =	swait.ge @!p1 [sflag:s0], $0xA00  }
0x166: {  	[sflag:s0] =	ssyncset.done @!p1 $0x0  }
0x167: {  	[sflag:s0] =	ssyncadd.s32 @!p1 $0xFFFFF600  }
0x168: {  	v3 =	vld [tilespmem:$0x190]  }
0x169: {  	v4 =	vld [tilespmem:$0x1A0]  }
0x16a: {  	v5 =	vld [tilespmem:$0x1B0]  }
0x16b: {  	v6 =	vld [tilespmem:$0x1C0]  }
0x16c: {  	v7 =	vld [tilespmem:$0x1D0]  }
0x16d: {  	[tilespmem:$0x2D0] =	vst v3  }
0x16e: {  	[tilespmem:$0x2E0] =	vst v4  }
0x16f: {  	[tilespmem:$0x2F0] =	vst v5  }
0x170: {  	[tilespmem:$0x300] =	vst v6  }
0x171: {  	s13 =	simm.s32 $0x940;
	[tilespmem:$0x310] =	vst v7  }
0x172: {  	s9 =	simm.s32 $0x1D40;
	v11 =	vld [tilespmem:s13+$0x70]  }
0x173: {  	v3 =	vld [tilespmem:s9+$0x70]  }
0x174: {  	v13 =	vld [tilespmem:s9+$0xFFFFFF80]  }
0x175: {  	v12 =	vld [tilespmem:s13+$0xFFFFFF90]  }
0x176: {  	v4 =	vld [tilespmem:s9+$0xFFFFFF90]  }
0x177: {  	v17 =	vld [tilespmem:s13+$0xFFFFFFA0]  }
0x178: {  	v21 =	vld [tilespmem:s13+$0xFFFFFFD0]  }
0x179: {  	v5 =	vld [tilespmem:s9+$0xFFFFFFA0]  }
0x17a: {  	v18 =	vld [tilespmem:s13+$0xFFFFFFB0]  }
0x17b: {  	v6 =	vld [tilespmem:s9+$0xFFFFFFB0]  }
0x17c: {  	v19 =	vld [tilespmem:s13+$0xFFFFFFC0]  }
0x17d: {  	v8 =	vld [tilespmem:s9+$0xFFFFFFC0];
	[tilespmem:$0x1FFC0] =	vst v21  }
0x17e: {  	v3 =	vadd.f32 v3, v11;
	v25 =	vld [tilespmem:s13+$0xFFFFFFE0];
	_ =	sdelay $0x1  }
0x17f: {  	v7 =	vmul.f32 $2.000000030e-01, v3  }
0x180: {  	v4 =	vadd.f32 v4, v12;
	v9 =	vld [tilespmem:s9+$0xFFFFFFD0]  }
0x181: {  	v5 =	vadd.f32 v5, v17;
	v3 =	vmax.f32 v3, v7  }
0x182: {  	v7 =	vmul.f32 v3, v2;
	v3 =	vmul.f32 $2.000000030e-01, v4;
	[tilespmem:$0x1FFD0] =	vst v25  }
0x183: {  	v8 =	vadd.f32 v8, v19;
	v14 =	vmul.f32 $2.000000030e-01, v5;
	v15 =	vld [tilespmem:s9+$0xFFFFFFE0]  }
0x184: {  	v4 =	vmax.f32 v4, v3;
	v3 =	vld [tilespmem:s13+$0xFFFFFFF0]  }
0x185: {  	v20 =	vmul.f32 $2.000000030e-01, v8;
	v5 =	vmax.f32 v5, v14;
	v9 =	vadd.f32 v9, v21;
	v14 =	vld [tilespmem:s9+$0xFFFFFFF0]  }
0x186: {  	v6 =	vadd.f32 v6, v18;
	v23 =	vmul.f32 v5, v2;
	v10 =	vperm.xlane v7, v0;
	v5 =	vld [tilespmem:s13+$0x10]  }
0x187: {  	v8 =	vmax.f32 v8, v20;
	v20 =	vld [tilespmem:s9+$0x10];
	v16 =	vmul.f32 v4, v2;
	v24 =	vmul.f32 $2.000000030e-01, v9  }
0x188: {  	v39 =	vld [tilespmem:s13+$0xFFFFFF80];
	v7 =	vadd.f32 v7, v10;
	v10 =	vmul.f32 $2.000000030e-01, v6  }
0x189: {  	v60 =	vmul.f32 v8, v2;
	v31 =	vld [tilespmem:s9+$0x40];
	v22 =	vperm.xlane v16, v0;
	v8 =	vmax.f32 v9, v24  }
0x18a: {  	v4 =	vld [tilespmem:s13+$0x0];
	v21 =	vperm.xlane v7, v1;
	v6 =	vmax.f32 v6, v10;
	v61 =	vmul.f32 v8, v2  }
0x18b: {  	v10 =	vld [tilespmem:s9+$0x0];
	v15 =	vadd.f32 v15, v25;
	v27 =	vmul.f32 v6, v2;
	v14 =	vadd.f32 v14, v3  }
0x18c: {  	v8 =	vld [tilespmem:s13+$0x40];
	v16 =	vadd.f32 v16, v22;
	v7 =	vadd.f32 v7, v21;
	v21 =	vperm.xlane v23, v0  }
0x18d: {  	v13 =	vadd.f32 v13, v39;
	v63 =	vperm.xlane v61, v0;
	v28 =	vmul.f32 $2.000000030e-01, v15  }
0x18e: {  	v30 =	vperm.xlane v27, v0;
	v24 =	vmul.f32 $2.000000030e-01, v14  }
0x18f: {  	v9 =	vld [tilespmem:s9+$0x20];
	v20 =	vadd.f32 v20, v5;
	v53 =	vmul.f32 $2.000000030e-01, v13;
	v57 =	vperm.xlane v16, v1  }
0x190: {  	v6 =	vld [tilespmem:s13+$0x20];
	v29 =	vmul.f32 $1.442695020e+00, v7;
	v21 =	vadd.f32 v23, v21;
	v10 =	vadd.f32 v10, v4  }
0x191: {  	v15 =	vmax.f32 v15, v28;
	v14 =	vmax.f32 v14, v24;
	v46 =	vadd.f32 v31, v8  }
0x192: {  	v7 =	vld [tilespmem:s13+$0x30];
	v13 =	vmax.f32 v13, v53;
	(erf) = vpow2.f32 v29;
	v29 =	vperm.xlane v60, v0  }
0x193: {  	v28 =	vld [tilespmem:s9+$0x30];
	v16 =	vadd.f32 v16, v57;
	v15 =	vmul.f32 v15, v2;
	v14 =	vmul.f32 v14, v2  }
0x194: {  	v34 =	vadd.f32 v61, v63;
	v13 =	vmul.f32 v13, v2;
	v24 =	vmul.f32 $2.000000030e-01, v10  }
0x195: {  	v37 =	vld [tilespmem:s9+$0x50];
	v62 =	vadd.f32 v9, v6;
	v47 =	vmul.f32 $2.000000030e-01, v46;
	v16 =	vmul.f32 $1.442695020e+00, v16  }
0x196: {  	v9 =	vld [tilespmem:s13+$0x50];
	v22 =	vperm.xlane v15, v0;
	v23 =	vperm.xlane v14, v0;
	v29 =	vadd.f32 v60, v29  }
0x197: {  	v60 =	vperm.xlane v34, v1;
	v10 =	vmax.f32 v10, v24;
	v24 =	vmul.f32 $2.000000030e-01, v20  }
0x198: {  	v48 =	vmax.f32 v46, v47;
	v36 =	vmul.f32 v10, v2;
	v28 =	vadd.f32 v28, v7  }
0x199: {  	v50 =	vmul.f32 v48, v2;
	v15 =	vadd.f32 v15, v22;
	v59 =	vperm.xlane v29, v1  }
0x19a: {  	v34 =	vadd.f32 v34, v60;
	v20 =	vmax.f32 v20, v24;
	v24 =	vmul.f32 $2.000000030e-01, v62  }
0x19b: {  	v37 =	vadd.f32 v37, v9;
	v20 =	vmul.f32 v20, v2;
	v45 =	vmul.f32 $2.000000030e-01, v28  }
0x19c: {  	v38 =	vld [tilespmem:s9+$0x60];
	v14 =	vadd.f32 v14, v23;
	v56 =	vperm.xlane v50, v0;
	v61 =	vperm.xlane v15, v1  }
0x19d: {  	v10 =	vld [tilespmem:s13+$0x60];
	v34 =	vmul.f32 $1.442695020e+00, v34;
	v24 =	vmax.f32 v62, v24;
	v49 =	vmul.f32 $2.000000030e-01, v37  }
0x19e: {  	v62 =	vperm.xlane v14, v1;
	v24 =	vmul.f32 v24, v2  }
0x19f: {  	v28 =	vmax.f32 v28, v45;
	v33 =	vadd.f32 v50, v56;
	v15 =	vadd.f32 v15, v61;
	v32 =	vpop (erf)  }
0x1a0: {  	v28 =	vmul.f32 v28, v2;
	v37 =	vmax.f32 v37, v49;
	v31 =	vmul.f32 v32, v11  }
0x1a1: {  	v11 =	vadd.f32 v27, v30;
	v27 =	vperm.xlane v36, v0;
	v30 =	vperm.xlane v20, v0  }
0x1a2: {  	v38 =	vadd.f32 v38, v10;
	v51 =	vperm.xlane v24, v0;
	v54 =	vmul.f32 v37, v2  }
0x1a3: {  	v50 =	vperm.xlane v33, v1;
	v15 =	vmul.f32 $1.442695020e+00, v15  }
0x1a4: {  	v52 =	vmul.f32 $2.000000030e-01, v38;
	v55 =	vperm.xlane v28, v0  }
0x1a5: {  	v22 =	vperm.xlane v54, v0;
	v23 =	vadd.f32 v36, v27;
	v20 =	vadd.f32 v20, v30  }
0x1a6: {  	s13 =	simm.s32 $0xA40;
	v30 =	vperm.xlane v13, v0;
	v24 =	vadd.f32 v24, v51;
	v38 =	vmax.f32 v38, v52  }
0x1a7: {  	s9 =	simm.s32 $0x1E40;
	v58 =	vperm.xlane v11, v1;
	v36 =	vld [tilespmem:s13+$0x70];
	v28 =	vadd.f32 v28, v55;
	v38 =	vmul.f32 v38, v2  }
0x1a8: {  	v52 =	vld [tilespmem:s9+$0x70];
	v13 =	vadd.f32 v13, v30;
	v30 =	vperm.xlane v21, v1;
	v63 =	vperm.xlane v20, v1  }
0x1a9: {  	v22 =	vadd.f32 v54, v22;
	v48 =	vperm.xlane v24, v1;
	v27 =	vperm.xlane v38, v0  }
0x1aa: {  	v11 =	vadd.f32 v11, v58;
	v21 =	vadd.f32 v21, v30;
	v30 =	vperm.xlane v23, v1  }
0x1ab: {  	v49 =	vperm.xlane v28, v1;
	v38 =	vadd.f32 v38, v27;
	v27 =	vperm.xlane v13, v1  }
0x1ac: {  	v51 =	vperm.xlane v22, v1;
	v11 =	vmul.f32 $1.442695020e+00, v11;
	v23 =	vadd.f32 v23, v30  }
0x1ad: {  	v21 =	vmul.f32 $1.442695020e+00, v21;
	v54 =	vadd.f32 v52, v36;
	v13 =	vadd.f32 v13, v27  }
0x1ae: {  	v22 =	vadd.f32 v22, v51;
	v27 =	vadd.f32 v29, v59;
	v29 =	vperm.xlane v38, v1  }
0x1af: {  	v40 =	vmul.f32 $2.000000030e-01, v54;
	v13 =	vmul.f32 $1.442695020e+00, v13  }
0x1b0: {  	v14 =	vadd.f32 v14, v62;
	v23 =	vmul.f32 $1.442695020e+00, v23;
	v22 =	vmul.f32 $1.442695020e+00, v22  }
0x1b1: {  	v37 =	vmul.f32 $1.442695020e+00, v27;
	v55 =	vmax.f32 v54, v40;
	(erf) = vpow2.f32 v13  }
0x1b2: {  	v56 =	vmul.f32 v55, v2;
	(erf) = vpow2.f32 v16  }
0x1b3: {  	v57 =	vld [tilespmem:s9+$0xFFFFFFE0];
	v16 =	vadd.f32 v20, v63;
	v20 =	vmul.f32 $1.442695020e+00, v14;
	(erf) = vpow2.f32 v21  }
0x1b4: {  	v30 =	vld [tilespmem:s9+$0xFFFFFFA0];
	v58 =	vperm.xlane v56, v0;
	(erf) = vpow2.f32 v11  }
0x1b5: {  	v13 =	vld [tilespmem:s13+$0xFFFFFF90];
	v21 =	vadd.f32 v24, v48;
	v11 =	vadd.f32 v28, v49;
	(erf) = vpow2.f32 v37  }
0x1b6: {  	v24 =	vld [tilespmem:s9+$0xFFFFFF90];
	v28 =	vmul.f32 $1.442695020e+00, v16;
	v16 =	vadd.f32 v33, v50;
	(erf) = vpow2.f32 v34  }
0x1b7: {  	v14 =	vld [tilespmem:s13+$0xFFFFFFA0];
	v53 =	vmul.f32 $1.442695020e+00, v11;
	(erf) = vpow2.f32 v15  }
0x1b8: {  	v11 =	vadd.f32 v38, v29;
	v29 =	vmul.f32 $1.442695020e+00, v16;
	v16 =	vld [tilespmem:s13+$0xFFFFFFC0];
	(erf) = vpow2.f32 v20  }
0x1b9: {  	v21 =	vmul.f32 $1.442695020e+00, v21;
	v15 =	vld [tilespmem:s13+$0xFFFFFFB0];
	(erf) = vpow2.f32 v23  }
0x1ba: {  	v20 =	vld [tilespmem:s9+$0xFFFFFFB0];
	v23 =	vmul.f32 $1.442695020e+00, v11;
	(erf) = vpow2.f32 v28;
	v33 =	vpop (erf)  }
0x1bb: {  	v28 =	vld [tilespmem:s9+$0xFFFFFFC0];
	(erf) = vpow2.f32 v21;
	v37 =	vpop (erf);
	v21 =	vadd.f32 v24, v13;
	v34 =	vmul.f32 v33, v39  }
0x1bc: {  	v59 =	vld [tilespmem:s9+$0xFFFFFFF0];
	(erf) = vpow2.f32 v53;
	v35 =	vmul.f32 v37, v12  }
0x1bd: {  	v30 =	vadd.f32 v30, v14;
	v11 =	vld [tilespmem:s13+$0xFFFFFFD0];
	v38 =	vpop (erf);
	(erf) = vpow2.f32 v29;
	v29 =	vmul.f32 $2.000000030e-01, v21  }
0x1be: {  	v24 =	vld [tilespmem:s9+$0xFFFFFFD0];
	v41 =	vmul.f32 v38, v17;
	v39 =	vpop (erf);
	(erf) = vpow2.f32 v22  }
0x1bf: {  	v12 =	vld [tilespmem:s13+$0xFFFFFFE0];
	v20 =	vadd.f32 v20, v15;
	v22 =	vmul.f32 $2.000000030e-01, v30;
	v42 =	vmul.f32 v39, v18  }
0x1c0: {  	v17 =	vld [tilespmem:s13+$0xFFFFFFF0];
	v40 =	vpop (erf);
	v21 =	vmax.f32 v21, v29;
	(erf) = vpow2.f32 v23;
	v28 =	vadd.f32 v28, v16  }
0x1c1: {  	v61 =	vld [tilespmem:s9+$0x0];
	v23 =	vmul.f32 $2.000000030e-01, v20;
	v29 =	vadd.f32 v56, v58;
	v43 =	vmul.f32 v40, v19  }
0x1c2: {  	v18 =	vld [tilespmem:s13+$0x0];
	v47 =	vmul.f32 v21, v2;
	v21 =	vmax.f32 v30, v22;
	v22 =	vmul.f32 $2.000000030e-01, v28  }
0x1c3: {  	v48 =	vld [tilespmem:s9+$0x10];
	v24 =	vadd.f32 v24, v11;
	v30 =	vperm.xlane v29, v1;
	v63 =	vmul.f32 v21, v2  }
0x1c4: {  	v53 =	vld [tilespmem:s9+$0x30];
	v21 =	vmax.f32 v20, v23;
	v44 =	vadd.f32 v57, v12;
	v62 =	vperm.xlane v47, v0  }
0x1c5: {  	v19 =	vld [tilespmem:s13+$0x10];
	v23 =	vmul.f32 $2.000000030e-01, v24;
	v52 =	vmul.f32 v21, v2;
	v46 =	vadd.f32 v59, v17  }
0x1c6: {  	v20 =	vld [tilespmem:s13+$0x20];
	v29 =	vadd.f32 v29, v30;
	v60 =	vperm.xlane v63, v0;
	v22 =	vmax.f32 v28, v22  }
0x1c7: {  	v21 =	vld [tilespmem:s13+$0x30];
	v28 =	vmul.f32 $2.000000030e-01, v44;
	v45 =	vadd.f32 v61, v18;
	v54 =	vperm.xlane v52, v0  }
0x1c8: {  	v30 =	vld [tilespmem:s9+$0x20];
	v55 =	vmul.f32 v22, v2;
	v23 =	vmax.f32 v24, v23;
	v24 =	vmul.f32 $2.000000030e-01, v46  }
0x1c9: {  	v59 =	vld [tilespmem:s9+$0x60];
	v47 =	vadd.f32 v47, v62;
	v29 =	vmul.f32 $1.442695020e+00, v29;
	v57 =	vmul.f32 v23, v2  }
0x1ca: {  	v22 =	vld [tilespmem:s13+$0x40];
	v28 =	vmax.f32 v44, v28;
	v61 =	vmul.f32 $2.000000030e-01, v45;
	v50 =	vadd.f32 v63, v60  }
0x1cb: {  	v23 =	vld [tilespmem:s13+$0x50];
	v56 =	vperm.xlane v55, v0;
	v24 =	vmax.f32 v46, v24;
	v46 =	vadd.f32 v48, v19  }
0x1cc: {  	v48 =	vld [tilespmem:s9+$0x50];
	v49 =	vmul.f32 v28, v2;
	(erf) = vpow2.f32 v29;
	v28 =	vmax.f32 v45, v61  }
0x1cd: {  	v29 =	vld [tilespmem:s9+$0x40];
	v51 =	vperm.xlane v57, v0;
	v44 =	vmul.f32 $2.000000030e-01, v46;
	v45 =	vadd.f32 v30, v20  }
0x1ce: {  	s0 =	simm.s32 $0x36C0;
	v52 =	vadd.f32 v52, v54;
	v58 =	vmul.f32 v24, v2;
	v24 =	vld [tilespmem:s13+$0x60];
	v60 =	vmul.f32 v28, v2  }
0x1cf: {  	[tilespmem:s0+$0xF0] =	vst v32;
	v27 =	vld [tilespmem:s9+$0xFFFFFF80];
	v51 =	vadd.f32 v57, v51;
	v28 =	vmax.f32 v46, v44;
	v62 =	vmul.f32 $2.000000030e-01, v45  }
0x1d0: {  	[tilespmem:s0+$0xE0] =	vst v31;
	v30 =	vld [tilespmem:s13+$0xFFFFFF80];
	v46 =	vadd.f32 v53, v21;
	v53 =	vperm.xlane v49, v0;
	v25 =	vperm.xlane v60, v0  }
0x1d1: {  	[tilespmem:s0+$0xFFFFFF10] =	vst v33;
	v54 =	vmul.f32 v28, v2;
	v48 =	vadd.f32 v48, v23;
	v28 =	vmax.f32 v45, v62  }
0x1d2: {  	[tilespmem:s0+$0xFFFFFF30] =	vst v37;
	v44 =	vmul.f32 $2.000000030e-01, v46;
	v29 =	vadd.f32 v29, v22;
	v45 =	vadd.f32 v55, v56  }
0x1d3: {  	[tilespmem:s0+$0xFFFFFF00] =	vst v34;
	v55 =	vperm.xlane v58, v0;
	v59 =	vadd.f32 v59, v24;
	v49 =	vadd.f32 v49, v53  }
0x1d4: {  	[tilespmem:s0+$0xFFFFFF50] =	vst v38;
	v25 =	vadd.f32 v60, v25;
	v63 =	vmul.f32 v28, v2;
	v28 =	vmul.f32 $2.000000030e-01, v48  }
0x1d5: {  	[tilespmem:s0+$0xFFFFFF20] =	vst v35;
	v61 =	vadd.f32 v27, v30;
	v56 =	vmul.f32 $2.000000030e-01, v29;
	v44 =	vmax.f32 v46, v44  }
0x1d6: {  	[tilespmem:s0+$0xFFFFFF80] =	vst v43;
	v43 =	vperm.xlane v25, v1;
	v48 =	vmax.f32 v48, v28;
	v44 =	vmul.f32 v44, v2  }
0x1d7: {  	[tilespmem:s0+$0xFFFFFF70] =	vst v39;
	v53 =	vperm.xlane v63, v0;
	v46 =	vmax.f32 v29, v56;
	v29 =	vmul.f32 $2.000000030e-01, v59  }
0x1d8: {  	[tilespmem:s0+$0xFFFFFF40] =	vst v41;
	v62 =	vpop (erf);
	v55 =	vadd.f32 v58, v55;
	v56 =	vmul.f32 $2.000000030e-01, v61;
	v48 =	vmul.f32 v48, v2  }
0x1d9: {  	[tilespmem:s0+$0xFFFFFF90] =	vst v40;
	v26 =	vpop (erf);
	v46 =	vmul.f32 v46, v2;
	v58 =	vperm.xlane v44, v0;
	v57 =	vmax.f32 v59, v29  }
0x1da: {  	[tilespmem:s0+$0xFFFFFF60] =	vst v42;
	v27 =	vpop (erf);
	v59 =	vperm.xlane v54, v0;
	v56 =	vmax.f32 v61, v56;
	v57 =	vmul.f32 v57, v2  }
0x1db: {  	[tilespmem:s0+$0xFFFFFFB0] =	vst v62;
	v25 =	vadd.f32 v25, v43;
	v28 =	vpop (erf);
	v56 =	vmul.f32 v56, v2;
	v60 =	vperm.xlane v46, v0  }
0x1dc: {  	[tilespmem:s0+$0xFFFFFFD0] =	vst v26;
	v53 =	vadd.f32 v63, v53;
	v29 =	vpop (erf);
	v54 =	vadd.f32 v54, v59;
	v63 =	vperm.xlane v57, v0  }
0x1dd: {  	[tilespmem:s0+$0xFFFFFFF0] =	vst v27;
	v59 =	vperm.xlane v48, v0;
	v31 =	vpop (erf);
	v61 =	vperm.xlane v56, v0;
	v46 =	vadd.f32 v46, v60  }
0x1de: {  	[tilespmem:s0+$0x10] =	vst v28;
	v60 =	vperm.xlane v47, v1;
	v32 =	vpop (erf);
	v41 =	vadd.f32 v57, v63;
	v63 =	vperm.xlane v52, v1  }
0x1df: {  	[tilespmem:s0+$0x30] =	vst v29;
	v37 =	vadd.f32 v48, v59;
	v33 =	vpop (erf);
	v48 =	vadd.f32 v56, v61;
	v56 =	vperm.xlane v45, v1  }
0x1e0: {  	v44 =	vadd.f32 v44, v58;
	[tilespmem:s0+$0x50] =	vst v31;
	v34 =	vpop (erf);
	v39 =	vadd.f32 v52, v63;
	v52 =	vperm.xlane v55, v1  }
0x1e1: {  	v61 =	vperm.xlane v50, v1;
	v38 =	vadd.f32 v47, v60;
	[tilespmem:s0+$0x70] =	vst v32;
	v35 =	vpop (erf);
	v40 =	vadd.f32 v45, v56  }
0x1e2: {  	[tilespmem:s0+$0x90] =	vst v33;
	v56 =	vperm.xlane v44, v1;
	v59 =	vpop (erf);
	v52 =	vadd.f32 v55, v52;
	v55 =	vperm.xlane v41, v1  }
0x1e3: {  	v50 =	vadd.f32 v50, v61;
	v61 =	vperm.xlane v51, v1;
	[tilespmem:s0+$0xB0] =	vst v34;
	v36 =	vmul.f32 v59, v36  }
0x1e4: {  	s1 =	simm.s32 $0x38C0;
	[tilespmem:s0+$0xD0] =	vst v35;
	v56 =	vadd.f32 v44, v56;
	v44 =	vmul.f32 $1.442695020e+00, v25;
	v25 =	vadd.f32 v41, v55  }
0x1e5: {  	v60 =	vperm.xlane v48, v1;
	v57 =	vadd.f32 v51, v61;
	v51 =	vmul.f32 $1.442695020e+00, v50;
	[tilespmem:s1+$0xE0] =	vst v36  }
0x1e6: {  	v50 =	vmul.f32 $1.442695020e+00, v40;
	v40 =	vmul.f32 $1.442695020e+00, v25;
	v25 =	vld [tilespmem:$0x1FFC0]  }
0x1e7: {  	v58 =	vperm.xlane v46, v1;
	v63 =	vperm.xlane v49, v1  }
0x1e8: {  	v45 =	vperm.xlane v53, v1;
	v38 =	vmul.f32 $1.442695020e+00, v38;
	v42 =	vadd.f32 v48, v60  }
0x1e9: {  	v48 =	vperm.xlane v54, v1;
	v47 =	vadd.f32 v49, v63;
	v60 =	vperm.xlane v37, v1  }
0x1ea: {  	v45 =	vadd.f32 v53, v45;
	v39 =	vmul.f32 $1.442695020e+00, v39;
	v61 =	vmul.f32 $1.442695020e+00, v42;
	[tilespmem:s1+$0xF0] =	vst v59  }
0x1eb: {  	v42 =	vadd.f32 v54, v48;
	v48 =	vmul.f32 $1.442695020e+00, v52;
	v52 =	vmul.f32 v62, v25;
	v25 =	vld [tilespmem:$0x1FFD0]  }
0x1ec: {  	v63 =	vadd.f32 v46, v58;
	v49 =	vmul.f32 $1.442695020e+00, v57;
	v43 =	vmul.f32 $1.442695020e+00, v47  }
0x1ed: {  	v37 =	vadd.f32 v37, v60;
	v45 =	vmul.f32 $1.442695020e+00, v45;
	v46 =	vmul.f32 $1.442695020e+00, v56  }
0x1ee: {  	v47 =	vmul.f32 $1.442695020e+00, v42;
	v42 =	vmul.f32 $1.442695020e+00, v63  }
0x1ef: {  	v41 =	vmul.f32 $1.442695020e+00, v37;
	(erf) = vpow2.f32 v61  }
0x1f0: {  	s29 =	simm.s32 $0x10;
	s13 =	simm.s32 $0xB40;
	(erf) = vpow2.f32 v38;
	v25 =	vmul.f32 v26, v25  }
.LBB2_5:
0x1f1: {  	v38 =	vld [tilespmem:s13+$0x70];
	s9 =	sadd.s32 $0x100, s9;
	(erf) = vpow2.f32 v51;
	[tilespmem:s0+$0xFFFFFFA0] =	vst v52;
	v26 =	vmul.f32 v27, v3;
	v3 =	vmov v17  }
0x1f2: {  	s29 =	sadd.s32 $0x10, s29;
	v17 =	vld [tilespmem:s9+$0x70];
	(erf) = vpow2.f32 v39;
	[tilespmem:s0+$0xFFFFFFC0] =	vst v25;
	v25 =	vmul.f32 v28, v4;
	v4 =	vmov v18  }
0x1f3: {  	p2 =	slt.u32 s29, $0x40;
	v18 =	vmul.f32 v29, v5;
	v5 =	vmov v19;
	v39 =	vld [tilespmem:s9+$0xFFFFFF80];
	(erf) = vpow2.f32 v50;
	[tilespmem:s0+$0xFFFFFFE0] =	vst v26  }
0x1f4: {  	v19 =	vld [tilespmem:s13+$0xFFFFFF90];
	(erf) = vpow2.f32 v49;
	[tilespmem:s0+$0x0] =	vst v25;
	v25 =	vmul.f32 v31, v6;
	v6 =	vmov v20  }
0x1f5: {  	v20 =	vld [tilespmem:s9+$0xFFFFFF90];
	(erf) = vpow2.f32 v43;
	[tilespmem:s0+$0x20] =	vst v18;
	v18 =	vmul.f32 v32, v7;
	v7 =	vmov v21  }
0x1f6: {  	v21 =	vmul.f32 v33, v8;
	v8 =	vmov v22;
	v43 =	vld [tilespmem:s13+$0xFFFFFFA0];
	(erf) = vpow2.f32 v48;
	[tilespmem:s0+$0x40] =	vst v25  }
0x1f7: {  	v22 =	vld [tilespmem:s9+$0xFFFFFFA0];
	v17 =	vadd.f32 v17, v38;
	(erf) = vpow2.f32 v44;
	[tilespmem:s0+$0x60] =	vst v18;
	v18 =	vmul.f32 v34, v9;
	v9 =	vmovc v23  }
0x1f8: {  	v44 =	vld [tilespmem:s13+$0xFFFFFFB0];
	v23 =	vpop (erf);
	(erf) = vpow2.f32 v47;
	[tilespmem:s0+$0x80] =	vst v21;
	v21 =	vmul.f32 v35, v10;
	v10 =	vmov v24  }
0x1f9: {  	v24 =	vld [tilespmem:s9+$0xFFFFFFB0];
	v25 =	vmul.f32 $2.000000030e-01, v17;
	v27 =	vpop (erf);
	(erf) = vpow2.f32 v45;
	[tilespmem:s0+$0xA0] =	vst v18  }
0x1fa: {  	v33 =	vmul.f32 v23, v30;
	v18 =	vadd.f32 v20, v19;
	v45 =	vld [tilespmem:s13+$0xFFFFFFC0];
	v28 =	vpop (erf);
	(erf) = vpow2.f32 v46;
	[tilespmem:s0+$0xC0] =	vst v21;
	s0 =	smov.u32 s1  }
0x1fb: {  	v32 =	vmul.f32 v27, v13;
	v21 =	vld [tilespmem:s9+$0xFFFFFFC0];
	v17 =	vmax.f32 v17, v25;
	[tilespmem:s1+$0xFFFFFF10] =	vst v23;
	v23 =	vpop (erf);
	(erf) = vpow2.f32 v42  }
0x1fc: {  	v29 =	vmul.f32 $2.000000030e-01, v18;
	v22 =	vadd.f32 v22, v43;
	v25 =	vld [tilespmem:s13+$0xFFFFFFD0];
	v30 =	vmul.f32 v17, v2;
	[tilespmem:s1+$0xFFFFFF00] =	vst v33;
	v20 =	vpop (erf)  }
0x1fd: {  	v13 =	vmov v19;
	v14 =	vmul.f32 v28, v14;
	v31 =	vld [tilespmem:s9+$0xFFFFFFD0];
	[tilespmem:s1+$0xFFFFFF20] =	vst v32;
	v26 =	vpop (erf);
	(erf) = vpow2.f32 v41  }
0x1fe: {  	v19 =	vmul.f32 $2.000000030e-01, v22;
	v24 =	vadd.f32 v24, v44;
	v36 =	vld [tilespmem:s13+$0xFFFFFFE0];
	v32 =	vperm.xlane v30, v0;
	[tilespmem:s1+$0xFFFFFF30] =	vst v27;
	v37 =	vpop (erf)  }
0x1ff: {  	v18 =	vmax.f32 v18, v29;
	v33 =	vld [tilespmem:s9+$0xFFFFFFE0];
	[tilespmem:s1+$0xFFFFFF40] =	vst v14;
	v14 =	vmul.f32 v23, v15;
	v27 =	vpop (erf);
	(erf) = vpow2.f32 v40  }
0x200: {  	v15 =	vmul.f32 $2.000000030e-01, v24;
	v21 =	vadd.f32 v21, v45;
	v17 =	vld [tilespmem:s13+$0xFFFFFFF0];
	v30 =	vadd.f32 v30, v32;
	[tilespmem:s1+$0xFFFFFF50] =	vst v28;
	v28 =	vpop (erf)  }
0x201: {  	v40 =	vmul.f32 v18, v2;
	v19 =	vmax.f32 v22, v19;
	v22 =	vld [tilespmem:s9+$0xFFFFFFF0];
	[tilespmem:s1+$0xFFFFFF60] =	vst v14;
	v14 =	vmul.f32 v20, v16;
	v29 =	vpop (erf)  }
0x202: {  	v16 =	vmul.f32 $2.000000030e-01, v21;
	v35 =	vadd.f32 v31, v25;
	v18 =	vld [tilespmem:s13+$0x0];
	v34 =	vperm.xlane v30, v1;
	[tilespmem:s1+$0xFFFFFF70] =	vst v23;
	v31 =	vpop (erf)  }
0x203: {  	v41 =	vmul.f32 v19, v2;
	v23 =	vperm.xlane v40, v0;
	v15 =	vmax.f32 v24, v15;
	v24 =	vld [tilespmem:s9+$0x0];
	[tilespmem:s1+$0xFFFFFF80] =	vst v14;
	v32 =	vpop (erf)  }
0x204: {  	v14 =	vmul.f32 $2.000000030e-01, v35;
	v42 =	vadd.f32 v33, v36;
	v19 =	vld [tilespmem:s13+$0x10];
	v30 =	vadd.f32 v30, v34;
	[tilespmem:s1+$0xFFFFFF90] =	vst v20;
	v33 =	vpop (erf)  }
0x205: {  	v46 =	vperm.xlane v41, v0;
	v47 =	vmul.f32 v15, v2;
	v15 =	vmax.f32 v21, v16;
	v16 =	vld [tilespmem:s9+$0x10];
	[tilespmem:s1+$0xFFFFFFB0] =	vst v26  }
0x206: {  	v48 =	vmul.f32 $2.000000030e-01, v42;
	v22 =	vadd.f32 v22, v17;
	v20 =	vld [tilespmem:s13+$0x20];
	v30 =	vmul.f32 $1.442695020e+00, v30;
	[tilespmem:s1+$0xFFFFFFD0] =	vst v37;
	v34 =	vpop (erf)  }
0x207: {  	v49 =	vperm.xlane v47, v0;
	v50 =	vmul.f32 v15, v2;
	v14 =	vmax.f32 v35, v14;
	v15 =	vld [tilespmem:s9+$0x20];
	[tilespmem:s1+$0xFFFFFFF0] =	vst v27  }
0x208: {  	v51 =	vmul.f32 $2.000000030e-01, v22;
	v24 =	vadd.f32 v24, v18;
	v21 =	vld [tilespmem:s13+$0x30];
	(erf) = vpow2.f32 v30;
	[tilespmem:s1+$0x10] =	vst v28;
	v35 =	vpop (erf)  }
0x209: {  	v52 =	vperm.xlane v50, v0;
	v53 =	vmul.f32 v14, v2;
	v30 =	vmax.f32 v42, v48;
	v42 =	vld [tilespmem:s9+$0x30];
	[tilespmem:s1+$0x30] =	vst v29  }
0x20a: {  	v14 =	vmovc v43;
	v48 =	vmax.f32 v22, v51;
	v51 =	vmul.f32 $2.000000030e-01, v24;
	v16 =	vadd.f32 v16, v19;
	v22 =	vld [tilespmem:s13+$0x40];
	[tilespmem:s1+$0x50] =	vst v31  }
0x20b: {  	v40 =	vadd.f32 v40, v23;
	v43 =	vmul.f32 v30, v2;
	v48 =	vmul.f32 v48, v2;
	v54 =	vld [tilespmem:s9+$0x40];
	[tilespmem:s1+$0x70] =	vst v32  }
0x20c: {  	v24 =	vmax.f32 v24, v51;
	v30 =	vmul.f32 $2.000000030e-01, v16;
	v51 =	vadd.f32 v15, v20;
	v23 =	vld [tilespmem:s13+$0x50];
	[tilespmem:s1+$0x90] =	vst v33;
	v15 =	vmovc v44  }
0x20d: {  	v41 =	vadd.f32 v41, v46;
	v44 =	vperm.xlane v53, v0;
	v46 =	vmul.f32 v24, v2;
	v55 =	vld [tilespmem:s9+$0x50];
	[tilespmem:s1+$0xB0] =	vst v34  }
0x20e: {  	v30 =	vmax.f32 v16, v30;
	v56 =	vmul.f32 $2.000000030e-01, v51;
	v42 =	vadd.f32 v42, v21;
	v24 =	vld [tilespmem:s13+$0x60];
	[tilespmem:s1+$0xD0] =	vst v35;
	v16 =	vmovc v45  }
0x20f: {  	v45 =	vadd.f32 v47, v49;
	v47 =	vperm.xlane v43, v0;
	v49 =	vmul.f32 v30, v2;
	v57 =	vld [tilespmem:s9+$0x60]  }
0x210: {  	v30 =	vld [tilespmem:s13+$0xFFFFFF80];
	v51 =	vmax.f32 v51, v56;
	v56 =	vmul.f32 $2.000000030e-01, v42;
	v54 =	vadd.f32 v54, v22  }
0x211: {  	v50 =	vadd.f32 v50, v52;
	v52 =	vperm.xlane v48, v0;
	v51 =	vmul.f32 v51, v2;
	v58 =	vpop (erf)  }
0x212: {  	v59 =	vmul.f32 $2.000000030e-01, v54;
	v55 =	vadd.f32 v55, v23;
	v38 =	vmul.f32 v58, v38  }
0x213: {  	s1 =	sadd.s32 $0x200, s1;
	v60 =	vperm.xlane v46, v0;
	v61 =	vperm.xlane v49, v0;
	v42 =	vmax.f32 v42, v56  }
0x214: {  	v54 =	vmax.f32 v54, v59;
	v56 =	vmul.f32 $2.000000030e-01, v55;
	v57 =	vadd.f32 v57, v24;
	[tilespmem:s1+$0xE0] =	vst v38  }
0x215: {  	v38 =	vadd.f32 v39, v30;
	v39 =	vmul.f32 v42, v2;
	v42 =	vmul.f32 v54, v2;
	[tilespmem:s1+$0xF0] =	vst v58  }
0x216: {  	v54 =	vperm.xlane v51, v0;
	v55 =	vmax.f32 v55, v56;
	v56 =	vmul.f32 $2.000000030e-01, v57  }
0x217: {  	v44 =	vadd.f32 v53, v44;
	v58 =	vmul.f32 $2.000000030e-01, v38;
	v53 =	vmul.f32 v55, v2  }
0x218: {  	v55 =	vperm.xlane v39, v0;
	v59 =	vperm.xlane v42, v0;
	v56 =	vmax.f32 v57, v56  }
0x219: {  	v38 =	vmax.f32 v38, v58;
	v57 =	vperm.xlane v53, v0;
	v56 =	vmul.f32 v56, v2  }
0x21a: {  	v43 =	vadd.f32 v43, v47;
	v47 =	vadd.f32 v48, v52;
	v38 =	vmul.f32 v38, v2  }
0x21b: {  	v46 =	vadd.f32 v46, v60;
	v48 =	vadd.f32 v49, v61;
	v49 =	vperm.xlane v56, v0  }
0x21c: {  	v51 =	vadd.f32 v51, v54;
	v39 =	vadd.f32 v39, v55;
	v52 =	vperm.xlane v38, v0  }
0x21d: {  	v54 =	vperm.xlane v40, v1;
	v42 =	vadd.f32 v42, v59;
	v53 =	vadd.f32 v53, v57  }
0x21e: {  	v49 =	vadd.f32 v56, v49;
	v38 =	vadd.f32 v38, v52;
	v52 =	vperm.xlane v41, v1  }
0x21f: {  	v40 =	vadd.f32 v40, v54;
	v54 =	vperm.xlane v45, v1;
	v55 =	vperm.xlane v50, v1  }
0x220: {  	v56 =	vperm.xlane v38, v1;
	v41 =	vadd.f32 v41, v52;
	v52 =	vperm.xlane v44, v1  }
0x221: {  	v45 =	vadd.f32 v45, v54;
	v54 =	vperm.xlane v43, v1;
	v57 =	vperm.xlane v47, v1  }
0x222: {  	v58 =	vperm.xlane v48, v1;
	v38 =	vadd.f32 v38, v56;
	v56 =	vperm.xlane v46, v1  }
0x223: {  	v50 =	vadd.f32 v50, v55;
	v55 =	vperm.xlane v51, v1;
	v59 =	vperm.xlane v39, v1  }
0x224: {  	v60 =	vperm.xlane v53, v1;
	v44 =	vadd.f32 v44, v52;
	v52 =	vperm.xlane v42, v1  }
0x225: {  	v43 =	vadd.f32 v43, v54;
	v47 =	vadd.f32 v47, v57;
	v54 =	vperm.xlane v49, v1  }
0x226: {  	v38 =	vmul.f32 $1.442695020e+00, v38;
	v46 =	vadd.f32 v46, v56;
	v56 =	vadd.f32 v48, v58  }
0x227: {  	v57 =	vmul.f32 $1.442695020e+00, v40;
	v40 =	vadd.f32 v51, v55;
	v55 =	vadd.f32 v39, v59  }
0x228: {  	v51 =	vmul.f32 $1.442695020e+00, v41;
	v41 =	vadd.f32 v42, v52;
	v52 =	vadd.f32 v53, v60  }
0x229: {  	v39 =	vmul.f32 $1.442695020e+00, v45;
	v50 =	vmul.f32 $1.442695020e+00, v50;
	v53 =	vadd.f32 v49, v54  }
0x22a: {  	v43 =	vmul.f32 $1.442695020e+00, v43;
	v49 =	vmul.f32 $1.442695020e+00, v44  }
0x22b: {  	v48 =	vmul.f32 $1.442695020e+00, v47;
	v44 =	vmul.f32 $1.442695020e+00, v46  }
.Ltmp1:
0x22c: {  	v45 =	vmul.f32 $1.442695020e+00, v40;
	v47 =	vmul.f32 $1.442695020e+00, v56;
	(pc) =	sbr.rel @p2 .LBB2_5-.Ltmp1, $4  }
0x22d: {  	v46 =	vmul.f32 $1.442695020e+00, v55;
	v42 =	vmul.f32 $1.442695020e+00, v41  }
0x22e: {  	v41 =	vmul.f32 $1.442695020e+00, v52;
	v40 =	vmul.f32 $1.442695020e+00, v53  }
0x22f: {  	v52 =	vmul.f32 v26, v11;
	v11 =	vmov v25;
	(erf) = vpow2.f32 v38  }
0x230: {  	s13 =	sadd.s32 $0x100, s13;
	v25 =	vmul.f32 v37, v12;
	v12 =	vmov v36;
	(erf) = vpow2.f32 v57  }
0x231: {  	v3 =	vmul.f32 v27, v3;
	_ =	sdelay $0x1  }
0x232: {  	[tilespmem:s0+$0xFFFFFFE0] =	vst v3;
	v3 =	vmul.f32 v29, v5  }
0x233: {  	v4 =	vmul.f32 v28, v4;
	(erf) = vpow2.f32 v51  }
0x234: {  	[tilespmem:s0+$0x20] =	vst v3;
	v3 =	vmul.f32 v32, v7  }
0x235: {  	[tilespmem:s0+$0x0] =	vst v4;
	v4 =	vmul.f32 v31, v6  }
0x236: {  	(erf) = vpow2.f32 v39;
	[tilespmem:s0+$0x60] =	vst v3;
	v3 =	vmul.f32 v34, v9  }
0x237: {  	[tilespmem:s0+$0x40] =	vst v4;
	v4 =	vmul.f32 v33, v8  }
0x238: {  	[tilespmem:s0+$0xFFFFFFA0] =	vst v52;
	(erf) = vpow2.f32 v50  }
0x239: {  	[tilespmem:s0+$0x80] =	vst v4;
	v4 =	vmul.f32 v35, v10;
	v5 =	vpop (erf)  }
0x23a: {  	[tilespmem:s0+$0xA0] =	vst v3;
	v3 =	vpop (erf)  }
0x23b: {  	v6 =	vmul.f32 v5, v30;
	[tilespmem:s0+$0xC0] =	vst v4;
	v4 =	vmul.f32 v3, v13  }
0x23c: {  	[tilespmem:s1+$0xFFFFFF10] =	vst v5;
	v5 =	vpop (erf)  }
0x23d: {  	(erf) = vpow2.f32 v49;
	[tilespmem:s1+$0xFFFFFF20] =	vst v4;
	v4 =	vmul.f32 v5, v14  }
0x23e: {  	[tilespmem:s0+$0xFFFFFFC0] =	vst v25;
	(erf) = vpow2.f32 v43  }
0x23f: {  	[tilespmem:s1+$0xFFFFFF00] =	vst v6;
	(erf) = vpow2.f32 v48;
	v6 =	vpop (erf)  }
0x240: {  	[tilespmem:s1+$0xFFFFFF30] =	vst v3;
	v3 =	vmul.f32 v6, v15  }
0x241: {  	(erf) = vpow2.f32 v44;
	[tilespmem:s1+$0xFFFFFF40] =	vst v4;
	v4 =	vpop (erf)  }
0x242: {  	[tilespmem:s1+$0xFFFFFF60] =	vst v3;
	v3 =	vmul.f32 v4, v16  }
0x243: {  	[tilespmem:s1+$0xFFFFFF50] =	vst v5;
	(erf) = vpow2.f32 v47  }
0x244: {  	[tilespmem:s1+$0xFFFFFF70] =	vst v6  }
0x245: {  	(erf) = vpow2.f32 v45;
	[tilespmem:s1+$0xFFFFFF90] =	vst v4  }
0x246: {  	[tilespmem:s1+$0xFFFFFF80] =	vst v3;
	v3 =	vpop (erf)  }
0x247: {  	(erf) = vpow2.f32 v46;
	v4 =	vpop (erf);
	[tilespmem:s1+$0xFFFFFFB0] =	vst v3  }
0x248: {  	v3 =	vmul.f32 v3, v11;
	v5 =	vpop (erf);
	[tilespmem:s1+$0xFFFFFFD0] =	vst v4  }
0x249: {  	(erf) = vpow2.f32 v42;
	[tilespmem:s1+$0xFFFFFFF0] =	vst v5  }
0x24a: {  	v4 =	vmul.f32 v4, v12;
	v6 =	vpop (erf);
	[tilespmem:s1+$0xFFFFFFA0] =	vst v3  }
0x24b: {  	(erf) = vpow2.f32 v41;
	[tilespmem:s1+$0x10] =	vst v6  }
0x24c: {  	v3 =	vmul.f32 v5, v17;
	v7 =	vpop (erf);
	[tilespmem:s1+$0xFFFFFFC0] =	vst v4  }
0x24d: {  	(erf) = vpow2.f32 v40;
	[tilespmem:s1+$0x30] =	vst v7  }
0x24e: {  	v4 =	vmul.f32 v6, v18;
	v8 =	vpop (erf);
	[tilespmem:s1+$0xFFFFFFE0] =	vst v3  }
0x24f: {  	[tilespmem:s1+$0x50] =	vst v8  }
0x250: {  	v3 =	vmul.f32 v7, v19;
	v9 =	vpop (erf);
	[tilespmem:s1+$0x0] =	vst v4  }
0x251: {  	[tilespmem:s1+$0x70] =	vst v9  }
0x252: {  	v4 =	vmul.f32 v8, v20;
	v10 =	vpop (erf);
	[tilespmem:s1+$0x20] =	vst v3  }
0x253: {  	[tilespmem:s1+$0x90] =	vst v10  }
0x254: {  	v3 =	vmul.f32 v9, v21;
	v13 =	vpop (erf);
	[tilespmem:s1+$0x40] =	vst v4  }
0x255: {  	[tilespmem:s1+$0xB0] =	vst v13  }
0x256: {  	v4 =	vmul.f32 v10, v22;
	v14 =	vpop (erf);
	[tilespmem:s1+$0x60] =	vst v3  }
0x257: {  	v3 =	vmul.f32 v13, v23;
	[tilespmem:s1+$0xD0] =	vst v14  }
0x258: {  	[tilespmem:s1+$0x80] =	vst v4;
	v4 =	vmul.f32 v14, v24  }
0x259: {  	[tilespmem:s1+$0xA0] =	vst v3  }
0x25a: {  	s9 =	simm.s32 $0x2D0;
	s13 =	simm.s32 $0x35C0;
	[tilespmem:s1+$0xC0] =	vst v4  }
0x25b: {  	[spmem:s2] =	stream.indirect.scatter.add.f32 [tilespmem:s13], [sflag:$0xA], $0x20, s9, s31, $0xb8;
	[tilespmem:$0xA1F0] =	vst v63  }
0x25c: {  	_ =	swait.ge [sflag:s15], $0x50  }
0x25d: {  	[sflag:s15] =	ssyncset.done $0x0  }
0x25e: {  	[sflag:s15] =	ssyncadd.s32 $0xFFFFFFB0  }
0x25f: {  	_ =	swait.ge [sflag:s15], $0x50  }
0x260: {  	p2 =	seq.s32 s28, $0x1E;
	[sflag:s15] =	ssyncset.done $0x0  }
0x261: {  	s0 =	sadd.s32 @!p2 s25, s21;
	s1 =	simm.s32 $0x12C0;
	[sflag:s15] =	ssyncadd.s32 $0xFFFFFFB0  }
0x262: {  	[tilespmem:s1], [sflag:$0x8] =	stream.indirect.gather [hbm4b:s4+s31], $0x10, s7, s31, $0xb8;
	[tilespmem:$0xA1F0] =	vst v63  }
0x263: {  	s0 =	sshrl.u32 @!p2 s0, $0x3;
	s9 =	simm.s32 $0x26C0  }
0x264: {  	[tilespmem:s9], [sflag:$0x8] =	stream.indirect.gather [hbm4b:s5+s31], $0x10, s8, s31, $0xb8;
	[tilespmem:$0xA1F0] =	vst v63  }
0x265: {  	s0 =	sadd.s32 @!p2 s6, s0;
	s1 =	simm.s32 @!p2 $0x0;
	s9 =	simm.s32 @!p2 $0x50  }
0x266: {  	[tilespmem:s9], [sflag:$0x2] =	stream.linear.gather @!p2 [hbm4b:s0+s1], $0x50, $0x38;
	[tilespmem:$0xA1F0] =	vst v63  }
0x267: {  	s0 =	sadd.s32 @!p2 $0x9C40, s0;
	s9 =	simm.s32 @!p2 $0x190  }
0x268: {  	[tilespmem:s9], [sflag:$0x2] =	stream.linear.gather @!p2 [hbm4b:s0+s1], $0x50, $0x38;
	[tilespmem:$0xA1F0] =	vst v63  }
0x269: {  	_ =	swait.ge [sflag:s26], $0x500  }
0x26a: {  	[sflag:s26] =	ssyncset.done $0x0  }
0x26b: {  	[sflag:s26] =	ssyncadd.s32 $0xFFFFFB00  }
0x26c: {  	_ =	swait.ge [sflag:s26], $0x500  }
0x26d: {  	[sflag:s26] =	ssyncset.done $0x0  }
0x26e: {  	s0 =	simm.s32 @!p1 $0xB;
	[sflag:s26] =	ssyncadd.s32 $0xFFFFFB00  }
0x26f: {  	_ =	swait.ge @!p1 [sflag:s0], $0xA00  }
0x270: {  	[sflag:s0] =	ssyncset.done @!p1 $0x0  }
0x271: {  	[sflag:s0] =	ssyncadd.s32 @!p1 $0xFFFFF600  }
0x272: {  	v3 =	vld [tilespmem:$0x1E0]  }
0x273: {  	v4 =	vld [tilespmem:$0x1F0]  }
0x274: {  	v5 =	vld [tilespmem:$0x200]  }
0x275: {  	v6 =	vld [tilespmem:$0x210]  }
0x276: {  	v7 =	vld [tilespmem:$0x220]  }
0x277: {  	[tilespmem:$0x320] =	vst v3  }
0x278: {  	[tilespmem:$0x330] =	vst v4  }
0x279: {  	[tilespmem:$0x340] =	vst v5  }
0x27a: {  	[tilespmem:$0x350] =	vst v6  }
0x27b: {  	s13 =	simm.s32 $0xE40;
	[tilespmem:$0x360] =	vst v7  }
0x27c: {  	s9 =	simm.s32 $0x2240;
	v11 =	vld [tilespmem:s13+$0x70]  }
0x27d: {  	v3 =	vld [tilespmem:s9+$0x70]  }
0x27e: {  	v13 =	vld [tilespmem:s9+$0xFFFFFF80]  }
0x27f: {  	v12 =	vld [tilespmem:s13+$0xFFFFFF90]  }
0x280: {  	v4 =	vld [tilespmem:s9+$0xFFFFFF90]  }
0x281: {  	v17 =	vld [tilespmem:s13+$0xFFFFFFA0]  }
0x282: {  	v21 =	vld [tilespmem:s13+$0xFFFFFFD0]  }
0x283: {  	v5 =	vld [tilespmem:s9+$0xFFFFFFA0]  }
0x284: {  	v18 =	vld [tilespmem:s13+$0xFFFFFFB0]  }
0x285: {  	v6 =	vld [tilespmem:s9+$0xFFFFFFB0]  }
0x286: {  	v19 =	vld [tilespmem:s13+$0xFFFFFFC0]  }
0x287: {  	v8 =	vld [tilespmem:s9+$0xFFFFFFC0];
	[tilespmem:$0x1FFA0] =	vst v21  }
0x288: {  	v3 =	vadd.f32 v3, v11;
	v25 =	vld [tilespmem:s13+$0xFFFFFFE0];
	_ =	sdelay $0x1  }
0x289: {  	v7 =	vmul.f32 $2.000000030e-01, v3  }
0x28a: {  	v4 =	vadd.f32 v4, v12;
	v9 =	vld [tilespmem:s9+$0xFFFFFFD0]  }
0x28b: {  	v5 =	vadd.f32 v5, v17;
	v3 =	vmax.f32 v3, v7  }
0x28c: {  	v7 =	vmul.f32 v3, v2;
	v3 =	vmul.f32 $2.000000030e-01, v4;
	[tilespmem:$0x1FFB0] =	vst v25  }
0x28d: {  	v8 =	vadd.f32 v8, v19;
	v14 =	vmul.f32 $2.000000030e-01, v5;
	v15 =	vld [tilespmem:s9+$0xFFFFFFE0]  }
0x28e: {  	v4 =	vmax.f32 v4, v3;
	v3 =	vld [tilespmem:s13+$0xFFFFFFF0]  }
0x28f: {  	v20 =	vmul.f32 $2.000000030e-01, v8;
	v5 =	vmax.f32 v5, v14;
	v9 =	vadd.f32 v9, v21;
	v14 =	vld [tilespmem:s9+$0xFFFFFFF0]  }
0x290: {  	v6 =	vadd.f32 v6, v18;
	v23 =	vmul.f32 v5, v2;
	v10 =	vperm.xlane v7, v0;
	v5 =	vld [tilespmem:s13+$0x10]  }
0x291: {  	v8 =	vmax.f32 v8, v20;
	v20 =	vld [tilespmem:s9+$0x10];
	v16 =	vmul.f32 v4, v2;
	v24 =	vmul.f32 $2.000000030e-01, v9  }
0x292: {  	v39 =	vld [tilespmem:s13+$0xFFFFFF80];
	v7 =	vadd.f32 v7, v10;
	v10 =	vmul.f32 $2.000000030e-01, v6  }
0x293: {  	v60 =	vmul.f32 v8, v2;
	v31 =	vld [tilespmem:s9+$0x40];
	v22 =	vperm.xlane v16, v0;
	v8 =	vmax.f32 v9, v24  }
0x294: {  	v4 =	vld [tilespmem:s13+$0x0];
	v21 =	vperm.xlane v7, v1;
	v6 =	vmax.f32 v6, v10;
	v61 =	vmul.f32 v8, v2  }
0x295: {  	v10 =	vld [tilespmem:s9+$0x0];
	v15 =	vadd.f32 v15, v25;
	v27 =	vmul.f32 v6, v2;
	v14 =	vadd.f32 v14, v3  }
0x296: {  	v8 =	vld [tilespmem:s13+$0x40];
	v16 =	vadd.f32 v16, v22;
	v7 =	vadd.f32 v7, v21;
	v21 =	vperm.xlane v23, v0  }
0x297: {  	v13 =	vadd.f32 v13, v39;
	v63 =	vperm.xlane v61, v0;
	v28 =	vmul.f32 $2.000000030e-01, v15  }
0x298: {  	v30 =	vperm.xlane v27, v0;
	v24 =	vmul.f32 $2.000000030e-01, v14  }
0x299: {  	v9 =	vld [tilespmem:s9+$0x20];
	v20 =	vadd.f32 v20, v5;
	v53 =	vmul.f32 $2.000000030e-01, v13;
	v57 =	vperm.xlane v16, v1  }
0x29a: {  	v6 =	vld [tilespmem:s13+$0x20];
	v29 =	vmul.f32 $1.442695020e+00, v7;
	v21 =	vadd.f32 v23, v21;
	v10 =	vadd.f32 v10, v4  }
0x29b: {  	v15 =	vmax.f32 v15, v28;
	v14 =	vmax.f32 v14, v24;
	v46 =	vadd.f32 v31, v8  }
0x29c: {  	v7 =	vld [tilespmem:s13+$0x30];
	v13 =	vmax.f32 v13, v53;
	(erf) = vpow2.f32 v29;
	v29 =	vperm.xlane v60, v0  }
0x29d: {  	v28 =	vld [tilespmem:s9+$0x30];
	v16 =	vadd.f32 v16, v57;
	v15 =	vmul.f32 v15, v2;
	v14 =	vmul.f32 v14, v2  }
0x29e: {  	v34 =	vadd.f32 v61, v63;
	v13 =	vmul.f32 v13, v2;
	v24 =	vmul.f32 $2.000000030e-01, v10  }
0x29f: {  	v37 =	vld [tilespmem:s9+$0x50];
	v62 =	vadd.f32 v9, v6;
	v47 =	vmul.f32 $2.000000030e-01, v46;
	v16 =	vmul.f32 $1.442695020e+00, v16  }
0x2a0: {  	v9 =	vld [tilespmem:s13+$0x50];
	v22 =	vperm.xlane v15, v0;
	v23 =	vperm.xlane v14, v0;
	v29 =	vadd.f32 v60, v29  }
0x2a1: {  	v60 =	vperm.xlane v34, v1;
	v10 =	vmax.f32 v10, v24;
	v24 =	vmul.f32 $2.000000030e-01, v20  }
0x2a2: {  	v48 =	vmax.f32 v46, v47;
	v36 =	vmul.f32 v10, v2;
	v28 =	vadd.f32 v28, v7  }
0x2a3: {  	v50 =	vmul.f32 v48, v2;
	v15 =	vadd.f32 v15, v22;
	v59 =	vperm.xlane v29, v1  }
0x2a4: {  	v34 =	vadd.f32 v34, v60;
	v20 =	vmax.f32 v20, v24;
	v24 =	vmul.f32 $2.000000030e-01, v62  }
0x2a5: {  	v37 =	vadd.f32 v37, v9;
	v20 =	vmul.f32 v20, v2;
	v45 =	vmul.f32 $2.000000030e-01, v28  }
0x2a6: {  	v38 =	vld [tilespmem:s9+$0x60];
	v14 =	vadd.f32 v14, v23;
	v56 =	vperm.xlane v50, v0;
	v61 =	vperm.xlane v15, v1  }
0x2a7: {  	v10 =	vld [tilespmem:s13+$0x60];
	v34 =	vmul.f32 $1.442695020e+00, v34;
	v24 =	vmax.f32 v62, v24;
	v49 =	vmul.f32 $2.000000030e-01, v37  }
0x2a8: {  	v62 =	vperm.xlane v14, v1;
	v24 =	vmul.f32 v24, v2  }
0x2a9: {  	v28 =	vmax.f32 v28, v45;
	v33 =	vadd.f32 v50, v56;
	v15 =	vadd.f32 v15, v61;
	v32 =	vpop (erf)  }
0x2aa: {  	v28 =	vmul.f32 v28, v2;
	v37 =	vmax.f32 v37, v49;
	v31 =	vmul.f32 v32, v11  }
0x2ab: {  	v11 =	vadd.f32 v27, v30;
	v27 =	vperm.xlane v36, v0;
	v30 =	vperm.xlane v20, v0  }
0x2ac: {  	v38 =	vadd.f32 v38, v10;
	v51 =	vperm.xlane v24, v0;
	v54 =	vmul.f32 v37, v2  }
0x2ad: {  	v50 =	vperm.xlane v33, v1;
	v15 =	vmul.f32 $1.442695020e+00, v15  }
0x2ae: {  	v52 =	vmul.f32 $2.000000030e-01, v38;
	v55 =	vperm.xlane v28, v0  }
0x2af: {  	v22 =	vperm.xlane v54, v0;
	v23 =	vadd.f32 v36, v27;
	v20 =	vadd.f32 v20, v30  }
0x2b0: {  	s13 =	simm.s32 $0xF40;
	v30 =	vperm.xlane v13, v0;
	v24 =	vadd.f32 v24, v51;
	v38 =	vmax.f32 v38, v52  }
0x2b1: {  	s9 =	simm.s32 $0x2340;
	v58 =	vperm.xlane v11, v1;
	v36 =	vld [tilespmem:s13+$0x70];
	v28 =	vadd.f32 v28, v55;
	v38 =	vmul.f32 v38, v2  }
0x2b2: {  	v52 =	vld [tilespmem:s9+$0x70];
	v13 =	vadd.f32 v13, v30;
	v30 =	vperm.xlane v21, v1;
	v63 =	vperm.xlane v20, v1  }
0x2b3: {  	v22 =	vadd.f32 v54, v22;
	v48 =	vperm.xlane v24, v1;
	v27 =	vperm.xlane v38, v0  }
0x2b4: {  	v11 =	vadd.f32 v11, v58;
	v21 =	vadd.f32 v21, v30;
	v30 =	vperm.xlane v23, v1  }
0x2b5: {  	v49 =	vperm.xlane v28, v1;
	v38 =	vadd.f32 v38, v27;
	v27 =	vperm.xlane v13, v1  }
0x2b6: {  	v51 =	vperm.xlane v22, v1;
	v11 =	vmul.f32 $1.442695020e+00, v11;
	v23 =	vadd.f32 v23, v30  }
0x2b7: {  	v21 =	vmul.f32 $1.442695020e+00, v21;
	v54 =	vadd.f32 v52, v36;
	v13 =	vadd.f32 v13, v27  }
0x2b8: {  	v22 =	vadd.f32 v22, v51;
	v27 =	vadd.f32 v29, v59;
	v29 =	vperm.xlane v38, v1  }
0x2b9: {  	v40 =	vmul.f32 $2.000000030e-01, v54;
	v13 =	vmul.f32 $1.442695020e+00, v13  }
0x2ba: {  	v14 =	vadd.f32 v14, v62;
	v23 =	vmul.f32 $1.442695020e+00, v23;
	v22 =	vmul.f32 $1.442695020e+00, v22  }
0x2bb: {  	v37 =	vmul.f32 $1.442695020e+00, v27;
	v55 =	vmax.f32 v54, v40;
	(erf) = vpow2.f32 v13  }
0x2bc: {  	v56 =	vmul.f32 v55, v2;
	(erf) = vpow2.f32 v16  }
0x2bd: {  	v57 =	vld [tilespmem:s9+$0xFFFFFFE0];
	v16 =	vadd.f32 v20, v63;
	v20 =	vmul.f32 $1.442695020e+00, v14;
	(erf) = vpow2.f32 v21  }
0x2be: {  	v30 =	vld [tilespmem:s9+$0xFFFFFFA0];
	v58 =	vperm.xlane v56, v0;
	(erf) = vpow2.f32 v11  }
0x2bf: {  	v13 =	vld [tilespmem:s13+$0xFFFFFF90];
	v21 =	vadd.f32 v24, v48;
	v11 =	vadd.f32 v28, v49;
	(erf) = vpow2.f32 v37  }
0x2c0: {  	v24 =	vld [tilespmem:s9+$0xFFFFFF90];
	v28 =	vmul.f32 $1.442695020e+00, v16;
	v16 =	vadd.f32 v33, v50;
	(erf) = vpow2.f32 v34  }
0x2c1: {  	v14 =	vld [tilespmem:s13+$0xFFFFFFA0];
	v53 =	vmul.f32 $1.442695020e+00, v11;
	(erf) = vpow2.f32 v15  }
0x2c2: {  	v11 =	vadd.f32 v38, v29;
	v29 =	vmul.f32 $1.442695020e+00, v16;
	v16 =	vld [tilespmem:s13+$0xFFFFFFC0];
	(erf) = vpow2.f32 v20  }
0x2c3: {  	v21 =	vmul.f32 $1.442695020e+00, v21;
	v15 =	vld [tilespmem:s13+$0xFFFFFFB0];
	(erf) = vpow2.f32 v23  }
0x2c4: {  	v20 =	vld [tilespmem:s9+$0xFFFFFFB0];
	v23 =	vmul.f32 $1.442695020e+00, v11;
	(erf) = vpow2.f32 v28;
	v33 =	vpop (erf)  }
0x2c5: {  	v28 =	vld [tilespmem:s9+$0xFFFFFFC0];
	(erf) = vpow2.f32 v21;
	v37 =	vpop (erf);
	v21 =	vadd.f32 v24, v13;
	v34 =	vmul.f32 v33, v39  }
0x2c6: {  	v59 =	vld [tilespmem:s9+$0xFFFFFFF0];
	(erf) = vpow2.f32 v53;
	v35 =	vmul.f32 v37, v12  }
0x2c7: {  	v30 =	vadd.f32 v30, v14;
	v11 =	vld [tilespmem:s13+$0xFFFFFFD0];
	v38 =	vpop (erf);
	(erf) = vpow2.f32 v29;
	v29 =	vmul.f32 $2.000000030e-01, v21  }
0x2c8: {  	v24 =	vld [tilespmem:s9+$0xFFFFFFD0];
	v41 =	vmul.f32 v38, v17;
	v39 =	vpop (erf);
	(erf) = vpow2.f32 v22  }
0x2c9: {  	v12 =	vld [tilespmem:s13+$0xFFFFFFE0];
	v20 =	vadd.f32 v20, v15;
	v22 =	vmul.f32 $2.000000030e-01, v30;
	v42 =	vmul.f32 v39, v18  }
0x2ca: {  	v17 =	vld [tilespmem:s13+$0xFFFFFFF0];
	v40 =	vpop (erf);
	v21 =	vmax.f32 v21, v29;
	(erf) = vpow2.f32 v23;
	v28 =	vadd.f32 v28, v16  }
0x2cb: {  	v61 =	vld [tilespmem:s9+$0x0];
	v23 =	vmul.f32 $2.000000030e-01, v20;
	v29 =	vadd.f32 v56, v58;
	v43 =	vmul.f32 v40, v19  }
0x2cc: {  	v18 =	vld [tilespmem:s13+$0x0];
	v47 =	vmul.f32 v21, v2;
	v21 =	vmax.f32 v30, v22;
	v22 =	vmul.f32 $2.000000030e-01, v28  }
0x2cd: {  	v48 =	vld [tilespmem:s9+$0x10];
	v24 =	vadd.f32 v24, v11;
	v30 =	vperm.xlane v29, v1;
	v63 =	vmul.f32 v21, v2  }
0x2ce: {  	v53 =	vld [tilespmem:s9+$0x30];
	v21 =	vmax.f32 v20, v23;
	v44 =	vadd.f32 v57, v12;
	v62 =	vperm.xlane v47, v0  }
0x2cf: {  	v19 =	vld [tilespmem:s13+$0x10];
	v23 =	vmul.f32 $2.000000030e-01, v24;
	v52 =	vmul.f32 v21, v2;
	v46 =	vadd.f32 v59, v17  }
0x2d0: {  	v20 =	vld [tilespmem:s13+$0x20];
	v29 =	vadd.f32 v29, v30;
	v60 =	vperm.xlane v63, v0;
	v22 =	vmax.f32 v28, v22  }
0x2d1: {  	v21 =	vld [tilespmem:s13+$0x30];
	v28 =	vmul.f32 $2.000000030e-01, v44;
	v45 =	vadd.f32 v61, v18;
	v54 =	vperm.xlane v52, v0  }
0x2d2: {  	v30 =	vld [tilespmem:s9+$0x20];
	v55 =	vmul.f32 v22, v2;
	v23 =	vmax.f32 v24, v23;
	v24 =	vmul.f32 $2.000000030e-01, v46  }
0x2d3: {  	v59 =	vld [tilespmem:s9+$0x60];
	v47 =	vadd.f32 v47, v62;
	v29 =	vmul.f32 $1.442695020e+00, v29;
	v57 =	vmul.f32 v23, v2  }
0x2d4: {  	v22 =	vld [tilespmem:s13+$0x40];
	v28 =	vmax.f32 v44, v28;
	v61 =	vmul.f32 $2.000000030e-01, v45;
	v50 =	vadd.f32 v63, v60  }
0x2d5: {  	v23 =	vld [tilespmem:s13+$0x50];
	v56 =	vperm.xlane v55, v0;
	v24 =	vmax.f32 v46, v24;
	v46 =	vadd.f32 v48, v19  }
0x2d6: {  	v48 =	vld [tilespmem:s9+$0x50];
	v49 =	vmul.f32 v28, v2;
	(erf) = vpow2.f32 v29;
	v28 =	vmax.f32 v45, v61  }
0x2d7: {  	v29 =	vld [tilespmem:s9+$0x40];
	v51 =	vperm.xlane v57, v0;
	v44 =	vmul.f32 $2.000000030e-01, v46;
	v45 =	vadd.f32 v30, v20  }
0x2d8: {  	s0 =	simm.s32 $0x40C0;
	v52 =	vadd.f32 v52, v54;
	v58 =	vmul.f32 v24, v2;
	v24 =	vld [tilespmem:s13+$0x60];
	v60 =	vmul.f32 v28, v2  }
0x2d9: {  	[tilespmem:s0+$0xF0] =	vst v32;
	v27 =	vld [tilespmem:s9+$0xFFFFFF80];
	v51 =	vadd.f32 v57, v51;
	v28 =	vmax.f32 v46, v44;
	v62 =	vmul.f32 $2.000000030e-01, v45  }
0x2da: {  	[tilespmem:s0+$0xE0] =	vst v31;
	v30 =	vld [tilespmem:s13+$0xFFFFFF80];
	v46 =	vadd.f32 v53, v21;
	v53 =	vperm.xlane v49, v0;
	v25 =	vperm.xlane v60, v0  }
0x2db: {  	[tilespmem:s0+$0xFFFFFF10] =	vst v33;
	v54 =	vmul.f32 v28, v2;
	v48 =	vadd.f32 v48, v23;
	v28 =	vmax.f32 v45, v62  }
0x2dc: {  	[tilespmem:s0+$0xFFFFFF30] =	vst v37;
	v44 =	vmul.f32 $2.000000030e-01, v46;
	v29 =	vadd.f32 v29, v22;
	v45 =	vadd.f32 v55, v56  }
0x2dd: {  	[tilespmem:s0+$0xFFFFFF00] =	vst v34;
	v55 =	vperm.xlane v58, v0;
	v59 =	vadd.f32 v59, v24;
	v49 =	vadd.f32 v49, v53  }
0x2de: {  	[tilespmem:s0+$0xFFFFFF50] =	vst v38;
	v25 =	vadd.f32 v60, v25;
	v63 =	vmul.f32 v28, v2;
	v28 =	vmul.f32 $2.000000030e-01, v48  }
0x2df: {  	[tilespmem:s0+$0xFFFFFF20] =	vst v35;
	v61 =	vadd.f32 v27, v30;
	v56 =	vmul.f32 $2.000000030e-01, v29;
	v44 =	vmax.f32 v46, v44  }
0x2e0: {  	[tilespmem:s0+$0xFFFFFF80] =	vst v43;
	v43 =	vperm.xlane v25, v1;
	v48 =	vmax.f32 v48, v28;
	v44 =	vmul.f32 v44, v2  }
0x2e1: {  	[tilespmem:s0+$0xFFFFFF70] =	vst v39;
	v53 =	vperm.xlane v63, v0;
	v46 =	vmax.f32 v29, v56;
	v29 =	vmul.f32 $2.000000030e-01, v59  }
0x2e2: {  	[tilespmem:s0+$0xFFFFFF40] =	vst v41;
	v62 =	vpop (erf);
	v55 =	vadd.f32 v58, v55;
	v56 =	vmul.f32 $2.000000030e-01, v61;
	v48 =	vmul.f32 v48, v2  }
0x2e3: {  	[tilespmem:s0+$0xFFFFFF90] =	vst v40;
	v26 =	vpop (erf);
	v46 =	vmul.f32 v46, v2;
	v58 =	vperm.xlane v44, v0;
	v57 =	vmax.f32 v59, v29  }
0x2e4: {  	[tilespmem:s0+$0xFFFFFF60] =	vst v42;
	v27 =	vpop (erf);
	v59 =	vperm.xlane v54, v0;
	v56 =	vmax.f32 v61, v56;
	v57 =	vmul.f32 v57, v2  }
0x2e5: {  	[tilespmem:s0+$0xFFFFFFB0] =	vst v62;
	v25 =	vadd.f32 v25, v43;
	v28 =	vpop (erf);
	v56 =	vmul.f32 v56, v2;
	v60 =	vperm.xlane v46, v0  }
0x2e6: {  	[tilespmem:s0+$0xFFFFFFD0] =	vst v26;
	v53 =	vadd.f32 v63, v53;
	v29 =	vpop (erf);
	v54 =	vadd.f32 v54, v59;
	v63 =	vperm.xlane v57, v0  }
0x2e7: {  	[tilespmem:s0+$0xFFFFFFF0] =	vst v27;
	v59 =	vperm.xlane v48, v0;
	v31 =	vpop (erf);
	v61 =	vperm.xlane v56, v0;
	v46 =	vadd.f32 v46, v60  }
0x2e8: {  	[tilespmem:s0+$0x10] =	vst v28;
	v60 =	vperm.xlane v47, v1;
	v32 =	vpop (erf);
	v41 =	vadd.f32 v57, v63;
	v63 =	vperm.xlane v52, v1  }
0x2e9: {  	[tilespmem:s0+$0x30] =	vst v29;
	v37 =	vadd.f32 v48, v59;
	v33 =	vpop (erf);
	v48 =	vadd.f32 v56, v61;
	v56 =	vperm.xlane v45, v1  }
0x2ea: {  	v44 =	vadd.f32 v44, v58;
	[tilespmem:s0+$0x50] =	vst v31;
	v34 =	vpop (erf);
	v39 =	vadd.f32 v52, v63;
	v52 =	vperm.xlane v55, v1  }
0x2eb: {  	v61 =	vperm.xlane v50, v1;
	v38 =	vadd.f32 v47, v60;
	[tilespmem:s0+$0x70] =	vst v32;
	v35 =	vpop (erf);
	v40 =	vadd.f32 v45, v56  }
0x2ec: {  	[tilespmem:s0+$0x90] =	vst v33;
	v56 =	vperm.xlane v44, v1;
	v59 =	vpop (erf);
	v52 =	vadd.f32 v55, v52;
	v55 =	vperm.xlane v41, v1  }
0x2ed: {  	v50 =	vadd.f32 v50, v61;
	v61 =	vperm.xlane v51, v1;
	[tilespmem:s0+$0xB0] =	vst v34;
	v36 =	vmul.f32 v59, v36  }
0x2ee: {  	s1 =	simm.s32 $0x42C0;
	[tilespmem:s0+$0xD0] =	vst v35;
	v56 =	vadd.f32 v44, v56;
	v44 =	vmul.f32 $1.442695020e+00, v25;
	v25 =	vadd.f32 v41, v55  }
0x2ef: {  	v60 =	vperm.xlane v48, v1;
	v57 =	vadd.f32 v51, v61;
	v51 =	vmul.f32 $1.442695020e+00, v50;
	[tilespmem:s1+$0xE0] =	vst v36  }
0x2f0: {  	v50 =	vmul.f32 $1.442695020e+00, v40;
	v40 =	vmul.f32 $1.442695020e+00, v25;
	v25 =	vld [tilespmem:$0x1FFA0]  }
0x2f1: {  	v58 =	vperm.xlane v46, v1;
	v63 =	vperm.xlane v49, v1  }
0x2f2: {  	v45 =	vperm.xlane v53, v1;
	v38 =	vmul.f32 $1.442695020e+00, v38;
	v42 =	vadd.f32 v48, v60  }
0x2f3: {  	v48 =	vperm.xlane v54, v1;
	v47 =	vadd.f32 v49, v63;
	v60 =	vperm.xlane v37, v1  }
0x2f4: {  	v45 =	vadd.f32 v53, v45;
	v39 =	vmul.f32 $1.442695020e+00, v39;
	v61 =	vmul.f32 $1.442695020e+00, v42;
	[tilespmem:s1+$0xF0] =	vst v59  }
0x2f5: {  	v42 =	vadd.f32 v54, v48;
	v48 =	vmul.f32 $1.442695020e+00, v52;
	v52 =	vmul.f32 v62, v25;
	v25 =	vld [tilespmem:$0x1FFB0]  }
0x2f6: {  	v63 =	vadd.f32 v46, v58;
	v49 =	vmul.f32 $1.442695020e+00, v57;
	v43 =	vmul.f32 $1.442695020e+00, v47  }
0x2f7: {  	v37 =	vadd.f32 v37, v60;
	v45 =	vmul.f32 $1.442695020e+00, v45;
	v46 =	vmul.f32 $1.442695020e+00, v56  }
0x2f8: {  	v47 =	vmul.f32 $1.442695020e+00, v42;
	v42 =	vmul.f32 $1.442695020e+00, v63  }
0x2f9: {  	v41 =	vmul.f32 $1.442695020e+00, v37;
	(erf) = vpow2.f32 v61  }
0x2fa: {  	s29 =	simm.s32 $0x10;
	s13 =	simm.s32 $0x1040;
	(erf) = vpow2.f32 v38;
	v25 =	vmul.f32 v26, v25  }
.LBB2_7:
0x2fb: {  	v38 =	vld [tilespmem:s13+$0x70];
	s9 =	sadd.s32 $0x100, s9;
	(erf) = vpow2.f32 v51;
	[tilespmem:s0+$0xFFFFFFA0] =	vst v52;
	v26 =	vmul.f32 v27, v3;
	v3 =	vmov v17  }
0x2fc: {  	s29 =	sadd.s32 $0x10, s29;
	v17 =	vld [tilespmem:s9+$0x70];
	(erf) = vpow2.f32 v39;
	[tilespmem:s0+$0xFFFFFFC0] =	vst v25;
	v25 =	vmul.f32 v28, v4;
	v4 =	vmov v18  }
0x2fd: {  	p3 =	slt.u32 s29, $0x40;
	v18 =	vmul.f32 v29, v5;
	v5 =	vmov v19;
	v39 =	vld [tilespmem:s9+$0xFFFFFF80];
	(erf) = vpow2.f32 v50;
	[tilespmem:s0+$0xFFFFFFE0] =	vst v26  }
0x2fe: {  	v19 =	vld [tilespmem:s13+$0xFFFFFF90];
	(erf) = vpow2.f32 v49;
	[tilespmem:s0+$0x0] =	vst v25;
	v25 =	vmul.f32 v31, v6;
	v6 =	vmov v20  }
0x2ff: {  	v20 =	vld [tilespmem:s9+$0xFFFFFF90];
	(erf) = vpow2.f32 v43;
	[tilespmem:s0+$0x20] =	vst v18;
	v18 =	vmul.f32 v32, v7;
	v7 =	vmov v21  }
0x300: {  	v21 =	vmul.f32 v33, v8;
	v8 =	vmov v22;
	v43 =	vld [tilespmem:s13+$0xFFFFFFA0];
	(erf) = vpow2.f32 v48;
	[tilespmem:s0+$0x40] =	vst v25  }
0x301: {  	v22 =	vld [tilespmem:s9+$0xFFFFFFA0];
	v17 =	vadd.f32 v17, v38;
	(erf) = vpow2.f32 v44;
	[tilespmem:s0+$0x60] =	vst v18;
	v18 =	vmul.f32 v34, v9;
	v9 =	vmovc v23  }
0x302: {  	v44 =	vld [tilespmem:s13+$0xFFFFFFB0];
	v23 =	vpop (erf);
	(erf) = vpow2.f32 v47;
	[tilespmem:s0+$0x80] =	vst v21;
	v21 =	vmul.f32 v35, v10;
	v10 =	vmov v24  }
0x303: {  	v24 =	vld [tilespmem:s9+$0xFFFFFFB0];
	v25 =	vmul.f32 $2.000000030e-01, v17;
	v27 =	vpop (erf);
	(erf) = vpow2.f32 v45;
	[tilespmem:s0+$0xA0] =	vst v18  }
0x304: {  	v33 =	vmul.f32 v23, v30;
	v18 =	vadd.f32 v20, v19;
	v45 =	vld [tilespmem:s13+$0xFFFFFFC0];
	v28 =	vpop (erf);
	(erf) = vpow2.f32 v46;
	[tilespmem:s0+$0xC0] =	vst v21;
	s0 =	smov.u32 s1  }
0x305: {  	v32 =	vmul.f32 v27, v13;
	v21 =	vld [tilespmem:s9+$0xFFFFFFC0];
	v17 =	vmax.f32 v17, v25;
	[tilespmem:s1+$0xFFFFFF10] =	vst v23;
	v23 =	vpop (erf);
	(erf) = vpow2.f32 v42  }
0x306: {  	v29 =	vmul.f32 $2.000000030e-01, v18;
	v22 =	vadd.f32 v22, v43;
	v25 =	vld [tilespmem:s13+$0xFFFFFFD0];
	v30 =	vmul.f32 v17, v2;
	[tilespmem:s1+$0xFFFFFF00] =	vst v33;
	v20 =	vpop (erf)  }
0x307: {  	v13 =	vmov v19;
	v14 =	vmul.f32 v28, v14;
	v31 =	vld [tilespmem:s9+$0xFFFFFFD0];
	[tilespmem:s1+$0xFFFFFF20] =	vst v32;
	v26 =	vpop (erf);
	(erf) = vpow2.f32 v41  }
0x308: {  	v19 =	vmul.f32 $2.000000030e-01, v22;
	v24 =	vadd.f32 v24, v44;
	v36 =	vld [tilespmem:s13+$0xFFFFFFE0];
	v32 =	vperm.xlane v30, v0;
	[tilespmem:s1+$0xFFFFFF30] =	vst v27;
	v37 =	vpop (erf)  }
0x309: {  	v18 =	vmax.f32 v18, v29;
	v33 =	vld [tilespmem:s9+$0xFFFFFFE0];
	[tilespmem:s1+$0xFFFFFF40] =	vst v14;
	v14 =	vmul.f32 v23, v15;
	v27 =	vpop (erf);
	(erf) = vpow2.f32 v40  }
0x30a: {  	v15 =	vmul.f32 $2.000000030e-01, v24;
	v21 =	vadd.f32 v21, v45;
	v17 =	vld [tilespmem:s13+$0xFFFFFFF0];
	v30 =	vadd.f32 v30, v32;
	[tilespmem:s1+$0xFFFFFF50] =	vst v28;
	v28 =	vpop (erf)  }
0x30b: {  	v40 =	vmul.f32 v18, v2;
	v19 =	vmax.f32 v22, v19;
	v22 =	vld [tilespmem:s9+$0xFFFFFFF0];
	[tilespmem:s1+$0xFFFFFF60] =	vst v14;
	v14 =	vmul.f32 v20, v16;
	v29 =	vpop (erf)  }
0x30c: {  	v16 =	vmul.f32 $2.000000030e-01, v21;
	v35 =	vadd.f32 v31, v25;
	v18 =	vld [tilespmem:s13+$0x0];
	v34 =	vperm.xlane v30, v1;
	[tilespmem:s1+$0xFFFFFF70] =	vst v23;
	v31 =	vpop (erf)  }
0x30d: {  	v41 =	vmul.f32 v19, v2;
	v23 =	vperm.xlane v40, v0;
	v15 =	vmax.f32 v24, v15;
	v24 =	vld [tilespmem:s9+$0x0];
	[tilespmem:s1+$0xFFFFFF80] =	vst v14;
	v32 =	vpop (erf)  }
0x30e: {  	v14 =	vmul.f32 $2.000000030e-01, v35;
	v42 =	vadd.f32 v33, v36;
	v19 =	vld [tilespmem:s13+$0x10];
	v30 =	vadd.f32 v30, v34;
	[tilespmem:s1+$0xFFFFFF90] =	vst v20;
	v33 =	vpop (erf)  }
0x30f: {  	v46 =	vperm.xlane v41, v0;
	v47 =	vmul.f32 v15, v2;
	v15 =	vmax.f32 v21, v16;
	v16 =	vld [tilespmem:s9+$0x10];
	[tilespmem:s1+$0xFFFFFFB0] =	vst v26  }
0x310: {  	v48 =	vmul.f32 $2.000000030e-01, v42;
	v22 =	vadd.f32 v22, v17;
	v20 =	vld [tilespmem:s13+$0x20];
	v30 =	vmul.f32 $1.442695020e+00, v30;
	[tilespmem:s1+$0xFFFFFFD0] =	vst v37;
	v34 =	vpop (erf)  }
0x311: {  	v49 =	vperm.xlane v47, v0;
	v50 =	vmul.f32 v15, v2;
	v14 =	vmax.f32 v35, v14;
	v15 =	vld [tilespmem:s9+$0x20];
	[tilespmem:s1+$0xFFFFFFF0] =	vst v27  }
0x312: {  	v51 =	vmul.f32 $2.000000030e-01, v22;
	v24 =	vadd.f32 v24, v18;
	v21 =	vld [tilespmem:s13+$0x30];
	(erf) = vpow2.f32 v30;
	[tilespmem:s1+$0x10] =	vst v28;
	v35 =	vpop (erf)  }
0x313: {  	v52 =	vperm.xlane v50, v0;
	v53 =	vmul.f32 v14, v2;
	v30 =	vmax.f32 v42, v48;
	v42 =	vld [tilespmem:s9+$0x30];
	[tilespmem:s1+$0x30] =	vst v29  }
0x314: {  	v14 =	vmovc v43;
	v48 =	vmax.f32 v22, v51;
	v51 =	vmul.f32 $2.000000030e-01, v24;
	v16 =	vadd.f32 v16, v19;
	v22 =	vld [tilespmem:s13+$0x40];
	[tilespmem:s1+$0x50] =	vst v31  }
0x315: {  	v40 =	vadd.f32 v40, v23;
	v43 =	vmul.f32 v30, v2;
	v48 =	vmul.f32 v48, v2;
	v54 =	vld [tilespmem:s9+$0x40];
	[tilespmem:s1+$0x70] =	vst v32  }
0x316: {  	v24 =	vmax.f32 v24, v51;
	v30 =	vmul.f32 $2.000000030e-01, v16;
	v51 =	vadd.f32 v15, v20;
	v23 =	vld [tilespmem:s13+$0x50];
	[tilespmem:s1+$0x90] =	vst v33;
	v15 =	vmovc v44  }
0x317: {  	v41 =	vadd.f32 v41, v46;
	v44 =	vperm.xlane v53, v0;
	v46 =	vmul.f32 v24, v2;
	v55 =	vld [tilespmem:s9+$0x50];
	[tilespmem:s1+$0xB0] =	vst v34  }
0x318: {  	v30 =	vmax.f32 v16, v30;
	v56 =	vmul.f32 $2.000000030e-01, v51;
	v42 =	vadd.f32 v42, v21;
	v24 =	vld [tilespmem:s13+$0x60];
	[tilespmem:s1+$0xD0] =	vst v35;
	v16 =	vmovc v45  }
0x319: {  	v45 =	vadd.f32 v47, v49;
	v47 =	vperm.xlane v43, v0;
	v49 =	vmul.f32 v30, v2;
	v57 =	vld [tilespmem:s9+$0x60]  }
0x31a: {  	v30 =	vld [tilespmem:s13+$0xFFFFFF80];
	v51 =	vmax.f32 v51, v56;
	v56 =	vmul.f32 $2.000000030e-01, v42;
	v54 =	vadd.f32 v54, v22  }
0x31b: {  	v50 =	vadd.f32 v50, v52;
	v52 =	vperm.xlane v48, v0;
	v51 =	vmul.f32 v51, v2;
	v58 =	vpop (erf)  }
0x31c: {  	v59 =	vmul.f32 $2.000000030e-01, v54;
	v55 =	vadd.f32 v55, v23;
	v38 =	vmul.f32 v58, v38  }
0x31d: {  	s1 =	sadd.s32 $0x200, s1;
	v60 =	vperm.xlane v46, v0;
	v61 =	vperm.xlane v49, v0;
	v42 =	vmax.f32 v42, v56  }
0x31e: {  	v54 =	vmax.f32 v54, v59;
	v56 =	vmul.f32 $2.000000030e-01, v55;
	v57 =	vadd.f32 v57, v24;
	[tilespmem:s1+$0xE0] =	vst v38  }
0x31f: {  	v38 =	vadd.f32 v39, v30;
	v39 =	vmul.f32 v42, v2;
	v42 =	vmul.f32 v54, v2;
	[tilespmem:s1+$0xF0] =	vst v58  }
0x320: {  	v54 =	vperm.xlane v51, v0;
	v55 =	vmax.f32 v55, v56;
	v56 =	vmul.f32 $2.000000030e-01, v57  }
0x321: {  	v44 =	vadd.f32 v53, v44;
	v58 =	vmul.f32 $2.000000030e-01, v38;
	v53 =	vmul.f32 v55, v2  }
0x322: {  	v55 =	vperm.xlane v39, v0;
	v59 =	vperm.xlane v42, v0;
	v56 =	vmax.f32 v57, v56  }
0x323: {  	v38 =	vmax.f32 v38, v58;
	v57 =	vperm.xlane v53, v0;
	v56 =	vmul.f32 v56, v2  }
0x324: {  	v43 =	vadd.f32 v43, v47;
	v47 =	vadd.f32 v48, v52;
	v38 =	vmul.f32 v38, v2  }
0x325: {  	v46 =	vadd.f32 v46, v60;
	v48 =	vadd.f32 v49, v61;
	v49 =	vperm.xlane v56, v0  }
0x326: {  	v51 =	vadd.f32 v51, v54;
	v39 =	vadd.f32 v39, v55;
	v52 =	vperm.xlane v38, v0  }
0x327: {  	v54 =	vperm.xlane v40, v1;
	v42 =	vadd.f32 v42, v59;
	v53 =	vadd.f32 v53, v57  }
0x328: {  	v49 =	vadd.f32 v56, v49;
	v38 =	vadd.f32 v38, v52;
	v52 =	vperm.xlane v41, v1  }
0x329: {  	v40 =	vadd.f32 v40, v54;
	v54 =	vperm.xlane v45, v1;
	v55 =	vperm.xlane v50, v1  }
0x32a: {  	v56 =	vperm.xlane v38, v1;
	v41 =	vadd.f32 v41, v52;
	v52 =	vperm.xlane v44, v1  }
0x32b: {  	v45 =	vadd.f32 v45, v54;
	v54 =	vperm.xlane v43, v1;
	v57 =	vperm.xlane v47, v1  }
0x32c: {  	v58 =	vperm.xlane v48, v1;
	v38 =	vadd.f32 v38, v56;
	v56 =	vperm.xlane v46, v1  }
0x32d: {  	v50 =	vadd.f32 v50, v55;
	v55 =	vperm.xlane v51, v1;
	v59 =	vperm.xlane v39, v1  }
0x32e: {  	v60 =	vperm.xlane v53, v1;
	v44 =	vadd.f32 v44, v52;
	v52 =	vperm.xlane v42, v1  }
0x32f: {  	v43 =	vadd.f32 v43, v54;
	v47 =	vadd.f32 v47, v57;
	v54 =	vperm.xlane v49, v1  }
0x330: {  	v38 =	vmul.f32 $1.442695020e+00, v38;
	v46 =	vadd.f32 v46, v56;
	v56 =	vadd.f32 v48, v58  }
0x331: {  	v57 =	vmul.f32 $1.442695020e+00, v40;
	v40 =	vadd.f32 v51, v55;
	v55 =	vadd.f32 v39, v59  }
0x332: {  	v51 =	vmul.f32 $1.442695020e+00, v41;
	v41 =	vadd.f32 v42, v52;
	v52 =	vadd.f32 v53, v60  }
0x333: {  	v39 =	vmul.f32 $1.442695020e+00, v45;
	v50 =	vmul.f32 $1.442695020e+00, v50;
	v53 =	vadd.f32 v49, v54  }
0x334: {  	v43 =	vmul.f32 $1.442695020e+00, v43;
	v49 =	vmul.f32 $1.442695020e+00, v44  }
0x335: {  	v48 =	vmul.f32 $1.442695020e+00, v47;
	v44 =	vmul.f32 $1.442695020e+00, v46  }
.Ltmp2:
0x336: {  	v45 =	vmul.f32 $1.442695020e+00, v40;
	v47 =	vmul.f32 $1.442695020e+00, v56;
	(pc) =	sbr.rel @p3 .LBB2_7-.Ltmp2, $4  }
0x337: {  	v46 =	vmul.f32 $1.442695020e+00, v55;
	v42 =	vmul.f32 $1.442695020e+00, v41  }
0x338: {  	v41 =	vmul.f32 $1.442695020e+00, v52;
	v40 =	vmul.f32 $1.442695020e+00, v53  }
0x339: {  	v52 =	vmul.f32 v26, v11;
	v11 =	vmov v25;
	(erf) = vpow2.f32 v38  }
0x33a: {  	s13 =	sadd.s32 $0x100, s13;
	v25 =	vmul.f32 v37, v12;
	v12 =	vmov v36;
	(erf) = vpow2.f32 v57  }
0x33b: {  	v3 =	vmul.f32 v27, v3;
	_ =	sdelay $0x1  }
0x33c: {  	[tilespmem:s0+$0xFFFFFFE0] =	vst v3;
	v3 =	vmul.f32 v29, v5  }
0x33d: {  	v4 =	vmul.f32 v28, v4;
	(erf) = vpow2.f32 v51  }
0x33e: {  	[tilespmem:s0+$0x20] =	vst v3;
	v3 =	vmul.f32 v32, v7  }
0x33f: {  	[tilespmem:s0+$0x0] =	vst v4;
	v4 =	vmul.f32 v31, v6  }
0x340: {  	(erf) = vpow2.f32 v39;
	[tilespmem:s0+$0x60] =	vst v3;
	v3 =	vmul.f32 v34, v9  }
0x341: {  	[tilespmem:s0+$0x40] =	vst v4;
	v4 =	vmul.f32 v33, v8  }
0x342: {  	[tilespmem:s0+$0xFFFFFFA0] =	vst v52;
	(erf) = vpow2.f32 v50  }
0x343: {  	[tilespmem:s0+$0x80] =	vst v4;
	v4 =	vmul.f32 v35, v10;
	v5 =	vpop (erf)  }
0x344: {  	[tilespmem:s0+$0xA0] =	vst v3;
	v3 =	vpop (erf)  }
0x345: {  	v6 =	vmul.f32 v5, v30;
	[tilespmem:s0+$0xC0] =	vst v4;
	v4 =	vmul.f32 v3, v13  }
0x346: {  	[tilespmem:s1+$0xFFFFFF10] =	vst v5;
	v5 =	vpop (erf)  }
0x347: {  	(erf) = vpow2.f32 v49;
	[tilespmem:s1+$0xFFFFFF20] =	vst v4;
	v4 =	vmul.f32 v5, v14  }
0x348: {  	[tilespmem:s0+$0xFFFFFFC0] =	vst v25;
	(erf) = vpow2.f32 v43  }
0x349: {  	[tilespmem:s1+$0xFFFFFF00] =	vst v6;
	(erf) = vpow2.f32 v48;
	v6 =	vpop (erf)  }
0x34a: {  	[tilespmem:s1+$0xFFFFFF30] =	vst v3;
	v3 =	vmul.f32 v6, v15  }
0x34b: {  	(erf) = vpow2.f32 v44;
	[tilespmem:s1+$0xFFFFFF40] =	vst v4;
	v4 =	vpop (erf)  }
0x34c: {  	[tilespmem:s1+$0xFFFFFF60] =	vst v3;
	v3 =	vmul.f32 v4, v16  }
0x34d: {  	[tilespmem:s1+$0xFFFFFF50] =	vst v5;
	(erf) = vpow2.f32 v47  }
0x34e: {  	[tilespmem:s1+$0xFFFFFF70] =	vst v6  }
0x34f: {  	(erf) = vpow2.f32 v45;
	[tilespmem:s1+$0xFFFFFF90] =	vst v4  }
0x350: {  	[tilespmem:s1+$0xFFFFFF80] =	vst v3;
	v3 =	vpop (erf)  }
0x351: {  	(erf) = vpow2.f32 v46;
	v4 =	vpop (erf);
	[tilespmem:s1+$0xFFFFFFB0] =	vst v3  }
0x352: {  	v3 =	vmul.f32 v3, v11;
	v5 =	vpop (erf);
	[tilespmem:s1+$0xFFFFFFD0] =	vst v4  }
0x353: {  	(erf) = vpow2.f32 v42;
	[tilespmem:s1+$0xFFFFFFF0] =	vst v5  }
0x354: {  	v4 =	vmul.f32 v4, v12;
	v6 =	vpop (erf);
	[tilespmem:s1+$0xFFFFFFA0] =	vst v3  }
0x355: {  	(erf) = vpow2.f32 v41;
	[tilespmem:s1+$0x10] =	vst v6  }
0x356: {  	v3 =	vmul.f32 v5, v17;
	v7 =	vpop (erf);
	[tilespmem:s1+$0xFFFFFFC0] =	vst v4  }
0x357: {  	(erf) = vpow2.f32 v40;
	[tilespmem:s1+$0x30] =	vst v7  }
0x358: {  	v4 =	vmul.f32 v6, v18;
	v8 =	vpop (erf);
	[tilespmem:s1+$0xFFFFFFE0] =	vst v3  }
0x359: {  	[tilespmem:s1+$0x50] =	vst v8  }
0x35a: {  	v3 =	vmul.f32 v7, v19;
	v9 =	vpop (erf);
	[tilespmem:s1+$0x0] =	vst v4  }
0x35b: {  	[tilespmem:s1+$0x70] =	vst v9  }
0x35c: {  	v4 =	vmul.f32 v8, v20;
	v10 =	vpop (erf);
	[tilespmem:s1+$0x20] =	vst v3  }
0x35d: {  	[tilespmem:s1+$0x90] =	vst v10  }
0x35e: {  	v3 =	vmul.f32 v9, v21;
	v13 =	vpop (erf);
	[tilespmem:s1+$0x40] =	vst v4  }
0x35f: {  	[tilespmem:s1+$0xB0] =	vst v13  }
0x360: {  	v4 =	vmul.f32 v10, v22;
	v14 =	vpop (erf);
	[tilespmem:s1+$0x60] =	vst v3  }
0x361: {  	v3 =	vmul.f32 v13, v23;
	[tilespmem:s1+$0xD0] =	vst v14  }
0x362: {  	[tilespmem:s1+$0x80] =	vst v4;
	v4 =	vmul.f32 v14, v24  }
0x363: {  	[tilespmem:s1+$0xA0] =	vst v3  }
0x364: {  	s9 =	simm.s32 $0x320;
	s13 =	simm.s32 $0x3FC0;
	[tilespmem:s1+$0xC0] =	vst v4  }
0x365: {  	[spmem:s2] =	stream.indirect.scatter.add.f32 [tilespmem:s13], [sflag:$0xB], $0x20, s9, s31, $0xb8;
	[tilespmem:$0xA1F0] =	vst v63  }
0x366: {  	_ =	swait.ge [sflag:s10], $0x50  }
0x367: {  	[sflag:s10] =	ssyncset.done $0x0  }
0x368: {  	[sflag:s10] =	ssyncadd.s32 $0xFFFFFFB0  }
0x369: {  	_ =	swait.ge [sflag:s10], $0x50  }
0x36a: {  	[sflag:s10] =	ssyncset.done $0x0  }
0x36b: {  	s0 =	sadd.s32 @!p2 s25, s22;
	s1 =	simm.s32 $0x3C0;
	[sflag:s10] =	ssyncadd.s32 $0xFFFFFFB0  }
0x36c: {  	[tilespmem:s1], [sflag:$0x5] =	stream.indirect.gather [hbm4b:s4+s31], $0x10, s3, s31, $0xb8;
	[tilespmem:$0xA1F0] =	vst v63  }
0x36d: {  	s0 =	sshrl.u32 @!p2 s0, $0x3;
	s9 =	simm.s32 $0x17C0  }
0x36e: {  	[tilespmem:s9], [sflag:$0x5] =	stream.indirect.gather [hbm4b:s5+s31], $0x10, s30, s31, $0xb8;
	[tilespmem:$0xA1F0] =	vst v63  }
0x36f: {  	s0 =	sadd.s32 @!p2 s6, s0;
	s1 =	simm.s32 @!p2 $0x0;
	s9 =	simm.s32 @!p2 $0xA0  }
0x370: {  	[tilespmem:s9], [sflag:$0x3] =	stream.linear.gather @!p2 [hbm4b:s0+s1], $0x50, $0x38;
	[tilespmem:$0xA1F0] =	vst v63  }
0x371: {  	s0 =	sadd.s32 @!p2 $0x9C40, s0;
	s9 =	simm.s32 @!p2 $0x1E0  }
0x372: {  	[tilespmem:s9], [sflag:$0x3] =	stream.linear.gather @!p2 [hbm4b:s0+s1], $0x50, $0x38;
	[tilespmem:$0xA1F0] =	vst v63  }
0x373: {  	_ =	swait.ge [sflag:s16], $0x500  }
0x374: {  	[sflag:s16] =	ssyncset.done $0x0  }
0x375: {  	[sflag:s16] =	ssyncadd.s32 $0xFFFFFB00  }
0x376: {  	_ =	swait.ge [sflag:s16], $0x500  }
0x377: {  	[sflag:s16] =	ssyncset.done $0x0  }
0x378: {  	s0 =	simm.s32 @!p1 $0xC;
	[sflag:s16] =	ssyncadd.s32 $0xFFFFFB00  }
0x379: {  	_ =	swait.ge @!p1 [sflag:s0], $0xA00  }
0x37a: {  	[sflag:s0] =	ssyncset.done @!p1 $0x0  }
0x37b: {  	[sflag:s0] =	ssyncadd.s32 @!p1 $0xFFFFF600  }
0x37c: {  	v3 =	vld [tilespmem:$0x230]  }
0x37d: {  	v4 =	vld [tilespmem:$0x240]  }
0x37e: {  	v5 =	vld [tilespmem:$0x250]  }
0x37f: {  	v6 =	vld [tilespmem:$0x260]  }
0x380: {  	v7 =	vld [tilespmem:$0x270]  }
0x381: {  	[tilespmem:$0x370] =	vst v3  }
0x382: {  	[tilespmem:$0x380] =	vst v4  }
0x383: {  	[tilespmem:$0x390] =	vst v5  }
0x384: {  	[tilespmem:$0x3A0] =	vst v6  }
0x385: {  	s13 =	simm.s32 $0x1340;
	[tilespmem:$0x3B0] =	vst v7  }
0x386: {  	s9 =	simm.s32 $0x2740;
	v11 =	vld [tilespmem:s13+$0x70]  }
0x387: {  	v3 =	vld [tilespmem:s9+$0x70]  }
0x388: {  	v13 =	vld [tilespmem:s9+$0xFFFFFF80]  }
0x389: {  	v12 =	vld [tilespmem:s13+$0xFFFFFF90]  }
0x38a: {  	v4 =	vld [tilespmem:s9+$0xFFFFFF90]  }
0x38b: {  	v17 =	vld [tilespmem:s13+$0xFFFFFFA0]  }
0x38c: {  	v21 =	vld [tilespmem:s13+$0xFFFFFFD0]  }
0x38d: {  	v5 =	vld [tilespmem:s9+$0xFFFFFFA0]  }
0x38e: {  	v18 =	vld [tilespmem:s13+$0xFFFFFFB0]  }
0x38f: {  	v6 =	vld [tilespmem:s9+$0xFFFFFFB0]  }
0x390: {  	v19 =	vld [tilespmem:s13+$0xFFFFFFC0]  }
0x391: {  	v8 =	vld [tilespmem:s9+$0xFFFFFFC0];
	[tilespmem:$0x1FF80] =	vst v21  }
0x392: {  	v3 =	vadd.f32 v3, v11;
	v25 =	vld [tilespmem:s13+$0xFFFFFFE0];
	_ =	sdelay $0x1  }
0x393: {  	v7 =	vmul.f32 $2.000000030e-01, v3  }
0x394: {  	v4 =	vadd.f32 v4, v12;
	v9 =	vld [tilespmem:s9+$0xFFFFFFD0]  }
0x395: {  	v5 =	vadd.f32 v5, v17;
	v3 =	vmax.f32 v3, v7  }
0x396: {  	v7 =	vmul.f32 v3, v2;
	v3 =	vmul.f32 $2.000000030e-01, v4;
	[tilespmem:$0x1FF90] =	vst v25  }
0x397: {  	v8 =	vadd.f32 v8, v19;
	v14 =	vmul.f32 $2.000000030e-01, v5;
	v15 =	vld [tilespmem:s9+$0xFFFFFFE0]  }
0x398: {  	v4 =	vmax.f32 v4, v3;
	v3 =	vld [tilespmem:s13+$0xFFFFFFF0]  }
0x399: {  	v20 =	vmul.f32 $2.000000030e-01, v8;
	v5 =	vmax.f32 v5, v14;
	v9 =	vadd.f32 v9, v21;
	v14 =	vld [tilespmem:s9+$0xFFFFFFF0]  }
0x39a: {  	v6 =	vadd.f32 v6, v18;
	v23 =	vmul.f32 v5, v2;
	v10 =	vperm.xlane v7, v0;
	v5 =	vld [tilespmem:s13+$0x10]  }
0x39b: {  	v8 =	vmax.f32 v8, v20;
	v20 =	vld [tilespmem:s9+$0x10];
	v16 =	vmul.f32 v4, v2;
	v24 =	vmul.f32 $2.000000030e-01, v9  }
0x39c: {  	v39 =	vld [tilespmem:s13+$0xFFFFFF80];
	v7 =	vadd.f32 v7, v10;
	v10 =	vmul.f32 $2.000000030e-01, v6  }
0x39d: {  	v60 =	vmul.f32 v8, v2;
	v31 =	vld [tilespmem:s9+$0x40];
	v22 =	vperm.xlane v16, v0;
	v8 =	vmax.f32 v9, v24  }
0x39e: {  	v4 =	vld [tilespmem:s13+$0x0];
	v21 =	vperm.xlane v7, v1;
	v6 =	vmax.f32 v6, v10;
	v61 =	vmul.f32 v8, v2  }
0x39f: {  	v10 =	vld [tilespmem:s9+$0x0];
	v15 =	vadd.f32 v15, v25;
	v27 =	vmul.f32 v6, v2;
	v14 =	vadd.f32 v14, v3  }
0x3a0: {  	v8 =	vld [tilespmem:s13+$0x40];
	v16 =	vadd.f32 v16, v22;
	v7 =	vadd.f32 v7, v21;
	v21 =	vperm.xlane v23, v0  }
0x3a1: {  	v13 =	vadd.f32 v13, v39;
	v63 =	vperm.xlane v61, v0;
	v28 =	vmul.f32 $2.000000030e-01, v15  }
0x3a2: {  	v30 =	vperm.xlane v27, v0;
	v24 =	vmul.f32 $2.000000030e-01, v14  }
0x3a3: {  	v9 =	vld [tilespmem:s9+$0x20];
	v20 =	vadd.f32 v20, v5;
	v53 =	vmul.f32 $2.000000030e-01, v13;
	v57 =	vperm.xlane v16, v1  }
0x3a4: {  	v6 =	vld [tilespmem:s13+$0x20];
	v29 =	vmul.f32 $1.442695020e+00, v7;
	v21 =	vadd.f32 v23, v21;
	v10 =	vadd.f32 v10, v4  }
0x3a5: {  	v15 =	vmax.f32 v15, v28;
	v14 =	vmax.f32 v14, v24;
	v46 =	vadd.f32 v31, v8  }
0x3a6: {  	v7 =	vld [tilespmem:s13+$0x30];
	v13 =	vmax.f32 v13, v53;
	(erf) = vpow2.f32 v29;
	v29 =	vperm.xlane v60, v0  }
0x3a7: {  	v28 =	vld [tilespmem:s9+$0x30];
	v16 =	vadd.f32 v16, v57;
	v15 =	vmul.f32 v15, v2;
	v14 =	vmul.f32 v14, v2  }
0x3a8: {  	v34 =	vadd.f32 v61, v63;
	v13 =	vmul.f32 v13, v2;
	v24 =	vmul.f32 $2.000000030e-01, v10  }
0x3a9: {  	v37 =	vld [tilespmem:s9+$0x50];
	v62 =	vadd.f32 v9, v6;
	v47 =	vmul.f32 $2.000000030e-01, v46;
	v16 =	vmul.f32 $1.442695020e+00, v16  }
0x3aa: {  	v9 =	vld [tilespmem:s13+$0x50];
	v22 =	vperm.xlane v15, v0;
	v23 =	vperm.xlane v14, v0;
	v29 =	vadd.f32 v60, v29  }
0x3ab: {  	v60 =	vperm.xlane v34, v1;
	v10 =	vmax.f32 v10, v24;
	v24 =	vmul.f32 $2.000000030e-01, v20  }
0x3ac: {  	v48 =	vmax.f32 v46, v47;
	v36 =	vmul.f32 v10, v2;
	v28 =	vadd.f32 v28, v7  }
0x3ad: {  	v50 =	vmul.f32 v48, v2;
	v15 =	vadd.f32 v15, v22;
	v59 =	vperm.xlane v29, v1  }
0x3ae: {  	v34 =	vadd.f32 v34, v60;
	v20 =	vmax.f32 v20, v24;
	v24 =	vmul.f32 $2.000000030e-01, v62  }
0x3af: {  	v37 =	vadd.f32 v37, v9;
	v20 =	vmul.f32 v20, v2;
	v45 =	vmul.f32 $2.000000030e-01, v28  }
0x3b0: {  	v38 =	vld [tilespmem:s9+$0x60];
	v14 =	vadd.f32 v14, v23;
	v56 =	vperm.xlane v50, v0;
	v61 =	vperm.xlane v15, v1  }
0x3b1: {  	v10 =	vld [tilespmem:s13+$0x60];
	v34 =	vmul.f32 $1.442695020e+00, v34;
	v24 =	vmax.f32 v62, v24;
	v49 =	vmul.f32 $2.000000030e-01, v37  }
0x3b2: {  	v62 =	vperm.xlane v14, v1;
	v24 =	vmul.f32 v24, v2  }
0x3b3: {  	v28 =	vmax.f32 v28, v45;
	v33 =	vadd.f32 v50, v56;
	v15 =	vadd.f32 v15, v61;
	v32 =	vpop (erf)  }
0x3b4: {  	v28 =	vmul.f32 v28, v2;
	v37 =	vmax.f32 v37, v49;
	v31 =	vmul.f32 v32, v11  }
0x3b5: {  	v11 =	vadd.f32 v27, v30;
	v27 =	vperm.xlane v36, v0;
	v30 =	vperm.xlane v20, v0  }
0x3b6: {  	v38 =	vadd.f32 v38, v10;
	v51 =	vperm.xlane v24, v0;
	v54 =	vmul.f32 v37, v2  }
0x3b7: {  	v50 =	vperm.xlane v33, v1;
	v15 =	vmul.f32 $1.442695020e+00, v15  }
0x3b8: {  	v52 =	vmul.f32 $2.000000030e-01, v38;
	v55 =	vperm.xlane v28, v0  }
0x3b9: {  	v22 =	vperm.xlane v54, v0;
	v23 =	vadd.f32 v36, v27;
	v20 =	vadd.f32 v20, v30  }
0x3ba: {  	s13 =	simm.s32 $0x1440;
	v30 =	vperm.xlane v13, v0;
	v24 =	vadd.f32 v24, v51;
	v38 =	vmax.f32 v38, v52  }
0x3bb: {  	s9 =	simm.s32 $0x2840;
	v58 =	vperm.xlane v11, v1;
	v36 =	vld [tilespmem:s13+$0x70];
	v28 =	vadd.f32 v28, v55;
	v38 =	vmul.f32 v38, v2  }
0x3bc: {  	v52 =	vld [tilespmem:s9+$0x70];
	v13 =	vadd.f32 v13, v30;
	v30 =	vperm.xlane v21, v1;
	v63 =	vperm.xlane v20, v1  }
0x3bd: {  	v22 =	vadd.f32 v54, v22;
	v48 =	vperm.xlane v24, v1;
	v27 =	vperm.xlane v38, v0  }
0x3be: {  	v11 =	vadd.f32 v11, v58;
	v21 =	vadd.f32 v21, v30;
	v30 =	vperm.xlane v23, v1  }
0x3bf: {  	v49 =	vperm.xlane v28, v1;
	v38 =	vadd.f32 v38, v27;
	v27 =	vperm.xlane v13, v1  }
0x3c0: {  	v51 =	vperm.xlane v22, v1;
	v11 =	vmul.f32 $1.442695020e+00, v11;
	v23 =	vadd.f32 v23, v30  }
0x3c1: {  	v21 =	vmul.f32 $1.442695020e+00, v21;
	v54 =	vadd.f32 v52, v36;
	v13 =	vadd.f32 v13, v27  }
0x3c2: {  	v22 =	vadd.f32 v22, v51;
	v27 =	vadd.f32 v29, v59;
	v29 =	vperm.xlane v38, v1  }
0x3c3: {  	v40 =	vmul.f32 $2.000000030e-01, v54;
	v13 =	vmul.f32 $1.442695020e+00, v13  }
0x3c4: {  	v14 =	vadd.f32 v14, v62;
	v23 =	vmul.f32 $1.442695020e+00, v23;
	v22 =	vmul.f32 $1.442695020e+00, v22  }
0x3c5: {  	v37 =	vmul.f32 $1.442695020e+00, v27;
	v55 =	vmax.f32 v54, v40;
	(erf) = vpow2.f32 v13  }
0x3c6: {  	v56 =	vmul.f32 v55, v2;
	(erf) = vpow2.f32 v16  }
0x3c7: {  	v57 =	vld [tilespmem:s9+$0xFFFFFFE0];
	v16 =	vadd.f32 v20, v63;
	v20 =	vmul.f32 $1.442695020e+00, v14;
	(erf) = vpow2.f32 v21  }
0x3c8: {  	v30 =	vld [tilespmem:s9+$0xFFFFFFA0];
	v58 =	vperm.xlane v56, v0;
	(erf) = vpow2.f32 v11  }
0x3c9: {  	v13 =	vld [tilespmem:s13+$0xFFFFFF90];
	v21 =	vadd.f32 v24, v48;
	v11 =	vadd.f32 v28, v49;
	(erf) = vpow2.f32 v37  }
0x3ca: {  	v24 =	vld [tilespmem:s9+$0xFFFFFF90];
	v28 =	vmul.f32 $1.442695020e+00, v16;
	v16 =	vadd.f32 v33, v50;
	(erf) = vpow2.f32 v34  }
0x3cb: {  	v14 =	vld [tilespmem:s13+$0xFFFFFFA0];
	v53 =	vmul.f32 $1.442695020e+00, v11;
	(erf) = vpow2.f32 v15  }
0x3cc: {  	v11 =	vadd.f32 v38, v29;
	v29 =	vmul.f32 $1.442695020e+00, v16;
	v16 =	vld [tilespmem:s13+$0xFFFFFFC0];
	(erf) = vpow2.f32 v20  }
0x3cd: {  	v21 =	vmul.f32 $1.442695020e+00, v21;
	v15 =	vld [tilespmem:s13+$0xFFFFFFB0];
	(erf) = vpow2.f32 v23  }
0x3ce: {  	v20 =	vld [tilespmem:s9+$0xFFFFFFB0];
	v23 =	vmul.f32 $1.442695020e+00, v11;
	(erf) = vpow2.f32 v28;
	v33 =	vpop (erf)  }
0x3cf: {  	v28 =	vld [tilespmem:s9+$0xFFFFFFC0];
	(erf) = vpow2.f32 v21;
	v37 =	vpop (erf);
	v21 =	vadd.f32 v24, v13;
	v34 =	vmul.f32 v33, v39  }
0x3d0: {  	v59 =	vld [tilespmem:s9+$0xFFFFFFF0];
	(erf) = vpow2.f32 v53;
	v35 =	vmul.f32 v37, v12  }
0x3d1: {  	v30 =	vadd.f32 v30, v14;
	v11 =	vld [tilespmem:s13+$0xFFFFFFD0];
	v38 =	vpop (erf);
	(erf) = vpow2.f32 v29;
	v29 =	vmul.f32 $2.000000030e-01, v21  }
0x3d2: {  	v24 =	vld [tilespmem:s9+$0xFFFFFFD0];
	v41 =	vmul.f32 v38, v17;
	v39 =	vpop (erf);
	(erf) = vpow2.f32 v22  }
0x3d3: {  	v12 =	vld [tilespmem:s13+$0xFFFFFFE0];
	v20 =	vadd.f32 v20, v15;
	v22 =	vmul.f32 $2.000000030e-01, v30;
	v42 =	vmul.f32 v39, v18  }
0x3d4: {  	v17 =	vld [tilespmem:s13+$0xFFFFFFF0];
	v40 =	vpop (erf);
	v21 =	vmax.f32 v21, v29;
	(erf) = vpow2.f32 v23;
	v28 =	vadd.f32 v28, v16  }
0x3d5: {  	v61 =	vld [tilespmem:s9+$0x0];
	v23 =	vmul.f32 $2.000000030e-01, v20;
	v29 =	vadd.f32 v56, v58;
	v43 =	vmul.f32 v40, v19  }
0x3d6: {  	v18 =	vld [tilespmem:s13+$0x0];
	v47 =	vmul.f32 v21, v2;
	v21 =	vmax.f32 v30, v22;
	v22 =	vmul.f32 $2.000000030e-01, v28  }
0x3d7: {  	v48 =	vld [tilespmem:s9+$0x10];
	v24 =	vadd.f32 v24, v11;
	v30 =	vperm.xlane v29, v1;
	v63 =	vmul.f32 v21, v2  }
0x3d8: {  	v53 =	vld [tilespmem:s9+$0x30];
	v21 =	vmax.f32 v20, v23;
	v44 =	vadd.f32 v57, v12;
	v62 =	vperm.xlane v47, v0  }
0x3d9: {  	v19 =	vld [tilespmem:s13+$0x10];
	v23 =	vmul.f32 $2.000000030e-01, v24;
	v52 =	vmul.f32 v21, v2;
	v46 =	vadd.f32 v59, v17  }
0x3da: {  	v20 =	vld [tilespmem:s13+$0x20];
	v29 =	vadd.f32 v29, v30;
	v60 =	vperm.xlane v63, v0;
	v22 =	vmax.f32 v28, v22  }
0x3db: {  	v21 =	vld [tilespmem:s13+$0x30];
	v28 =	vmul.f32 $2.000000030e-01, v44;
	v45 =	vadd.f32 v61, v18;
	v54 =	vperm.xlane v52, v0  }
0x3dc: {  	v30 =	vld [tilespmem:s9+$0x20];
	v55 =	vmul.f32 v22, v2;
	v23 =	vmax.f32 v24, v23;
	v24 =	vmul.f32 $2.000000030e-01, v46  }
0x3dd: {  	v59 =	vld [tilespmem:s9+$0x60];
	v47 =	vadd.f32 v47, v62;
	v29 =	vmul.f32 $1.442695020e+00, v29;
	v57 =	vmul.f32 v23, v2  }
0x3de: {  	v22 =	vld [tilespmem:s13+$0x40];
	v28 =	vmax.f32 v44, v28;
	v61 =	vmul.f32 $2.000000030e-01, v45;
	v50 =	vadd.f32 v63, v60  }
0x3df: {  	v23 =	vld [tilespmem:s13+$0x50];
	v56 =	vperm.xlane v55, v0;
	v24 =	vmax.f32 v46, v24;
	v46 =	vadd.f32 v48, v19  }
0x3e0: {  	v48 =	vld [tilespmem:s9+$0x50];
	v49 =	vmul.f32 v28, v2;
	(erf) = vpow2.f32 v29;
	v28 =	vmax.f32 v45, v61  }
0x3e1: {  	v29 =	vld [tilespmem:s9+$0x40];
	v51 =	vperm.xlane v57, v0;
	v44 =	vmul.f32 $2.000000030e-01, v46;
	v45 =	vadd.f32 v30, v20  }
0x3e2: {  	s0 =	simm.s32 $0x4AC0;
	v52 =	vadd.f32 v52, v54;
	v58 =	vmul.f32 v24, v2;
	v24 =	vld [tilespmem:s13+$0x60];
	v60 =	vmul.f32 v28, v2  }
0x3e3: {  	[tilespmem:s0+$0xF0] =	vst v32;
	v27 =	vld [tilespmem:s9+$0xFFFFFF80];
	v51 =	vadd.f32 v57, v51;
	v28 =	vmax.f32 v46, v44;
	v62 =	vmul.f32 $2.000000030e-01, v45  }
0x3e4: {  	[tilespmem:s0+$0xE0] =	vst v31;
	v30 =	vld [tilespmem:s13+$0xFFFFFF80];
	v46 =	vadd.f32 v53, v21;
	v53 =	vperm.xlane v49, v0;
	v25 =	vperm.xlane v60, v0  }
0x3e5: {  	[tilespmem:s0+$0xFFFFFF10] =	vst v33;
	v54 =	vmul.f32 v28, v2;
	v48 =	vadd.f32 v48, v23;
	v28 =	vmax.f32 v45, v62  }
0x3e6: {  	[tilespmem:s0+$0xFFFFFF30] =	vst v37;
	v44 =	vmul.f32 $2.000000030e-01, v46;
	v29 =	vadd.f32 v29, v22;
	v45 =	vadd.f32 v55, v56  }
0x3e7: {  	[tilespmem:s0+$0xFFFFFF00] =	vst v34;
	v55 =	vperm.xlane v58, v0;
	v59 =	vadd.f32 v59, v24;
	v49 =	vadd.f32 v49, v53  }
0x3e8: {  	[tilespmem:s0+$0xFFFFFF50] =	vst v38;
	v25 =	vadd.f32 v60, v25;
	v63 =	vmul.f32 v28, v2;
	v28 =	vmul.f32 $2.000000030e-01, v48  }
0x3e9: {  	[tilespmem:s0+$0xFFFFFF20] =	vst v35;
	v61 =	vadd.f32 v27, v30;
	v56 =	vmul.f32 $2.000000030e-01, v29;
	v44 =	vmax.f32 v46, v44  }
0x3ea: {  	[tilespmem:s0+$0xFFFFFF80] =	vst v43;
	v43 =	vperm.xlane v25, v1;
	v48 =	vmax.f32 v48, v28;
	v44 =	vmul.f32 v44, v2  }
0x3eb: {  	[tilespmem:s0+$0xFFFFFF70] =	vst v39;
	v53 =	vperm.xlane v63, v0;
	v46 =	vmax.f32 v29, v56;
	v29 =	vmul.f32 $2.000000030e-01, v59  }
0x3ec: {  	[tilespmem:s0+$0xFFFFFF40] =	vst v41;
	v62 =	vpop (erf);
	v55 =	vadd.f32 v58, v55;
	v56 =	vmul.f32 $2.000000030e-01, v61;
	v48 =	vmul.f32 v48, v2  }
0x3ed: {  	[tilespmem:s0+$0xFFFFFF90] =	vst v40;
	v26 =	vpop (erf);
	v46 =	vmul.f32 v46, v2;
	v58 =	vperm.xlane v44, v0;
	v57 =	vmax.f32 v59, v29  }
0x3ee: {  	[tilespmem:s0+$0xFFFFFF60] =	vst v42;
	v27 =	vpop (erf);
	v59 =	vperm.xlane v54, v0;
	v56 =	vmax.f32 v61, v56;
	v57 =	vmul.f32 v57, v2  }
0x3ef: {  	[tilespmem:s0+$0xFFFFFFB0] =	vst v62;
	v25 =	vadd.f32 v25, v43;
	v28 =	vpop (erf);
	v56 =	vmul.f32 v56, v2;
	v60 =	vperm.xlane v46, v0  }
0x3f0: {  	[tilespmem:s0+$0xFFFFFFD0] =	vst v26;
	v53 =	vadd.f32 v63, v53;
	v29 =	vpop (erf);
	v54 =	vadd.f32 v54, v59;
	v63 =	vperm.xlane v57, v0  }
0x3f1: {  	[tilespmem:s0+$0xFFFFFFF0] =	vst v27;
	v59 =	vperm.xlane v48, v0;
	v31 =	vpop (erf);
	v61 =	vperm.xlane v56, v0;
	v46 =	vadd.f32 v46, v60  }
0x3f2: {  	[tilespmem:s0+$0x10] =	vst v28;
	v60 =	vperm.xlane v47, v1;
	v32 =	vpop (erf);
	v41 =	vadd.f32 v57, v63;
	v63 =	vperm.xlane v52, v1  }
0x3f3: {  	[tilespmem:s0+$0x30] =	vst v29;
	v37 =	vadd.f32 v48, v59;
	v33 =	vpop (erf);
	v48 =	vadd.f32 v56, v61;
	v56 =	vperm.xlane v45, v1  }
0x3f4: {  	v44 =	vadd.f32 v44, v58;
	[tilespmem:s0+$0x50] =	vst v31;
	v34 =	vpop (erf);
	v39 =	vadd.f32 v52, v63;
	v52 =	vperm.xlane v55, v1  }
0x3f5: {  	v61 =	vperm.xlane v50, v1;
	v38 =	vadd.f32 v47, v60;
	[tilespmem:s0+$0x70] =	vst v32;
	v35 =	vpop (erf);
	v40 =	vadd.f32 v45, v56  }
0x3f6: {  	[tilespmem:s0+$0x90] =	vst v33;
	v56 =	vperm.xlane v44, v1;
	v59 =	vpop (erf);
	v52 =	vadd.f32 v55, v52;
	v55 =	vperm.xlane v41, v1  }
0x3f7: {  	v50 =	vadd.f32 v50, v61;
	v61 =	vperm.xlane v51, v1;
	[tilespmem:s0+$0xB0] =	vst v34;
	v36 =	vmul.f32 v59, v36  }
0x3f8: {  	s1 =	simm.s32 $0x4CC0;
	[tilespmem:s0+$0xD0] =	vst v35;
	v56 =	vadd.f32 v44, v56;
	v44 =	vmul.f32 $1.442695020e+00, v25;
	v25 =	vadd.f32 v41, v55  }
0x3f9: {  	v60 =	vperm.xlane v48, v1;
	v57 =	vadd.f32 v51, v61;
	v51 =	vmul.f32 $1.442695020e+00, v50;
	[tilespmem:s1+$0xE0] =	vst v36  }
0x3fa: {  	v50 =	vmul.f32 $1.442695020e+00, v40;
	v40 =	vmul.f32 $1.442695020e+00, v25;
	v25 =	vld [tilespmem:$0x1FF80]  }
0x3fb: {  	v58 =	vperm.xlane v46, v1;
	v63 =	vperm.xlane v49, v1  }
0x3fc: {  	v45 =	vperm.xlane v53, v1;
	v38 =	vmul.f32 $1.442695020e+00, v38;
	v42 =	vadd.f32 v48, v60  }
0x3fd: {  	v48 =	vperm.xlane v54, v1;
	v47 =	vadd.f32 v49, v63;
	v60 =	vperm.xlane v37, v1  }
0x3fe: {  	v45 =	vadd.f32 v53, v45;
	v39 =	vmul.f32 $1.442695020e+00, v39;
	v61 =	vmul.f32 $1.442695020e+00, v42;
	[tilespmem:s1+$0xF0] =	vst v59  }
0x3ff: {  	v42 =	vadd.f32 v54, v48;
	v48 =	vmul.f32 $1.442695020e+00, v52;
	v52 =	vmul.f32 v62, v25;
	v25 =	vld [tilespmem:$0x1FF90]  }
0x400: {  	v63 =	vadd.f32 v46, v58;
	v49 =	vmul.f32 $1.442695020e+00, v57;
	v43 =	vmul.f32 $1.442695020e+00, v47  }
0x401: {  	v37 =	vadd.f32 v37, v60;
	v45 =	vmul.f32 $1.442695020e+00, v45;
	v46 =	vmul.f32 $1.442695020e+00, v56  }
0x402: {  	v47 =	vmul.f32 $1.442695020e+00, v42;
	v42 =	vmul.f32 $1.442695020e+00, v63  }
0x403: {  	v41 =	vmul.f32 $1.442695020e+00, v37;
	(erf) = vpow2.f32 v61  }
0x404: {  	s29 =	simm.s32 $0x10;
	s13 =	simm.s32 $0x1540;
	(erf) = vpow2.f32 v38;
	v25 =	vmul.f32 v26, v25  }
.LBB2_9:
0x405: {  	v38 =	vld [tilespmem:s13+$0x70];
	s9 =	sadd.s32 $0x100, s9;
	(erf) = vpow2.f32 v51;
	[tilespmem:s0+$0xFFFFFFA0] =	vst v52;
	v26 =	vmul.f32 v27, v3;
	v3 =	vmov v17  }
0x406: {  	s29 =	sadd.s32 $0x10, s29;
	v17 =	vld [tilespmem:s9+$0x70];
	(erf) = vpow2.f32 v39;
	[tilespmem:s0+$0xFFFFFFC0] =	vst v25;
	v25 =	vmul.f32 v28, v4;
	v4 =	vmov v18  }
0x407: {  	p1 =	slt.u32 s29, $0x40;
	v18 =	vmul.f32 v29, v5;
	v5 =	vmov v19;
	v39 =	vld [tilespmem:s9+$0xFFFFFF80];
	(erf) = vpow2.f32 v50;
	[tilespmem:s0+$0xFFFFFFE0] =	vst v26  }
0x408: {  	v19 =	vld [tilespmem:s13+$0xFFFFFF90];
	(erf) = vpow2.f32 v49;
	[tilespmem:s0+$0x0] =	vst v25;
	v25 =	vmul.f32 v31, v6;
	v6 =	vmov v20  }
0x409: {  	v20 =	vld [tilespmem:s9+$0xFFFFFF90];
	(erf) = vpow2.f32 v43;
	[tilespmem:s0+$0x20] =	vst v18;
	v18 =	vmul.f32 v32, v7;
	v7 =	vmov v21  }
0x40a: {  	v21 =	vmul.f32 v33, v8;
	v8 =	vmov v22;
	v43 =	vld [tilespmem:s13+$0xFFFFFFA0];
	(erf) = vpow2.f32 v48;
	[tilespmem:s0+$0x40] =	vst v25  }
0x40b: {  	v22 =	vld [tilespmem:s9+$0xFFFFFFA0];
	v17 =	vadd.f32 v17, v38;
	(erf) = vpow2.f32 v44;
	[tilespmem:s0+$0x60] =	vst v18;
	v18 =	vmul.f32 v34, v9;
	v9 =	vmovc v23  }
0x40c: {  	v44 =	vld [tilespmem:s13+$0xFFFFFFB0];
	v23 =	vpop (erf);
	(erf) = vpow2.f32 v47;
	[tilespmem:s0+$0x80] =	vst v21;
	v21 =	vmul.f32 v35, v10;
	v10 =	vmov v24  }
0x40d: {  	v24 =	vld [tilespmem:s9+$0xFFFFFFB0];
	v25 =	vmul.f32 $2.000000030e-01, v17;
	v27 =	vpop (erf);
	(erf) = vpow2.f32 v45;
	[tilespmem:s0+$0xA0] =	vst v18  }
0x40e: {  	v33 =	vmul.f32 v23, v30;
	v18 =	vadd.f32 v20, v19;
	v45 =	vld [tilespmem:s13+$0xFFFFFFC0];
	v28 =	vpop (erf);
	(erf) = vpow2.f32 v46;
	[tilespmem:s0+$0xC0] =	vst v21;
	s0 =	smov.u32 s1  }
0x40f: {  	v32 =	vmul.f32 v27, v13;
	v21 =	vld [tilespmem:s9+$0xFFFFFFC0];
	v17 =	vmax.f32 v17, v25;
	[tilespmem:s1+$0xFFFFFF10] =	vst v23;
	v23 =	vpop (erf);
	(erf) = vpow2.f32 v42  }
0x410: {  	v29 =	vmul.f32 $2.000000030e-01, v18;
	v22 =	vadd.f32 v22, v43;
	v25 =	vld [tilespmem:s13+$0xFFFFFFD0];
	v30 =	vmul.f32 v17, v2;
	[tilespmem:s1+$0xFFFFFF00] =	vst v33;
	v20 =	vpop (erf)  }
0x411: {  	v13 =	vmov v19;
	v14 =	vmul.f32 v28, v14;
	v31 =	vld [tilespmem:s9+$0xFFFFFFD0];
	[tilespmem:s1+$0xFFFFFF20] =	vst v32;
	v26 =	vpop (erf);
	(erf) = vpow2.f32 v41  }
0x412: {  	v19 =	vmul.f32 $2.000000030e-01, v22;
	v24 =	vadd.f32 v24, v44;
	v36 =	vld [tilespmem:s13+$0xFFFFFFE0];
	v32 =	vperm.xlane v30, v0;
	[tilespmem:s1+$0xFFFFFF30] =	vst v27;
	v37 =	vpop (erf)  }
0x413: {  	v18 =	vmax.f32 v18, v29;
	v33 =	vld [tilespmem:s9+$0xFFFFFFE0];
	[tilespmem:s1+$0xFFFFFF40] =	vst v14;
	v14 =	vmul.f32 v23, v15;
	v27 =	vpop (erf);
	(erf) = vpow2.f32 v40  }
0x414: {  	v15 =	vmul.f32 $2.000000030e-01, v24;
	v21 =	vadd.f32 v21, v45;
	v17 =	vld [tilespmem:s13+$0xFFFFFFF0];
	v30 =	vadd.f32 v30, v32;
	[tilespmem:s1+$0xFFFFFF50] =	vst v28;
	v28 =	vpop (erf)  }
0x415: {  	v40 =	vmul.f32 v18, v2;
	v19 =	vmax.f32 v22, v19;
	v22 =	vld [tilespmem:s9+$0xFFFFFFF0];
	[tilespmem:s1+$0xFFFFFF60] =	vst v14;
	v14 =	vmul.f32 v20, v16;
	v29 =	vpop (erf)  }
0x416: {  	v16 =	vmul.f32 $2.000000030e-01, v21;
	v35 =	vadd.f32 v31, v25;
	v18 =	vld [tilespmem:s13+$0x0];
	v34 =	vperm.xlane v30, v1;
	[tilespmem:s1+$0xFFFFFF70] =	vst v23;
	v31 =	vpop (erf)  }
0x417: {  	v41 =	vmul.f32 v19, v2;
	v23 =	vperm.xlane v40, v0;
	v15 =	vmax.f32 v24, v15;
	v24 =	vld [tilespmem:s9+$0x0];
	[tilespmem:s1+$0xFFFFFF80] =	vst v14;
	v32 =	vpop (erf)  }
0x418: {  	v14 =	vmul.f32 $2.000000030e-01, v35;
	v42 =	vadd.f32 v33, v36;
	v19 =	vld [tilespmem:s13+$0x10];
	v30 =	vadd.f32 v30, v34;
	[tilespmem:s1+$0xFFFFFF90] =	vst v20;
	v33 =	vpop (erf)  }
0x419: {  	v46 =	vperm.xlane v41, v0;
	v47 =	vmul.f32 v15, v2;
	v15 =	vmax.f32 v21, v16;
	v16 =	vld [tilespmem:s9+$0x10];
	[tilespmem:s1+$0xFFFFFFB0] =	vst v26  }
0x41a: {  	v48 =	vmul.f32 $2.000000030e-01, v42;
	v22 =	vadd.f32 v22, v17;
	v20 =	vld [tilespmem:s13+$0x20];
	v30 =	vmul.f32 $1.442695020e+00, v30;
	[tilespmem:s1+$0xFFFFFFD0] =	vst v37;
	v34 =	vpop (erf)  }
0x41b: {  	v49 =	vperm.xlane v47, v0;
	v50 =	vmul.f32 v15, v2;
	v14 =	vmax.f32 v35, v14;
	v15 =	vld [tilespmem:s9+$0x20];
	[tilespmem:s1+$0xFFFFFFF0] =	vst v27  }
0x41c: {  	v51 =	vmul.f32 $2.000000030e-01, v22;
	v24 =	vadd.f32 v24, v18;
	v21 =	vld [tilespmem:s13+$0x30];
	(erf) = vpow2.f32 v30;
	[tilespmem:s1+$0x10] =	vst v28;
	v35 =	vpop (erf)  }
0x41d: {  	v52 =	vperm.xlane v50, v0;
	v53 =	vmul.f32 v14, v2;
	v30 =	vmax.f32 v42, v48;
	v42 =	vld [tilespmem:s9+$0x30];
	[tilespmem:s1+$0x30] =	vst v29  }
0x41e: {  	v14 =	vmovc v43;
	v48 =	vmax.f32 v22, v51;
	v51 =	vmul.f32 $2.000000030e-01, v24;
	v16 =	vadd.f32 v16, v19;
	v22 =	vld [tilespmem:s13+$0x40];
	[tilespmem:s1+$0x50] =	vst v31  }
0x41f: {  	v40 =	vadd.f32 v40, v23;
	v43 =	vmul.f32 v30, v2;
	v48 =	vmul.f32 v48, v2;
	v54 =	vld [tilespmem:s9+$0x40];
	[tilespmem:s1+$0x70] =	vst v32  }
0x420: {  	v24 =	vmax.f32 v24, v51;
	v30 =	vmul.f32 $2.000000030e-01, v16;
	v51 =	vadd.f32 v15, v20;
	v23 =	vld [tilespmem:s13+$0x50];
	[tilespmem:s1+$0x90] =	vst v33;
	v15 =	vmovc v44  }
0x421: {  	v41 =	vadd.f32 v41, v46;
	v44 =	vperm.xlane v53, v0;
	v46 =	vmul.f32 v24, v2;
	v55 =	vld [tilespmem:s9+$0x50];
	[tilespmem:s1+$0xB0] =	vst v34  }
0x422: {  	v30 =	vmax.f32 v16, v30;
	v56 =	vmul.f32 $2.000000030e-01, v51;
	v42 =	vadd.f32 v42, v21;
	v24 =	vld [tilespmem:s13+$0x60];
	[tilespmem:s1+$0xD0] =	vst v35;
	v16 =	vmovc v45  }
0x423: {  	v45 =	vadd.f32 v47, v49;
	v47 =	vperm.xlane v43, v0;
	v49 =	vmul.f32 v30, v2;
	v57 =	vld [tilespmem:s9+$0x60]  }
0x424: {  	v30 =	vld [tilespmem:s13+$0xFFFFFF80];
	v51 =	vmax.f32 v51, v56;
	v56 =	vmul.f32 $2.000000030e-01, v42;
	v54 =	vadd.f32 v54, v22  }
0x425: {  	v50 =	vadd.f32 v50, v52;
	v52 =	vperm.xlane v48, v0;
	v51 =	vmul.f32 v51, v2;
	v58 =	vpop (erf)  }
0x426: {  	v59 =	vmul.f32 $2.000000030e-01, v54;
	v55 =	vadd.f32 v55, v23;
	v38 =	vmul.f32 v58, v38  }
0x427: {  	s1 =	sadd.s32 $0x200, s1;
	v60 =	vperm.xlane v46, v0;
	v61 =	vperm.xlane v49, v0;
	v42 =	vmax.f32 v42, v56  }
0x428: {  	v54 =	vmax.f32 v54, v59;
	v56 =	vmul.f32 $2.000000030e-01, v55;
	v57 =	vadd.f32 v57, v24;
	[tilespmem:s1+$0xE0] =	vst v38  }
0x429: {  	v38 =	vadd.f32 v39, v30;
	v39 =	vmul.f32 v42, v2;
	v42 =	vmul.f32 v54, v2;
	[tilespmem:s1+$0xF0] =	vst v58  }
0x42a: {  	v54 =	vperm.xlane v51, v0;
	v55 =	vmax.f32 v55, v56;
	v56 =	vmul.f32 $2.000000030e-01, v57  }
0x42b: {  	v44 =	vadd.f32 v53, v44;
	v58 =	vmul.f32 $2.000000030e-01, v38;
	v53 =	vmul.f32 v55, v2  }
0x42c: {  	v55 =	vperm.xlane v39, v0;
	v59 =	vperm.xlane v42, v0;
	v56 =	vmax.f32 v57, v56  }
0x42d: {  	v38 =	vmax.f32 v38, v58;
	v57 =	vperm.xlane v53, v0;
	v56 =	vmul.f32 v56, v2  }
0x42e: {  	v43 =	vadd.f32 v43, v47;
	v47 =	vadd.f32 v48, v52;
	v38 =	vmul.f32 v38, v2  }
0x42f: {  	v46 =	vadd.f32 v46, v60;
	v48 =	vadd.f32 v49, v61;
	v49 =	vperm.xlane v56, v0  }
0x430: {  	v51 =	vadd.f32 v51, v54;
	v39 =	vadd.f32 v39, v55;
	v52 =	vperm.xlane v38, v0  }
0x431: {  	v54 =	vperm.xlane v40, v1;
	v42 =	vadd.f32 v42, v59;
	v53 =	vadd.f32 v53, v57  }
0x432: {  	v49 =	vadd.f32 v56, v49;
	v38 =	vadd.f32 v38, v52;
	v52 =	vperm.xlane v41, v1  }
0x433: {  	v40 =	vadd.f32 v40, v54;
	v54 =	vperm.xlane v45, v1;
	v55 =	vperm.xlane v50, v1  }
0x434: {  	v56 =	vperm.xlane v38, v1;
	v41 =	vadd.f32 v41, v52;
	v52 =	vperm.xlane v44, v1  }
0x435: {  	v45 =	vadd.f32 v45, v54;
	v54 =	vperm.xlane v43, v1;
	v57 =	vperm.xlane v47, v1  }
0x436: {  	v58 =	vperm.xlane v48, v1;
	v38 =	vadd.f32 v38, v56;
	v56 =	vperm.xlane v46, v1  }
0x437: {  	v50 =	vadd.f32 v50, v55;
	v55 =	vperm.xlane v51, v1;
	v59 =	vperm.xlane v39, v1  }
0x438: {  	v60 =	vperm.xlane v53, v1;
	v44 =	vadd.f32 v44, v52;
	v52 =	vperm.xlane v42, v1  }
0x439: {  	v43 =	vadd.f32 v43, v54;
	v47 =	vadd.f32 v47, v57;
	v54 =	vperm.xlane v49, v1  }
0x43a: {  	v38 =	vmul.f32 $1.442695020e+00, v38;
	v46 =	vadd.f32 v46, v56;
	v56 =	vadd.f32 v48, v58  }
0x43b: {  	v57 =	vmul.f32 $1.442695020e+00, v40;
	v40 =	vadd.f32 v51, v55;
	v55 =	vadd.f32 v39, v59  }
0x43c: {  	v51 =	vmul.f32 $1.442695020e+00, v41;
	v41 =	vadd.f32 v42, v52;
	v52 =	vadd.f32 v53, v60  }
0x43d: {  	v39 =	vmul.f32 $1.442695020e+00, v45;
	v50 =	vmul.f32 $1.442695020e+00, v50;
	v53 =	vadd.f32 v49, v54  }
0x43e: {  	v43 =	vmul.f32 $1.442695020e+00, v43;
	v49 =	vmul.f32 $1.442695020e+00, v44  }
0x43f: {  	v48 =	vmul.f32 $1.442695020e+00, v47;
	v44 =	vmul.f32 $1.442695020e+00, v46  }
.Ltmp3:
0x440: {  	v45 =	vmul.f32 $1.442695020e+00, v40;
	v47 =	vmul.f32 $1.442695020e+00, v56;
	(pc) =	sbr.rel @p1 .LBB2_9-.Ltmp3, $4  }
0x441: {  	v46 =	vmul.f32 $1.442695020e+00, v55;
	v42 =	vmul.f32 $1.442695020e+00, v41  }
0x442: {  	v41 =	vmul.f32 $1.442695020e+00, v52;
	v40 =	vmul.f32 $1.442695020e+00, v53  }
0x443: {  	v52 =	vmul.f32 v26, v11;
	v11 =	vmov v25;
	(erf) = vpow2.f32 v38  }
0x444: {  	s13 =	sadd.s32 $0x100, s13;
	v25 =	vmul.f32 v37, v12;
	v12 =	vmov v36;
	(erf) = vpow2.f32 v57  }
0x445: {  	[tilespmem:s0+$0xFFFFFFA0] =	vst v52;
	v3 =	vmul.f32 v27, v3  }
0x446: {  	v4 =	vmul.f32 v28, v4;
	[tilespmem:s0+$0xFFFFFFC0] =	vst v25  }
0x447: {  	(erf) = vpow2.f32 v51;
	[tilespmem:s0+$0xFFFFFFE0] =	vst v3;
	v3 =	vmul.f32 v29, v5  }
0x448: {  	v31 =	vmul.f32 v31, v6;
	(erf) = vpow2.f32 v39;
	[tilespmem:s0+$0x0] =	vst v4  }
0x449: {  	[tilespmem:s0+$0x20] =	vst v3;
	v3 =	vmul.f32 v32, v7  }
0x44a: {  	v33 =	vmul.f32 v33, v8;
	[tilespmem:s0+$0x40] =	vst v31;
	(erf) = vpow2.f32 v50  }
0x44b: {  	v36 =	vmul.f32 v35, v10;
	[tilespmem:s0+$0x60] =	vst v3;
	v3 =	vmul.f32 v34, v9  }
0x44c: {  	[tilespmem:s0+$0x80] =	vst v33  }
0x44d: {  	[tilespmem:s0+$0xC0] =	vst v36;
	v37 =	vpop (erf)  }
0x44e: {  	[tilespmem:s0+$0xA0] =	vst v3;
	v38 =	vmul.f32 v37, v30  }
0x44f: {  	(erf) = vpow2.f32 v49;
	[tilespmem:s1+$0xFFFFFF10] =	vst v37;
	v3 =	vpop (erf)  }
0x450: {  	(erf) = vpow2.f32 v43;
	[tilespmem:s1+$0xFFFFFF00] =	vst v38;
	v43 =	vpop (erf)  }
0x451: {  	v39 =	vmul.f32 v3, v13;
	(erf) = vpow2.f32 v48;
	[tilespmem:s1+$0xFFFFFF30] =	vst v3;
	v49 =	vpop (erf)  }
0x452: {  	[tilespmem:s1+$0xFFFFFF50] =	vst v43;
	v3 =	vmul.f32 v49, v15  }
0x453: {  	(erf) = vpow2.f32 v44;
	[tilespmem:s1+$0xFFFFFF20] =	vst v39;
	v50 =	vpop (erf)  }
0x454: {  	v48 =	vmul.f32 v43, v14;
	[tilespmem:s1+$0xFFFFFF60] =	vst v3;
	v3 =	vmul.f32 v50, v16  }
0x455: {  	(erf) = vpow2.f32 v47;
	[tilespmem:s1+$0xFFFFFF70] =	vst v49  }
0x456: {  	[tilespmem:s1+$0xFFFFFF40] =	vst v48  }
0x457: {  	(erf) = vpow2.f32 v45;
	[tilespmem:s1+$0xFFFFFF90] =	vst v50  }
0x458: {  	[tilespmem:s1+$0xFFFFFF80] =	vst v3;
	v3 =	vpop (erf)  }
0x459: {  	(erf) = vpow2.f32 v46;
	v51 =	vpop (erf);
	[tilespmem:s1+$0xFFFFFFB0] =	vst v3  }
0x45a: {  	v3 =	vmul.f32 v3, v11;
	v52 =	vpop (erf);
	[tilespmem:s1+$0xFFFFFFD0] =	vst v51  }
0x45b: {  	(erf) = vpow2.f32 v42;
	[tilespmem:s1+$0xFFFFFFF0] =	vst v52  }
0x45c: {  	v4 =	vmul.f32 v51, v12;
	v53 =	vpop (erf);
	[tilespmem:s1+$0xFFFFFFA0] =	vst v3  }
0x45d: {  	(erf) = vpow2.f32 v41;
	[tilespmem:s1+$0x10] =	vst v53  }
0x45e: {  	v3 =	vmul.f32 v52, v17;
	v54 =	vpop (erf);
	[tilespmem:s1+$0xFFFFFFC0] =	vst v4  }
0x45f: {  	(erf) = vpow2.f32 v40;
	[tilespmem:s1+$0x30] =	vst v54  }
0x460: {  	v60 =	vmul.f32 v53, v18;
	v55 =	vpop (erf);
	[tilespmem:s1+$0xFFFFFFE0] =	vst v3  }
0x461: {  	[tilespmem:s1+$0x50] =	vst v55  }
0x462: {  	v3 =	vmul.f32 v54, v19;
	v56 =	vpop (erf);
	[tilespmem:s1+$0x0] =	vst v60  }
0x463: {  	[tilespmem:s1+$0x70] =	vst v56  }
0x464: {  	v61 =	vmul.f32 v55, v20;
	v57 =	vpop (erf);
	[tilespmem:s1+$0x20] =	vst v3  }
0x465: {  	[tilespmem:s1+$0x90] =	vst v57  }
0x466: {  	v3 =	vmul.f32 v56, v21;
	v58 =	vpop (erf);
	[tilespmem:s1+$0x40] =	vst v61  }
0x467: {  	[tilespmem:s1+$0xB0] =	vst v58  }
0x468: {  	v62 =	vmul.f32 v57, v22;
	v59 =	vpop (erf);
	[tilespmem:s1+$0x60] =	vst v3  }
.Ltmp4:
0x469: {  	v3 =	vmul.f32 v58, v23;
	[tilespmem:s1+$0xD0] =	vst v59;
	(pc) =	sbr.rel @p2 .LBB2_12-.Ltmp4, $4  }
0x46a: {  	[tilespmem:s1+$0x80] =	vst v62;
	v63 =	vmul.f32 v59, v24  }
0x46b: {  	[tilespmem:s1+$0xA0] =	vst v3  }
0x46c: {  	s13 =	simm.s32 $0x370;
	s29 =	simm.s32 $0x49C0;
	[tilespmem:s1+$0xC0] =	vst v63  }
0x46d: {  	[spmem:s2] =	stream.indirect.scatter.add.f32 [tilespmem:s29], [sflag:$0xC], $0x20, s13, s31, $0xb8;
	[tilespmem:$0xA1F0] =	vst v63  }
0x46e: {  	_ =	swait.ge [sflag:s11], $0x50  }
0x46f: {  	[sflag:s11] =	ssyncset.done $0x0  }
0x470: {  	[sflag:s11] =	ssyncadd.s32 $0xFFFFFFB0  }
0x471: {  	_ =	swait.ge [sflag:s11], $0x50  }
0x472: {  	[sflag:s11] =	ssyncset.done $0x0  }
0x473: {  	s0 =	simm.s32 $0x8C0;
	[sflag:s11] =	ssyncadd.s32 $0xFFFFFFB0  }
0x474: {  	[tilespmem:s0], [sflag:$0x6] =	stream.indirect.gather [hbm4b:s4+s31], $0x10, s31, s31, $0xb8;
	[tilespmem:$0xA1F0] =	vst v63  }
0x475: {  	s13 =	simm.s32 $0x1CC0;
	s29 =	sadd.s32 s25, s23  }
0x476: {  	[tilespmem:s13], [sflag:$0x6] =	stream.indirect.gather [hbm4b:s5+s31], $0x10, s14, s31, $0xb8;
	[tilespmem:$0xA1F0] =	vst v63  }
.Ltmp5:
0x477: {  	s0 =	sshrl.u32 s29, $0x3;
	(pc) =	sbr.rel .LBB2_2-.Ltmp5, $4  }
0x478: {  	s0 =	sadd.s32 s6, s0  }
0x479: {  	[tilespmem:s7], [sflag:$0x4] =	stream.linear.gather [hbm4b:s0+s3], $0x50, $0x38;
	[tilespmem:$0xA1F0] =	vst v63  }
0x47a: {  	s28 =	sadd.s32 $0x1, s28;
	s0 =	sadd.s32 $0x9C40, s0  }
0x47b: {  	[tilespmem:s8], [sflag:$0x4] =	stream.linear.gather [hbm4b:s0+s3], $0x50, $0x38;
	[tilespmem:$0xA1F0] =	vst v63  }
.LBB2_12:
0x47c: {  	_ =	swait.ge [sflag:s17], $0x500  }
0x47d: {  	[sflag:s17] =	ssyncset.done $0x0  }
0x47e: {  	[sflag:s17] =	ssyncadd.s32 $0xFFFFFB00  }
0x47f: {  	_ =	swait.ge [sflag:s17], $0x500  }
0x480: {  	[sflag:s17] =	ssyncset.done $0x0  }
0x481: {  	s14 =	simm.s32 $0x9;
	[sflag:s17] =	ssyncadd.s32 $0xFFFFFB00  }
0x482: {  	_ =	swait.ge [sflag:s14], $0xA00  }
0x483: {  	[sflag:s14] =	ssyncset.done $0x0  }
0x484: {  	[sflag:s14] =	ssyncadd.s32 $0xFFFFF600  }
0x485: {  	v3 =	vld [tilespmem:$0x140]  }
0x486: {  	v4 =	vld [tilespmem:$0x150]  }
0x487: {  	v5 =	vld [tilespmem:$0x160]  }
0x488: {  	v6 =	vld [tilespmem:$0x170]  }
0x489: {  	v7 =	vld [tilespmem:$0x180]  }
0x48a: {  	[tilespmem:$0x280] =	vst v3  }
0x48b: {  	[tilespmem:$0x290] =	vst v4  }
0x48c: {  	[tilespmem:$0x2A0] =	vst v5  }
0x48d: {  	[tilespmem:$0x2B0] =	vst v6  }
0x48e: {  	s0 =	simm.s32 $0x440;
	[tilespmem:$0x2C0] =	vst v7  }
0x48f: {  	s1 =	simm.s32 $0x1840;
	v11 =	vld [tilespmem:s0+$0x70]  }
0x490: {  	v3 =	vld [tilespmem:s1+$0x70]  }
0x491: {  	v13 =	vld [tilespmem:s1+$0xFFFFFF80]  }
0x492: {  	v12 =	vld [tilespmem:s0+$0xFFFFFF90]  }
0x493: {  	v4 =	vld [tilespmem:s1+$0xFFFFFF90]  }
0x494: {  	v17 =	vld [tilespmem:s0+$0xFFFFFFA0]  }
0x495: {  	v21 =	vld [tilespmem:s0+$0xFFFFFFD0]  }
0x496: {  	v5 =	vld [tilespmem:s1+$0xFFFFFFA0]  }
0x497: {  	v18 =	vld [tilespmem:s0+$0xFFFFFFB0]  }
0x498: {  	v6 =	vld [tilespmem:s1+$0xFFFFFFB0]  }
0x499: {  	v19 =	vld [tilespmem:s0+$0xFFFFFFC0]  }
0x49a: {  	v8 =	vld [tilespmem:s1+$0xFFFFFFC0];
	[tilespmem:$0x1FF60] =	vst v21  }
0x49b: {  	v3 =	vadd.f32 v3, v11;
	v25 =	vld [tilespmem:s0+$0xFFFFFFE0];
	_ =	sdelay $0x1  }
0x49c: {  	v7 =	vmul.f32 $2.000000030e-01, v3  }
0x49d: {  	v4 =	vadd.f32 v4, v12;
	v9 =	vld [tilespmem:s1+$0xFFFFFFD0]  }
0x49e: {  	v5 =	vadd.f32 v5, v17;
	v3 =	vmax.f32 v3, v7  }
0x49f: {  	v8 =	vadd.f32 v8, v19;
	v7 =	vmul.f32 v3, v2;
	v3 =	vmul.f32 $2.000000030e-01, v4;
	[tilespmem:$0x1FF70] =	vst v25  }
0x4a0: {  	v14 =	vmul.f32 $2.000000030e-01, v5;
	v15 =	vld [tilespmem:s1+$0xFFFFFFE0]  }
0x4a1: {  	v20 =	vmul.f32 $2.000000030e-01, v8;
	v4 =	vmax.f32 v4, v3;
	v3 =	vld [tilespmem:s0+$0xFFFFFFF0]  }
0x4a2: {  	v5 =	vmax.f32 v5, v14;
	v9 =	vadd.f32 v9, v21;
	v10 =	vperm.xlane v7, v0;
	v14 =	vld [tilespmem:s1+$0xFFFFFFF0]  }
0x4a3: {  	v6 =	vadd.f32 v6, v18;
	v8 =	vmax.f32 v8, v20;
	v23 =	vmul.f32 v5, v2;
	v39 =	vld [tilespmem:s0+$0xFFFFFF80]  }
0x4a4: {  	v5 =	vld [tilespmem:s0+$0x10];
	v16 =	vmul.f32 v4, v2;
	v24 =	vmul.f32 $2.000000030e-01, v9;
	v7 =	vadd.f32 v7, v10  }
0x4a5: {  	v33 =	vmul.f32 v8, v2;
	v20 =	vld [tilespmem:s1+$0x10];
	v10 =	vmul.f32 $2.000000030e-01, v6  }
0x4a6: {  	v31 =	vld [tilespmem:s1+$0x40];
	v22 =	vperm.xlane v16, v0;
	v8 =	vmax.f32 v9, v24;
	v21 =	vperm.xlane v7, v1  }
0x4a7: {  	v4 =	vld [tilespmem:s0+$0x0];
	v6 =	vmax.f32 v6, v10;
	v34 =	vmul.f32 v8, v2;
	v15 =	vadd.f32 v15, v25  }
0x4a8: {  	v10 =	vld [tilespmem:s1+$0x0];
	v27 =	vmul.f32 v6, v2;
	v14 =	vadd.f32 v14, v3;
	v13 =	vadd.f32 v13, v39  }
0x4a9: {  	v8 =	vld [tilespmem:s0+$0x40];
	v7 =	vadd.f32 v7, v21;
	v21 =	vperm.xlane v23, v0;
	v35 =	vperm.xlane v34, v0  }
0x4aa: {  	v16 =	vadd.f32 v16, v22;
	v28 =	vmul.f32 $2.000000030e-01, v15;
	v30 =	vperm.xlane v27, v0  }
0x4ab: {  	v20 =	vadd.f32 v20, v5;
	v24 =	vmul.f32 $2.000000030e-01, v14;
	v57 =	vmul.f32 $2.000000030e-01, v13  }
0x4ac: {  	v9 =	vld [tilespmem:s1+$0x20];
	v60 =	vperm.xlane v16, v1;
	v29 =	vmul.f32 $1.442695020e+00, v7;
	v34 =	vadd.f32 v34, v35  }
0x4ad: {  	v6 =	vld [tilespmem:s0+$0x20];
	v10 =	vadd.f32 v10, v4;
	v15 =	vmax.f32 v15, v28;
	v14 =	vmax.f32 v14, v24  }
0x4ae: {  	v41 =	vadd.f32 v31, v8;
	(erf) = vpow2.f32 v29;
	v29 =	vperm.xlane v33, v0  }
0x4af: {  	v7 =	vld [tilespmem:s0+$0x30];
	v13 =	vmax.f32 v13, v57;
	v15 =	vmul.f32 v15, v2;
	v14 =	vmul.f32 v14, v2  }
0x4b0: {  	v28 =	vld [tilespmem:s1+$0x30];
	v16 =	vadd.f32 v16, v60;
	v13 =	vmul.f32 v13, v2;
	v63 =	vperm.xlane v34, v1  }
0x4b1: {  	v21 =	vadd.f32 v23, v21;
	v24 =	vmul.f32 $2.000000030e-01, v10;
	v42 =	vmul.f32 $2.000000030e-01, v41  }
0x4b2: {  	v37 =	vld [tilespmem:s1+$0x50];
	v32 =	vadd.f32 v9, v6;
	v16 =	vmul.f32 $1.442695020e+00, v16;
	v22 =	vperm.xlane v15, v0  }
0x4b3: {  	v9 =	vld [tilespmem:s0+$0x50];
	v23 =	vperm.xlane v14, v0;
	v29 =	vadd.f32 v33, v29;
	v34 =	vadd.f32 v34, v63  }
0x4b4: {  	v10 =	vmax.f32 v10, v24;
	v24 =	vmul.f32 $2.000000030e-01, v20;
	v52 =	vmax.f32 v41, v42  }
0x4b5: {  	v36 =	vmul.f32 v10, v2;
	v28 =	vadd.f32 v28, v7;
	v54 =	vmul.f32 v52, v2  }
0x4b6: {  	v38 =	vld [tilespmem:s1+$0x60];
	v15 =	vadd.f32 v15, v22;
	v14 =	vadd.f32 v14, v23;
	v62 =	vperm.xlane v29, v1  }
0x4b7: {  	v10 =	vld [tilespmem:s0+$0x60];
	v34 =	vmul.f32 $1.442695020e+00, v34;
	v20 =	vmax.f32 v20, v24;
	v24 =	vmul.f32 $2.000000030e-01, v32  }
0x4b8: {  	v37 =	vadd.f32 v37, v9;
	v20 =	vmul.f32 v20, v2;
	v40 =	vmul.f32 $2.000000030e-01, v28  }
0x4b9: {  	v43 =	vperm.xlane v54, v0;
	v48 =	vperm.xlane v15, v1  }
0x4ba: {  	v49 =	vperm.xlane v14, v1;
	v24 =	vmax.f32 v32, v24;
	v53 =	vmul.f32 $2.000000030e-01, v37  }
0x4bb: {  	v24 =	vmul.f32 v24, v2;
	v28 =	vmax.f32 v28, v40;
	v33 =	vadd.f32 v54, v43  }
0x4bc: {  	v15 =	vadd.f32 v15, v48;
	v32 =	vpop (erf);
	v38 =	vadd.f32 v38, v10;
	v28 =	vmul.f32 v28, v2  }
0x4bd: {  	v31 =	vmul.f32 v32, v11;
	v11 =	vadd.f32 v27, v30;
	v27 =	vperm.xlane v36, v0  }
0x4be: {  	v37 =	vmax.f32 v37, v53;
	v30 =	vperm.xlane v20, v0;
	v55 =	vperm.xlane v24, v0  }
0x4bf: {  	v58 =	vmul.f32 v37, v2;
	v52 =	vperm.xlane v33, v1  }
0x4c0: {  	v15 =	vmul.f32 $1.442695020e+00, v15;
	v56 =	vmul.f32 $2.000000030e-01, v38  }
0x4c1: {  	s9 =	simm.s32 $0x1940;
	v59 =	vperm.xlane v28, v0;
	v22 =	vperm.xlane v58, v0;
	v23 =	vadd.f32 v36, v27  }
0x4c2: {  	s29 =	simm.s32 $0x540;
	v53 =	vld [tilespmem:s9+$0x70];
	v20 =	vadd.f32 v20, v30;
	v30 =	vperm.xlane v13, v0;
	v38 =	vmax.f32 v38, v56  }
0x4c3: {  	v24 =	vadd.f32 v24, v55;
	v61 =	vperm.xlane v11, v1;
	v36 =	vld [tilespmem:s29+$0x70];
	v38 =	vmul.f32 v38, v2  }
0x4c4: {  	v28 =	vadd.f32 v28, v59;
	v13 =	vadd.f32 v13, v30;
	v30 =	vperm.xlane v21, v1  }
0x4c5: {  	v22 =	vadd.f32 v58, v22;
	v50 =	vperm.xlane v20, v1;
	v27 =	vperm.xlane v38, v0  }
0x4c6: {  	v51 =	vperm.xlane v24, v1;
	v11 =	vadd.f32 v11, v61;
	v44 =	vperm.xlane v28, v1  }
0x4c7: {  	v21 =	vadd.f32 v21, v30;
	v38 =	vadd.f32 v38, v27;
	v27 =	vperm.xlane v13, v1  }
0x4c8: {  	v30 =	vperm.xlane v23, v1;
	v45 =	vperm.xlane v22, v1;
	v55 =	vadd.f32 v53, v36  }
0x4c9: {  	v11 =	vmul.f32 $1.442695020e+00, v11;
	v21 =	vmul.f32 $1.442695020e+00, v21;
	v13 =	vadd.f32 v13, v27  }
0x4ca: {  	v23 =	vadd.f32 v23, v30;
	v22 =	vadd.f32 v22, v45;
	v40 =	vmul.f32 $2.000000030e-01, v55  }
0x4cb: {  	v27 =	vadd.f32 v29, v62;
	v29 =	vperm.xlane v38, v1;
	v13 =	vmul.f32 $1.442695020e+00, v13  }
0x4cc: {  	v23 =	vmul.f32 $1.442695020e+00, v23;
	v22 =	vmul.f32 $1.442695020e+00, v22;
	v56 =	vmax.f32 v55, v40  }
0x4cd: {  	v57 =	vmul.f32 v56, v2;
	(erf) = vpow2.f32 v13  }
0x4ce: {  	v14 =	vadd.f32 v14, v49;
	v37 =	vmul.f32 $1.442695020e+00, v27;
	(erf) = vpow2.f32 v16  }
0x4cf: {  	v46 =	vld [tilespmem:s9+$0xFFFFFFF0];
	v59 =	vperm.xlane v57, v0;
	(erf) = vpow2.f32 v21  }
0x4d0: {  	v30 =	vld [tilespmem:s9+$0xFFFFFFA0];
	v16 =	vadd.f32 v20, v50;
	v20 =	vmul.f32 $1.442695020e+00, v14;
	(erf) = vpow2.f32 v11  }
0x4d1: {  	v13 =	vld [tilespmem:s29+$0xFFFFFF90];
	v21 =	vadd.f32 v24, v51;
	v11 =	vadd.f32 v28, v44;
	(erf) = vpow2.f32 v37  }
0x4d2: {  	v24 =	vld [tilespmem:s9+$0xFFFFFF90];
	v28 =	vmul.f32 $1.442695020e+00, v16;
	v16 =	vadd.f32 v33, v52;
	(erf) = vpow2.f32 v34  }
0x4d3: {  	v14 =	vld [tilespmem:s29+$0xFFFFFFA0];
	v54 =	vmul.f32 $1.442695020e+00, v11;
	(erf) = vpow2.f32 v15  }
0x4d4: {  	v11 =	vadd.f32 v38, v29;
	v29 =	vmul.f32 $1.442695020e+00, v16;
	v16 =	vld [tilespmem:s29+$0xFFFFFFC0];
	(erf) = vpow2.f32 v20  }
0x4d5: {  	v21 =	vmul.f32 $1.442695020e+00, v21;
	v15 =	vld [tilespmem:s29+$0xFFFFFFB0];
	(erf) = vpow2.f32 v23  }
0x4d6: {  	v20 =	vld [tilespmem:s9+$0xFFFFFFB0];
	v23 =	vmul.f32 $1.442695020e+00, v11;
	(erf) = vpow2.f32 v28;
	v33 =	vpop (erf)  }
0x4d7: {  	v28 =	vld [tilespmem:s9+$0xFFFFFFC0];
	(erf) = vpow2.f32 v21;
	v37 =	vpop (erf);
	v21 =	vadd.f32 v24, v13;
	v34 =	vmul.f32 v33, v39  }
0x4d8: {  	v58 =	vld [tilespmem:s9+$0xFFFFFFE0];
	(erf) = vpow2.f32 v54;
	v35 =	vmul.f32 v37, v12  }
0x4d9: {  	v30 =	vadd.f32 v30, v14;
	v11 =	vld [tilespmem:s29+$0xFFFFFFD0];
	v38 =	vpop (erf);
	(erf) = vpow2.f32 v29;
	v29 =	vmul.f32 $2.000000030e-01, v21  }
0x4da: {  	v24 =	vld [tilespmem:s9+$0xFFFFFFD0];
	v41 =	vmul.f32 v38, v17;
	v39 =	vpop (erf);
	(erf) = vpow2.f32 v22  }
0x4db: {  	v12 =	vld [tilespmem:s29+$0xFFFFFFE0];
	v20 =	vadd.f32 v20, v15;
	v22 =	vmul.f32 $2.000000030e-01, v30;
	v42 =	vmul.f32 v39, v18  }
0x4dc: {  	v17 =	vld [tilespmem:s29+$0xFFFFFFF0];
	v40 =	vpop (erf);
	v21 =	vmax.f32 v21, v29;
	(erf) = vpow2.f32 v23;
	v28 =	vadd.f32 v28, v16  }
0x4dd: {  	v60 =	vld [tilespmem:s9+$0x0];
	v23 =	vmul.f32 $2.000000030e-01, v20;
	v29 =	vadd.f32 v57, v59;
	v43 =	vmul.f32 v40, v19  }
0x4de: {  	v18 =	vld [tilespmem:s29+$0x0];
	v47 =	vmul.f32 v21, v2;
	v21 =	vmax.f32 v30, v22;
	v22 =	vmul.f32 $2.000000030e-01, v28  }
0x4df: {  	v48 =	vld [tilespmem:s9+$0x10];
	v24 =	vadd.f32 v24, v11;
	v30 =	vperm.xlane v29, v1;
	v50 =	vmul.f32 v21, v2  }
0x4e0: {  	v53 =	vld [tilespmem:s9+$0x30];
	v21 =	vmax.f32 v20, v23;
	v44 =	vadd.f32 v58, v12;
	v49 =	vperm.xlane v47, v0  }
0x4e1: {  	v19 =	vld [tilespmem:s29+$0x10];
	v23 =	vmul.f32 $2.000000030e-01, v24;
	v52 =	vmul.f32 v21, v2;
	v46 =	vadd.f32 v46, v17  }
0x4e2: {  	v59 =	vld [tilespmem:s9+$0x60];
	v29 =	vadd.f32 v29, v30;
	v51 =	vperm.xlane v50, v0;
	v22 =	vmax.f32 v28, v22  }
0x4e3: {  	v20 =	vld [tilespmem:s29+$0x20];
	v28 =	vmul.f32 $2.000000030e-01, v44;
	v45 =	vadd.f32 v60, v18;
	v54 =	vperm.xlane v52, v0  }
0x4e4: {  	v30 =	vld [tilespmem:s9+$0x20];
	v55 =	vmul.f32 v22, v2;
	v23 =	vmax.f32 v24, v23;
	v24 =	vmul.f32 $2.000000030e-01, v46  }
0x4e5: {  	v21 =	vld [tilespmem:s29+$0x30];
	v47 =	vadd.f32 v47, v49;
	v29 =	vmul.f32 $1.442695020e+00, v29;
	v57 =	vmul.f32 v23, v2  }
0x4e6: {  	v22 =	vld [tilespmem:s29+$0x40];
	v28 =	vmax.f32 v44, v28;
	v61 =	vmul.f32 $2.000000030e-01, v45;
	v50 =	vadd.f32 v50, v51  }
0x4e7: {  	v23 =	vld [tilespmem:s29+$0x50];
	v56 =	vperm.xlane v55, v0;
	v24 =	vmax.f32 v46, v24;
	v46 =	vadd.f32 v48, v19  }
0x4e8: {  	v48 =	vld [tilespmem:s9+$0x50];
	v49 =	vmul.f32 v28, v2;
	(erf) = vpow2.f32 v29;
	v28 =	vmax.f32 v45, v61  }
0x4e9: {  	v29 =	vld [tilespmem:s9+$0x40];
	v51 =	vperm.xlane v57, v0;
	v44 =	vmul.f32 $2.000000030e-01, v46;
	v45 =	vadd.f32 v30, v20  }
0x4ea: {  	s0 =	simm.s32 $0x2CC0;
	v52 =	vadd.f32 v52, v54;
	v58 =	vmul.f32 v24, v2;
	v24 =	vld [tilespmem:s29+$0x60];
	v60 =	vmul.f32 v28, v2  }
0x4eb: {  	[tilespmem:s0+$0xF0] =	vst v32;
	v27 =	vld [tilespmem:s9+$0xFFFFFF80];
	v51 =	vadd.f32 v57, v51;
	v28 =	vmax.f32 v46, v44;
	v62 =	vmul.f32 $2.000000030e-01, v45  }
0x4ec: {  	[tilespmem:s0+$0xE0] =	vst v31;
	v30 =	vld [tilespmem:s29+$0xFFFFFF80];
	v46 =	vadd.f32 v53, v21;
	v53 =	vperm.xlane v49, v0;
	v25 =	vperm.xlane v60, v0  }
0x4ed: {  	[tilespmem:s0+$0xFFFFFF10] =	vst v33;
	v54 =	vmul.f32 v28, v2;
	v48 =	vadd.f32 v48, v23;
	v28 =	vmax.f32 v45, v62  }
0x4ee: {  	[tilespmem:s0+$0xFFFFFF30] =	vst v37;
	v44 =	vmul.f32 $2.000000030e-01, v46;
	v29 =	vadd.f32 v29, v22;
	v45 =	vadd.f32 v55, v56  }
0x4ef: {  	[tilespmem:s0+$0xFFFFFF00] =	vst v34;
	v55 =	vperm.xlane v58, v0;
	v59 =	vadd.f32 v59, v24;
	v49 =	vadd.f32 v49, v53  }
0x4f0: {  	[tilespmem:s0+$0xFFFFFF50] =	vst v38;
	v25 =	vadd.f32 v60, v25;
	v63 =	vmul.f32 v28, v2;
	v28 =	vmul.f32 $2.000000030e-01, v48  }
0x4f1: {  	[tilespmem:s0+$0xFFFFFF20] =	vst v35;
	v61 =	vadd.f32 v27, v30;
	v56 =	vmul.f32 $2.000000030e-01, v29;
	v44 =	vmax.f32 v46, v44  }
0x4f2: {  	[tilespmem:s0+$0xFFFFFF80] =	vst v43;
	v43 =	vperm.xlane v25, v1;
	v48 =	vmax.f32 v48, v28;
	v44 =	vmul.f32 v44, v2  }
0x4f3: {  	[tilespmem:s0+$0xFFFFFF70] =	vst v39;
	v53 =	vperm.xlane v63, v0;
	v46 =	vmax.f32 v29, v56;
	v29 =	vmul.f32 $2.000000030e-01, v59  }
0x4f4: {  	[tilespmem:s0+$0xFFFFFF40] =	vst v41;
	v62 =	vpop (erf);
	v55 =	vadd.f32 v58, v55;
	v56 =	vmul.f32 $2.000000030e-01, v61;
	v48 =	vmul.f32 v48, v2  }
0x4f5: {  	[tilespmem:s0+$0xFFFFFF90] =	vst v40;
	v26 =	vpop (erf);
	v46 =	vmul.f32 v46, v2;
	v58 =	vperm.xlane v44, v0;
	v57 =	vmax.f32 v59, v29  }
0x4f6: {  	[tilespmem:s0+$0xFFFFFF60] =	vst v42;
	v27 =	vpop (erf);
	v59 =	vperm.xlane v54, v0;
	v56 =	vmax.f32 v61, v56;
	v57 =	vmul.f32 v57, v2  }
0x4f7: {  	[tilespmem:s0+$0xFFFFFFB0] =	vst v62;
	v25 =	vadd.f32 v25, v43;
	v28 =	vpop (erf);
	v56 =	vmul.f32 v56, v2;
	v60 =	vperm.xlane v46, v0  }
0x4f8: {  	[tilespmem:s0+$0xFFFFFFD0] =	vst v26;
	v53 =	vadd.f32 v63, v53;
	v29 =	vpop (erf);
	v54 =	vadd.f32 v54, v59;
	v63 =	vperm.xlane v57, v0  }
0x4f9: {  	[tilespmem:s0+$0xFFFFFFF0] =	vst v27;
	v59 =	vperm.xlane v48, v0;
	v31 =	vpop (erf);
	v61 =	vperm.xlane v56, v0;
	v46 =	vadd.f32 v46, v60  }
0x4fa: {  	[tilespmem:s0+$0x10] =	vst v28;
	v60 =	vperm.xlane v47, v1;
	v32 =	vpop (erf);
	v41 =	vadd.f32 v57, v63;
	v63 =	vperm.xlane v52, v1  }
0x4fb: {  	[tilespmem:s0+$0x30] =	vst v29;
	v37 =	vadd.f32 v48, v59;
	v33 =	vpop (erf);
	v48 =	vadd.f32 v56, v61;
	v56 =	vperm.xlane v45, v1  }
0x4fc: {  	v44 =	vadd.f32 v44, v58;
	[tilespmem:s0+$0x50] =	vst v31;
	v34 =	vpop (erf);
	v39 =	vadd.f32 v52, v63;
	v52 =	vperm.xlane v55, v1  }
0x4fd: {  	v61 =	vperm.xlane v50, v1;
	v38 =	vadd.f32 v47, v60;
	[tilespmem:s0+$0x70] =	vst v32;
	v35 =	vpop (erf);
	v40 =	vadd.f32 v45, v56  }
0x4fe: {  	[tilespmem:s0+$0x90] =	vst v33;
	v56 =	vperm.xlane v44, v1;
	v59 =	vpop (erf);
	v52 =	vadd.f32 v55, v52;
	v55 =	vperm.xlane v41, v1  }
0x4ff: {  	v50 =	vadd.f32 v50, v61;
	v61 =	vperm.xlane v51, v1;
	[tilespmem:s0+$0xB0] =	vst v34;
	v36 =	vmul.f32 v59, v36  }
0x500: {  	s1 =	simm.s32 $0x2EC0;
	[tilespmem:s0+$0xD0] =	vst v35;
	v56 =	vadd.f32 v44, v56;
	v44 =	vmul.f32 $1.442695020e+00, v25;
	v25 =	vadd.f32 v41, v55  }
0x501: {  	v60 =	vperm.xlane v48, v1;
	v57 =	vadd.f32 v51, v61;
	v51 =	vmul.f32 $1.442695020e+00, v50;
	[tilespmem:s1+$0xE0] =	vst v36  }
0x502: {  	v50 =	vmul.f32 $1.442695020e+00, v40;
	v40 =	vmul.f32 $1.442695020e+00, v25;
	v25 =	vld [tilespmem:$0x1FF60]  }
0x503: {  	v58 =	vperm.xlane v46, v1;
	v63 =	vperm.xlane v49, v1  }
0x504: {  	v45 =	vperm.xlane v53, v1;
	v38 =	vmul.f32 $1.442695020e+00, v38;
	v42 =	vadd.f32 v48, v60  }
0x505: {  	v48 =	vperm.xlane v54, v1;
	v47 =	vadd.f32 v49, v63;
	v60 =	vperm.xlane v37, v1  }
0x506: {  	v45 =	vadd.f32 v53, v45;
	v39 =	vmul.f32 $1.442695020e+00, v39;
	v61 =	vmul.f32 $1.442695020e+00, v42;
	[tilespmem:s1+$0xF0] =	vst v59  }
0x507: {  	v42 =	vadd.f32 v54, v48;
	v48 =	vmul.f32 $1.442695020e+00, v52;
	v52 =	vmul.f32 v62, v25;
	v25 =	vld [tilespmem:$0x1FF70]  }
0x508: {  	v63 =	vadd.f32 v46, v58;
	v49 =	vmul.f32 $1.442695020e+00, v57;
	v43 =	vmul.f32 $1.442695020e+00, v47  }
0x509: {  	v37 =	vadd.f32 v37, v60;
	v45 =	vmul.f32 $1.442695020e+00, v45;
	v46 =	vmul.f32 $1.442695020e+00, v56  }
0x50a: {  	v47 =	vmul.f32 $1.442695020e+00, v42;
	v42 =	vmul.f32 $1.442695020e+00, v63  }
0x50b: {  	v41 =	vmul.f32 $1.442695020e+00, v37;
	(erf) = vpow2.f32 v61  }
0x50c: {  	s25 =	simm.s32 $0x10;
	s13 =	simm.s32 $0x640;
	(erf) = vpow2.f32 v38;
	v25 =	vmul.f32 v26, v25  }
.LBB2_13:
0x50d: {  	v38 =	vld [tilespmem:s13+$0x70];
	s9 =	sadd.s32 $0x100, s9;
	(erf) = vpow2.f32 v51;
	[tilespmem:s0+$0xFFFFFFA0] =	vst v52;
	v26 =	vmul.f32 v27, v3;
	v3 =	vmov v17  }
0x50e: {  	s25 =	sadd.s32 $0x10, s25;
	v17 =	vld [tilespmem:s9+$0x70];
	(erf) = vpow2.f32 v39;
	[tilespmem:s0+$0xFFFFFFC0] =	vst v25;
	v25 =	vmul.f32 v28, v4;
	v4 =	vmov v18  }
0x50f: {  	p1 =	slt.u32 s25, $0x40;
	v18 =	vmul.f32 v29, v5;
	v5 =	vmov v19;
	v39 =	vld [tilespmem:s9+$0xFFFFFF80];
	(erf) = vpow2.f32 v50;
	[tilespmem:s0+$0xFFFFFFE0] =	vst v26  }
0x510: {  	v19 =	vld [tilespmem:s13+$0xFFFFFF90];
	(erf) = vpow2.f32 v49;
	[tilespmem:s0+$0x0] =	vst v25;
	v25 =	vmul.f32 v31, v6;
	v6 =	vmov v20  }
0x511: {  	v20 =	vld [tilespmem:s9+$0xFFFFFF90];
	(erf) = vpow2.f32 v43;
	[tilespmem:s0+$0x20] =	vst v18;
	v18 =	vmul.f32 v32, v7;
	v7 =	vmov v21  }
0x512: {  	v21 =	vmul.f32 v33, v8;
	v8 =	vmov v22;
	v43 =	vld [tilespmem:s13+$0xFFFFFFA0];
	(erf) = vpow2.f32 v48;
	[tilespmem:s0+$0x40] =	vst v25  }
0x513: {  	v22 =	vld [tilespmem:s9+$0xFFFFFFA0];
	v17 =	vadd.f32 v17, v38;
	(erf) = vpow2.f32 v44;
	[tilespmem:s0+$0x60] =	vst v18;
	v18 =	vmul.f32 v34, v9;
	v9 =	vmovc v23  }
0x514: {  	v44 =	vld [tilespmem:s13+$0xFFFFFFB0];
	v23 =	vpop (erf);
	(erf) = vpow2.f32 v47;
	[tilespmem:s0+$0x80] =	vst v21;
	v21 =	vmul.f32 v35, v10;
	v10 =	vmov v24  }
0x515: {  	v24 =	vld [tilespmem:s9+$0xFFFFFFB0];
	v25 =	vmul.f32 $2.000000030e-01, v17;
	v27 =	vpop (erf);
	(erf) = vpow2.f32 v45;
	[tilespmem:s0+$0xA0] =	vst v18  }
0x516: {  	v33 =	vmul.f32 v23, v30;
	v18 =	vadd.f32 v20, v19;
	v45 =	vld [tilespmem:s13+$0xFFFFFFC0];
	v28 =	vpop (erf);
	(erf) = vpow2.f32 v46;
	[tilespmem:s0+$0xC0] =	vst v21;
	s0 =	smov.u32 s1  }
0x517: {  	v32 =	vmul.f32 v27, v13;
	v21 =	vld [tilespmem:s9+$0xFFFFFFC0];
	v17 =	vmax.f32 v17, v25;
	[tilespmem:s1+$0xFFFFFF10] =	vst v23;
	v23 =	vpop (erf);
	(erf) = vpow2.f32 v42  }
0x518: {  	v29 =	vmul.f32 $2.000000030e-01, v18;
	v22 =	vadd.f32 v22, v43;
	v25 =	vld [tilespmem:s13+$0xFFFFFFD0];
	v30 =	vmul.f32 v17, v2;
	[tilespmem:s1+$0xFFFFFF00] =	vst v33;
	v20 =	vpop (erf)  }
0x519: {  	v13 =	vmov v19;
	v14 =	vmul.f32 v28, v14;
	v31 =	vld [tilespmem:s9+$0xFFFFFFD0];
	[tilespmem:s1+$0xFFFFFF20] =	vst v32;
	v26 =	vpop (erf);
	(erf) = vpow2.f32 v41  }
0x51a: {  	v19 =	vmul.f32 $2.000000030e-01, v22;
	v24 =	vadd.f32 v24, v44;
	v36 =	vld [tilespmem:s13+$0xFFFFFFE0];
	v32 =	vperm.xlane v30, v0;
	[tilespmem:s1+$0xFFFFFF30] =	vst v27;
	v37 =	vpop (erf)  }
0x51b: {  	v18 =	vmax.f32 v18, v29;
	v33 =	vld [tilespmem:s9+$0xFFFFFFE0];
	[tilespmem:s1+$0xFFFFFF40] =	vst v14;
	v14 =	vmul.f32 v23, v15;
	v27 =	vpop (erf);
	(erf) = vpow2.f32 v40  }
0x51c: {  	v15 =	vmul.f32 $2.000000030e-01, v24;
	v21 =	vadd.f32 v21, v45;
	v17 =	vld [tilespmem:s13+$0xFFFFFFF0];
	v30 =	vadd.f32 v30, v32;
	[tilespmem:s1+$0xFFFFFF50] =	vst v28;
	v28 =	vpop (erf)  }
0x51d: {  	v40 =	vmul.f32 v18, v2;
	v19 =	vmax.f32 v22, v19;
	v22 =	vld [tilespmem:s9+$0xFFFFFFF0];
	[tilespmem:s1+$0xFFFFFF60] =	vst v14;
	v14 =	vmul.f32 v20, v16;
	v29 =	vpop (erf)  }
0x51e: {  	v16 =	vmul.f32 $2.000000030e-01, v21;
	v35 =	vadd.f32 v31, v25;
	v18 =	vld [tilespmem:s13+$0x0];
	v34 =	vperm.xlane v30, v1;
	[tilespmem:s1+$0xFFFFFF70] =	vst v23;
	v31 =	vpop (erf)  }
0x51f: {  	v41 =	vmul.f32 v19, v2;
	v23 =	vperm.xlane v40, v0;
	v15 =	vmax.f32 v24, v15;
	v24 =	vld [tilespmem:s9+$0x0];
	[tilespmem:s1+$0xFFFFFF80] =	vst v14;
	v32 =	vpop (erf)  }
0x520: {  	v14 =	vmul.f32 $2.000000030e-01, v35;
	v42 =	vadd.f32 v33, v36;
	v19 =	vld [tilespmem:s13+$0x10];
	v30 =	vadd.f32 v30, v34;
	[tilespmem:s1+$0xFFFFFF90] =	vst v20;
	v33 =	vpop (erf)  }
0x521: {  	v46 =	vperm.xlane v41, v0;
	v47 =	vmul.f32 v15, v2;
	v15 =	vmax.f32 v21, v16;
	v16 =	vld [tilespmem:s9+$0x10];
	[tilespmem:s1+$0xFFFFFFB0] =	vst v26  }
0x522: {  	v48 =	vmul.f32 $2.000000030e-01, v42;
	v22 =	vadd.f32 v22, v17;
	v20 =	vld [tilespmem:s13+$0x20];
	v30 =	vmul.f32 $1.442695020e+00, v30;
	[tilespmem:s1+$0xFFFFFFD0] =	vst v37;
	v34 =	vpop (erf)  }
0x523: {  	v49 =	vperm.xlane v47, v0;
	v50 =	vmul.f32 v15, v2;
	v14 =	vmax.f32 v35, v14;
	v15 =	vld [tilespmem:s9+$0x20];
	[tilespmem:s1+$0xFFFFFFF0] =	vst v27  }
0x524: {  	v51 =	vmul.f32 $2.000000030e-01, v22;
	v24 =	vadd.f32 v24, v18;
	v21 =	vld [tilespmem:s13+$0x30];
	(erf) = vpow2.f32 v30;
	[tilespmem:s1+$0x10] =	vst v28;
	v35 =	vpop (erf)  }
0x525: {  	v52 =	vperm.xlane v50, v0;
	v53 =	vmul.f32 v14, v2;
	v30 =	vmax.f32 v42, v48;
	v42 =	vld [tilespmem:s9+$0x30];
	[tilespmem:s1+$0x30] =	vst v29  }
0x526: {  	v14 =	vmovc v43;
	v48 =	vmax.f32 v22, v51;
	v51 =	vmul.f32 $2.000000030e-01, v24;
	v16 =	vadd.f32 v16, v19;
	v22 =	vld [tilespmem:s13+$0x40];
	[tilespmem:s1+$0x50] =	vst v31  }
0x527: {  	v40 =	vadd.f32 v40, v23;
	v43 =	vmul.f32 v30, v2;
	v48 =	vmul.f32 v48, v2;
	v54 =	vld [tilespmem:s9+$0x40];
	[tilespmem:s1+$0x70] =	vst v32  }
0x528: {  	v24 =	vmax.f32 v24, v51;
	v30 =	vmul.f32 $2.000000030e-01, v16;
	v51 =	vadd.f32 v15, v20;
	v23 =	vld [tilespmem:s13+$0x50];
	[tilespmem:s1+$0x90] =	vst v33;
	v15 =	vmovc v44  }
0x529: {  	v41 =	vadd.f32 v41, v46;
	v44 =	vperm.xlane v53, v0;
	v46 =	vmul.f32 v24, v2;
	v55 =	vld [tilespmem:s9+$0x50];
	[tilespmem:s1+$0xB0] =	vst v34  }
0x52a: {  	v30 =	vmax.f32 v16, v30;
	v56 =	vmul.f32 $2.000000030e-01, v51;
	v42 =	vadd.f32 v42, v21;
	v24 =	vld [tilespmem:s13+$0x60];
	[tilespmem:s1+$0xD0] =	vst v35;
	v16 =	vmovc v45  }
0x52b: {  	v45 =	vadd.f32 v47, v49;
	v47 =	vperm.xlane v43, v0;
	v49 =	vmul.f32 v30, v2;
	v57 =	vld [tilespmem:s9+$0x60]  }
0x52c: {  	v30 =	vld [tilespmem:s13+$0xFFFFFF80];
	v51 =	vmax.f32 v51, v56;
	v56 =	vmul.f32 $2.000000030e-01, v42;
	v54 =	vadd.f32 v54, v22  }
0x52d: {  	v50 =	vadd.f32 v50, v52;
	v52 =	vperm.xlane v48, v0;
	v51 =	vmul.f32 v51, v2;
	v58 =	vpop (erf)  }
0x52e: {  	v59 =	vmul.f32 $2.000000030e-01, v54;
	v55 =	vadd.f32 v55, v23;
	v38 =	vmul.f32 v58, v38  }
0x52f: {  	s1 =	sadd.s32 $0x200, s1;
	v60 =	vperm.xlane v46, v0;
	v61 =	vperm.xlane v49, v0;
	v42 =	vmax.f32 v42, v56  }
0x530: {  	v54 =	vmax.f32 v54, v59;
	v56 =	vmul.f32 $2.000000030e-01, v55;
	v57 =	vadd.f32 v57, v24;
	[tilespmem:s1+$0xE0] =	vst v38  }
0x531: {  	v38 =	vadd.f32 v39, v30;
	v39 =	vmul.f32 v42, v2;
	v42 =	vmul.f32 v54, v2;
	[tilespmem:s1+$0xF0] =	vst v58  }
0x532: {  	v54 =	vperm.xlane v51, v0;
	v55 =	vmax.f32 v55, v56;
	v56 =	vmul.f32 $2.000000030e-01, v57  }
0x533: {  	v44 =	vadd.f32 v53, v44;
	v58 =	vmul.f32 $2.000000030e-01, v38;
	v53 =	vmul.f32 v55, v2  }
0x534: {  	v55 =	vperm.xlane v39, v0;
	v59 =	vperm.xlane v42, v0;
	v56 =	vmax.f32 v57, v56  }
0x535: {  	v38 =	vmax.f32 v38, v58;
	v57 =	vperm.xlane v53, v0;
	v56 =	vmul.f32 v56, v2  }
0x536: {  	v43 =	vadd.f32 v43, v47;
	v47 =	vadd.f32 v48, v52;
	v38 =	vmul.f32 v38, v2  }
0x537: {  	v46 =	vadd.f32 v46, v60;
	v48 =	vadd.f32 v49, v61;
	v49 =	vperm.xlane v56, v0  }
0x538: {  	v51 =	vadd.f32 v51, v54;
	v39 =	vadd.f32 v39, v55;
	v52 =	vperm.xlane v38, v0  }
0x539: {  	v54 =	vperm.xlane v40, v1;
	v42 =	vadd.f32 v42, v59;
	v53 =	vadd.f32 v53, v57  }
0x53a: {  	v49 =	vadd.f32 v56, v49;
	v38 =	vadd.f32 v38, v52;
	v52 =	vperm.xlane v41, v1  }
0x53b: {  	v40 =	vadd.f32 v40, v54;
	v54 =	vperm.xlane v45, v1;
	v55 =	vperm.xlane v50, v1  }
0x53c: {  	v56 =	vperm.xlane v38, v1;
	v41 =	vadd.f32 v41, v52;
	v52 =	vperm.xlane v44, v1  }
0x53d: {  	v45 =	vadd.f32 v45, v54;
	v54 =	vperm.xlane v43, v1;
	v57 =	vperm.xlane v47, v1  }
0x53e: {  	v58 =	vperm.xlane v48, v1;
	v38 =	vadd.f32 v38, v56;
	v56 =	vperm.xlane v46, v1  }
0x53f: {  	v50 =	vadd.f32 v50, v55;
	v55 =	vperm.xlane v51, v1;
	v59 =	vperm.xlane v39, v1  }
0x540: {  	v60 =	vperm.xlane v53, v1;
	v44 =	vadd.f32 v44, v52;
	v52 =	vperm.xlane v42, v1  }
0x541: {  	v43 =	vadd.f32 v43, v54;
	v47 =	vadd.f32 v47, v57;
	v54 =	vperm.xlane v49, v1  }
0x542: {  	v38 =	vmul.f32 $1.442695020e+00, v38;
	v46 =	vadd.f32 v46, v56;
	v56 =	vadd.f32 v48, v58  }
0x543: {  	v57 =	vmul.f32 $1.442695020e+00, v40;
	v40 =	vadd.f32 v51, v55;
	v55 =	vadd.f32 v39, v59  }
0x544: {  	v51 =	vmul.f32 $1.442695020e+00, v41;
	v41 =	vadd.f32 v42, v52;
	v52 =	vadd.f32 v53, v60  }
0x545: {  	v39 =	vmul.f32 $1.442695020e+00, v45;
	v50 =	vmul.f32 $1.442695020e+00, v50;
	v53 =	vadd.f32 v49, v54  }
0x546: {  	v43 =	vmul.f32 $1.442695020e+00, v43;
	v49 =	vmul.f32 $1.442695020e+00, v44  }
0x547: {  	v48 =	vmul.f32 $1.442695020e+00, v47;
	v44 =	vmul.f32 $1.442695020e+00, v46  }
.Ltmp6:
0x548: {  	v45 =	vmul.f32 $1.442695020e+00, v40;
	v47 =	vmul.f32 $1.442695020e+00, v56;
	(pc) =	sbr.rel @p1 .LBB2_13-.Ltmp6, $4  }
0x549: {  	v46 =	vmul.f32 $1.442695020e+00, v55;
	v42 =	vmul.f32 $1.442695020e+00, v41  }
0x54a: {  	v41 =	vmul.f32 $1.442695020e+00, v52;
	v40 =	vmul.f32 $1.442695020e+00, v53  }
0x54b: {  	v52 =	vmul.f32 v26, v11;
	v11 =	vmov v25;
	(erf) = vpow2.f32 v38  }
0x54c: {  	s13 =	sadd.s32 $0x100, s13;
	v25 =	vmul.f32 v37, v12;
	v12 =	vmov v36;
	(erf) = vpow2.f32 v57  }
0x54d: {  	v2 =	vmul.f32 v27, v3;
	_ =	sdelay $0x1  }
0x54e: {  	[tilespmem:s0+$0xFFFFFFE0] =	vst v2;
	v2 =	vmul.f32 v29, v5  }
0x54f: {  	v3 =	vmul.f32 v28, v4;
	(erf) = vpow2.f32 v51  }
0x550: {  	[tilespmem:s0+$0x20] =	vst v2;
	v2 =	vmul.f32 v32, v7  }
0x551: {  	[tilespmem:s0+$0x0] =	vst v3;
	v3 =	vmul.f32 v31, v6  }
0x552: {  	(erf) = vpow2.f32 v39;
	[tilespmem:s0+$0x60] =	vst v2;
	v2 =	vmul.f32 v34, v9  }
0x553: {  	[tilespmem:s0+$0x40] =	vst v3;
	v3 =	vmul.f32 v33, v8  }
0x554: {  	[tilespmem:s0+$0xFFFFFFA0] =	vst v52;
	(erf) = vpow2.f32 v50  }
0x555: {  	[tilespmem:s0+$0x80] =	vst v3;
	v3 =	vmul.f32 v35, v10;
	v52 =	vpop (erf)  }
0x556: {  	[tilespmem:s0+$0xA0] =	vst v2;
	v2 =	vpop (erf)  }
0x557: {  	[tilespmem:s0+$0xC0] =	vst v3;
	v3 =	vmul.f32 v2, v13  }
0x558: {  	[tilespmem:s0+$0xFFFFFFC0] =	vst v25;
	(erf) = vpow2.f32 v49;
	v54 =	vpop (erf)  }
0x559: {  	v53 =	vmul.f32 v52, v30;
	[tilespmem:s1+$0xFFFFFF20] =	vst v3;
	v3 =	vmul.f32 v54, v14  }
0x55a: {  	[tilespmem:s1+$0xFFFFFF10] =	vst v52;
	(erf) = vpow2.f32 v43  }
0x55b: {  	[tilespmem:s1+$0xFFFFFF00] =	vst v53;
	(erf) = vpow2.f32 v48;
	v55 =	vpop (erf)  }
0x55c: {  	[tilespmem:s1+$0xFFFFFF30] =	vst v2;
	v2 =	vmul.f32 v55, v15  }
0x55d: {  	(erf) = vpow2.f32 v44;
	[tilespmem:s1+$0xFFFFFF40] =	vst v3;
	v3 =	vpop (erf)  }
0x55e: {  	[tilespmem:s1+$0xFFFFFF60] =	vst v2;
	v2 =	vmul.f32 v3, v16  }
0x55f: {  	[tilespmem:s1+$0xFFFFFF50] =	vst v54;
	(erf) = vpow2.f32 v47  }
0x560: {  	[tilespmem:s1+$0xFFFFFF70] =	vst v55  }
0x561: {  	(erf) = vpow2.f32 v45;
	[tilespmem:s1+$0xFFFFFF90] =	vst v3  }
0x562: {  	[tilespmem:s1+$0xFFFFFF80] =	vst v2;
	v2 =	vpop (erf)  }
0x563: {  	(erf) = vpow2.f32 v46;
	v3 =	vpop (erf);
	[tilespmem:s1+$0xFFFFFFB0] =	vst v2  }
0x564: {  	v2 =	vmul.f32 v2, v11;
	v56 =	vpop (erf);
	[tilespmem:s1+$0xFFFFFFD0] =	vst v3  }
0x565: {  	(erf) = vpow2.f32 v42;
	[tilespmem:s1+$0xFFFFFFF0] =	vst v56  }
0x566: {  	v3 =	vmul.f32 v3, v12;
	v57 =	vpop (erf);
	[tilespmem:s1+$0xFFFFFFA0] =	vst v2  }
0x567: {  	(erf) = vpow2.f32 v41;
	[tilespmem:s1+$0x10] =	vst v57  }
0x568: {  	v2 =	vmul.f32 v56, v17;
	v58 =	vpop (erf);
	[tilespmem:s1+$0xFFFFFFC0] =	vst v3  }
0x569: {  	(erf) = vpow2.f32 v40;
	[tilespmem:s1+$0x30] =	vst v58  }
0x56a: {  	v3 =	vmul.f32 v57, v18;
	v59 =	vpop (erf);
	[tilespmem:s1+$0xFFFFFFE0] =	vst v2  }
0x56b: {  	[tilespmem:s1+$0x50] =	vst v59  }
0x56c: {  	v2 =	vmul.f32 v58, v19;
	v60 =	vpop (erf);
	[tilespmem:s1+$0x0] =	vst v3  }
0x56d: {  	[tilespmem:s1+$0x70] =	vst v60  }
0x56e: {  	v3 =	vmul.f32 v59, v20;
	v61 =	vpop (erf);
	[tilespmem:s1+$0x20] =	vst v2  }
0x56f: {  	[tilespmem:s1+$0x90] =	vst v61  }
0x570: {  	v2 =	vmul.f32 v60, v21;
	v62 =	vpop (erf);
	[tilespmem:s1+$0x40] =	vst v3  }
0x571: {  	[tilespmem:s1+$0xB0] =	vst v62  }
0x572: {  	v3 =	vmul.f32 v61, v22;
	v63 =	vpop (erf);
	[tilespmem:s1+$0x60] =	vst v2  }
0x573: {  	v2 =	vmul.f32 v62, v23;
	[tilespmem:s1+$0xD0] =	vst v63  }
0x574: {  	[tilespmem:s1+$0x80] =	vst v3;
	v3 =	vmul.f32 v63, v24  }
0x575: {  	[tilespmem:s1+$0xA0] =	vst v2  }
0x576: {  	[tilespmem:s1+$0xC0] =	vst v3;
	s1 =	simm.s32 $0xA  }
0x577: {  	[spmem:s2] =	stream.indirect.scatter.add.f32 [tilespmem:s20], [sflag:$0x9], $0x20, s18, s31, $0xb8;
	[tilespmem:$0xA1F0] =	vst v63  }
0x578: {  	_ =	swait.ge [sflag:s1], $0xA00  }
0x579: {  	[sflag:s1] =	ssyncset.done $0x0  }
0x57a: {  	s9 =	simm.s32 $0xB;
	[sflag:s1] =	ssyncadd.s32 $0xFFFFF600  }
0x57b: {  	_ =	swait.ge [sflag:s9], $0xA00  }
0x57c: {  	[sflag:s9] =	ssyncset.done $0x0  }
0x57d: {  	s13 =	simm.s32 $0xC;
	[sflag:s9] =	ssyncadd.s32 $0xFFFFF600  }
0x57e: {  	_ =	swait.ge [sflag:s13], $0xA00  }
0x57f: {  	[sflag:s13] =	ssyncset.done $0x0  }
0x580: {  	[sflag:s13] =	ssyncadd.s32 $0xFFFFF600  }
0x581: {  	_ =	swait.ge [sflag:s14], $0xA00  }
0x582: {  	[sflag:s14] =	ssyncset.done $0x0  }
0x583: {  	[sflag:s14] =	ssyncadd.s32 $0xFFFFF600  }
0x584: {  	[bflag:$0x0] =	sbarrier.arrive $0xFFFF  }
0x585: {  	s25 =	rddreg [dreg:$0x6]  }
0x586: {  	s14 =	rddreg [dreg:$0x10]  }
0x587: {  	s9 =	simm.s32 $0xD;
	s28 =	rddreg [dreg:$0x15]  }
0x588: {  	[hbm:s14], [sflag:s25] =	dma.local [spmem:s28], $0x9C0  }
0x589: {  	_ =	swait.ge [sflag:s9], $0x9C0  }
0x58a: {  	[sflag:s9] =	ssyncset.done $0x0;
	s0 =	rddreg [dreg:$0x11]  }
0x58b: {  	s1 =	rddreg [dreg:$0x16];
	[sflag:s9] =	ssyncadd.s32 $0xFFFFF640  }
0x58c: {  	[hbm:s0], [sflag:s25] =	dma.local @!p0 [spmem:s1], $0x40  }
0x58d: {  	s0 =	simm.s32 @!p0 $0xD  }
0x58e: {  	_ =	swait.ge @!p0 [sflag:s0], $0x40  }
0x58f: {  	s13 =	rddreg [dreg:$0x14]  }
0x590: {  	s29 =	rddreg [dreg:$0x12];
	s13 =	sadd.s32 $0x1, s13  }
0x591: {  	p1 =	sne.s32 s13, s29  }
.Ltmp7:
0x592: {  	_ = 	snop;
	(pc) =	sbr.rel @p1 .LBB2_1-.Ltmp7, $3  }
0x593: {  	_ =	sdelay $0x1  }
0x594: {  	[sflag:s0] =	ssyncset.done @!p0 $0x0  }
0x595: {  	[sflag:s0] =	ssyncadd.s32 @!p0 $0xFFFFFFC0  }
0x596: {  	_ =	sfence.sel $0x180000  }
0x597: {  	[bflag:$0x0] =	sbarrier.arrive $0xFFFF  }
0x598: {  	_ =	strace $0x90000047  }
0x599: {  	[bflag:$0x2] =	sbarrier.arrive $0xFFFF  }
0x59a: {  	s0 =	rddreg [dreg:$0x3]  }
0x59b: {  	s0 =	sadd.s32 @!p0 $0x100000, s0  }
0x59c: {  	[sflag:s0] =	ssyncadd.tile.s32 @!p0 $0x1;
	_ =	shalt  }
.Lfunc_end2:
_tile_overlayer_lowered:
.L_overlay_start_2:
0x59d: {  	(tag) =	ssettag $0x2  }
0x59e: {  	s0 =	rddreg [dreg:$0x0];
	s2 =	stileid.u32  }
0x59f: {  	s1 =	rddreg [dreg:$0x1];
	p0 =	sne.s32 s2, $0x0  }
0x5a0: {  	s3 =	rddreg [dreg:$0x2];
	[bflag:$0x3] =	sbarrier.arrive $0xFFFF;
	s2 =	simm.s32 @!p0 $0x1C0D  }
0x5a1: {  	[timem:s3], [sflag:s2] =	dma.local @!p0 [hbm:s0], s1  }
0x5a2: {  	s0 =	simm.s32 @!p0 $0xD  }
0x5a3: {  	_ =	swait.ge @!p0 [sflag:s0], s1  }
0x5a4: {  	s1 =	ssub.s32 @!p0 $0x0, s1;
	[sflag:s0] =	ssyncset.done @!p0 $0x0  }
0x5a5: {  	[sflag:s0] =	ssyncadd.s32 @!p0 s1  }
0x5a6: {  	[bflag:$0x3] =	sbarrier.arrive $0xFFFF  }
0x5a7: {  	_ =	shalt  }

</sc_bundles>
